<compile_context>
chip_gen: v7x
topology: tpu7x:2x2x1
jax: 0.10.2.dev20260603
libtpu: 0.0.44.dev20260713+nightly
codegen_flags: <defaults>
</compile_context>

<pallas_src>
import functools

import jax
import jax.numpy as jnp
from jax import lax
from jax.experimental import pallas as pl
from jax.experimental.pallas import tpu as pltpu
from jax.experimental.pallas import tpu_sc as plsc

N = 10000
E = 320000
GRP = 128
NGRP = E // GRP
NC, NS = 2, 16
NW = NC * NS
NZG = N // GRP
NZT = N - NZG * GRP

f32 = jnp.float32
i32 = jnp.int32


def _node_body(x_ref, cond_ref, wgef_ref, wbef_ref, wnf_ref, bnf_ref,
               wgnf_ref, wbnf_ref, gb_ref, nf_ref):
    x = x_ref[...]
    cond = cond_ref[...]
    g = jnp.dot(cond, wgef_ref[...], preferred_element_type=f32)
    b = jnp.dot(cond, wbef_ref[...], preferred_element_type=f32)
    gb_ref[...] = jnp.concatenate([g, b], axis=1)
    hn = jnp.dot(x, wnf_ref[...], preferred_element_type=f32) + bnf_ref[...]
    nf_ref[...] = (jnp.dot(cond, wgnf_ref[...], preferred_element_type=f32) * hn
                   + jnp.dot(cond, wbnf_ref[...], preferred_element_type=f32))


def _node_precompute(x, cond, Wg_ef, Wb_ef, W_nf, b_nf, Wg_nf, Wb_nf):
    return pl.pallas_call(
        _node_body,
        out_shape=(jax.ShapeDtypeStruct((N, 128), f32),
                   jax.ShapeDtypeStruct((N, 128), f32)),
    )(x, cond, Wg_ef, Wb_ef, W_nf, b_nf.reshape(1, 128), Wg_nf, Wb_nf)


def _sc_gather_body(src_hbm, dst_hbm, x_hbm, gb_hbm, p_out, gbe_out,
                    src_v, dst_v, xs_v, xd_v, gb_v,
                    semi, semj, sema, semb, semc, semw1, semw2):
    wid = lax.axis_index("s") * NC + lax.axis_index("c")
    n_j = (NGRP - wid + NW - 1) // NW

    def grp(j, carry):
        g = wid + NW * j
        base = g * GRP
        ci = pltpu.async_copy(src_hbm.at[pl.ds(base, GRP)], src_v, semi)
        cj = pltpu.async_copy(dst_hbm.at[pl.ds(base, GRP)], dst_v, semj)
        ci.wait()
        ca = pltpu.async_copy(x_hbm.at[src_v], xs_v, sema)
        cj.wait()
        cb = pltpu.async_copy(x_hbm.at[dst_v], xd_v, semb)
        cc = pltpu.async_copy(gb_hbm.at[dst_v], gb_v, semc)
        ca.wait()
        cb.wait()

        def mulrow(i, c):
            for k in range(8):
                s = pl.ds(k * 16, 16)
                xs_v[i, s] = xs_v[i, s] * xd_v[i, s]
            return c
        lax.fori_loop(0, GRP, mulrow, 0)
        w1 = pltpu.async_copy(xs_v, p_out.at[pl.ds(base, GRP), :], semw1)
        cc.wait()
        w2 = pltpu.async_copy(gb_v, gbe_out.at[pl.ds(base, GRP), :], semw2)
        w1.wait()
        w2.wait()
        return carry
    lax.fori_loop(0, n_j, grp, 0)


def _sc_gather(src, dst, x, gb):
    mesh = plsc.VectorSubcoreMesh(core_axis_name="c", subcore_axis_name="s")
    k = functools.partial(
        pl.kernel,
        out_type=(jax.ShapeDtypeStruct((E, 128), f32),
                  jax.ShapeDtypeStruct((E, 128), f32)),
        mesh=mesh,
        scratch_types=[
            pltpu.VMEM((GRP,), i32),
            pltpu.VMEM((GRP,), i32),
            pltpu.VMEM((GRP, 128), f32),
            pltpu.VMEM((GRP, 128), f32),
            pltpu.VMEM((GRP, 128), f32),
        ] + [pltpu.SemaphoreType.DMA] * 7,
    )(_sc_gather_body)
    return k(src, dst, x, gb)


BE = 3200


def _edge1_body(p_ref, gb_ref, wef_ref, bef_ref, wew_ref, bew_ref,
                ef_ref, ex_ref):
    p = p_ref[...]
    gb = gb_ref[...]
    h = jnp.dot(p, wef_ref[...], preferred_element_type=f32) + bef_ref[...]
    ef = gb[:, :64] * h + gb[:, 64:]
    ef_ref[...] = ef
    logits_t = lax.dot_general(wew_ref[...], ef, (((0,), (1,)), ((), ())),
                               preferred_element_type=f32) + bew_ref[...]
    ex_ref[...] = jnp.exp(logits_t)


def _edge_mlp1(p, gbe, W_ef, b_ef, W_ew, b_ew):
    nblk = E // BE
    return pl.pallas_call(
        _edge1_body,
        grid=(nblk,),
        in_specs=[
            pl.BlockSpec((BE, 128), lambda i: (i, 0)),
            pl.BlockSpec((BE, 128), lambda i: (i, 0)),
            pl.BlockSpec((128, 64), lambda i: (0, 0)),
            pl.BlockSpec((1, 64), lambda i: (0, 0)),
            pl.BlockSpec((64, 8), lambda i: (0, 0)),
            pl.BlockSpec((8, 1), lambda i: (0, 0)),
        ],
        out_specs=[
            pl.BlockSpec((BE, 64), lambda i: (i, 0)),
            pl.BlockSpec((8, BE), lambda i: (0, i)),
        ],
        out_shape=(jax.ShapeDtypeStruct((E, 64), f32),
                   jax.ShapeDtypeStruct((8, E), f32)),
    )(p, gbe, W_ef, b_ef.reshape(1, 64), W_ew, b_ew.reshape(8, 1))


NFLAT = N * 8


def _sc_seg8_body(dst_hbm, ext_hbm, part_out, dst_v, ext_v, acc_v, sem):
    wid = lax.axis_index("s") * NC + lax.axis_index("c")

    def zrow(i, c):
        acc_v[pl.ds(i * 16, 16)] = jnp.zeros((16,), f32)
        return c
    lax.fori_loop(0, NFLAT // 16, zrow, 0)

    n_j = (NGRP - wid + NW - 1) // NW

    def grp(j, carry):
        g = wid + NW * j
        base = g * GRP
        pltpu.sync_copy(dst_hbm.at[pl.ds(base, GRP)], dst_v)
        pltpu.sync_copy(ext_hbm.at[:, pl.ds(base, GRP)], ext_v)
        for k in range(GRP // 16):
            sl = pl.ds(k * 16, 16)
            d8 = lax.shift_left(dst_v[sl], 3)
            for h in range(8):
                plsc.addupdate_scatter(acc_v, [d8 + h], ext_v[h, sl])
        return carry
    lax.fori_loop(0, n_j, grp, 0)
    pltpu.sync_copy(acc_v, part_out.at[wid])


def _sc_seg8(dst, ext):
    mesh = plsc.VectorSubcoreMesh(core_axis_name="c", subcore_axis_name="s")
    k = functools.partial(
        pl.kernel,
        out_type=jax.ShapeDtypeStruct((NW, NFLAT), f32),
        mesh=mesh,
        scratch_types=[
            pltpu.VMEM((GRP,), i32),
            pltpu.VMEM((8, GRP), f32),
            pltpu.VMEM((NFLAT,), f32),
            pltpu.SemaphoreType.DMA,
        ],
        compiler_params=pltpu.CompilerParams(needs_layout_passes=False),
    )(_sc_seg8_body)
    return k(dst, ext)


def _reduce_body(part_ref, den_ref):
    @pl.when(pl.program_id(0) == 0)
    def _init():
        den_ref[...] = jnp.zeros_like(den_ref)
    den_ref[...] += jnp.sum(part_ref[...], axis=0)


def _reduce_partials(part):
    return pl.pallas_call(
        _reduce_body,
        grid=(NW // 8,),
        in_specs=[pl.BlockSpec((8, NFLAT), lambda i: (i, 0))],
        out_specs=pl.BlockSpec((NFLAT,), lambda i: (0,)),
        out_shape=jax.ShapeDtypeStruct((NFLAT,), f32),
    )(part)


def _sc_dd_body(dst_hbm, den_hbm, dd_out, dst_v, ridx_v, dd_v, sem):
    wid = lax.axis_index("s") * NC + lax.axis_index("c")
    n_j = (NGRP - wid + NW - 1) // NW

    def grp(j, carry):
        g = wid + NW * j
        base = g * GRP
        pltpu.sync_copy(dst_hbm.at[pl.ds(base, GRP)], dst_v)

        def shiftrow(i, c):
            sl = pl.ds(i * 16, 16)
            ridx_v[sl] = lax.shift_right_logical(dst_v[sl], 4)
            return c
        lax.fori_loop(0, GRP // 16, shiftrow, 0)
        pltpu.async_copy(den_hbm.at[ridx_v], dd_v, sem).wait()
        pltpu.sync_copy(dd_v, dd_out.at[pl.ds(base, GRP), :])
        return carry
    lax.fori_loop(0, n_j, grp, 0)


def _sc_dd(dst, den):
    mesh = plsc.VectorSubcoreMesh(core_axis_name="c", subcore_axis_name="s")
    k = functools.partial(
        pl.kernel,
        out_type=jax.ShapeDtypeStruct((E, 128), f32),
        mesh=mesh,
        scratch_types=[
            pltpu.VMEM((GRP,), i32),
            pltpu.VMEM((GRP,), i32),
            pltpu.VMEM((GRP, 128), f32),
            pltpu.SemaphoreType.DMA,
        ],
    )(_sc_dd_body)
    return k(dst, den.reshape(N // 16, 128))


def _edge2_body(ef_ref, ex_ref, ddr_ref, dst_ref, wep_ref, bep_ref, ew_ref):
    ddr = ddr_ref[...]
    colh = lax.bitwise_and(lax.broadcasted_iota(i32, (8, 128), 1), 7)
    rowh = lax.broadcasted_iota(i32, (8, 128), 0)
    t8 = (colh == rowh).astype(f32)
    exw = lax.dot_general(ex_ref[...], t8, (((0,), (0,)), ((), ())),
                          precision=lax.Precision.HIGHEST,
                          preferred_element_type=f32)
    mod = lax.bitwise_and(dst_ref[...], 15)
    lane16 = lax.shift_right_logical(
        lax.broadcasted_iota(i32, (BE, 128), 1), 3)
    qw = jnp.where(lane16 == mod, exw / (ddr + 1e-9), 0.0)
    s = jnp.sum(qw, axis=1, keepdims=True) * 0.125
    ef2 = ef_ref[...] * s
    ep = jnp.dot(ef2, wep_ref[...], preferred_element_type=f32) + bep_ref[...]
    ew_ref[...] = s * ep


def _edge_mlp2(ef, ex, ddr, dst, W_ep, b_ep):
    nblk = E // BE
    return pl.pallas_call(
        _edge2_body,
        grid=(nblk,),
        in_specs=[
            pl.BlockSpec((BE, 64), lambda i: (i, 0)),
            pl.BlockSpec((8, BE), lambda i: (0, i)),
            pl.BlockSpec((BE, 128), lambda i: (i, 0)),
            pl.BlockSpec((BE, 1), lambda i: (i, 0)),
            pl.BlockSpec((64, 128), lambda i: (0, 0)),
            pl.BlockSpec((1, 128), lambda i: (0, 0)),
        ],
        out_specs=pl.BlockSpec((BE, 128), lambda i: (i, 0)),
        out_shape=jax.ShapeDtypeStruct((E, 128), f32),
    )(ef, ex, ddr, dst.reshape(E, 1), W_ep, b_ep.reshape(1, 128))


def _sc_scatter_body(src_hbm, dst_hbm, ew_hbm, nf_hbm, part_out,
                     src_v, dst_v, ew_v, nf_v, out_sp,
                     sem, semi, semj, semb):
    c = lax.axis_index("c")
    s = lax.axis_index("s")

    def zrow(i, cc):
        for k in range(8):
            ew_v[i, pl.ds(k * 16, 16)] = jnp.zeros((16,), f32)
        return cc
    lax.fori_loop(0, GRP, zrow, 0)

    def zcopy(j, cc):
        r = (s + NS * j) * GRP
        pltpu.sync_copy(ew_v, out_sp.at[pl.ds(r, GRP), :])
        return cc
    lax.fori_loop(0, (NZG - s + NS - 1) // NS, zcopy, 0)

    @pl.when(s == NS - 1)
    def _ztail():
        pltpu.sync_copy(ew_v.at[pl.ds(0, NZT), :],
                        out_sp.at[pl.ds(NZG * GRP, NZT), :])
    plsc.subcore_barrier()

    half = NGRP // NC
    n_j = (half - s + NS - 1) // NS

    def grp(j, carry):
        g = c * half + s + NS * j
        base = g * GRP
        ci = pltpu.async_copy(src_hbm.at[pl.ds(base, GRP)], src_v, semi)
        cj = pltpu.async_copy(dst_hbm.at[pl.ds(base, GRP)], dst_v, semj)
        cb = pltpu.async_copy(ew_hbm.at[pl.ds(base, GRP), :], ew_v, semb)
        ci.wait()
        ca = pltpu.async_copy(nf_hbm.at[src_v], nf_v, sem)
        ca.wait()
        cb.wait()

        def mulrow(i, cc):
            for k in range(8):
                sl = pl.ds(k * 16, 16)
                ew_v[i, sl] = ew_v[i, sl] * nf_v[i, sl]
            return cc
        lax.fori_loop(0, GRP, mulrow, 0)
        cj.wait()
        pltpu.sync_copy(ew_v, out_sp.at[dst_v], add=True)
        return carry
    lax.fori_loop(0, n_j, grp, 0)
    plsc.subcore_barrier()

    def wcopy(j, cc):
        r = (s + NS * j) * GRP
        pltpu.sync_copy(out_sp.at[pl.ds(r, GRP), :], ew_v)
        pltpu.sync_copy(ew_v, part_out.at[c, pl.ds(r, GRP), :])
        return cc
    lax.fori_loop(0, (NZG - s + NS - 1) // NS, wcopy, 0)

    @pl.when(s == NS - 1)
    def _wtail():
        pltpu.sync_copy(out_sp.at[pl.ds(NZG * GRP, NZT), :],
                        ew_v.at[pl.ds(0, NZT), :])
        pltpu.sync_copy(ew_v.at[pl.ds(0, NZT), :],
                        part_out.at[c, pl.ds(NZG * GRP, NZT), :])


def _sc_scatter(src, dst, ew, nf):
    mesh = plsc.VectorSubcoreMesh(core_axis_name="c", subcore_axis_name="s")
    k = functools.partial(
        pl.kernel,
        out_type=jax.ShapeDtypeStruct((NC, N, 128), f32),
        mesh=mesh,
        scratch_types=[
            pltpu.VMEM((GRP,), i32),
            pltpu.VMEM((GRP,), i32),
            pltpu.VMEM((GRP, 128), f32),
            pltpu.VMEM((GRP, 128), f32),
            pltpu.VMEM_SHARED((N, 128), f32),
        ] + [pltpu.SemaphoreType.DMA] * 4,
    )(_sc_scatter_body)
    return k(src, dst, ew, nf)


def _merge_body(part_ref, out_ref):
    out_ref[...] = jnp.maximum(part_ref[0] + part_ref[1], 0.0)


def _merge_relu(part):
    return pl.pallas_call(
        _merge_body,
        out_shape=jax.ShapeDtypeStruct((N, 128), f32),
    )(part)


def kernel(x, cond, W_ef, b_ef, Wg_ef, Wb_ef, W_ew, b_ew, W_ep, b_ep,
           W_nf, b_nf, Wg_nf, Wb_nf, edge_index):
    src = edge_index[0].astype(i32)
    dst = edge_index[1].astype(i32)

    gb, nf = _node_precompute(x, cond, Wg_ef, Wb_ef, W_nf, b_nf, Wg_nf, Wb_nf)
    p, gbe = _sc_gather(src, dst, x, gb)
    ef, ext = _edge_mlp1(p, gbe, W_ef, b_ef, W_ew, b_ew)
    part = _sc_seg8(dst, ext)
    den = _reduce_partials(part)
    ddr = _sc_dd(dst, den)
    ew = _edge_mlp2(ef, ext, ddr, dst, W_ep, b_ep)
    part2 = _sc_scatter(src, dst, ew, nf)
    return _merge_relu(part2)

# --- scband reference (transcript-rebuilt; emitter-appended) ---
"""Pipeline reference for scband-graph-conv-layer-6090263625948 (READ-ONLY COPY).

The authoritative reference and input builder live on the scoring server;
editing this copy changes nothing except your own understanding.
"""

import jax, jax.numpy as jnp
import numpy as np

N = 10000
E = 320000
NODE_DIM = 128
COND_DIM = 128
EDGE_DIM = 64
OUT_DIM = 128


def setup_inputs(seed: int = 0) -> dict:
    key = jax.random.key(seed)
    ks = jax.random.split(key, 16)
    x = jax.random.normal(ks[0], (N, NODE_DIM), dtype=jnp.float32)
    cond = jax.random.normal(ks[1], (N, COND_DIM), dtype=jnp.float32)
    edge_index = jax.random.randint(ks[2], (2, E), 0, N, dtype=jnp.int64)
    s = lambda k, shp, fan: jax.random.normal(k, shp, dtype=jnp.float32) / np.sqrt(fan)
    # EdgeFeat (mul_film): linear on x_src*x_dst, FiLM from cond[dst]
    W_ef = s(ks[3], (NODE_DIM, EDGE_DIM), NODE_DIM)
    b_ef = jnp.zeros((EDGE_DIM,), dtype=jnp.float32)
    Wg_ef = s(ks[4], (COND_DIM, EDGE_DIM), COND_DIM)
    Wb_ef = s(ks[5], (COND_DIM, EDGE_DIM), COND_DIM)
    # EdgeWeight (linear_softmax_8): 8-head logits, segment softmax over dst
    W_ew = s(ks[6], (EDGE_DIM, 8), EDGE_DIM)
    b_ew = jnp.zeros((8,), dtype=jnp.float32)
    # EdgeParam (linear)
    W_ep = s(ks[7], (EDGE_DIM, OUT_DIM), EDGE_DIM)
    b_ep = jnp.zeros((OUT_DIM,), dtype=jnp.float32)
    # NodeFeat (film)
    W_nf = s(ks[8], (NODE_DIM, OUT_DIM), NODE_DIM)
    b_nf = jnp.zeros((OUT_DIM,), dtype=jnp.float32)
    Wg_nf = s(ks[9], (COND_DIM, OUT_DIM), COND_DIM)
    Wb_nf = s(ks[10], (COND_DIM, OUT_DIM), COND_DIM)
    return {
        "x": x, "cond": cond,
        "W_ef": W_ef, "b_ef": b_ef, "Wg_ef": Wg_ef, "Wb_ef": Wb_ef,
        "W_ew": W_ew, "b_ew": b_ew,
        "W_ep": W_ep, "b_ep": b_ep,
        "W_nf": W_nf, "b_nf": b_nf, "Wg_nf": Wg_nf, "Wb_nf": Wb_nf,
        "edge_index": edge_index,
    }


def reference(x, cond, W_ef, b_ef, Wg_ef, Wb_ef, W_ew, b_ew, W_ep, b_ep,
              W_nf, b_nf, Wg_nf, Wb_nf, edge_index):
    n_nodes = x.shape[0]
    src = edge_index[0]  # node_j_ids (message source / neighbor)
    dst = edge_index[1]  # node_i_ids (aggregation target)

    # ---- EdgeFeat: mul_film ----
    h = (x[src] * x[dst]) @ W_ef + b_ef                      # [E, edge_dim]
    gamma = cond[dst] @ Wg_ef
    beta = cond[dst] @ Wb_ef
    e_feats = gamma * h + beta                               # [E, edge_dim]

    # ---- EdgeWeight: linear_softmax_8 (segment softmax over dst) ----
    logits = e_feats @ W_ew + b_ew                           # [E, 8]
    m = jax.ops.segment_max(logits, dst, num_segments=n_nodes)
    m = jnp.where(jnp.isfinite(m), m, 0.0)
    ex = jnp.exp(logits - m[dst])
    denom = jax.ops.segment_sum(ex, dst, num_segments=n_nodes)
    w = ex / (denom[dst] + 1e-9)                             # [E, 8]
    e_weights = jnp.mean(w, axis=1, keepdims=True)           # [E, 1]

    # ---- weights_op.attr_process(e_feats): weight the edge attributes ----
    e_feats = e_feats * e_weights

    # ---- EdgeParam: linear ----
    e_params = e_feats @ W_ep + b_ep                         # [E, out_dim]

    # ---- NodeFeat: film ----
    hn = x @ W_nf + b_nf
    n_feats = (cond @ Wg_nf) * hn + (cond @ Wb_nf)           # [N, out_dim]

    # ---- message passing ----
    ew = e_weights * e_params                                # [E, out_dim]
    n_j_feats = n_feats[src]                                 # gather
    nb = ew * n_j_feats
    out = jax.ops.segment_sum(nb, dst, num_segments=n_nodes) # scatter_add
    return jax.nn.relu(out)

if __name__ == "__main__":
    import jax
    _d = setup_inputs()
    print(jax.jit(kernel)(*tuple(_d.values())))

</pallas_src>

<mosaic_0001>
#map = affine_map<(d0, d1) -> (0)>
#map1 = affine_map<(d0, d1) -> (0, 0)>
#map2 = affine_map<(d0, d1) -> (0, 0, 0)>
module attributes {stable_mosaic.version = 14 : i64} {
  func.func @_sc_scatter_body(%arg0: i32, %arg1: i32, %arg2: memref<320000xi32, #tpu.memory_space<hbm>>, %arg3: memref<320000xi32, #tpu.memory_space<hbm>>, %arg4: memref<320000x128xf32, #tpu.memory_space<hbm>>, %arg5: memref<10000x128xf32, #tpu.memory_space<hbm>>, %arg6: memref<2x10000x128xf32, #tpu.memory_space<hbm>>, %arg7: memref<128xi32, #tpu.memory_space<vmem>>, %arg8: memref<128xi32, #tpu.memory_space<vmem>>, %arg9: memref<128x128xf32, #tpu.memory_space<vmem>>, %arg10: memref<128x128xf32, #tpu.memory_space<vmem>>, %arg11: memref<10000x128xf32, #tpu.memory_space<vmem_shared>>, %arg12: memref<!tpu.dma_semaphore, #tpu.memory_space<semaphore_mem>>, %arg13: memref<!tpu.dma_semaphore, #tpu.memory_space<semaphore_mem>>, %arg14: memref<!tpu.dma_semaphore, #tpu.memory_space<semaphore_mem>>, %arg15: memref<!tpu.dma_semaphore, #tpu.memory_space<semaphore_mem>>) attributes {dimension_semantics = [#tpu.dimension_semantics<core_parallel>, #tpu.dimension_semantics<subcore_parallel>], iteration_bounds = array<i64: 2, 16>, scalar_prefetch = 0 : i64, scratch_operands = 9 : i64, tpu.core_type = #tpu.core_type<sc_vector_subcore>, window_params = [{transform_indices = #map}, {transform_indices = #map}, {transform_indices = #map1}, {transform_indices = #map1}, {transform_indices = #map2}]} {
    %scan3A = arith.constant 0 : i32
    %scan3A_0 = arith.constant 0 : i32
    %scan3A_1 = arith.constant 128 : i32
    %scan3A_2 = arith.addi %scan3A_0, %scan3A_1 : i32
    %scan3A_3 = arith.constant 1 : i32
    scf.for %scan3A_123 = %scan3A_0 to %scan3A_2 step %scan3A_3  : i32 {
      %broadcast_in_dim3A = arith.constant 0.000000e+00 : f32
      %broadcast_in_dim3A_124 = vector.broadcast %broadcast_in_dim3A : f32 to vector<16xf32>
      %swap3A = arith.index_cast %scan3A_123 : i32 to index
      %swap3A_125 = arith.constant 0 : index
      %swap3A_126 = tpu.vector_load %arg9[%swap3A, %swap3A_125] {strides = array<i32>} : memref<128x128xf32, #tpu.memory_space<vmem>>, vector<1x16xf32>,
      %swap3A_127 = vector.shape_cast %swap3A_126 : vector<1x16xf32> to vector<16xf32>
      %swap3A_128 = vector.shape_cast %broadcast_in_dim3A_124 : vector<16xf32> to vector<1x16xf32>
      tpu.vector_store %arg9[%swap3A, %swap3A_125], %swap3A_128 {strides = array<i32>} : memref<128x128xf32, #tpu.memory_space<vmem>>, vector<1x16xf32>,
      %broadcast_in_dim3A_129 = arith.constant 0.000000e+00 : f32
      %broadcast_in_dim3A_130 = vector.broadcast %broadcast_in_dim3A_129 : f32 to vector<16xf32>
      %swap3A_131 = arith.index_cast %scan3A_123 : i32 to index
      %swap3A_132 = arith.constant 16 : index
      %swap3A_133 = tpu.vector_load %arg9[%swap3A_131, %swap3A_132] {strides = array<i32>} : memref<128x128xf32, #tpu.memory_space<vmem>>, vector<1x16xf32>,
      %swap3A_134 = vector.shape_cast %swap3A_133 : vector<1x16xf32> to vector<16xf32>
      %swap3A_135 = vector.shape_cast %broadcast_in_dim3A_130 : vector<16xf32> to vector<1x16xf32>
      tpu.vector_store %arg9[%swap3A_131, %swap3A_132], %swap3A_135 {strides = array<i32>} : memref<128x128xf32, #tpu.memory_space<vmem>>, vector<1x16xf32>,
      %broadcast_in_dim3A_136 = arith.constant 0.000000e+00 : f32
      %broadcast_in_dim3A_137 = vector.broadcast %broadcast_in_dim3A_136 : f32 to vector<16xf32>
      %swap3A_138 = arith.index_cast %scan3A_123 : i32 to index
      %swap3A_139 = arith.constant 32 : index
      %swap3A_140 = tpu.vector_load %arg9[%swap3A_138, %swap3A_139] {strides = array<i32>} : memref<128x128xf32, #tpu.memory_space<vmem>>, vector<1x16xf32>,
      %swap3A_141 = vector.shape_cast %swap3A_140 : vector<1x16xf32> to vector<16xf32>
      %swap3A_142 = vector.shape_cast %broadcast_in_dim3A_137 : vector<16xf32> to vector<1x16xf32>
      tpu.vector_store %arg9[%swap3A_138, %swap3A_139], %swap3A_142 {strides = array<i32>} : memref<128x128xf32, #tpu.memory_space<vmem>>, vector<1x16xf32>,
      %broadcast_in_dim3A_143 = arith.constant 0.000000e+00 : f32
      %broadcast_in_dim3A_144 = vector.broadcast %broadcast_in_dim3A_143 : f32 to vector<16xf32>
      %swap3A_145 = arith.index_cast %scan3A_123 : i32 to index
      %swap3A_146 = arith.constant 48 : index
      %swap3A_147 = tpu.vector_load %arg9[%swap3A_145, %swap3A_146] {strides = array<i32>} : memref<128x128xf32, #tpu.memory_space<vmem>>, vector<1x16xf32>,
      %swap3A_148 = vector.shape_cast %swap3A_147 : vector<1x16xf32> to vector<16xf32>
      %swap3A_149 = vector.shape_cast %broadcast_in_dim3A_144 : vector<16xf32> to vector<1x16xf32>
      tpu.vector_store %arg9[%swap3A_145, %swap3A_146], %swap3A_149 {strides = array<i32>} : memref<128x128xf32, #tpu.memory_space<vmem>>, vector<1x16xf32>,
      %broadcast_in_dim3A_150 = arith.constant 0.000000e+00 : f32
      %broadcast_in_dim3A_151 = vector.broadcast %broadcast_in_dim3A_150 : f32 to vector<16xf32>
      %swap3A_152 = arith.index_cast %scan3A_123 : i32 to index
      %swap3A_153 = arith.constant 64 : index
      %swap3A_154 = tpu.vector_load %arg9[%swap3A_152, %swap3A_153] {strides = array<i32>} : memref<128x128xf32, #tpu.memory_space<vmem>>, vector<1x16xf32>,
      %swap3A_155 = vector.shape_cast %swap3A_154 : vector<1x16xf32> to vector<16xf32>
      %swap3A_156 = vector.shape_cast %broadcast_in_dim3A_151 : vector<16xf32> to vector<1x16xf32>
      tpu.vector_store %arg9[%swap3A_152, %swap3A_153], %swap3A_156 {strides = array<i32>} : memref<128x128xf32, #tpu.memory_space<vmem>>, vector<1x16xf32>,
      %broadcast_in_dim3A_157 = arith.constant 0.000000e+00 : f32
      %broadcast_in_dim3A_158 = vector.broadcast %broadcast_in_dim3A_157 : f32 to vector<16xf32>
      %swap3A_159 = arith.index_cast %scan3A_123 : i32 to index
      %swap3A_160 = arith.constant 80 : index
      %swap3A_161 = tpu.vector_load %arg9[%swap3A_159, %swap3A_160] {strides = array<i32>} : memref<128x128xf32, #tpu.memory_space<vmem>>, vector<1x16xf32>,
      %swap3A_162 = vector.shape_cast %swap3A_161 : vector<1x16xf32> to vector<16xf32>
      %swap3A_163 = vector.shape_cast %broadcast_in_dim3A_158 : vector<16xf32> to vector<1x16xf32>
      tpu.vector_store %arg9[%swap3A_159, %swap3A_160], %swap3A_163 {strides = array<i32>} : memref<128x128xf32, #tpu.memory_space<vmem>>, vector<1x16xf32>,
      %broadcast_in_dim3A_164 = arith.constant 0.000000e+00 : f32
      %broadcast_in_dim3A_165 = vector.broadcast %broadcast_in_dim3A_164 : f32 to vector<16xf32>
      %swap3A_166 = arith.index_cast %scan3A_123 : i32 to index
      %swap3A_167 = arith.constant 96 : index
      %swap3A_168 = tpu.vector_load %arg9[%swap3A_166, %swap3A_167] {strides = array<i32>} : memref<128x128xf32, #tpu.memory_space<vmem>>, vector<1x16xf32>,
      %swap3A_169 = vector.shape_cast %swap3A_168 : vector<1x16xf32> to vector<16xf32>
      %swap3A_170 = vector.shape_cast %broadcast_in_dim3A_165 : vector<16xf32> to vector<1x16xf32>
      tpu.vector_store %arg9[%swap3A_166, %swap3A_167], %swap3A_170 {strides = array<i32>} : memref<128x128xf32, #tpu.memory_space<vmem>>, vector<1x16xf32>,
      %broadcast_in_dim3A_171 = arith.constant 0.000000e+00 : f32
      %broadcast_in_dim3A_172 = vector.broadcast %broadcast_in_dim3A_171 : f32 to vector<16xf32>
      %swap3A_173 = arith.index_cast %scan3A_123 : i32 to index
      %swap3A_174 = arith.constant 112 : index
      %swap3A_175 = tpu.vector_load %arg9[%swap3A_173, %swap3A_174] {strides = array<i32>} : memref<128x128xf32, #tpu.memory_space<vmem>>, vector<1x16xf32>,
      %swap3A_176 = vector.shape_cast %swap3A_175 : vector<1x16xf32> to vector<16xf32>
      %swap3A_177 = vector.shape_cast %broadcast_in_dim3A_172 : vector<16xf32> to vector<1x16xf32>
      tpu.vector_store %arg9[%swap3A_173, %swap3A_174], %swap3A_177 {strides = array<i32>} : memref<128x128xf32, #tpu.memory_space<vmem>>, vector<1x16xf32>,
    }
    %scan3A_4 = arith.constant 128 : i32
    %sub3A = arith.constant 78 : i32
    %sub3A_5 = arith.subi %sub3A, %arg1 : i32
    %add3A = arith.constant 16 : i32
    %add3A_6 = arith.addi %sub3A_5, %add3A : i32
    %sub3A_7 = arith.constant 1 : i32
    %sub3A_8 = arith.subi %add3A_6, %sub3A_7 : i32
    %jit3A = arith.constant 16 : i32
    %div3A = arith.divsi %sub3A_8, %jit3A : i32
    %sign3A = arith.constant 0 : i32
    %sign3A_9 = arith.cmpi sgt, %sub3A_8, %sign3A : i32
    %sign3A_10 = arith.extui %sign3A_9 : i1 to i32
    %sign3A_11 = arith.constant 0 : i32
    %sign3A_12 = arith.cmpi slt, %sub3A_8, %sign3A_11 : i32
    %sign3A_13 = arith.extui %sign3A_12 : i1 to i32
    %sign3A_14 = arith.subi %sign3A_10, %sign3A_13 : i32
    %sign3A_15 = arith.constant 0 : i32
    %sign3A_16 = arith.cmpi sgt, %jit3A, %sign3A_15 : i32
    %sign3A_17 = arith.extui %sign3A_16 : i1 to i32
    %sign3A_18 = arith.constant 0 : i32
    %sign3A_19 = arith.cmpi slt, %jit3A, %sign3A_18 : i32
    %sign3A_20 = arith.extui %sign3A_19 : i1 to i32
    %sign3A_21 = arith.subi %sign3A_17, %sign3A_20 : i32
    %ne3A = arith.cmpi ne, %sign3A_14, %sign3A_21 : i32
    %rem3A = arith.remsi %sub3A_8, %jit3A : i32
    %ne3A_22 = arith.constant 0 : i32
    %ne3A_23 = arith.cmpi ne, %rem3A, %ne3A_22 : i32
    %and3A = arith.andi %ne3A, %ne3A_23 : i1
    %sub3A_24 = arith.constant 1 : i32
    %sub3A_25 = arith.subi %div3A, %sub3A_24 : i32
    %select_n3A = arith.select %and3A, %sub3A_25, %div3A : i32
    %while3A = arith.constant 0 : i32
    %while3A_26 = arith.constant 0 : i32
    %while3A_27 = arith.subi %select_n3A, %while3A_26 : i32
    %while3A_28 = arith.addi %while3A_26, %while3A_27 : i32
    %while3A_29 = arith.constant 1 : i32
    %while3A_30 = arith.divsi %while3A_27, %while3A_29 : i32
    %while3A_31 = arith.muli %while3A_30, %while3A_29 : i32
    %while3A_32 = arith.addi %while3A_26, %while3A_31 : i32
    %while3A_33 = arith.constant 1 : i32
    scf.for %while3A_123 = %while3A_26 to %while3A_32 step %while3A_33  : i32 {
      %mul3A = arith.constant 16 : i32
      %mul3A_124 = arith.muli %mul3A, %while3A_123 : i32
      %add3A_125 = arith.addi %arg1, %mul3A_124 : i32
      %mul3A_126 = arith.constant 128 : i32
      %mul3A_127 = arith.muli %add3A_125, %mul3A_126 : i32
      "tpu.region"() ({
        %run_scoped3A = tpu.sem_alloc : memref<!tpu.dma_semaphore, #tpu.memory_space<semaphore_mem>>
        %dma_start3A = arith.constant 0 : i32
        %dma_start3A_128 = tpu.memref_slice %arg11[%mul3A_127, %dma_start3A] : memref<10000x128xf32, #tpu.memory_space<vmem_shared>> -> memref<128x128xf32, #tpu.memory_space<vmem_shared>>
        %dma_start3A_129 = arith.constant 0 : i32
        %dma_start3A_130 = tpu.memref_slice %arg11[%mul3A_127, %dma_start3A_129] : memref<10000x128xf32, #tpu.memory_space<vmem_shared>> -> memref<128x128xf32, #tpu.memory_space<vmem_shared>>
        tpu.enqueue_dma source(%arg9 : memref<128x128xf32, #tpu.memory_space<vmem>>) target(%dma_start3A_130 : memref<128x128xf32, #tpu.memory_space<vmem_shared>>) target_semaphore(%run_scoped3A : memref<!tpu.dma_semaphore, #tpu.memory_space<semaphore_mem>>)
        %dma_wait3A = arith.constant 0 : i32
        %dma_wait3A_131 = tpu.memref_slice %arg11[%mul3A_127, %dma_wait3A] : memref<10000x128xf32, #tpu.memory_space<vmem_shared>> -> memref<128x128xf32, #tpu.memory_space<vmem_shared>>
        %dma_wait3A_132 = arith.constant 0 : i32
        %dma_wait3A_133 = tpu.memref_slice %arg11[%mul3A_127, %dma_wait3A_132] : memref<10000x128xf32, #tpu.memory_space<vmem_shared>> -> memref<128x128xf32, #tpu.memory_space<vmem_shared>>
        tpu.wait_dma2 semaphore(%run_scoped3A : memref<!tpu.dma_semaphore, #tpu.memory_space<semaphore_mem>>) src(%arg9 : memref<128x128xf32, #tpu.memory_space<vmem>>) dst(%dma_wait3A_133 : memref<128x128xf32, #tpu.memory_space<vmem_shared>>)
        tpu.yield
      }) : () -> ()
    }
    %while3A_34 = arith.constant 1 : i32
    scf.for %while3A_123 = %while3A_32 to %while3A_28 step %while3A_34  : i32 {
      %mul3A = arith.constant 16 : i32
      %mul3A_124 = arith.muli %mul3A, %while3A_123 : i32
      %add3A_125 = arith.addi %arg1, %mul3A_124 : i32
      %mul3A_126 = arith.constant 128 : i32
      %mul3A_127 = arith.muli %add3A_125, %mul3A_126 : i32
      "tpu.region"() ({
        %run_scoped3A = tpu.sem_alloc : memref<!tpu.dma_semaphore, #tpu.memory_space<semaphore_mem>>
        %dma_start3A = arith.constant 0 : i32
        %dma_start3A_128 = tpu.memref_slice %arg11[%mul3A_127, %dma_start3A] : memref<10000x128xf32, #tpu.memory_space<vmem_shared>> -> memref<128x128xf32, #tpu.memory_space<vmem_shared>>
        %dma_start3A_129 = arith.constant 0 : i32
        %dma_start3A_130 = tpu.memref_slice %arg11[%mul3A_127, %dma_start3A_129] : memref<10000x128xf32, #tpu.memory_space<vmem_shared>> -> memref<128x128xf32, #tpu.memory_space<vmem_shared>>
        tpu.enqueue_dma source(%arg9 : memref<128x128xf32, #tpu.memory_space<vmem>>) target(%dma_start3A_130 : memref<128x128xf32, #tpu.memory_space<vmem_shared>>) target_semaphore(%run_scoped3A : memref<!tpu.dma_semaphore, #tpu.memory_space<semaphore_mem>>)
        %dma_wait3A = arith.constant 0 : i32
        %dma_wait3A_131 = tpu.memref_slice %arg11[%mul3A_127, %dma_wait3A] : memref<10000x128xf32, #tpu.memory_space<vmem_shared>> -> memref<128x128xf32, #tpu.memory_space<vmem_shared>>
        %dma_wait3A_132 = arith.constant 0 : i32
        %dma_wait3A_133 = tpu.memref_slice %arg11[%mul3A_127, %dma_wait3A_132] : memref<10000x128xf32, #tpu.memory_space<vmem_shared>> -> memref<128x128xf32, #tpu.memory_space<vmem_shared>>
        tpu.wait_dma2 semaphore(%run_scoped3A : memref<!tpu.dma_semaphore, #tpu.memory_space<semaphore_mem>>) src(%arg9 : memref<128x128xf32, #tpu.memory_space<vmem>>) dst(%dma_wait3A_133 : memref<128x128xf32, #tpu.memory_space<vmem_shared>>)
        tpu.yield
      }) : () -> ()
    }
    %eq3A = arith.constant 15 : i32
    %eq3A_35 = arith.cmpi eq, %arg1, %eq3A : i32
    %convert_element_type3A = arith.extui %eq3A_35 : i1 to i32
    %cond3A = arith.constant 0 : i32
    %cond3A_36 = arith.cmpi ne, %convert_element_type3A, %cond3A : i32
    scf.if %cond3A_36 {
      "tpu.region"() ({
        %run_scoped3A = tpu.sem_alloc : memref<!tpu.dma_semaphore, #tpu.memory_space<semaphore_mem>>
        %dma_start3A = arith.constant 0 : i32
        %dma_start3A_123 = arith.constant 0 : i32
        %dma_start3A_124 = tpu.memref_slice %arg9[%dma_start3A, %dma_start3A_123] : memref<128x128xf32, #tpu.memory_space<vmem>> -> memref<16x128xf32, #tpu.memory_space<vmem>>
        %dma_start3A_125 = arith.constant 9984 : i32
        %dma_start3A_126 = arith.constant 0 : i32
        %dma_start3A_127 = tpu.memref_slice %arg11[%dma_start3A_125, %dma_start3A_126] : memref<10000x128xf32, #tpu.memory_space<vmem_shared>> -> memref<16x128xf32, #tpu.memory_space<vmem_shared>>
        %dma_start3A_128 = arith.constant 9984 : i32
        %dma_start3A_129 = arith.constant 0 : i32
        %dma_start3A_130 = tpu.memref_slice %arg11[%dma_start3A_128, %dma_start3A_129] : memref<10000x128xf32, #tpu.memory_space<vmem_shared>> -> memref<16x128xf32, #tpu.memory_space<vmem_shared>>
        %dma_start3A_131 = arith.constant 0 : i32
        %dma_start3A_132 = arith.constant 0 : i32
        %dma_start3A_133 = tpu.memref_slice %arg9[%dma_start3A_131, %dma_start3A_132] : memref<128x128xf32, #tpu.memory_space<vmem>> -> memref<16x128xf32, #tpu.memory_space<vmem>>
        tpu.enqueue_dma source(%dma_start3A_133 : memref<16x128xf32, #tpu.memory_space<vmem>>) target(%dma_start3A_130 : memref<16x128xf32, #tpu.memory_space<vmem_shared>>) target_semaphore(%run_scoped3A : memref<!tpu.dma_semaphore, #tpu.memory_space<semaphore_mem>>)
        %dma_wait3A = arith.constant 0 : i32
        %dma_wait3A_134 = arith.constant 0 : i32
        %dma_wait3A_135 = tpu.memref_slice %arg9[%dma_wait3A, %dma_wait3A_134] : memref<128x128xf32, #tpu.memory_space<vmem>> -> memref<16x128xf32, #tpu.memory_space<vmem>>
        %dma_wait3A_136 = arith.constant 9984 : i32
        %dma_wait3A_137 = arith.constant 0 : i32
        %dma_wait3A_138 = tpu.memref_slice %arg11[%dma_wait3A_136, %dma_wait3A_137] : memref<10000x128xf32, #tpu.memory_space<vmem_shared>> -> memref<16x128xf32, #tpu.memory_space<vmem_shared>>
        %dma_wait3A_139 = arith.constant 9984 : i32
        %dma_wait3A_140 = arith.constant 0 : i32
        %dma_wait3A_141 = tpu.memref_slice %arg11[%dma_wait3A_139, %dma_wait3A_140] : memref<10000x128xf32, #tpu.memory_space<vmem_shared>> -> memref<16x128xf32, #tpu.memory_space<vmem_shared>>
        %dma_wait3A_142 = arith.constant 0 : i32
        %dma_wait3A_143 = arith.constant 0 : i32
        %dma_wait3A_144 = tpu.memref_slice %arg9[%dma_wait3A_142, %dma_wait3A_143] : memref<128x128xf32, #tpu.memory_space<vmem>> -> memref<16x128xf32, #tpu.memory_space<vmem>>
        tpu.wait_dma2 semaphore(%run_scoped3A : memref<!tpu.dma_semaphore, #tpu.memory_space<semaphore_mem>>) src(%dma_wait3A_144 : memref<16x128xf32, #tpu.memory_space<vmem>>) dst(%dma_wait3A_141 : memref<16x128xf32, #tpu.memory_space<vmem_shared>>)
        tpu.yield
      }) : () -> ()
    } else {
    }
    %barrier3A = arith.constant 0 : index
    tpu.barrier barrier_id(%barrier3A)
    %sub3A_37 = arith.constant 1250 : i32
    %sub3A_38 = arith.subi %sub3A_37, %arg1 : i32
    %add3A_39 = arith.constant 16 : i32
    %add3A_40 = arith.addi %sub3A_38, %add3A_39 : i32
    %sub3A_41 = arith.constant 1 : i32
    %sub3A_42 = arith.subi %add3A_40, %sub3A_41 : i32
    %jit3A_43 = arith.constant 16 : i32
    %div3A_44 = arith.divsi %sub3A_42, %jit3A_43 : i32
    %sign3A_45 = arith.constant 0 : i32
    %sign3A_46 = arith.cmpi sgt, %sub3A_42, %sign3A_45 : i32
    %sign3A_47 = arith.extui %sign3A_46 : i1 to i32
    %sign3A_48 = arith.constant 0 : i32
    %sign3A_49 = arith.cmpi slt, %sub3A_42, %sign3A_48 : i32
    %sign3A_50 = arith.extui %sign3A_49 : i1 to i32
    %sign3A_51 = arith.subi %sign3A_47, %sign3A_50 : i32
    %sign3A_52 = arith.constant 0 : i32
    %sign3A_53 = arith.cmpi sgt, %jit3A_43, %sign3A_52 : i32
    %sign3A_54 = arith.extui %sign3A_53 : i1 to i32
    %sign3A_55 = arith.constant 0 : i32
    %sign3A_56 = arith.cmpi slt, %jit3A_43, %sign3A_55 : i32
    %sign3A_57 = arith.extui %sign3A_56 : i1 to i32
    %sign3A_58 = arith.subi %sign3A_54, %sign3A_57 : i32
    %ne3A_59 = arith.cmpi ne, %sign3A_51, %sign3A_58 : i32
    %rem3A_60 = arith.remsi %sub3A_42, %jit3A_43 : i32
    %ne3A_61 = arith.constant 0 : i32
    %ne3A_62 = arith.cmpi ne, %rem3A_60, %ne3A_61 : i32
    %and3A_63 = arith.andi %ne3A_59, %ne3A_62 : i1
    %sub3A_64 = arith.constant 1 : i32
    %sub3A_65 = arith.subi %div3A_44, %sub3A_64 : i32
    %select_n3A_66 = arith.select %and3A_63, %sub3A_65, %div3A_44 : i32
    %while3A_67 = arith.constant 0 : i32
    %while3A_68 = arith.constant 0 : i32
    %while3A_69 = arith.subi %select_n3A_66, %while3A_68 : i32
    %while3A_70 = arith.addi %while3A_68, %while3A_69 : i32
    %while3A_71 = arith.constant 1 : i32
    %while3A_72 = arith.divsi %while3A_69, %while3A_71 : i32
    %while3A_73 = arith.muli %while3A_72, %while3A_71 : i32
    %while3A_74 = arith.addi %while3A_68, %while3A_73 : i32
    %while3A_75 = arith.constant 1 : i32
    scf.for %while3A_123 = %while3A_68 to %while3A_74 step %while3A_75  : i32 {
      %mul3A = arith.constant 1250 : i32
      %mul3A_124 = arith.muli %arg0, %mul3A : i32
      %add3A_125 = arith.addi %mul3A_124, %arg1 : i32
      %mul3A_126 = arith.constant 16 : i32
      %mul3A_127 = arith.muli %mul3A_126, %while3A_123 : i32
      %add3A_128 = arith.addi %add3A_125, %mul3A_127 : i32
      %mul3A_129 = arith.constant 128 : i32
      %mul3A_130 = arith.muli %add3A_128, %mul3A_129 : i32
      %dma_start3A = tpu.memref_slice %arg2[%mul3A_130] : memref<320000xi32, #tpu.memory_space<hbm>> -> memref<128xi32, #tpu.memory_space<hbm>>
      %dma_start3A_131 = tpu.memref_slice %arg2[%mul3A_130] : memref<320000xi32, #tpu.memory_space<hbm>> -> memref<128xi32, #tpu.memory_space<hbm>>
      tpu.enqueue_dma source(%dma_start3A_131 : memref<128xi32, #tpu.memory_space<hbm>>) target(%arg7 : memref<128xi32, #tpu.memory_space<vmem>>) target_semaphore(%arg13 : memref<!tpu.dma_semaphore, #tpu.memory_space<semaphore_mem>>)
      %dma_start3A_132 = tpu.memref_slice %arg3[%mul3A_130] : memref<320000xi32, #tpu.memory_space<hbm>> -> memref<128xi32, #tpu.memory_space<hbm>>
      %dma_start3A_133 = tpu.memref_slice %arg3[%mul3A_130] : memref<320000xi32, #tpu.memory_space<hbm>> -> memref<128xi32, #tpu.memory_space<hbm>>
      tpu.enqueue_dma source(%dma_start3A_133 : memref<128xi32, #tpu.memory_space<hbm>>) target(%arg8 : memref<128xi32, #tpu.memory_space<vmem>>) target_semaphore(%arg14 : memref<!tpu.dma_semaphore, #tpu.memory_space<semaphore_mem>>)
      %dma_start3A_134 = arith.constant 0 : i32
      %dma_start3A_135 = tpu.memref_slice %arg4[%mul3A_130, %dma_start3A_134] : memref<320000x128xf32, #tpu.memory_space<hbm>> -> memref<128x128xf32, #tpu.memory_space<hbm>>
      %dma_start3A_136 = arith.constant 0 : i32
      %dma_start3A_137 = tpu.memref_slice %arg4[%mul3A_130, %dma_start3A_136] : memref<320000x128xf32, #tpu.memory_space<hbm>> -> memref<128x128xf32, #tpu.memory_space<hbm>>
      tpu.enqueue_dma source(%dma_start3A_137 : memref<128x128xf32, #tpu.memory_space<hbm>>) target(%arg9 : memref<128x128xf32, #tpu.memory_space<vmem>>) target_semaphore(%arg15 : memref<!tpu.dma_semaphore, #tpu.memory_space<semaphore_mem>>)
      %dma_wait3A = tpu.memref_slice %arg2[%mul3A_130] : memref<320000xi32, #tpu.memory_space<hbm>> -> memref<128xi32, #tpu.memory_space<hbm>>
      %dma_wait3A_138 = tpu.memref_slice %arg2[%mul3A_130] : memref<320000xi32, #tpu.memory_space<hbm>> -> memref<128xi32, #tpu.memory_space<hbm>>
      tpu.wait_dma2 semaphore(%arg13 : memref<!tpu.dma_semaphore, #tpu.memory_space<semaphore_mem>>) src(%dma_wait3A_138 : memref<128xi32, #tpu.memory_space<hbm>>) dst(%arg7 : memref<128xi32, #tpu.memory_space<vmem>>)
      %dma_start3A_139 = arith.constant 0 : i32
      %dma_start3A_140 = arith.constant 0 : i32
      %dma_start3A_141 = tpu.memref_slice %arg5[%dma_start3A_139, %dma_start3A_140] : memref<10000x128xf32, #tpu.memory_space<hbm>> -> memref<10000x128xf32, #tpu.memory_space<hbm>>
      tpu.enqueue_indirect_dma source(%dma_start3A_141 : memref<10000x128xf32, #tpu.memory_space<hbm>>) target(%arg10 : memref<128x128xf32, #tpu.memory_space<vmem>>) offsets(%arg7 : memref<128xi32, #tpu.memory_space<vmem>>) semaphore(%arg12 : memref<!tpu.dma_semaphore, #tpu.memory_space<semaphore_mem>>)
      %dma_wait3A_142 = arith.constant 0 : i32
      %dma_wait3A_143 = arith.constant 0 : i32
      %dma_wait3A_144 = tpu.memref_slice %arg5[%dma_wait3A_142, %dma_wait3A_143] : memref<10000x128xf32, #tpu.memory_space<hbm>> -> memref<10000x128xf32, #tpu.memory_space<hbm>>
      tpu.wait_indirect_dma semaphore(%arg12 : memref<!tpu.dma_semaphore, #tpu.memory_space<semaphore_mem>>) src(%dma_wait3A_144 : memref<10000x128xf32, #tpu.memory_space<hbm>>) dst(%arg10 : memref<128x128xf32, #tpu.memory_space<vmem>>)
      %dma_wait3A_145 = arith.constant 0 : i32
      %dma_wait3A_146 = tpu.memref_slice %arg4[%mul3A_130, %dma_wait3A_145] : memref<320000x128xf32, #tpu.memory_space<hbm>> -> memref<128x128xf32, #tpu.memory_space<hbm>>
      %dma_wait3A_147 = arith.constant 0 : i32
      %dma_wait3A_148 = tpu.memref_slice %arg4[%mul3A_130, %dma_wait3A_147] : memref<320000x128xf32, #tpu.memory_space<hbm>> -> memref<128x128xf32, #tpu.memory_space<hbm>>
      tpu.wait_dma2 semaphore(%arg15 : memref<!tpu.dma_semaphore, #tpu.memory_space<semaphore_mem>>) src(%dma_wait3A_148 : memref<128x128xf32, #tpu.memory_space<hbm>>) dst(%arg9 : memref<128x128xf32, #tpu.memory_space<vmem>>)
      %scan3A_149 = arith.constant 0 : i32
      %scan3A_150 = arith.constant 0 : i32
      %scan3A_151 = arith.constant 128 : i32
      %scan3A_152 = arith.addi %scan3A_150, %scan3A_151 : i32
      %scan3A_153 = arith.constant 1 : i32
      scf.for %scan3A_157 = %scan3A_150 to %scan3A_152 step %scan3A_153  : i32 {
        %get3A = arith.index_cast %scan3A_157 : i32 to index
        %get3A_158 = arith.constant 0 : index
        %get3A_159 = tpu.vector_load %arg9[%get3A, %get3A_158] {strides = array<i32>} : memref<128x128xf32, #tpu.memory_space<vmem>>, vector<1x16xf32>,
        %get3A_160 = vector.shape_cast %get3A_159 : vector<1x16xf32> to vector<16xf32>
        %get3A_161 = arith.index_cast %scan3A_157 : i32 to index
        %get3A_162 = arith.constant 0 : index
        %get3A_163 = tpu.vector_load %arg10[%get3A_161, %get3A_162] {strides = array<i32>} : memref<128x128xf32, #tpu.memory_space<vmem>>, vector<1x16xf32>,
        %get3A_164 = vector.shape_cast %get3A_163 : vector<1x16xf32> to vector<16xf32>
        %mul3A_165 = arith.mulf %get3A_160, %get3A_164 : vector<16xf32>
        %swap3A = arith.index_cast %scan3A_157 : i32 to index
        %swap3A_166 = arith.constant 0 : index
        %swap3A_167 = tpu.vector_load %arg9[%swap3A, %swap3A_166] {strides = array<i32>} : memref<128x128xf32, #tpu.memory_space<vmem>>, vector<1x16xf32>,
        %swap3A_168 = vector.shape_cast %swap3A_167 : vector<1x16xf32> to vector<16xf32>
        %swap3A_169 = vector.shape_cast %mul3A_165 : vector<16xf32> to vector<1x16xf32>
        tpu.vector_store %arg9[%swap3A, %swap3A_166], %swap3A_169 {strides = array<i32>} : memref<128x128xf32, #tpu.memory_space<vmem>>, vector<1x16xf32>,
        %get3A_170 = arith.index_cast %scan3A_157 : i32 to index
        %get3A_171 = arith.constant 16 : index
        %get3A_172 = tpu.vector_load %arg9[%get3A_170, %get3A_171] {strides = array<i32>} : memref<128x128xf32, #tpu.memory_space<vmem>>, vector<1x16xf32>,
        %get3A_173 = vector.shape_cast %get3A_172 : vector<1x16xf32> to vector<16xf32>
        %get3A_174 = arith.index_cast %scan3A_157 : i32 to index
        %get3A_175 = arith.constant 16 : index
        %get3A_176 = tpu.vector_load %arg10[%get3A_174, %get3A_175] {strides = array<i32>} : memref<128x128xf32, #tpu.memory_space<vmem>>, vector<1x16xf32>,
        %get3A_177 = vector.shape_cast %get3A_176 : vector<1x16xf32> to vector<16xf32>
        %mul3A_178 = arith.mulf %get3A_173, %get3A_177 : vector<16xf32>
        %swap3A_179 = arith.index_cast %scan3A_157 : i32 to index
        %swap3A_180 = arith.constant 16 : index
        %swap3A_181 = tpu.vector_load %arg9[%swap3A_179, %swap3A_180] {strides = array<i32>} : memref<128x128xf32, #tpu.memory_space<vmem>>, vector<1x16xf32>,
        %swap3A_182 = vector.shape_cast %swap3A_181 : vector<1x16xf32> to vector<16xf32>
        %swap3A_183 = vector.shape_cast %mul3A_178 : vector<16xf32> to vector<1x16xf32>
        tpu.vector_store %arg9[%swap3A_179, %swap3A_180], %swap3A_183 {strides = array<i32>} : memref<128x128xf32, #tpu.memory_space<vmem>>, vector<1x16xf32>,
        %get3A_184 = arith.index_cast %scan3A_157 : i32 to index
        %get3A_185 = arith.constant 32 : index
        %get3A_186 = tpu.vector_load %arg9[%get3A_184, %get3A_185] {strides = array<i32>} : memref<128x128xf32, #tpu.memory_space<vmem>>, vector<1x16xf32>,
        %get3A_187 = vector.shape_cast %get3A_186 : vector<1x16xf32> to vector<16xf32>
        %get3A_188 = arith.index_cast %scan3A_157 : i32 to index
        %get3A_189 = arith.constant 32 : index
        %get3A_190 = tpu.vector_load %arg10[%get3A_188, %get3A_189] {strides = array<i32>} : memref<128x128xf32, #tpu.memory_space<vmem>>, vector<1x16xf32>,
        %get3A_191 = vector.shape_cast %get3A_190 : vector<1x16xf32> to vector<16xf32>
        %mul3A_192 = arith.mulf %get3A_187, %get3A_191 : vector<16xf32>
        %swap3A_193 = arith.index_cast %scan3A_157 : i32 to index
        %swap3A_194 = arith.constant 32 : index
        %swap3A_195 = tpu.vector_load %arg9[%swap3A_193, %swap3A_194] {strides = array<i32>} : memref<128x128xf32, #tpu.memory_space<vmem>>, vector<1x16xf32>,
        %swap3A_196 = vector.shape_cast %swap3A_195 : vector<1x16xf32> to vector<16xf32>
        %swap3A_197 = vector.shape_cast %mul3A_192 : vector<16xf32> to vector<1x16xf32>
        tpu.vector_store %arg9[%swap3A_193, %swap3A_194], %swap3A_197 {strides = array<i32>} : memref<128x128xf32, #tpu.memory_space<vmem>>, vector<1x16xf32>,
        %get3A_198 = arith.index_cast %scan3A_157 : i32 to index
        %get3A_199 = arith.constant 48 : index
        %get3A_200 = tpu.vector_load %arg9[%get3A_198, %get3A_199] {strides = array<i32>} : memref<128x128xf32, #tpu.memory_space<vmem>>, vector<1x16xf32>,
        %get3A_201 = vector.shape_cast %get3A_200 : vector<1x16xf32> to vector<16xf32>
        %get3A_202 = arith.index_cast %scan3A_157 : i32 to index
        %get3A_203 = arith.constant 48 : index
        %get3A_204 = tpu.vector_load %arg10[%get3A_202, %get3A_203] {strides = array<i32>} : memref<128x128xf32, #tpu.memory_space<vmem>>, vector<1x16xf32>,
        %get3A_205 = vector.shape_cast %get3A_204 : vector<1x16xf32> to vector<16xf32>
        %mul3A_206 = arith.mulf %get3A_201, %get3A_205 : vector<16xf32>
        %swap3A_207 = arith.index_cast %scan3A_157 : i32 to index
        %swap3A_208 = arith.constant 48 : index
        %swap3A_209 = tpu.vector_load %arg9[%swap3A_207, %swap3A_208] {strides = array<i32>} : memref<128x128xf32, #tpu.memory_space<vmem>>, vector<1x16xf32>,
        %swap3A_210 = vector.shape_cast %swap3A_209 : vector<1x16xf32> to vector<16xf32>
        %swap3A_211 = vector.shape_cast %mul3A_206 : vector<16xf32> to vector<1x16xf32>
        tpu.vector_store %arg9[%swap3A_207, %swap3A_208], %swap3A_211 {strides = array<i32>} : memref<128x128xf32, #tpu.memory_space<vmem>>, vector<1x16xf32>,
        %get3A_212 = arith.index_cast %scan3A_157 : i32 to index
        %get3A_213 = arith.constant 64 : index
        %get3A_214 = tpu.vector_load %arg9[%get3A_212, %get3A_213] {strides = array<i32>} : memref<128x128xf32, #tpu.memory_space<vmem>>, vector<1x16xf32>,
        %get3A_215 = vector.shape_cast %get3A_214 : vector<1x16xf32> to vector<16xf32>
        %get3A_216 = arith.index_cast %scan3A_157 : i32 to index
        %get3A_217 = arith.constant 64 : index
        %get3A_218 = tpu.vector_load %arg10[%get3A_216, %get3A_217] {strides = array<i32>} : memref<128x128xf32, #tpu.memory_space<vmem>>, vector<1x16xf32>,
        %get3A_219 = vector.shape_cast %get3A_218 : vector<1x16xf32> to vector<16xf32>
        %mul3A_220 = arith.mulf %get3A_215, %get3A_219 : vector<16xf32>
        %swap3A_221 = arith.index_cast %scan3A_157 : i32 to index
        %swap3A_222 = arith.constant 64 : index
        %swap3A_223 = tpu.vector_load %arg9[%swap3A_221, %swap3A_222] {strides = array<i32>} : memref<128x128xf32, #tpu.memory_space<vmem>>, vector<1x16xf32>,
        %swap3A_224 = vector.shape_cast %swap3A_223 : vector<1x16xf32> to vector<16xf32>
        %swap3A_225 = vector.shape_cast %mul3A_220 : vector<16xf32> to vector<1x16xf32>
        tpu.vector_store %arg9[%swap3A_221, %swap3A_222], %swap3A_225 {strides = array<i32>} : memref<128x128xf32, #tpu.memory_space<vmem>>, vector<1x16xf32>,
        %get3A_226 = arith.index_cast %scan3A_157 : i32 to index
        %get3A_227 = arith.constant 80 : index
        %get3A_228 = tpu.vector_load %arg9[%get3A_226, %get3A_227] {strides = array<i32>} : memref<128x128xf32, #tpu.memory_space<vmem>>, vector<1x16xf32>,
        %get3A_229 = vector.shape_cast %get3A_228 : vector<1x16xf32> to vector<16xf32>
        %get3A_230 = arith.index_cast %scan3A_157 : i32 to index
        %get3A_231 = arith.constant 80 : index
        %get3A_232 = tpu.vector_load %arg10[%get3A_230, %get3A_231] {strides = array<i32>} : memref<128x128xf32, #tpu.memory_space<vmem>>, vector<1x16xf32>,
        %get3A_233 = vector.shape_cast %get3A_232 : vector<1x16xf32> to vector<16xf32>
        %mul3A_234 = arith.mulf %get3A_229, %get3A_233 : vector<16xf32>
        %swap3A_235 = arith.index_cast %scan3A_157 : i32 to index
        %swap3A_236 = arith.constant 80 : index
        %swap3A_237 = tpu.vector_load %arg9[%swap3A_235, %swap3A_236] {strides = array<i32>} : memref<128x128xf32, #tpu.memory_space<vmem>>, vector<1x16xf32>,
        %swap3A_238 = vector.shape_cast %swap3A_237 : vector<1x16xf32> to vector<16xf32>
        %swap3A_239 = vector.shape_cast %mul3A_234 : vector<16xf32> to vector<1x16xf32>
        tpu.vector_store %arg9[%swap3A_235, %swap3A_236], %swap3A_239 {strides = array<i32>} : memref<128x128xf32, #tpu.memory_space<vmem>>, vector<1x16xf32>,
        %get3A_240 = arith.index_cast %scan3A_157 : i32 to index
        %get3A_241 = arith.constant 96 : index
        %get3A_242 = tpu.vector_load %arg9[%get3A_240, %get3A_241] {strides = array<i32>} : memref<128x128xf32, #tpu.memory_space<vmem>>, vector<1x16xf32>,
        %get3A_243 = vector.shape_cast %get3A_242 : vector<1x16xf32> to vector<16xf32>
        %get3A_244 = arith.index_cast %scan3A_157 : i32 to index
        %get3A_245 = arith.constant 96 : index
        %get3A_246 = tpu.vector_load %arg10[%get3A_244, %get3A_245] {strides = array<i32>} : memref<128x128xf32, #tpu.memory_space<vmem>>, vector<1x16xf32>,
        %get3A_247 = vector.shape_cast %get3A_246 : vector<1x16xf32> to vector<16xf32>
        %mul3A_248 = arith.mulf %get3A_243, %get3A_247 : vector<16xf32>
        %swap3A_249 = arith.index_cast %scan3A_157 : i32 to index
        %swap3A_250 = arith.constant 96 : index
        %swap3A_251 = tpu.vector_load %arg9[%swap3A_249, %swap3A_250] {strides = array<i32>} : memref<128x128xf32, #tpu.memory_space<vmem>>, vector<1x16xf32>,
        %swap3A_252 = vector.shape_cast %swap3A_251 : vector<1x16xf32> to vector<16xf32>
        %swap3A_253 = vector.shape_cast %mul3A_248 : vector<16xf32> to vector<1x16xf32>
        tpu.vector_store %arg9[%swap3A_249, %swap3A_250], %swap3A_253 {strides = array<i32>} : memref<128x128xf32, #tpu.memory_space<vmem>>, vector<1x16xf32>,
        %get3A_254 = arith.index_cast %scan3A_157 : i32 to index
        %get3A_255 = arith.constant 112 : index
        %get3A_256 = tpu.vector_load %arg9[%get3A_254, %get3A_255] {strides = array<i32>} : memref<128x128xf32, #tpu.memory_space<vmem>>, vector<1x16xf32>,
        %get3A_257 = vector.shape_cast %get3A_256 : vector<1x16xf32> to vector<16xf32>
        %get3A_258 = arith.index_cast %scan3A_157 : i32 to index
        %get3A_259 = arith.constant 112 : index
        %get3A_260 = tpu.vector_load %arg10[%get3A_258, %get3A_259] {strides = array<i32>} : memref<128x128xf32, #tpu.memory_space<vmem>>, vector<1x16xf32>,
        %get3A_261 = vector.shape_cast %get3A_260 : vector<1x16xf32> to vector<16xf32>
        %mul3A_262 = arith.mulf %get3A_257, %get3A_261 : vector<16xf32>
        %swap3A_263 = arith.index_cast %scan3A_157 : i32 to index
        %swap3A_264 = arith.constant 112 : index
        %swap3A_265 = tpu.vector_load %arg9[%swap3A_263, %swap3A_264] {strides = array<i32>} : memref<128x128xf32, #tpu.memory_space<vmem>>, vector<1x16xf32>,
        %swap3A_266 = vector.shape_cast %swap3A_265 : vector<1x16xf32> to vector<16xf32>
        %swap3A_267 = vector.shape_cast %mul3A_262 : vector<16xf32> to vector<1x16xf32>
        tpu.vector_store %arg9[%swap3A_263, %swap3A_264], %swap3A_267 {strides = array<i32>} : memref<128x128xf32, #tpu.memory_space<vmem>>, vector<1x16xf32>,
      }
      %scan3A_154 = arith.constant 128 : i32
      %dma_wait3A_155 = tpu.memref_slice %arg3[%mul3A_130] : memref<320000xi32, #tpu.memory_space<hbm>> -> memref<128xi32, #tpu.memory_space<hbm>>
      %dma_wait3A_156 = tpu.memref_slice %arg3[%mul3A_130] : memref<320000xi32, #tpu.memory_space<hbm>> -> memref<128xi32, #tpu.memory_space<hbm>>
      tpu.wait_dma2 semaphore(%arg14 : memref<!tpu.dma_semaphore, #tpu.memory_space<semaphore_mem>>) src(%dma_wait3A_156 : memref<128xi32, #tpu.memory_space<hbm>>) dst(%arg8 : memref<128xi32, #tpu.memory_space<vmem>>)
      "tpu.region"() ({
        %run_scoped3A = tpu.sem_alloc : memref<!tpu.dma_semaphore, #tpu.memory_space<semaphore_mem>>
        %dma_start3A_157 = arith.constant 0 : i32
        %dma_start3A_158 = arith.constant 0 : i32
        %dma_start3A_159 = tpu.memref_slice %arg11[%dma_start3A_157, %dma_start3A_158] : memref<10000x128xf32, #tpu.memory_space<vmem_shared>> -> memref<10000x128xf32, #tpu.memory_space<vmem_shared>>
        tpu.enqueue_indirect_dma source(%arg9 : memref<128x128xf32, #tpu.memory_space<vmem>>) target(%dma_start3A_159 : memref<10000x128xf32, #tpu.memory_space<vmem_shared>>) offsets(%arg8 : memref<128xi32, #tpu.memory_space<vmem>>) semaphore(%run_scoped3A : memref<!tpu.dma_semaphore, #tpu.memory_space<semaphore_mem>>) {add = true}
        %dma_wait3A_160 = arith.constant 0 : i32
        %dma_wait3A_161 = arith.constant 0 : i32
        %dma_wait3A_162 = tpu.memref_slice %arg11[%dma_wait3A_160, %dma_wait3A_161] : memref<10000x128xf32, #tpu.memory_space<vmem_shared>> -> memref<10000x128xf32, #tpu.memory_space<vmem_shared>>
        tpu.wait_indirect_dma semaphore(%run_scoped3A : memref<!tpu.dma_semaphore, #tpu.memory_space<semaphore_mem>>) src(%arg9 : memref<128x128xf32, #tpu.memory_space<vmem>>) dst(%dma_wait3A_162 : memref<10000x128xf32, #tpu.memory_space<vmem_shared>>)
        tpu.yield
      }) : () -> ()
    }
    %while3A_76 = arith.constant 1 : i32
    scf.for %while3A_123 = %while3A_74 to %while3A_70 step %while3A_76  : i32 {
      %mul3A = arith.constant 1250 : i32
      %mul3A_124 = arith.muli %arg0, %mul3A : i32
      %add3A_125 = arith.addi %mul3A_124, %arg1 : i32
      %mul3A_126 = arith.constant 16 : i32
      %mul3A_127 = arith.muli %mul3A_126, %while3A_123 : i32
      %add3A_128 = arith.addi %add3A_125, %mul3A_127 : i32
      %mul3A_129 = arith.constant 128 : i32
      %mul3A_130 = arith.muli %add3A_128, %mul3A_129 : i32
      %dma_start3A = tpu.memref_slice %arg2[%mul3A_130] : memref<320000xi32, #tpu.memory_space<hbm>> -> memref<128xi32, #tpu.memory_space<hbm>>
      %dma_start3A_131 = tpu.memref_slice %arg2[%mul3A_130] : memref<320000xi32, #tpu.memory_space<hbm>> -> memref<128xi32, #tpu.memory_space<hbm>>
      tpu.enqueue_dma source(%dma_start3A_131 : memref<128xi32, #tpu.memory_space<hbm>>) target(%arg7 : memref<128xi32, #tpu.memory_space<vmem>>) target_semaphore(%arg13 : memref<!tpu.dma_semaphore, #tpu.memory_space<semaphore_mem>>)
      %dma_start3A_132 = tpu.memref_slice %arg3[%mul3A_130] : memref<320000xi32, #tpu.memory_space<hbm>> -> memref<128xi32, #tpu.memory_space<hbm>>
      %dma_start3A_133 = tpu.memref_slice %arg3[%mul3A_130] : memref<320000xi32, #tpu.memory_space<hbm>> -> memref<128xi32, #tpu.memory_space<hbm>>
      tpu.enqueue_dma source(%dma_start3A_133 : memref<128xi32, #tpu.memory_space<hbm>>) target(%arg8 : memref<128xi32, #tpu.memory_space<vmem>>) target_semaphore(%arg14 : memref<!tpu.dma_semaphore, #tpu.memory_space<semaphore_mem>>)
      %dma_start3A_134 = arith.constant 0 : i32
      %dma_start3A_135 = tpu.memref_slice %arg4[%mul3A_130, %dma_start3A_134] : memref<320000x128xf32, #tpu.memory_space<hbm>> -> memref<128x128xf32, #tpu.memory_space<hbm>>
      %dma_start3A_136 = arith.constant 0 : i32
      %dma_start3A_137 = tpu.memref_slice %arg4[%mul3A_130, %dma_start3A_136] : memref<320000x128xf32, #tpu.memory_space<hbm>> -> memref<128x128xf32, #tpu.memory_space<hbm>>
      tpu.enqueue_dma source(%dma_start3A_137 : memref<128x128xf32, #tpu.memory_space<hbm>>) target(%arg9 : memref<128x128xf32, #tpu.memory_space<vmem>>) target_semaphore(%arg15 : memref<!tpu.dma_semaphore, #tpu.memory_space<semaphore_mem>>)
      %dma_wait3A = tpu.memref_slice %arg2[%mul3A_130] : memref<320000xi32, #tpu.memory_space<hbm>> -> memref<128xi32, #tpu.memory_space<hbm>>
      %dma_wait3A_138 = tpu.memref_slice %arg2[%mul3A_130] : memref<320000xi32, #tpu.memory_space<hbm>> -> memref<128xi32, #tpu.memory_space<hbm>>
      tpu.wait_dma2 semaphore(%arg13 : memref<!tpu.dma_semaphore, #tpu.memory_space<semaphore_mem>>) src(%dma_wait3A_138 : memref<128xi32, #tpu.memory_space<hbm>>) dst(%arg7 : memref<128xi32, #tpu.memory_space<vmem>>)
      %dma_start3A_139 = arith.constant 0 : i32
      %dma_start3A_140 = arith.constant 0 : i32
      %dma_start3A_141 = tpu.memref_slice %arg5[%dma_start3A_139, %dma_start3A_140] : memref<10000x128xf32, #tpu.memory_space<hbm>> -> memref<10000x128xf32, #tpu.memory_space<hbm>>
      tpu.enqueue_indirect_dma source(%dma_start3A_141 : memref<10000x128xf32, #tpu.memory_space<hbm>>) target(%arg10 : memref<128x128xf32, #tpu.memory_space<vmem>>) offsets(%arg7 : memref<128xi32, #tpu.memory_space<vmem>>) semaphore(%arg12 : memref<!tpu.dma_semaphore, #tpu.memory_space<semaphore_mem>>)
      %dma_wait3A_142 = arith.constant 0 : i32
      %dma_wait3A_143 = arith.constant 0 : i32
      %dma_wait3A_144 = tpu.memref_slice %arg5[%dma_wait3A_142, %dma_wait3A_143] : memref<10000x128xf32, #tpu.memory_space<hbm>> -> memref<10000x128xf32, #tpu.memory_space<hbm>>
      tpu.wait_indirect_dma semaphore(%arg12 : memref<!tpu.dma_semaphore, #tpu.memory_space<semaphore_mem>>) src(%dma_wait3A_144 : memref<10000x128xf32, #tpu.memory_space<hbm>>) dst(%arg10 : memref<128x128xf32, #tpu.memory_space<vmem>>)
      %dma_wait3A_145 = arith.constant 0 : i32
      %dma_wait3A_146 = tpu.memref_slice %arg4[%mul3A_130, %dma_wait3A_145] : memref<320000x128xf32, #tpu.memory_space<hbm>> -> memref<128x128xf32, #tpu.memory_space<hbm>>
      %dma_wait3A_147 = arith.constant 0 : i32
      %dma_wait3A_148 = tpu.memref_slice %arg4[%mul3A_130, %dma_wait3A_147] : memref<320000x128xf32, #tpu.memory_space<hbm>> -> memref<128x128xf32, #tpu.memory_space<hbm>>
      tpu.wait_dma2 semaphore(%arg15 : memref<!tpu.dma_semaphore, #tpu.memory_space<semaphore_mem>>) src(%dma_wait3A_148 : memref<128x128xf32, #tpu.memory_space<hbm>>) dst(%arg9 : memref<128x128xf32, #tpu.memory_space<vmem>>)
      %scan3A_149 = arith.constant 0 : i32
      %scan3A_150 = arith.constant 0 : i32
      %scan3A_151 = arith.constant 128 : i32
      %scan3A_152 = arith.addi %scan3A_150, %scan3A_151 : i32
      %scan3A_153 = arith.constant 1 : i32
      scf.for %scan3A_157 = %scan3A_150 to %scan3A_152 step %scan3A_153  : i32 {
        %get3A = arith.index_cast %scan3A_157 : i32 to index
        %get3A_158 = arith.constant 0 : index
        %get3A_159 = tpu.vector_load %arg9[%get3A, %get3A_158] {strides = array<i32>} : memref<128x128xf32, #tpu.memory_space<vmem>>, vector<1x16xf32>,
        %get3A_160 = vector.shape_cast %get3A_159 : vector<1x16xf32> to vector<16xf32>
        %get3A_161 = arith.index_cast %scan3A_157 : i32 to index
        %get3A_162 = arith.constant 0 : index
        %get3A_163 = tpu.vector_load %arg10[%get3A_161, %get3A_162] {strides = array<i32>} : memref<128x128xf32, #tpu.memory_space<vmem>>, vector<1x16xf32>,
        %get3A_164 = vector.shape_cast %get3A_163 : vector<1x16xf32> to vector<16xf32>
        %mul3A_165 = arith.mulf %get3A_160, %get3A_164 : vector<16xf32>
        %swap3A = arith.index_cast %scan3A_157 : i32 to index
        %swap3A_166 = arith.constant 0 : index
        %swap3A_167 = tpu.vector_load %arg9[%swap3A, %swap3A_166] {strides = array<i32>} : memref<128x128xf32, #tpu.memory_space<vmem>>, vector<1x16xf32>,
        %swap3A_168 = vector.shape_cast %swap3A_167 : vector<1x16xf32> to vector<16xf32>
        %swap3A_169 = vector.shape_cast %mul3A_165 : vector<16xf32> to vector<1x16xf32>
        tpu.vector_store %arg9[%swap3A, %swap3A_166], %swap3A_169 {strides = array<i32>} : memref<128x128xf32, #tpu.memory_space<vmem>>, vector<1x16xf32>,
        %get3A_170 = arith.index_cast %scan3A_157 : i32 to index
        %get3A_171 = arith.constant 16 : index
        %get3A_172 = tpu.vector_load %arg9[%get3A_170, %get3A_171] {strides = array<i32>} : memref<128x128xf32, #tpu.memory_space<vmem>>, vector<1x16xf32>,
        %get3A_173 = vector.shape_cast %get3A_172 : vector<1x16xf32> to vector<16xf32>
        %get3A_174 = arith.index_cast %scan3A_157 : i32 to index
        %get3A_175 = arith.constant 16 : index
        %get3A_176 = tpu.vector_load %arg10[%get3A_174, %get3A_175] {strides = array<i32>} : memref<128x128xf32, #tpu.memory_space<vmem>>, vector<1x16xf32>,
        %get3A_177 = vector.shape_cast %get3A_176 : vector<1x16xf32> to vector<16xf32>
        %mul3A_178 = arith.mulf %get3A_173, %get3A_177 : vector<16xf32>
        %swap3A_179 = arith.index_cast %scan3A_157 : i32 to index
        %swap3A_180 = arith.constant 16 : index
        %swap3A_181 = tpu.vector_load %arg9[%swap3A_179, %swap3A_180] {strides = array<i32>} : memref<128x128xf32, #tpu.memory_space<vmem>>, vector<1x16xf32>,
        %swap3A_182 = vector.shape_cast %swap3A_181 : vector<1x16xf32> to vector<16xf32>
        %swap3A_183 = vector.shape_cast %mul3A_178 : vector<16xf32> to vector<1x16xf32>
        tpu.vector_store %arg9[%swap3A_179, %swap3A_180], %swap3A_183 {strides = array<i32>} : memref<128x128xf32, #tpu.memory_space<vmem>>, vector<1x16xf32>,
        %get3A_184 = arith.index_cast %scan3A_157 : i32 to index
        %get3A_185 = arith.constant 32 : index
        %get3A_186 = tpu.vector_load %arg9[%get3A_184, %get3A_185] {strides = array<i32>} : memref<128x128xf32, #tpu.memory_space<vmem>>, vector<1x16xf32>,
        %get3A_187 = vector.shape_cast %get3A_186 : vector<1x16xf32> to vector<16xf32>
        %get3A_188 = arith.index_cast %scan3A_157 : i32 to index
        %get3A_189 = arith.constant 32 : index
        %get3A_190 = tpu.vector_load %arg10[%get3A_188, %get3A_189] {strides = array<i32>} : memref<128x128xf32, #tpu.memory_space<vmem>>, vector<1x16xf32>,
        %get3A_191 = vector.shape_cast %get3A_190 : vector<1x16xf32> to vector<16xf32>
        %mul3A_192 = arith.mulf %get3A_187, %get3A_191 : vector<16xf32>
        %swap3A_193 = arith.index_cast %scan3A_157 : i32 to index
        %swap3A_194 = arith.constant 32 : index
        %swap3A_195 = tpu.vector_load %arg9[%swap3A_193, %swap3A_194] {strides = array<i32>} : memref<128x128xf32, #tpu.memory_space<vmem>>, vector<1x16xf32>,
        %swap3A_196 = vector.shape_cast %swap3A_195 : vector<1x16xf32> to vector<16xf32>
        %swap3A_197 = vector.shape_cast %mul3A_192 : vector<16xf32> to vector<1x16xf32>
        tpu.vector_store %arg9[%swap3A_193, %swap3A_194], %swap3A_197 {strides = array<i32>} : memref<128x128xf32, #tpu.memory_space<vmem>>, vector<1x16xf32>,
        %get3A_198 = arith.index_cast %scan3A_157 : i32 to index
        %get3A_199 = arith.constant 48 : index
        %get3A_200 = tpu.vector_load %arg9[%get3A_198, %get3A_199] {strides = array<i32>} : memref<128x128xf32, #tpu.memory_space<vmem>>, vector<1x16xf32>,
        %get3A_201 = vector.shape_cast %get3A_200 : vector<1x16xf32> to vector<16xf32>
        %get3A_202 = arith.index_cast %scan3A_157 : i32 to index
        %get3A_203 = arith.constant 48 : index
        %get3A_204 = tpu.vector_load %arg10[%get3A_202, %get3A_203] {strides = array<i32>} : memref<128x128xf32, #tpu.memory_space<vmem>>, vector<1x16xf32>,
        %get3A_205 = vector.shape_cast %get3A_204 : vector<1x16xf32> to vector<16xf32>
        %mul3A_206 = arith.mulf %get3A_201, %get3A_205 : vector<16xf32>
        %swap3A_207 = arith.index_cast %scan3A_157 : i32 to index
        %swap3A_208 = arith.constant 48 : index
        %swap3A_209 = tpu.vector_load %arg9[%swap3A_207, %swap3A_208] {strides = array<i32>} : memref<128x128xf32, #tpu.memory_space<vmem>>, vector<1x16xf32>,
        %swap3A_210 = vector.shape_cast %swap3A_209 : vector<1x16xf32> to vector<16xf32>
        %swap3A_211 = vector.shape_cast %mul3A_206 : vector<16xf32> to vector<1x16xf32>
        tpu.vector_store %arg9[%swap3A_207, %swap3A_208], %swap3A_211 {strides = array<i32>} : memref<128x128xf32, #tpu.memory_space<vmem>>, vector<1x16xf32>,
        %get3A_212 = arith.index_cast %scan3A_157 : i32 to index
        %get3A_213 = arith.constant 64 : index
        %get3A_214 = tpu.vector_load %arg9[%get3A_212, %get3A_213] {strides = array<i32>} : memref<128x128xf32, #tpu.memory_space<vmem>>, vector<1x16xf32>,
        %get3A_215 = vector.shape_cast %get3A_214 : vector<1x16xf32> to vector<16xf32>
        %get3A_216 = arith.index_cast %scan3A_157 : i32 to index
        %get3A_217 = arith.constant 64 : index
        %get3A_218 = tpu.vector_load %arg10[%get3A_216, %get3A_217] {strides = array<i32>} : memref<128x128xf32, #tpu.memory_space<vmem>>, vector<1x16xf32>,
        %get3A_219 = vector.shape_cast %get3A_218 : vector<1x16xf32> to vector<16xf32>
        %mul3A_220 = arith.mulf %get3A_215, %get3A_219 : vector<16xf32>
        %swap3A_221 = arith.index_cast %scan3A_157 : i32 to index
        %swap3A_222 = arith.constant 64 : index
        %swap3A_223 = tpu.vector_load %arg9[%swap3A_221, %swap3A_222] {strides = array<i32>} : memref<128x128xf32, #tpu.memory_space<vmem>>, vector<1x16xf32>,
        %swap3A_224 = vector.shape_cast %swap3A_223 : vector<1x16xf32> to vector<16xf32>
        %swap3A_225 = vector.shape_cast %mul3A_220 : vector<16xf32> to vector<1x16xf32>
        tpu.vector_store %arg9[%swap3A_221, %swap3A_222], %swap3A_225 {strides = array<i32>} : memref<128x128xf32, #tpu.memory_space<vmem>>, vector<1x16xf32>,
        %get3A_226 = arith.index_cast %scan3A_157 : i32 to index
        %get3A_227 = arith.constant 80 : index
        %get3A_228 = tpu.vector_load %arg9[%get3A_226, %get3A_227] {strides = array<i32>} : memref<128x128xf32, #tpu.memory_space<vmem>>, vector<1x16xf32>,
        %get3A_229 = vector.shape_cast %get3A_228 : vector<1x16xf32> to vector<16xf32>
        %get3A_230 = arith.index_cast %scan3A_157 : i32 to index
        %get3A_231 = arith.constant 80 : index
        %get3A_232 = tpu.vector_load %arg10[%get3A_230, %get3A_231] {strides = array<i32>} : memref<128x128xf32, #tpu.memory_space<vmem>>, vector<1x16xf32>,
        %get3A_233 = vector.shape_cast %get3A_232 : vector<1x16xf32> to vector<16xf32>
        %mul3A_234 = arith.mulf %get3A_229, %get3A_233 : vector<16xf32>
        %swap3A_235 = arith.index_cast %scan3A_157 : i32 to index
        %swap3A_236 = arith.constant 80 : index
        %swap3A_237 = tpu.vector_load %arg9[%swap3A_235, %swap3A_236] {strides = array<i32>} : memref<128x128xf32, #tpu.memory_space<vmem>>, vector<1x16xf32>,
        %swap3A_238 = vector.shape_cast %swap3A_237 : vector<1x16xf32> to vector<16xf32>
        %swap3A_239 = vector.shape_cast %mul3A_234 : vector<16xf32> to vector<1x16xf32>
        tpu.vector_store %arg9[%swap3A_235, %swap3A_236], %swap3A_239 {strides = array<i32>} : memref<128x128xf32, #tpu.memory_space<vmem>>, vector<1x16xf32>,
        %get3A_240 = arith.index_cast %scan3A_157 : i32 to index
        %get3A_241 = arith.constant 96 : index
        %get3A_242 = tpu.vector_load %arg9[%get3A_240, %get3A_241] {strides = array<i32>} : memref<128x128xf32, #tpu.memory_space<vmem>>, vector<1x16xf32>,
        %get3A_243 = vector.shape_cast %get3A_242 : vector<1x16xf32> to vector<16xf32>
        %get3A_244 = arith.index_cast %scan3A_157 : i32 to index
        %get3A_245 = arith.constant 96 : index
        %get3A_246 = tpu.vector_load %arg10[%get3A_244, %get3A_245] {strides = array<i32>} : memref<128x128xf32, #tpu.memory_space<vmem>>, vector<1x16xf32>,
        %get3A_247 = vector.shape_cast %get3A_246 : vector<1x16xf32> to vector<16xf32>
        %mul3A_248 = arith.mulf %get3A_243, %get3A_247 : vector<16xf32>
        %swap3A_249 = arith.index_cast %scan3A_157 : i32 to index
        %swap3A_250 = arith.constant 96 : index
        %swap3A_251 = tpu.vector_load %arg9[%swap3A_249, %swap3A_250] {strides = array<i32>} : memref<128x128xf32, #tpu.memory_space<vmem>>, vector<1x16xf32>,
        %swap3A_252 = vector.shape_cast %swap3A_251 : vector<1x16xf32> to vector<16xf32>
        %swap3A_253 = vector.shape_cast %mul3A_248 : vector<16xf32> to vector<1x16xf32>
        tpu.vector_store %arg9[%swap3A_249, %swap3A_250], %swap3A_253 {strides = array<i32>} : memref<128x128xf32, #tpu.memory_space<vmem>>, vector<1x16xf32>,
        %get3A_254 = arith.index_cast %scan3A_157 : i32 to index
        %get3A_255 = arith.constant 112 : index
        %get3A_256 = tpu.vector_load %arg9[%get3A_254, %get3A_255] {strides = array<i32>} : memref<128x128xf32, #tpu.memory_space<vmem>>, vector<1x16xf32>,
        %get3A_257 = vector.shape_cast %get3A_256 : vector<1x16xf32> to vector<16xf32>
        %get3A_258 = arith.index_cast %scan3A_157 : i32 to index
        %get3A_259 = arith.constant 112 : index
        %get3A_260 = tpu.vector_load %arg10[%get3A_258, %get3A_259] {strides = array<i32>} : memref<128x128xf32, #tpu.memory_space<vmem>>, vector<1x16xf32>,
        %get3A_261 = vector.shape_cast %get3A_260 : vector<1x16xf32> to vector<16xf32>
        %mul3A_262 = arith.mulf %get3A_257, %get3A_261 : vector<16xf32>
        %swap3A_263 = arith.index_cast %scan3A_157 : i32 to index
        %swap3A_264 = arith.constant 112 : index
        %swap3A_265 = tpu.vector_load %arg9[%swap3A_263, %swap3A_264] {strides = array<i32>} : memref<128x128xf32, #tpu.memory_space<vmem>>, vector<1x16xf32>,
        %swap3A_266 = vector.shape_cast %swap3A_265 : vector<1x16xf32> to vector<16xf32>
        %swap3A_267 = vector.shape_cast %mul3A_262 : vector<16xf32> to vector<1x16xf32>
        tpu.vector_store %arg9[%swap3A_263, %swap3A_264], %swap3A_267 {strides = array<i32>} : memref<128x128xf32, #tpu.memory_space<vmem>>, vector<1x16xf32>,
      }
      %scan3A_154 = arith.constant 128 : i32
      %dma_wait3A_155 = tpu.memref_slice %arg3[%mul3A_130] : memref<320000xi32, #tpu.memory_space<hbm>> -> memref<128xi32, #tpu.memory_space<hbm>>
      %dma_wait3A_156 = tpu.memref_slice %arg3[%mul3A_130] : memref<320000xi32, #tpu.memory_space<hbm>> -> memref<128xi32, #tpu.memory_space<hbm>>
      tpu.wait_dma2 semaphore(%arg14 : memref<!tpu.dma_semaphore, #tpu.memory_space<semaphore_mem>>) src(%dma_wait3A_156 : memref<128xi32, #tpu.memory_space<hbm>>) dst(%arg8 : memref<128xi32, #tpu.memory_space<vmem>>)
      "tpu.region"() ({
        %run_scoped3A = tpu.sem_alloc : memref<!tpu.dma_semaphore, #tpu.memory_space<semaphore_mem>>
        %dma_start3A_157 = arith.constant 0 : i32
        %dma_start3A_158 = arith.constant 0 : i32
        %dma_start3A_159 = tpu.memref_slice %arg11[%dma_start3A_157, %dma_start3A_158] : memref<10000x128xf32, #tpu.memory_space<vmem_shared>> -> memref<10000x128xf32, #tpu.memory_space<vmem_shared>>
        tpu.enqueue_indirect_dma source(%arg9 : memref<128x128xf32, #tpu.memory_space<vmem>>) target(%dma_start3A_159 : memref<10000x128xf32, #tpu.memory_space<vmem_shared>>) offsets(%arg8 : memref<128xi32, #tpu.memory_space<vmem>>) semaphore(%run_scoped3A : memref<!tpu.dma_semaphore, #tpu.memory_space<semaphore_mem>>) {add = true}
        %dma_wait3A_160 = arith.constant 0 : i32
        %dma_wait3A_161 = arith.constant 0 : i32
        %dma_wait3A_162 = tpu.memref_slice %arg11[%dma_wait3A_160, %dma_wait3A_161] : memref<10000x128xf32, #tpu.memory_space<vmem_shared>> -> memref<10000x128xf32, #tpu.memory_space<vmem_shared>>
        tpu.wait_indirect_dma semaphore(%run_scoped3A : memref<!tpu.dma_semaphore, #tpu.memory_space<semaphore_mem>>) src(%arg9 : memref<128x128xf32, #tpu.memory_space<vmem>>) dst(%dma_wait3A_162 : memref<10000x128xf32, #tpu.memory_space<vmem_shared>>)
        tpu.yield
      }) : () -> ()
    }
    %barrier3A_77 = arith.constant 0 : index
    tpu.barrier barrier_id(%barrier3A_77)
    %sub3A_78 = arith.constant 78 : i32
    %sub3A_79 = arith.subi %sub3A_78, %arg1 : i32
    %add3A_80 = arith.constant 16 : i32
    %add3A_81 = arith.addi %sub3A_79, %add3A_80 : i32
    %sub3A_82 = arith.constant 1 : i32
    %sub3A_83 = arith.subi %add3A_81, %sub3A_82 : i32
    %jit3A_84 = arith.constant 16 : i32
    %div3A_85 = arith.divsi %sub3A_83, %jit3A_84 : i32
    %sign3A_86 = arith.constant 0 : i32
    %sign3A_87 = arith.cmpi sgt, %sub3A_83, %sign3A_86 : i32
    %sign3A_88 = arith.extui %sign3A_87 : i1 to i32
    %sign3A_89 = arith.constant 0 : i32
    %sign3A_90 = arith.cmpi slt, %sub3A_83, %sign3A_89 : i32
    %sign3A_91 = arith.extui %sign3A_90 : i1 to i32
    %sign3A_92 = arith.subi %sign3A_88, %sign3A_91 : i32
    %sign3A_93 = arith.constant 0 : i32
    %sign3A_94 = arith.cmpi sgt, %jit3A_84, %sign3A_93 : i32
    %sign3A_95 = arith.extui %sign3A_94 : i1 to i32
    %sign3A_96 = arith.constant 0 : i32
    %sign3A_97 = arith.cmpi slt, %jit3A_84, %sign3A_96 : i32
    %sign3A_98 = arith.extui %sign3A_97 : i1 to i32
    %sign3A_99 = arith.subi %sign3A_95, %sign3A_98 : i32
    %ne3A_100 = arith.cmpi ne, %sign3A_92, %sign3A_99 : i32
    %rem3A_101 = arith.remsi %sub3A_83, %jit3A_84 : i32
    %ne3A_102 = arith.constant 0 : i32
    %ne3A_103 = arith.cmpi ne, %rem3A_101, %ne3A_102 : i32
    %and3A_104 = arith.andi %ne3A_100, %ne3A_103 : i1
    %sub3A_105 = arith.constant 1 : i32
    %sub3A_106 = arith.subi %div3A_85, %sub3A_105 : i32
    %select_n3A_107 = arith.select %and3A_104, %sub3A_106, %div3A_85 : i32
    %while3A_108 = arith.constant 0 : i32
    %while3A_109 = arith.constant 0 : i32
    %while3A_110 = arith.subi %select_n3A_107, %while3A_109 : i32
    %while3A_111 = arith.addi %while3A_109, %while3A_110 : i32
    %while3A_112 = arith.constant 1 : i32
    %while3A_113 = arith.divsi %while3A_110, %while3A_112 : i32
    %while3A_114 = arith.muli %while3A_113, %while3A_112 : i32
    %while3A_115 = arith.addi %while3A_109, %while3A_114 : i32
    %while3A_116 = arith.constant 1 : i32
    scf.for %while3A_123 = %while3A_109 to %while3A_115 step %while3A_116  : i32 {
      %mul3A = arith.constant 16 : i32
      %mul3A_124 = arith.muli %mul3A, %while3A_123 : i32
      %add3A_125 = arith.addi %arg1, %mul3A_124 : i32
      %mul3A_126 = arith.constant 128 : i32
      %mul3A_127 = arith.muli %add3A_125, %mul3A_126 : i32
      "tpu.region"() ({
        %run_scoped3A = tpu.sem_alloc : memref<!tpu.dma_semaphore, #tpu.memory_space<semaphore_mem>>
        %dma_start3A = arith.constant 0 : i32
        %dma_start3A_128 = tpu.memref_slice %arg11[%mul3A_127, %dma_start3A] : memref<10000x128xf32, #tpu.memory_space<vmem_shared>> -> memref<128x128xf32, #tpu.memory_space<vmem_shared>>
        %dma_start3A_129 = arith.constant 0 : i32
        %dma_start3A_130 = tpu.memref_slice %arg11[%mul3A_127, %dma_start3A_129] : memref<10000x128xf32, #tpu.memory_space<vmem_shared>> -> memref<128x128xf32, #tpu.memory_space<vmem_shared>>
        tpu.enqueue_dma source(%dma_start3A_130 : memref<128x128xf32, #tpu.memory_space<vmem_shared>>) target(%arg9 : memref<128x128xf32, #tpu.memory_space<vmem>>) target_semaphore(%run_scoped3A : memref<!tpu.dma_semaphore, #tpu.memory_space<semaphore_mem>>)
        %dma_wait3A = arith.constant 0 : i32
        %dma_wait3A_131 = tpu.memref_slice %arg11[%mul3A_127, %dma_wait3A] : memref<10000x128xf32, #tpu.memory_space<vmem_shared>> -> memref<128x128xf32, #tpu.memory_space<vmem_shared>>
        %dma_wait3A_132 = arith.constant 0 : i32
        %dma_wait3A_133 = tpu.memref_slice %arg11[%mul3A_127, %dma_wait3A_132] : memref<10000x128xf32, #tpu.memory_space<vmem_shared>> -> memref<128x128xf32, #tpu.memory_space<vmem_shared>>
        tpu.wait_dma2 semaphore(%run_scoped3A : memref<!tpu.dma_semaphore, #tpu.memory_space<semaphore_mem>>) src(%dma_wait3A_133 : memref<128x128xf32, #tpu.memory_space<vmem_shared>>) dst(%arg9 : memref<128x128xf32, #tpu.memory_space<vmem>>)
        tpu.yield
      }) : () -> ()
      "tpu.region"() ({
        %run_scoped3A = tpu.sem_alloc : memref<!tpu.dma_semaphore, #tpu.memory_space<semaphore_mem>>
        %dma_start3A = arith.constant 0 : i32
        %dma_start3A_128 = tpu.memref_slice %arg6[%arg0, %mul3A_127, %dma_start3A] : memref<2x10000x128xf32, #tpu.memory_space<hbm>> -> memref<1x128x128xf32, #tpu.memory_space<hbm>>
        %dma_start3A_129 = tpu.memref_squeeze %dma_start3A_128 : memref<1x128x128xf32, #tpu.memory_space<hbm>> -> memref<128x128xf32, #tpu.memory_space<hbm>>
        %dma_start3A_130 = arith.constant 0 : i32
        %dma_start3A_131 = tpu.memref_slice %arg6[%arg0, %mul3A_127, %dma_start3A_130] : memref<2x10000x128xf32, #tpu.memory_space<hbm>> -> memref<1x128x128xf32, #tpu.memory_space<hbm>>
        %dma_start3A_132 = tpu.memref_squeeze %dma_start3A_131 : memref<1x128x128xf32, #tpu.memory_space<hbm>> -> memref<128x128xf32, #tpu.memory_space<hbm>>
        tpu.enqueue_dma source(%arg9 : memref<128x128xf32, #tpu.memory_space<vmem>>) target(%dma_start3A_132 : memref<128x128xf32, #tpu.memory_space<hbm>>) target_semaphore(%run_scoped3A : memref<!tpu.dma_semaphore, #tpu.memory_space<semaphore_mem>>)
        %dma_wait3A = arith.constant 0 : i32
        %dma_wait3A_133 = tpu.memref_slice %arg6[%arg0, %mul3A_127, %dma_wait3A] : memref<2x10000x128xf32, #tpu.memory_space<hbm>> -> memref<1x128x128xf32, #tpu.memory_space<hbm>>
        %dma_wait3A_134 = tpu.memref_squeeze %dma_wait3A_133 : memref<1x128x128xf32, #tpu.memory_space<hbm>> -> memref<128x128xf32, #tpu.memory_space<hbm>>
        %dma_wait3A_135 = arith.constant 0 : i32
        %dma_wait3A_136 = tpu.memref_slice %arg6[%arg0, %mul3A_127, %dma_wait3A_135] : memref<2x10000x128xf32, #tpu.memory_space<hbm>> -> memref<1x128x128xf32, #tpu.memory_space<hbm>>
        %dma_wait3A_137 = tpu.memref_squeeze %dma_wait3A_136 : memref<1x128x128xf32, #tpu.memory_space<hbm>> -> memref<128x128xf32, #tpu.memory_space<hbm>>
        tpu.wait_dma2 semaphore(%run_scoped3A : memref<!tpu.dma_semaphore, #tpu.memory_space<semaphore_mem>>) src(%arg9 : memref<128x128xf32, #tpu.memory_space<vmem>>) dst(%dma_wait3A_137 : memref<128x128xf32, #tpu.memory_space<hbm>>)
        tpu.yield
      }) : () -> ()
    }
    %while3A_117 = arith.constant 1 : i32
    scf.for %while3A_123 = %while3A_115 to %while3A_111 step %while3A_117  : i32 {
      %mul3A = arith.constant 16 : i32
      %mul3A_124 = arith.muli %mul3A, %while3A_123 : i32
      %add3A_125 = arith.addi %arg1, %mul3A_124 : i32
      %mul3A_126 = arith.constant 128 : i32
      %mul3A_127 = arith.muli %add3A_125, %mul3A_126 : i32
      "tpu.region"() ({
        %run_scoped3A = tpu.sem_alloc : memref<!tpu.dma_semaphore, #tpu.memory_space<semaphore_mem>>
        %dma_start3A = arith.constant 0 : i32
        %dma_start3A_128 = tpu.memref_slice %arg11[%mul3A_127, %dma_start3A] : memref<10000x128xf32, #tpu.memory_space<vmem_shared>> -> memref<128x128xf32, #tpu.memory_space<vmem_shared>>
        %dma_start3A_129 = arith.constant 0 : i32
        %dma_start3A_130 = tpu.memref_slice %arg11[%mul3A_127, %dma_start3A_129] : memref<10000x128xf32, #tpu.memory_space<vmem_shared>> -> memref<128x128xf32, #tpu.memory_space<vmem_shared>>
        tpu.enqueue_dma source(%dma_start3A_130 : memref<128x128xf32, #tpu.memory_space<vmem_shared>>) target(%arg9 : memref<128x128xf32, #tpu.memory_space<vmem>>) target_semaphore(%run_scoped3A : memref<!tpu.dma_semaphore, #tpu.memory_space<semaphore_mem>>)
        %dma_wait3A = arith.constant 0 : i32
        %dma_wait3A_131 = tpu.memref_slice %arg11[%mul3A_127, %dma_wait3A] : memref<10000x128xf32, #tpu.memory_space<vmem_shared>> -> memref<128x128xf32, #tpu.memory_space<vmem_shared>>
        %dma_wait3A_132 = arith.constant 0 : i32
        %dma_wait3A_133 = tpu.memref_slice %arg11[%mul3A_127, %dma_wait3A_132] : memref<10000x128xf32, #tpu.memory_space<vmem_shared>> -> memref<128x128xf32, #tpu.memory_space<vmem_shared>>
        tpu.wait_dma2 semaphore(%run_scoped3A : memref<!tpu.dma_semaphore, #tpu.memory_space<semaphore_mem>>) src(%dma_wait3A_133 : memref<128x128xf32, #tpu.memory_space<vmem_shared>>) dst(%arg9 : memref<128x128xf32, #tpu.memory_space<vmem>>)
        tpu.yield
      }) : () -> ()
      "tpu.region"() ({
        %run_scoped3A = tpu.sem_alloc : memref<!tpu.dma_semaphore, #tpu.memory_space<semaphore_mem>>
        %dma_start3A = arith.constant 0 : i32
        %dma_start3A_128 = tpu.memref_slice %arg6[%arg0, %mul3A_127, %dma_start3A] : memref<2x10000x128xf32, #tpu.memory_space<hbm>> -> memref<1x128x128xf32, #tpu.memory_space<hbm>>
        %dma_start3A_129 = tpu.memref_squeeze %dma_start3A_128 : memref<1x128x128xf32, #tpu.memory_space<hbm>> -> memref<128x128xf32, #tpu.memory_space<hbm>>
        %dma_start3A_130 = arith.constant 0 : i32
        %dma_start3A_131 = tpu.memref_slice %arg6[%arg0, %mul3A_127, %dma_start3A_130] : memref<2x10000x128xf32, #tpu.memory_space<hbm>> -> memref<1x128x128xf32, #tpu.memory_space<hbm>>
        %dma_start3A_132 = tpu.memref_squeeze %dma_start3A_131 : memref<1x128x128xf32, #tpu.memory_space<hbm>> -> memref<128x128xf32, #tpu.memory_space<hbm>>
        tpu.enqueue_dma source(%arg9 : memref<128x128xf32, #tpu.memory_space<vmem>>) target(%dma_start3A_132 : memref<128x128xf32, #tpu.memory_space<hbm>>) target_semaphore(%run_scoped3A : memref<!tpu.dma_semaphore, #tpu.memory_space<semaphore_mem>>)
        %dma_wait3A = arith.constant 0 : i32
        %dma_wait3A_133 = tpu.memref_slice %arg6[%arg0, %mul3A_127, %dma_wait3A] : memref<2x10000x128xf32, #tpu.memory_space<hbm>> -> memref<1x128x128xf32, #tpu.memory_space<hbm>>
        %dma_wait3A_134 = tpu.memref_squeeze %dma_wait3A_133 : memref<1x128x128xf32, #tpu.memory_space<hbm>> -> memref<128x128xf32, #tpu.memory_space<hbm>>
        %dma_wait3A_135 = arith.constant 0 : i32
        %dma_wait3A_136 = tpu.memref_slice %arg6[%arg0, %mul3A_127, %dma_wait3A_135] : memref<2x10000x128xf32, #tpu.memory_space<hbm>> -> memref<1x128x128xf32, #tpu.memory_space<hbm>>
        %dma_wait3A_137 = tpu.memref_squeeze %dma_wait3A_136 : memref<1x128x128xf32, #tpu.memory_space<hbm>> -> memref<128x128xf32, #tpu.memory_space<hbm>>
        tpu.wait_dma2 semaphore(%run_scoped3A : memref<!tpu.dma_semaphore, #tpu.memory_space<semaphore_mem>>) src(%arg9 : memref<128x128xf32, #tpu.memory_space<vmem>>) dst(%dma_wait3A_137 : memref<128x128xf32, #tpu.memory_space<hbm>>)
        tpu.yield
      }) : () -> ()
    }
    %eq3A_118 = arith.constant 15 : i32
    %eq3A_119 = arith.cmpi eq, %arg1, %eq3A_118 : i32
    %convert_element_type3A_120 = arith.extui %eq3A_119 : i1 to i32
    %cond3A_121 = arith.constant 0 : i32
    %cond3A_122 = arith.cmpi ne, %convert_element_type3A_120, %cond3A_121 : i32
    scf.if %cond3A_122 {
      "tpu.region"() ({
        %run_scoped3A = tpu.sem_alloc : memref<!tpu.dma_semaphore, #tpu.memory_space<semaphore_mem>>
        %dma_start3A = arith.constant 0 : i32
        %dma_start3A_123 = arith.constant 0 : i32
        %dma_start3A_124 = tpu.memref_slice %arg9[%dma_start3A, %dma_start3A_123] : memref<128x128xf32, #tpu.memory_space<vmem>> -> memref<16x128xf32, #tpu.memory_space<vmem>>
        %dma_start3A_125 = arith.constant 9984 : i32
        %dma_start3A_126 = arith.constant 0 : i32
        %dma_start3A_127 = tpu.memref_slice %arg11[%dma_start3A_125, %dma_start3A_126] : memref<10000x128xf32, #tpu.memory_space<vmem_shared>> -> memref<16x128xf32, #tpu.memory_space<vmem_shared>>
        %dma_start3A_128 = arith.constant 0 : i32
        %dma_start3A_129 = arith.constant 0 : i32
        %dma_start3A_130 = tpu.memref_slice %arg9[%dma_start3A_128, %dma_start3A_129] : memref<128x128xf32, #tpu.memory_space<vmem>> -> memref<16x128xf32, #tpu.memory_space<vmem>>
        %dma_start3A_131 = arith.constant 9984 : i32
        %dma_start3A_132 = arith.constant 0 : i32
        %dma_start3A_133 = tpu.memref_slice %arg11[%dma_start3A_131, %dma_start3A_132] : memref<10000x128xf32, #tpu.memory_space<vmem_shared>> -> memref<16x128xf32, #tpu.memory_space<vmem_shared>>
        tpu.enqueue_dma source(%dma_start3A_133 : memref<16x128xf32, #tpu.memory_space<vmem_shared>>) target(%dma_start3A_130 : memref<16x128xf32, #tpu.memory_space<vmem>>) target_semaphore(%run_scoped3A : memref<!tpu.dma_semaphore, #tpu.memory_space<semaphore_mem>>)
        %dma_wait3A = arith.constant 0 : i32
        %dma_wait3A_134 = arith.constant 0 : i32
        %dma_wait3A_135 = tpu.memref_slice %arg9[%dma_wait3A, %dma_wait3A_134] : memref<128x128xf32, #tpu.memory_space<vmem>> -> memref<16x128xf32, #tpu.memory_space<vmem>>
        %dma_wait3A_136 = arith.constant 9984 : i32
        %dma_wait3A_137 = arith.constant 0 : i32
        %dma_wait3A_138 = tpu.memref_slice %arg11[%dma_wait3A_136, %dma_wait3A_137] : memref<10000x128xf32, #tpu.memory_space<vmem_shared>> -> memref<16x128xf32, #tpu.memory_space<vmem_shared>>
        %dma_wait3A_139 = arith.constant 0 : i32
        %dma_wait3A_140 = arith.constant 0 : i32
        %dma_wait3A_141 = tpu.memref_slice %arg9[%dma_wait3A_139, %dma_wait3A_140] : memref<128x128xf32, #tpu.memory_space<vmem>> -> memref<16x128xf32, #tpu.memory_space<vmem>>
        %dma_wait3A_142 = arith.constant 9984 : i32
        %dma_wait3A_143 = arith.constant 0 : i32
        %dma_wait3A_144 = tpu.memref_slice %arg11[%dma_wait3A_142, %dma_wait3A_143] : memref<10000x128xf32, #tpu.memory_space<vmem_shared>> -> memref<16x128xf32, #tpu.memory_space<vmem_shared>>
        tpu.wait_dma2 semaphore(%run_scoped3A : memref<!tpu.dma_semaphore, #tpu.memory_space<semaphore_mem>>) src(%dma_wait3A_144 : memref<16x128xf32, #tpu.memory_space<vmem_shared>>) dst(%dma_wait3A_141 : memref<16x128xf32, #tpu.memory_space<vmem>>)
        tpu.yield
      }) : () -> ()
      "tpu.region"() ({
        %run_scoped3A = tpu.sem_alloc : memref<!tpu.dma_semaphore, #tpu.memory_space<semaphore_mem>>
        %dma_start3A = arith.constant 0 : i32
        %dma_start3A_123 = arith.constant 0 : i32
        %dma_start3A_124 = tpu.memref_slice %arg9[%dma_start3A, %dma_start3A_123] : memref<128x128xf32, #tpu.memory_space<vmem>> -> memref<16x128xf32, #tpu.memory_space<vmem>>
        %dma_start3A_125 = arith.constant 9984 : i32
        %dma_start3A_126 = arith.constant 0 : i32
        %dma_start3A_127 = tpu.memref_slice %arg6[%arg0, %dma_start3A_125, %dma_start3A_126] : memref<2x10000x128xf32, #tpu.memory_space<hbm>> -> memref<1x16x128xf32, #tpu.memory_space<hbm>>
        %dma_start3A_128 = tpu.memref_squeeze %dma_start3A_127 : memref<1x16x128xf32, #tpu.memory_space<hbm>> -> memref<16x128xf32, #tpu.memory_space<hbm>>
        %dma_start3A_129 = arith.constant 9984 : i32
        %dma_start3A_130 = arith.constant 0 : i32
        %dma_start3A_131 = tpu.memref_slice %arg6[%arg0, %dma_start3A_129, %dma_start3A_130] : memref<2x10000x128xf32, #tpu.memory_space<hbm>> -> memref<1x16x128xf32, #tpu.memory_space<hbm>>
        %dma_start3A_132 = tpu.memref_squeeze %dma_start3A_131 : memref<1x16x128xf32, #tpu.memory_space<hbm>> -> memref<16x128xf32, #tpu.memory_space<hbm>>
        %dma_start3A_133 = arith.constant 0 : i32
        %dma_start3A_134 = arith.constant 0 : i32
        %dma_start3A_135 = tpu.memref_slice %arg9[%dma_start3A_133, %dma_start3A_134] : memref<128x128xf32, #tpu.memory_space<vmem>> -> memref<16x128xf32, #tpu.memory_space<vmem>>
        tpu.enqueue_dma source(%dma_start3A_135 : memref<16x128xf32, #tpu.memory_space<vmem>>) target(%dma_start3A_132 : memref<16x128xf32, #tpu.memory_space<hbm>>) target_semaphore(%run_scoped3A : memref<!tpu.dma_semaphore, #tpu.memory_space<semaphore_mem>>)
        %dma_wait3A = arith.constant 0 : i32
        %dma_wait3A_136 = arith.constant 0 : i32
        %dma_wait3A_137 = tpu.memref_slice %arg9[%dma_wait3A, %dma_wait3A_136] : memref<128x128xf32, #tpu.memory_space<vmem>> -> memref<16x128xf32, #tpu.memory_space<vmem>>
        %dma_wait3A_138 = arith.constant 9984 : i32
        %dma_wait3A_139 = arith.constant 0 : i32
        %dma_wait3A_140 = tpu.memref_slice %arg6[%arg0, %dma_wait3A_138, %dma_wait3A_139] : memref<2x10000x128xf32, #tpu.memory_space<hbm>> -> memref<1x16x128xf32, #tpu.memory_space<hbm>>
        %dma_wait3A_141 = tpu.memref_squeeze %dma_wait3A_140 : memref<1x16x128xf32, #tpu.memory_space<hbm>> -> memref<16x128xf32, #tpu.memory_space<hbm>>
        %dma_wait3A_142 = arith.constant 9984 : i32
        %dma_wait3A_143 = arith.constant 0 : i32
        %dma_wait3A_144 = tpu.memref_slice %arg6[%arg0, %dma_wait3A_142, %dma_wait3A_143] : memref<2x10000x128xf32, #tpu.memory_space<hbm>> -> memref<1x16x128xf32, #tpu.memory_space<hbm>>
        %dma_wait3A_145 = tpu.memref_squeeze %dma_wait3A_144 : memref<1x16x128xf32, #tpu.memory_space<hbm>> -> memref<16x128xf32, #tpu.memory_space<hbm>>
        %dma_wait3A_146 = arith.constant 0 : i32
        %dma_wait3A_147 = arith.constant 0 : i32
        %dma_wait3A_148 = tpu.memref_slice %arg9[%dma_wait3A_146, %dma_wait3A_147] : memref<128x128xf32, #tpu.memory_space<vmem>> -> memref<16x128xf32, #tpu.memory_space<vmem>>
        tpu.wait_dma2 semaphore(%run_scoped3A : memref<!tpu.dma_semaphore, #tpu.memory_space<semaphore_mem>>) src(%dma_wait3A_148 : memref<16x128xf32, #tpu.memory_space<vmem>>) dst(%dma_wait3A_145 : memref<16x128xf32, #tpu.memory_space<hbm>>)
        tpu.yield
      }) : () -> ()
    } else {
    }
    return
  }
}

#map = affine_map<(d0, d1) -> (0)>
#map1 = affine_map<(d0, d1) -> (0, 0)>
module attributes {stable_mosaic.version = 14 : i64} {
  func.func @_sc_dd_body(%arg0: i32, %arg1: i32, %arg2: memref<320000xi32, #tpu.memory_space<hbm>>, %arg3: memref<625x128xf32, #tpu.memory_space<hbm>>, %arg4: memref<320000x128xf32, #tpu.memory_space<hbm>>, %arg5: memref<128xi32, #tpu.memory_space<vmem>>, %arg6: memref<128xi32, #tpu.memory_space<vmem>>, %arg7: memref<128x128xf32, #tpu.memory_space<vmem>>, %arg8: memref<!tpu.dma_semaphore, #tpu.memory_space<semaphore_mem>>) attributes {dimension_semantics = [#tpu.dimension_semantics<core_parallel>, #tpu.dimension_semantics<subcore_parallel>], iteration_bounds = array<i64: 2, 16>, scalar_prefetch = 0 : i64, scratch_operands = 4 : i64, tpu.core_type = #tpu.core_type<sc_vector_subcore>, window_params = [{transform_indices = #map}, {transform_indices = #map1}, {transform_indices = #map1}]} {
    %mul3A = arith.constant 2 : i32
    %mul3A_0 = arith.muli %arg1, %mul3A : i32
    %add3A = arith.addi %mul3A_0, %arg0 : i32
    %sub3A = arith.constant 2500 : i32
    %sub3A_1 = arith.subi %sub3A, %add3A : i32
    %add3A_2 = arith.constant 32 : i32
    %add3A_3 = arith.addi %sub3A_1, %add3A_2 : i32
    %sub3A_4 = arith.constant 1 : i32
    %sub3A_5 = arith.subi %add3A_3, %sub3A_4 : i32
    %jit3A = arith.constant 32 : i32
    %div3A = arith.divsi %sub3A_5, %jit3A : i32
    %sign3A = arith.constant 0 : i32
    %sign3A_6 = arith.cmpi sgt, %sub3A_5, %sign3A : i32
    %sign3A_7 = arith.extui %sign3A_6 : i1 to i32
    %sign3A_8 = arith.constant 0 : i32
    %sign3A_9 = arith.cmpi slt, %sub3A_5, %sign3A_8 : i32
    %sign3A_10 = arith.extui %sign3A_9 : i1 to i32
    %sign3A_11 = arith.subi %sign3A_7, %sign3A_10 : i32
    %sign3A_12 = arith.constant 0 : i32
    %sign3A_13 = arith.cmpi sgt, %jit3A, %sign3A_12 : i32
    %sign3A_14 = arith.extui %sign3A_13 : i1 to i32
    %sign3A_15 = arith.constant 0 : i32
    %sign3A_16 = arith.cmpi slt, %jit3A, %sign3A_15 : i32
    %sign3A_17 = arith.extui %sign3A_16 : i1 to i32
    %sign3A_18 = arith.subi %sign3A_14, %sign3A_17 : i32
    %ne3A = arith.cmpi ne, %sign3A_11, %sign3A_18 : i32
    %rem3A = arith.remsi %sub3A_5, %jit3A : i32
    %ne3A_19 = arith.constant 0 : i32
    %ne3A_20 = arith.cmpi ne, %rem3A, %ne3A_19 : i32
    %and3A = arith.andi %ne3A, %ne3A_20 : i1
    %sub3A_21 = arith.constant 1 : i32
    %sub3A_22 = arith.subi %div3A, %sub3A_21 : i32
    %select_n3A = arith.select %and3A, %sub3A_22, %div3A : i32
    %while3A = arith.constant 0 : i32
    %while3A_23 = arith.constant 0 : i32
    %while3A_24 = arith.subi %select_n3A, %while3A_23 : i32
    %while3A_25 = arith.addi %while3A_23, %while3A_24 : i32
    %while3A_26 = arith.constant 1 : i32
    %while3A_27 = arith.divsi %while3A_24, %while3A_26 : i32
    %while3A_28 = arith.muli %while3A_27, %while3A_26 : i32
    %while3A_29 = arith.addi %while3A_23, %while3A_28 : i32
    %while3A_30 = arith.constant 1 : i32
    scf.for %while3A_32 = %while3A_23 to %while3A_29 step %while3A_30  : i32 {
      %mul3A_33 = arith.constant 32 : i32
      %mul3A_34 = arith.muli %mul3A_33, %while3A_32 : i32
      %add3A_35 = arith.addi %add3A, %mul3A_34 : i32
      %mul3A_36 = arith.constant 128 : i32
      %mul3A_37 = arith.muli %add3A_35, %mul3A_36 : i32
      "tpu.region"() ({
        %run_scoped3A = tpu.sem_alloc : memref<!tpu.dma_semaphore, #tpu.memory_space<semaphore_mem>>
        %dma_start3A_47 = tpu.memref_slice %arg2[%mul3A_37] : memref<320000xi32, #tpu.memory_space<hbm>> -> memref<128xi32, #tpu.memory_space<hbm>>
        %dma_start3A_48 = tpu.memref_slice %arg2[%mul3A_37] : memref<320000xi32, #tpu.memory_space<hbm>> -> memref<128xi32, #tpu.memory_space<hbm>>
        tpu.enqueue_dma source(%dma_start3A_48 : memref<128xi32, #tpu.memory_space<hbm>>) target(%arg5 : memref<128xi32, #tpu.memory_space<vmem>>) target_semaphore(%run_scoped3A : memref<!tpu.dma_semaphore, #tpu.memory_space<semaphore_mem>>)
        %dma_wait3A_49 = tpu.memref_slice %arg2[%mul3A_37] : memref<320000xi32, #tpu.memory_space<hbm>> -> memref<128xi32, #tpu.memory_space<hbm>>
        %dma_wait3A_50 = tpu.memref_slice %arg2[%mul3A_37] : memref<320000xi32, #tpu.memory_space<hbm>> -> memref<128xi32, #tpu.memory_space<hbm>>
        tpu.wait_dma2 semaphore(%run_scoped3A : memref<!tpu.dma_semaphore, #tpu.memory_space<semaphore_mem>>) src(%dma_wait3A_50 : memref<128xi32, #tpu.memory_space<hbm>>) dst(%arg5 : memref<128xi32, #tpu.memory_space<vmem>>)
        tpu.yield
      }) : () -> ()
      %scan3A = arith.constant 0 : i32
      %scan3A_38 = arith.constant 0 : i32
      %scan3A_39 = arith.constant 8 : i32
      %scan3A_40 = arith.addi %scan3A_38, %scan3A_39 : i32
      %scan3A_41 = arith.constant 1 : i32
      scf.for %scan3A_47 = %scan3A_38 to %scan3A_40 step %scan3A_41  : i32 {
        %mul3A_48 = arith.constant 16 : i32
        %mul3A_49 = arith.muli %scan3A_47, %mul3A_48 : i32
        %get3A = arith.index_cast %mul3A_49 : i32 to index
        %get3A_50 = tpu.vector_load %arg5[%get3A] {strides = array<i32>} : memref<128xi32, #tpu.memory_space<vmem>>, vector<16xi32>,
        %get3A_51 = vector.shape_cast %get3A_50 : vector<16xi32> to vector<16xi32>
        %shift_right_logical3A = arith.constant 4 : i32
        %shift_right_logical3A_52 = vector.broadcast %shift_right_logical3A : i32 to vector<16xi32>
        %shift_right_logical3A_53 = arith.shrui %get3A_51, %shift_right_logical3A_52 : vector<16xi32>
        %swap3A = arith.index_cast %mul3A_49 : i32 to index
        %swap3A_54 = tpu.vector_load %arg6[%swap3A] {strides = array<i32>} : memref<128xi32, #tpu.memory_space<vmem>>, vector<16xi32>,
        %swap3A_55 = vector.shape_cast %swap3A_54 : vector<16xi32> to vector<16xi32>
        %swap3A_56 = vector.shape_cast %shift_right_logical3A_53 : vector<16xi32> to vector<16xi32>
        tpu.vector_store %arg6[%swap3A], %swap3A_56 {strides = array<i32>} : memref<128xi32, #tpu.memory_space<vmem>>, vector<16xi32>,
      }
      %scan3A_42 = arith.constant 8 : i32
      %dma_start3A = arith.constant 0 : i32
      %dma_start3A_43 = arith.constant 0 : i32
      %dma_start3A_44 = tpu.memref_slice %arg3[%dma_start3A, %dma_start3A_43] : memref<625x128xf32, #tpu.memory_space<hbm>> -> memref<625x128xf32, #tpu.memory_space<hbm>>
      tpu.enqueue_indirect_dma source(%dma_start3A_44 : memref<625x128xf32, #tpu.memory_space<hbm>>) target(%arg7 : memref<128x128xf32, #tpu.memory_space<vmem>>) offsets(%arg6 : memref<128xi32, #tpu.memory_space<vmem>>) semaphore(%arg8 : memref<!tpu.dma_semaphore, #tpu.memory_space<semaphore_mem>>)
      %dma_wait3A = arith.constant 0 : i32
      %dma_wait3A_45 = arith.constant 0 : i32
      %dma_wait3A_46 = tpu.memref_slice %arg3[%dma_wait3A, %dma_wait3A_45] : memref<625x128xf32, #tpu.memory_space<hbm>> -> memref<625x128xf32, #tpu.memory_space<hbm>>
      tpu.wait_indirect_dma semaphore(%arg8 : memref<!tpu.dma_semaphore, #tpu.memory_space<semaphore_mem>>) src(%dma_wait3A_46 : memref<625x128xf32, #tpu.memory_space<hbm>>) dst(%arg7 : memref<128x128xf32, #tpu.memory_space<vmem>>)
      "tpu.region"() ({
        %run_scoped3A = tpu.sem_alloc : memref<!tpu.dma_semaphore, #tpu.memory_space<semaphore_mem>>
        %dma_start3A_47 = arith.constant 0 : i32
        %dma_start3A_48 = tpu.memref_slice %arg4[%mul3A_37, %dma_start3A_47] : memref<320000x128xf32, #tpu.memory_space<hbm>> -> memref<128x128xf32, #tpu.memory_space<hbm>>
        %dma_start3A_49 = arith.constant 0 : i32
        %dma_start3A_50 = tpu.memref_slice %arg4[%mul3A_37, %dma_start3A_49] : memref<320000x128xf32, #tpu.memory_space<hbm>> -> memref<128x128xf32, #tpu.memory_space<hbm>>
        tpu.enqueue_dma source(%arg7 : memref<128x128xf32, #tpu.memory_space<vmem>>) target(%dma_start3A_50 : memref<128x128xf32, #tpu.memory_space<hbm>>) target_semaphore(%run_scoped3A : memref<!tpu.dma_semaphore, #tpu.memory_space<semaphore_mem>>)
        %dma_wait3A_51 = arith.constant 0 : i32
        %dma_wait3A_52 = tpu.memref_slice %arg4[%mul3A_37, %dma_wait3A_51] : memref<320000x128xf32, #tpu.memory_space<hbm>> -> memref<128x128xf32, #tpu.memory_space<hbm>>
        %dma_wait3A_53 = arith.constant 0 : i32
        %dma_wait3A_54 = tpu.memref_slice %arg4[%mul3A_37, %dma_wait3A_53] : memref<320000x128xf32, #tpu.memory_space<hbm>> -> memref<128x128xf32, #tpu.memory_space<hbm>>
        tpu.wait_dma2 semaphore(%run_scoped3A : memref<!tpu.dma_semaphore, #tpu.memory_space<semaphore_mem>>) src(%arg7 : memref<128x128xf32, #tpu.memory_space<vmem>>) dst(%dma_wait3A_54 : memref<128x128xf32, #tpu.memory_space<hbm>>)
        tpu.yield
      }) : () -> ()
    }
    %while3A_31 = arith.constant 1 : i32
    scf.for %while3A_32 = %while3A_29 to %while3A_25 step %while3A_31  : i32 {
      %mul3A_33 = arith.constant 32 : i32
      %mul3A_34 = arith.muli %mul3A_33, %while3A_32 : i32
      %add3A_35 = arith.addi %add3A, %mul3A_34 : i32
      %mul3A_36 = arith.constant 128 : i32
      %mul3A_37 = arith.muli %add3A_35, %mul3A_36 : i32
      "tpu.region"() ({
        %run_scoped3A = tpu.sem_alloc : memref<!tpu.dma_semaphore, #tpu.memory_space<semaphore_mem>>
        %dma_start3A_47 = tpu.memref_slice %arg2[%mul3A_37] : memref<320000xi32, #tpu.memory_space<hbm>> -> memref<128xi32, #tpu.memory_space<hbm>>
        %dma_start3A_48 = tpu.memref_slice %arg2[%mul3A_37] : memref<320000xi32, #tpu.memory_space<hbm>> -> memref<128xi32, #tpu.memory_space<hbm>>
        tpu.enqueue_dma source(%dma_start3A_48 : memref<128xi32, #tpu.memory_space<hbm>>) target(%arg5 : memref<128xi32, #tpu.memory_space<vmem>>) target_semaphore(%run_scoped3A : memref<!tpu.dma_semaphore, #tpu.memory_space<semaphore_mem>>)
        %dma_wait3A_49 = tpu.memref_slice %arg2[%mul3A_37] : memref<320000xi32, #tpu.memory_space<hbm>> -> memref<128xi32, #tpu.memory_space<hbm>>
        %dma_wait3A_50 = tpu.memref_slice %arg2[%mul3A_37] : memref<320000xi32, #tpu.memory_space<hbm>> -> memref<128xi32, #tpu.memory_space<hbm>>
        tpu.wait_dma2 semaphore(%run_scoped3A : memref<!tpu.dma_semaphore, #tpu.memory_space<semaphore_mem>>) src(%dma_wait3A_50 : memref<128xi32, #tpu.memory_space<hbm>>) dst(%arg5 : memref<128xi32, #tpu.memory_space<vmem>>)
        tpu.yield
      }) : () -> ()
      %scan3A = arith.constant 0 : i32
      %scan3A_38 = arith.constant 0 : i32
      %scan3A_39 = arith.constant 8 : i32
      %scan3A_40 = arith.addi %scan3A_38, %scan3A_39 : i32
      %scan3A_41 = arith.constant 1 : i32
      scf.for %scan3A_47 = %scan3A_38 to %scan3A_40 step %scan3A_41  : i32 {
        %mul3A_48 = arith.constant 16 : i32
        %mul3A_49 = arith.muli %scan3A_47, %mul3A_48 : i32
        %get3A = arith.index_cast %mul3A_49 : i32 to index
        %get3A_50 = tpu.vector_load %arg5[%get3A] {strides = array<i32>} : memref<128xi32, #tpu.memory_space<vmem>>, vector<16xi32>,
        %get3A_51 = vector.shape_cast %get3A_50 : vector<16xi32> to vector<16xi32>
        %shift_right_logical3A = arith.constant 4 : i32
        %shift_right_logical3A_52 = vector.broadcast %shift_right_logical3A : i32 to vector<16xi32>
        %shift_right_logical3A_53 = arith.shrui %get3A_51, %shift_right_logical3A_52 : vector<16xi32>
        %swap3A = arith.index_cast %mul3A_49 : i32 to index
        %swap3A_54 = tpu.vector_load %arg6[%swap3A] {strides = array<i32>} : memref<128xi32, #tpu.memory_space<vmem>>, vector<16xi32>,
        %swap3A_55 = vector.shape_cast %swap3A_54 : vector<16xi32> to vector<16xi32>
        %swap3A_56 = vector.shape_cast %shift_right_logical3A_53 : vector<16xi32> to vector<16xi32>
        tpu.vector_store %arg6[%swap3A], %swap3A_56 {strides = array<i32>} : memref<128xi32, #tpu.memory_space<vmem>>, vector<16xi32>,
      }
      %scan3A_42 = arith.constant 8 : i32
      %dma_start3A = arith.constant 0 : i32
      %dma_start3A_43 = arith.constant 0 : i32
      %dma_start3A_44 = tpu.memref_slice %arg3[%dma_start3A, %dma_start3A_43] : memref<625x128xf32, #tpu.memory_space<hbm>> -> memref<625x128xf32, #tpu.memory_space<hbm>>
      tpu.enqueue_indirect_dma source(%dma_start3A_44 : memref<625x128xf32, #tpu.memory_space<hbm>>) target(%arg7 : memref<128x128xf32, #tpu.memory_space<vmem>>) offsets(%arg6 : memref<128xi32, #tpu.memory_space<vmem>>) semaphore(%arg8 : memref<!tpu.dma_semaphore, #tpu.memory_space<semaphore_mem>>)
      %dma_wait3A = arith.constant 0 : i32
      %dma_wait3A_45 = arith.constant 0 : i32
      %dma_wait3A_46 = tpu.memref_slice %arg3[%dma_wait3A, %dma_wait3A_45] : memref<625x128xf32, #tpu.memory_space<hbm>> -> memref<625x128xf32, #tpu.memory_space<hbm>>
      tpu.wait_indirect_dma semaphore(%arg8 : memref<!tpu.dma_semaphore, #tpu.memory_space<semaphore_mem>>) src(%dma_wait3A_46 : memref<625x128xf32, #tpu.memory_space<hbm>>) dst(%arg7 : memref<128x128xf32, #tpu.memory_space<vmem>>)
      "tpu.region"() ({
        %run_scoped3A = tpu.sem_alloc : memref<!tpu.dma_semaphore, #tpu.memory_space<semaphore_mem>>
        %dma_start3A_47 = arith.constant 0 : i32
        %dma_start3A_48 = tpu.memref_slice %arg4[%mul3A_37, %dma_start3A_47] : memref<320000x128xf32, #tpu.memory_space<hbm>> -> memref<128x128xf32, #tpu.memory_space<hbm>>
        %dma_start3A_49 = arith.constant 0 : i32
        %dma_start3A_50 = tpu.memref_slice %arg4[%mul3A_37, %dma_start3A_49] : memref<320000x128xf32, #tpu.memory_space<hbm>> -> memref<128x128xf32, #tpu.memory_space<hbm>>
        tpu.enqueue_dma source(%arg7 : memref<128x128xf32, #tpu.memory_space<vmem>>) target(%dma_start3A_50 : memref<128x128xf32, #tpu.memory_space<hbm>>) target_semaphore(%run_scoped3A : memref<!tpu.dma_semaphore, #tpu.memory_space<semaphore_mem>>)
        %dma_wait3A_51 = arith.constant 0 : i32
        %dma_wait3A_52 = tpu.memref_slice %arg4[%mul3A_37, %dma_wait3A_51] : memref<320000x128xf32, #tpu.memory_space<hbm>> -> memref<128x128xf32, #tpu.memory_space<hbm>>
        %dma_wait3A_53 = arith.constant 0 : i32
        %dma_wait3A_54 = tpu.memref_slice %arg4[%mul3A_37, %dma_wait3A_53] : memref<320000x128xf32, #tpu.memory_space<hbm>> -> memref<128x128xf32, #tpu.memory_space<hbm>>
        tpu.wait_dma2 semaphore(%run_scoped3A : memref<!tpu.dma_semaphore, #tpu.memory_space<semaphore_mem>>) src(%arg7 : memref<128x128xf32, #tpu.memory_space<vmem>>) dst(%dma_wait3A_54 : memref<128x128xf32, #tpu.memory_space<hbm>>)
        tpu.yield
      }) : () -> ()
    }
    return
  }
}

#map = affine_map<(d0, d1) -> (0)>
#map1 = affine_map<(d0, d1) -> (0, 0)>
module attributes {stable_mosaic.version = 14 : i64} {
  func.func @_sc_seg8_body(%arg0: i32, %arg1: i32, %arg2: memref<320000xi32, #tpu.memory_space<hbm>>, %arg3: memref<8x320000xf32, #tpu.memory_space<hbm>>, %arg4: memref<32x80000xf32, #tpu.memory_space<hbm>>, %arg5: memref<128xi32, #tpu.memory_space<vmem>>, %arg6: memref<8x128xf32, #tpu.memory_space<vmem>>, %arg7: memref<80000xf32, #tpu.memory_space<vmem>>, %arg8: memref<!tpu.dma_semaphore, #tpu.memory_space<semaphore_mem>>) attributes {dimension_semantics = [#tpu.dimension_semantics<core_parallel>, #tpu.dimension_semantics<subcore_parallel>], iteration_bounds = array<i64: 2, 16>, scalar_prefetch = 0 : i64, scratch_operands = 4 : i64, tpu.core_type = #tpu.core_type<sc_vector_subcore>, window_params = [{transform_indices = #map}, {transform_indices = #map1}, {transform_indices = #map1}]} {
    %mul3A = arith.constant 2 : i32
    %mul3A_0 = arith.muli %arg1, %mul3A : i32
    %add3A = arith.addi %mul3A_0, %arg0 : i32
    %scan3A = arith.constant 0 : i32
    %scan3A_1 = arith.constant 0 : i32
    %scan3A_2 = arith.constant 5000 : i32
    %scan3A_3 = arith.addi %scan3A_1, %scan3A_2 : i32
    %scan3A_4 = arith.constant 1 : i32
    scf.for %scan3A_37 = %scan3A_1 to %scan3A_3 step %scan3A_4  : i32 {
      %broadcast_in_dim3A = arith.constant 0.000000e+00 : f32
      %broadcast_in_dim3A_38 = vector.broadcast %broadcast_in_dim3A : f32 to vector<16xf32>
      %mul3A_39 = arith.constant 16 : i32
      %mul3A_40 = arith.muli %scan3A_37, %mul3A_39 : i32
      %swap3A = arith.index_cast %mul3A_40 : i32 to index
      %swap3A_41 = tpu.vector_load %arg7[%swap3A] {strides = array<i32>} : memref<80000xf32, #tpu.memory_space<vmem>>, vector<16xf32>,
      tpu.vector_store %arg7[%swap3A], %broadcast_in_dim3A_38 {strides = array<i32>} : memref<80000xf32, #tpu.memory_space<vmem>>, vector<16xf32>,
    }
    %scan3A_5 = arith.constant 5000 : i32
    %sub3A = arith.constant 2500 : i32
    %sub3A_6 = arith.subi %sub3A, %add3A : i32
    %add3A_7 = arith.constant 32 : i32
    %add3A_8 = arith.addi %sub3A_6, %add3A_7 : i32
    %sub3A_9 = arith.constant 1 : i32
    %sub3A_10 = arith.subi %add3A_8, %sub3A_9 : i32
    %jit3A = arith.constant 32 : i32
    %div3A = arith.divsi %sub3A_10, %jit3A : i32
    %sign3A = arith.constant 0 : i32
    %sign3A_11 = arith.cmpi sgt, %sub3A_10, %sign3A : i32
    %sign3A_12 = arith.extui %sign3A_11 : i1 to i32
    %sign3A_13 = arith.constant 0 : i32
    %sign3A_14 = arith.cmpi slt, %sub3A_10, %sign3A_13 : i32
    %sign3A_15 = arith.extui %sign3A_14 : i1 to i32
    %sign3A_16 = arith.subi %sign3A_12, %sign3A_15 : i32
    %sign3A_17 = arith.constant 0 : i32
    %sign3A_18 = arith.cmpi sgt, %jit3A, %sign3A_17 : i32
    %sign3A_19 = arith.extui %sign3A_18 : i1 to i32
    %sign3A_20 = arith.constant 0 : i32
    %sign3A_21 = arith.cmpi slt, %jit3A, %sign3A_20 : i32
    %sign3A_22 = arith.extui %sign3A_21 : i1 to i32
    %sign3A_23 = arith.subi %sign3A_19, %sign3A_22 : i32
    %ne3A = arith.cmpi ne, %sign3A_16, %sign3A_23 : i32
    %rem3A = arith.remsi %sub3A_10, %jit3A : i32
    %ne3A_24 = arith.constant 0 : i32
    %ne3A_25 = arith.cmpi ne, %rem3A, %ne3A_24 : i32
    %and3A = arith.andi %ne3A, %ne3A_25 : i1
    %sub3A_26 = arith.constant 1 : i32
    %sub3A_27 = arith.subi %div3A, %sub3A_26 : i32
    %select_n3A = arith.select %and3A, %sub3A_27, %div3A : i32
    %while3A = arith.constant 0 : i32
    %while3A_28 = arith.constant 0 : i32
    %while3A_29 = arith.subi %select_n3A, %while3A_28 : i32
    %while3A_30 = arith.addi %while3A_28, %while3A_29 : i32
    %while3A_31 = arith.constant 1 : i32
    %while3A_32 = arith.divsi %while3A_29, %while3A_31 : i32
    %while3A_33 = arith.muli %while3A_32, %while3A_31 : i32
    %while3A_34 = arith.addi %while3A_28, %while3A_33 : i32
    %while3A_35 = arith.constant 1 : i32
    scf.for %while3A_37 = %while3A_28 to %while3A_34 step %while3A_35  : i32 {
      %mul3A_38 = arith.constant 32 : i32
      %mul3A_39 = arith.muli %mul3A_38, %while3A_37 : i32
      %add3A_40 = arith.addi %add3A, %mul3A_39 : i32
      %mul3A_41 = arith.constant 128 : i32
      %mul3A_42 = arith.muli %add3A_40, %mul3A_41 : i32
      "tpu.region"() ({
        %run_scoped3A = tpu.sem_alloc : memref<!tpu.dma_semaphore, #tpu.memory_space<semaphore_mem>>
        %dma_start3A = tpu.memref_slice %arg2[%mul3A_42] : memref<320000xi32, #tpu.memory_space<hbm>> -> memref<128xi32, #tpu.memory_space<hbm>>
        %dma_start3A_529 = tpu.memref_slice %arg2[%mul3A_42] : memref<320000xi32, #tpu.memory_space<hbm>> -> memref<128xi32, #tpu.memory_space<hbm>>
        tpu.enqueue_dma source(%dma_start3A_529 : memref<128xi32, #tpu.memory_space<hbm>>) target(%arg5 : memref<128xi32, #tpu.memory_space<vmem>>) target_semaphore(%run_scoped3A : memref<!tpu.dma_semaphore, #tpu.memory_space<semaphore_mem>>)
        %dma_wait3A = tpu.memref_slice %arg2[%mul3A_42] : memref<320000xi32, #tpu.memory_space<hbm>> -> memref<128xi32, #tpu.memory_space<hbm>>
        %dma_wait3A_530 = tpu.memref_slice %arg2[%mul3A_42] : memref<320000xi32, #tpu.memory_space<hbm>> -> memref<128xi32, #tpu.memory_space<hbm>>
        tpu.wait_dma2 semaphore(%run_scoped3A : memref<!tpu.dma_semaphore, #tpu.memory_space<semaphore_mem>>) src(%dma_wait3A_530 : memref<128xi32, #tpu.memory_space<hbm>>) dst(%arg5 : memref<128xi32, #tpu.memory_space<vmem>>)
        tpu.yield
      }) : () -> ()
      "tpu.region"() ({
        %run_scoped3A = tpu.sem_alloc : memref<!tpu.dma_semaphore, #tpu.memory_space<semaphore_mem>>
        %dma_start3A = arith.constant 0 : i32
        %dma_start3A_529 = tpu.memref_slice %arg3[%dma_start3A, %mul3A_42] : memref<8x320000xf32, #tpu.memory_space<hbm>> -> memref<8x128xf32, #tpu.memory_space<hbm>>
        %dma_start3A_530 = arith.constant 0 : i32
        %dma_start3A_531 = tpu.memref_slice %arg3[%dma_start3A_530, %mul3A_42] : memref<8x320000xf32, #tpu.memory_space<hbm>> -> memref<8x128xf32, #tpu.memory_space<hbm>>
        tpu.enqueue_dma source(%dma_start3A_531 : memref<8x128xf32, #tpu.memory_space<hbm>>) target(%arg6 : memref<8x128xf32, #tpu.memory_space<vmem>>) target_semaphore(%run_scoped3A : memref<!tpu.dma_semaphore, #tpu.memory_space<semaphore_mem>>)
        %dma_wait3A = arith.constant 0 : i32
        %dma_wait3A_532 = tpu.memref_slice %arg3[%dma_wait3A, %mul3A_42] : memref<8x320000xf32, #tpu.memory_space<hbm>> -> memref<8x128xf32, #tpu.memory_space<hbm>>
        %dma_wait3A_533 = arith.constant 0 : i32
        %dma_wait3A_534 = tpu.memref_slice %arg3[%dma_wait3A_533, %mul3A_42] : memref<8x320000xf32, #tpu.memory_space<hbm>> -> memref<8x128xf32, #tpu.memory_space<hbm>>
        tpu.wait_dma2 semaphore(%run_scoped3A : memref<!tpu.dma_semaphore, #tpu.memory_space<semaphore_mem>>) src(%dma_wait3A_534 : memref<8x128xf32, #tpu.memory_space<hbm>>) dst(%arg6 : memref<8x128xf32, #tpu.memory_space<vmem>>)
        tpu.yield
      }) : () -> ()
      %get3A = arith.constant 0 : index
      %get3A_43 = tpu.vector_load %arg5[%get3A] {strides = array<i32>} : memref<128xi32, #tpu.memory_space<vmem>>, vector<16xi32>,
      %shift_left3A = arith.constant 3 : i32
      %shift_left3A_44 = vector.broadcast %shift_left3A : i32 to vector<16xi32>
      %shift_left3A_45 = arith.shli %get3A_43, %shift_left3A_44 : vector<16xi32>
      %add3A_46 = arith.constant 0 : i32
      %add3A_47 = vector.broadcast %add3A_46 : i32 to vector<16xi32>
      %add3A_48 = arith.addi %shift_left3A_45, %add3A_47 : vector<16xi32>
      %get3A_49 = arith.constant 0 : i32
      %get3A_50 = arith.index_cast %get3A_49 : i32 to index
      %get3A_51 = arith.constant 0 : index
      %get3A_52 = tpu.vector_load %arg6[%get3A_50, %get3A_51] {strides = array<i32>} : memref<8x128xf32, #tpu.memory_space<vmem>>, vector<16xf32>,
      tpu.vector_store_idx %arg7[%add3A_48], %get3A_52 {add = true} : memref<80000xf32, #tpu.memory_space<vmem>>[vector<16xi32>], vector<16xf32>,
      %add3A_53 = arith.constant 1 : i32
      %add3A_54 = vector.broadcast %add3A_53 : i32 to vector<16xi32>
      %add3A_55 = arith.addi %shift_left3A_45, %add3A_54 : vector<16xi32>
      %get3A_56 = arith.constant 1 : i32
      %get3A_57 = arith.index_cast %get3A_56 : i32 to index
      %get3A_58 = arith.constant 0 : index
      %get3A_59 = tpu.vector_load %arg6[%get3A_57, %get3A_58] {strides = array<i32>} : memref<8x128xf32, #tpu.memory_space<vmem>>, vector<16xf32>,
      tpu.vector_store_idx %arg7[%add3A_55], %get3A_59 {add = true} : memref<80000xf32, #tpu.memory_space<vmem>>[vector<16xi32>], vector<16xf32>,
      %add3A_60 = arith.constant 2 : i32
      %add3A_61 = vector.broadcast %add3A_60 : i32 to vector<16xi32>
      %add3A_62 = arith.addi %shift_left3A_45, %add3A_61 : vector<16xi32>
      %get3A_63 = arith.constant 2 : i32
      %get3A_64 = arith.index_cast %get3A_63 : i32 to index
      %get3A_65 = arith.constant 0 : index
      %get3A_66 = tpu.vector_load %arg6[%get3A_64, %get3A_65] {strides = array<i32>} : memref<8x128xf32, #tpu.memory_space<vmem>>, vector<16xf32>,
      tpu.vector_store_idx %arg7[%add3A_62], %get3A_66 {add = true} : memref<80000xf32, #tpu.memory_space<vmem>>[vector<16xi32>], vector<16xf32>,
      %add3A_67 = arith.constant 3 : i32
      %add3A_68 = vector.broadcast %add3A_67 : i32 to vector<16xi32>
      %add3A_69 = arith.addi %shift_left3A_45, %add3A_68 : vector<16xi32>
      %get3A_70 = arith.constant 3 : i32
      %get3A_71 = arith.index_cast %get3A_70 : i32 to index
      %get3A_72 = arith.constant 0 : index
      %get3A_73 = tpu.vector_load %arg6[%get3A_71, %get3A_72] {strides = array<i32>} : memref<8x128xf32, #tpu.memory_space<vmem>>, vector<16xf32>,
      tpu.vector_store_idx %arg7[%add3A_69], %get3A_73 {add = true} : memref<80000xf32, #tpu.memory_space<vmem>>[vector<16xi32>], vector<16xf32>,
      %add3A_74 = arith.constant 4 : i32
      %add3A_75 = vector.broadcast %add3A_74 : i32 to vector<16xi32>
      %add3A_76 = arith.addi %shift_left3A_45, %add3A_75 : vector<16xi32>
      %get3A_77 = arith.constant 4 : i32
      %get3A_78 = arith.index_cast %get3A_77 : i32 to index
      %get3A_79 = arith.constant 0 : index
      %get3A_80 = tpu.vector_load %arg6[%get3A_78, %get3A_79] {strides = array<i32>} : memref<8x128xf32, #tpu.memory_space<vmem>>, vector<16xf32>,
      tpu.vector_store_idx %arg7[%add3A_76], %get3A_80 {add = true} : memref<80000xf32, #tpu.memory_space<vmem>>[vector<16xi32>], vector<16xf32>,
      %add3A_81 = arith.constant 5 : i32
      %add3A_82 = vector.broadcast %add3A_81 : i32 to vector<16xi32>
      %add3A_83 = arith.addi %shift_left3A_45, %add3A_82 : vector<16xi32>
      %get3A_84 = arith.constant 5 : i32
      %get3A_85 = arith.index_cast %get3A_84 : i32 to index
      %get3A_86 = arith.constant 0 : index
      %get3A_87 = tpu.vector_load %arg6[%get3A_85, %get3A_86] {strides = array<i32>} : memref<8x128xf32, #tpu.memory_space<vmem>>, vector<16xf32>,
      tpu.vector_store_idx %arg7[%add3A_83], %get3A_87 {add = true} : memref<80000xf32, #tpu.memory_space<vmem>>[vector<16xi32>], vector<16xf32>,
      %add3A_88 = arith.constant 6 : i32
      %add3A_89 = vector.broadcast %add3A_88 : i32 to vector<16xi32>
      %add3A_90 = arith.addi %shift_left3A_45, %add3A_89 : vector<16xi32>
      %get3A_91 = arith.constant 6 : i32
      %get3A_92 = arith.index_cast %get3A_91 : i32 to index
      %get3A_93 = arith.constant 0 : index
      %get3A_94 = tpu.vector_load %arg6[%get3A_92, %get3A_93] {strides = array<i32>} : memref<8x128xf32, #tpu.memory_space<vmem>>, vector<16xf32>,
      tpu.vector_store_idx %arg7[%add3A_90], %get3A_94 {add = true} : memref<80000xf32, #tpu.memory_space<vmem>>[vector<16xi32>], vector<16xf32>,
      %add3A_95 = arith.constant 7 : i32
      %add3A_96 = vector.broadcast %add3A_95 : i32 to vector<16xi32>
      %add3A_97 = arith.addi %shift_left3A_45, %add3A_96 : vector<16xi32>
      %get3A_98 = arith.constant 7 : i32
      %get3A_99 = arith.index_cast %get3A_98 : i32 to index
      %get3A_100 = arith.constant 0 : index
      %get3A_101 = tpu.vector_load %arg6[%get3A_99, %get3A_100] {strides = array<i32>} : memref<8x128xf32, #tpu.memory_space<vmem>>, vector<16xf32>,
      tpu.vector_store_idx %arg7[%add3A_97], %get3A_101 {add = true} : memref<80000xf32, #tpu.memory_space<vmem>>[vector<16xi32>], vector<16xf32>,
      %get3A_102 = arith.constant 16 : index
      %get3A_103 = tpu.vector_load %arg5[%get3A_102] {strides = array<i32>} : memref<128xi32, #tpu.memory_space<vmem>>, vector<16xi32>,
      %shift_left3A_104 = arith.constant 3 : i32
      %shift_left3A_105 = vector.broadcast %shift_left3A_104 : i32 to vector<16xi32>
      %shift_left3A_106 = arith.shli %get3A_103, %shift_left3A_105 : vector<16xi32>
      %add3A_107 = arith.constant 0 : i32
      %add3A_108 = vector.broadcast %add3A_107 : i32 to vector<16xi32>
      %add3A_109 = arith.addi %shift_left3A_106, %add3A_108 : vector<16xi32>
      %get3A_110 = arith.constant 0 : i32
      %get3A_111 = arith.index_cast %get3A_110 : i32 to index
      %get3A_112 = arith.constant 16 : index
      %get3A_113 = tpu.vector_load %arg6[%get3A_111, %get3A_112] {strides = array<i32>} : memref<8x128xf32, #tpu.memory_space<vmem>>, vector<16xf32>,
      tpu.vector_store_idx %arg7[%add3A_109], %get3A_113 {add = true} : memref<80000xf32, #tpu.memory_space<vmem>>[vector<16xi32>], vector<16xf32>,
      %add3A_114 = arith.constant 1 : i32
      %add3A_115 = vector.broadcast %add3A_114 : i32 to vector<16xi32>
      %add3A_116 = arith.addi %shift_left3A_106, %add3A_115 : vector<16xi32>
      %get3A_117 = arith.constant 1 : i32
      %get3A_118 = arith.index_cast %get3A_117 : i32 to index
      %get3A_119 = arith.constant 16 : index
      %get3A_120 = tpu.vector_load %arg6[%get3A_118, %get3A_119] {strides = array<i32>} : memref<8x128xf32, #tpu.memory_space<vmem>>, vector<16xf32>,
      tpu.vector_store_idx %arg7[%add3A_116], %get3A_120 {add = true} : memref<80000xf32, #tpu.memory_space<vmem>>[vector<16xi32>], vector<16xf32>,
      %add3A_121 = arith.constant 2 : i32
      %add3A_122 = vector.broadcast %add3A_121 : i32 to vector<16xi32>
      %add3A_123 = arith.addi %shift_left3A_106, %add3A_122 : vector<16xi32>
      %get3A_124 = arith.constant 2 : i32
      %get3A_125 = arith.index_cast %get3A_124 : i32 to index
      %get3A_126 = arith.constant 16 : index
      %get3A_127 = tpu.vector_load %arg6[%get3A_125, %get3A_126] {strides = array<i32>} : memref<8x128xf32, #tpu.memory_space<vmem>>, vector<16xf32>,
      tpu.vector_store_idx %arg7[%add3A_123], %get3A_127 {add = true} : memref<80000xf32, #tpu.memory_space<vmem>>[vector<16xi32>], vector<16xf32>,
      %add3A_128 = arith.constant 3 : i32
      %add3A_129 = vector.broadcast %add3A_128 : i32 to vector<16xi32>
      %add3A_130 = arith.addi %shift_left3A_106, %add3A_129 : vector<16xi32>
      %get3A_131 = arith.constant 3 : i32
      %get3A_132 = arith.index_cast %get3A_131 : i32 to index
      %get3A_133 = arith.constant 16 : index
      %get3A_134 = tpu.vector_load %arg6[%get3A_132, %get3A_133] {strides = array<i32>} : memref<8x128xf32, #tpu.memory_space<vmem>>, vector<16xf32>,
      tpu.vector_store_idx %arg7[%add3A_130], %get3A_134 {add = true} : memref<80000xf32, #tpu.memory_space<vmem>>[vector<16xi32>], vector<16xf32>,
      %add3A_135 = arith.constant 4 : i32
      %add3A_136 = vector.broadcast %add3A_135 : i32 to vector<16xi32>
      %add3A_137 = arith.addi %shift_left3A_106, %add3A_136 : vector<16xi32>
      %get3A_138 = arith.constant 4 : i32
      %get3A_139 = arith.index_cast %get3A_138 : i32 to index
      %get3A_140 = arith.constant 16 : index
      %get3A_141 = tpu.vector_load %arg6[%get3A_139, %get3A_140] {strides = array<i32>} : memref<8x128xf32, #tpu.memory_space<vmem>>, vector<16xf32>,
      tpu.vector_store_idx %arg7[%add3A_137], %get3A_141 {add = true} : memref<80000xf32, #tpu.memory_space<vmem>>[vector<16xi32>], vector<16xf32>,
      %add3A_142 = arith.constant 5 : i32
      %add3A_143 = vector.broadcast %add3A_142 : i32 to vector<16xi32>
      %add3A_144 = arith.addi %shift_left3A_106, %add3A_143 : vector<16xi32>
      %get3A_145 = arith.constant 5 : i32
      %get3A_146 = arith.index_cast %get3A_145 : i32 to index
      %get3A_147 = arith.constant 16 : index
      %get3A_148 = tpu.vector_load %arg6[%get3A_146, %get3A_147] {strides = array<i32>} : memref<8x128xf32, #tpu.memory_space<vmem>>, vector<16xf32>,
      tpu.vector_store_idx %arg7[%add3A_144], %get3A_148 {add = true} : memref<80000xf32, #tpu.memory_space<vmem>>[vector<16xi32>], vector<16xf32>,
      %add3A_149 = arith.constant 6 : i32
      %add3A_150 = vector.broadcast %add3A_149 : i32 to vector<16xi32>
      %add3A_151 = arith.addi %shift_left3A_106, %add3A_150 : vector<16xi32>
      %get3A_152 = arith.constant 6 : i32
      %get3A_153 = arith.index_cast %get3A_152 : i32 to index
      %get3A_154 = arith.constant 16 : index
      %get3A_155 = tpu.vector_load %arg6[%get3A_153, %get3A_154] {strides = array<i32>} : memref<8x128xf32, #tpu.memory_space<vmem>>, vector<16xf32>,
      tpu.vector_store_idx %arg7[%add3A_151], %get3A_155 {add = true} : memref<80000xf32, #tpu.memory_space<vmem>>[vector<16xi32>], vector<16xf32>,
      %add3A_156 = arith.constant 7 : i32
      %add3A_157 = vector.broadcast %add3A_156 : i32 to vector<16xi32>
      %add3A_158 = arith.addi %shift_left3A_106, %add3A_157 : vector<16xi32>
      %get3A_159 = arith.constant 7 : i32
      %get3A_160 = arith.index_cast %get3A_159 : i32 to index
      %get3A_161 = arith.constant 16 : index
      %get3A_162 = tpu.vector_load %arg6[%get3A_160, %get3A_161] {strides = array<i32>} : memref<8x128xf32, #tpu.memory_space<vmem>>, vector<16xf32>,
      tpu.vector_store_idx %arg7[%add3A_158], %get3A_162 {add = true} : memref<80000xf32, #tpu.memory_space<vmem>>[vector<16xi32>], vector<16xf32>,
      %get3A_163 = arith.constant 32 : index
      %get3A_164 = tpu.vector_load %arg5[%get3A_163] {strides = array<i32>} : memref<128xi32, #tpu.memory_space<vmem>>, vector<16xi32>,
      %shift_left3A_165 = arith.constant 3 : i32
      %shift_left3A_166 = vector.broadcast %shift_left3A_165 : i32 to vector<16xi32>
      %shift_left3A_167 = arith.shli %get3A_164, %shift_left3A_166 : vector<16xi32>
      %add3A_168 = arith.constant 0 : i32
      %add3A_169 = vector.broadcast %add3A_168 : i32 to vector<16xi32>
      %add3A_170 = arith.addi %shift_left3A_167, %add3A_169 : vector<16xi32>
      %get3A_171 = arith.constant 0 : i32
      %get3A_172 = arith.index_cast %get3A_171 : i32 to index
      %get3A_173 = arith.constant 32 : index
      %get3A_174 = tpu.vector_load %arg6[%get3A_172, %get3A_173] {strides = array<i32>} : memref<8x128xf32, #tpu.memory_space<vmem>>, vector<16xf32>,
      tpu.vector_store_idx %arg7[%add3A_170], %get3A_174 {add = true} : memref<80000xf32, #tpu.memory_space<vmem>>[vector<16xi32>], vector<16xf32>,
      %add3A_175 = arith.constant 1 : i32
      %add3A_176 = vector.broadcast %add3A_175 : i32 to vector<16xi32>
      %add3A_177 = arith.addi %shift_left3A_167, %add3A_176 : vector<16xi32>
      %get3A_178 = arith.constant 1 : i32
      %get3A_179 = arith.index_cast %get3A_178 : i32 to index
      %get3A_180 = arith.constant 32 : index
      %get3A_181 = tpu.vector_load %arg6[%get3A_179, %get3A_180] {strides = array<i32>} : memref<8x128xf32, #tpu.memory_space<vmem>>, vector<16xf32>,
      tpu.vector_store_idx %arg7[%add3A_177], %get3A_181 {add = true} : memref<80000xf32, #tpu.memory_space<vmem>>[vector<16xi32>], vector<16xf32>,
      %add3A_182 = arith.constant 2 : i32
      %add3A_183 = vector.broadcast %add3A_182 : i32 to vector<16xi32>
      %add3A_184 = arith.addi %shift_left3A_167, %add3A_183 : vector<16xi32>
      %get3A_185 = arith.constant 2 : i32
      %get3A_186 = arith.index_cast %get3A_185 : i32 to index
      %get3A_187 = arith.constant 32 : index
      %get3A_188 = tpu.vector_load %arg6[%get3A_186, %get3A_187] {strides = array<i32>} : memref<8x128xf32, #tpu.memory_space<vmem>>, vector<16xf32>,
      tpu.vector_store_idx %arg7[%add3A_184], %get3A_188 {add = true} : memref<80000xf32, #tpu.memory_space<vmem>>[vector<16xi32>], vector<16xf32>,
      %add3A_189 = arith.constant 3 : i32
      %add3A_190 = vector.broadcast %add3A_189 : i32 to vector<16xi32>
      %add3A_191 = arith.addi %shift_left3A_167, %add3A_190 : vector<16xi32>
      %get3A_192 = arith.constant 3 : i32
      %get3A_193 = arith.index_cast %get3A_192 : i32 to index
      %get3A_194 = arith.constant 32 : index
      %get3A_195 = tpu.vector_load %arg6[%get3A_193, %get3A_194] {strides = array<i32>} : memref<8x128xf32, #tpu.memory_space<vmem>>, vector<16xf32>,
      tpu.vector_store_idx %arg7[%add3A_191], %get3A_195 {add = true} : memref<80000xf32, #tpu.memory_space<vmem>>[vector<16xi32>], vector<16xf32>,
      %add3A_196 = arith.constant 4 : i32
      %add3A_197 = vector.broadcast %add3A_196 : i32 to vector<16xi32>
      %add3A_198 = arith.addi %shift_left3A_167, %add3A_197 : vector<16xi32>
      %get3A_199 = arith.constant 4 : i32
      %get3A_200 = arith.index_cast %get3A_199 : i32 to index
      %get3A_201 = arith.constant 32 : index
      %get3A_202 = tpu.vector_load %arg6[%get3A_200, %get3A_201] {strides = array<i32>} : memref<8x128xf32, #tpu.memory_space<vmem>>, vector<16xf32>,
      tpu.vector_store_idx %arg7[%add3A_198], %get3A_202 {add = true} : memref<80000xf32, #tpu.memory_space<vmem>>[vector<16xi32>], vector<16xf32>,
      %add3A_203 = arith.constant 5 : i32
      %add3A_204 = vector.broadcast %add3A_203 : i32 to vector<16xi32>
      %add3A_205 = arith.addi %shift_left3A_167, %add3A_204 : vector<16xi32>
      %get3A_206 = arith.constant 5 : i32
      %get3A_207 = arith.index_cast %get3A_206 : i32 to index
      %get3A_208 = arith.constant 32 : index
      %get3A_209 = tpu.vector_load %arg6[%get3A_207, %get3A_208] {strides = array<i32>} : memref<8x128xf32, #tpu.memory_space<vmem>>, vector<16xf32>,
      tpu.vector_store_idx %arg7[%add3A_205], %get3A_209 {add = true} : memref<80000xf32, #tpu.memory_space<vmem>>[vector<16xi32>], vector<16xf32>,
      %add3A_210 = arith.constant 6 : i32
      %add3A_211 = vector.broadcast %add3A_210 : i32 to vector<16xi32>
      %add3A_212 = arith.addi %shift_left3A_167, %add3A_211 : vector<16xi32>
      %get3A_213 = arith.constant 6 : i32
      %get3A_214 = arith.index_cast %get3A_213 : i32 to index
      %get3A_215 = arith.constant 32 : index
      %get3A_216 = tpu.vector_load %arg6[%get3A_214, %get3A_215] {strides = array<i32>} : memref<8x128xf32, #tpu.memory_space<vmem>>, vector<16xf32>,
      tpu.vector_store_idx %arg7[%add3A_212], %get3A_216 {add = true} : memref<80000xf32, #tpu.memory_space<vmem>>[vector<16xi32>], vector<16xf32>,
      %add3A_217 = arith.constant 7 : i32
      %add3A_218 = vector.broadcast %add3A_217 : i32 to vector<16xi32>
      %add3A_219 = arith.addi %shift_left3A_167, %add3A_218 : vector<16xi32>
      %get3A_220 = arith.constant 7 : i32
      %get3A_221 = arith.index_cast %get3A_220 : i32 to index
      %get3A_222 = arith.constant 32 : index
      %get3A_223 = tpu.vector_load %arg6[%get3A_221, %get3A_222] {strides = array<i32>} : memref<8x128xf32, #tpu.memory_space<vmem>>, vector<16xf32>,
      tpu.vector_store_idx %arg7[%add3A_219], %get3A_223 {add = true} : memref<80000xf32, #tpu.memory_space<vmem>>[vector<16xi32>], vector<16xf32>,
      %get3A_224 = arith.constant 48 : index
      %get3A_225 = tpu.vector_load %arg5[%get3A_224] {strides = array<i32>} : memref<128xi32, #tpu.memory_space<vmem>>, vector<16xi32>,
      %shift_left3A_226 = arith.constant 3 : i32
      %shift_left3A_227 = vector.broadcast %shift_left3A_226 : i32 to vector<16xi32>
      %shift_left3A_228 = arith.shli %get3A_225, %shift_left3A_227 : vector<16xi32>
      %add3A_229 = arith.constant 0 : i32
      %add3A_230 = vector.broadcast %add3A_229 : i32 to vector<16xi32>
      %add3A_231 = arith.addi %shift_left3A_228, %add3A_230 : vector<16xi32>
      %get3A_232 = arith.constant 0 : i32
      %get3A_233 = arith.index_cast %get3A_232 : i32 to index
      %get3A_234 = arith.constant 48 : index
      %get3A_235 = tpu.vector_load %arg6[%get3A_233, %get3A_234] {strides = array<i32>} : memref<8x128xf32, #tpu.memory_space<vmem>>, vector<16xf32>,
      tpu.vector_store_idx %arg7[%add3A_231], %get3A_235 {add = true} : memref<80000xf32, #tpu.memory_space<vmem>>[vector<16xi32>], vector<16xf32>,
      %add3A_236 = arith.constant 1 : i32
      %add3A_237 = vector.broadcast %add3A_236 : i32 to vector<16xi32>
      %add3A_238 = arith.addi %shift_left3A_228, %add3A_237 : vector<16xi32>
      %get3A_239 = arith.constant 1 : i32
      %get3A_240 = arith.index_cast %get3A_239 : i32 to index
      %get3A_241 = arith.constant 48 : index
      %get3A_242 = tpu.vector_load %arg6[%get3A_240, %get3A_241] {strides = array<i32>} : memref<8x128xf32, #tpu.memory_space<vmem>>, vector<16xf32>,
      tpu.vector_store_idx %arg7[%add3A_238], %get3A_242 {add = true} : memref<80000xf32, #tpu.memory_space<vmem>>[vector<16xi32>], vector<16xf32>,
      %add3A_243 = arith.constant 2 : i32
      %add3A_244 = vector.broadcast %add3A_243 : i32 to vector<16xi32>
      %add3A_245 = arith.addi %shift_left3A_228, %add3A_244 : vector<16xi32>
      %get3A_246 = arith.constant 2 : i32
      %get3A_247 = arith.index_cast %get3A_246 : i32 to index
      %get3A_248 = arith.constant 48 : index
      %get3A_249 = tpu.vector_load %arg6[%get3A_247, %get3A_248] {strides = array<i32>} : memref<8x128xf32, #tpu.memory_space<vmem>>, vector<16xf32>,
      tpu.vector_store_idx %arg7[%add3A_245], %get3A_249 {add = true} : memref<80000xf32, #tpu.memory_space<vmem>>[vector<16xi32>], vector<16xf32>,
      %add3A_250 = arith.constant 3 : i32
      %add3A_251 = vector.broadcast %add3A_250 : i32 to vector<16xi32>
      %add3A_252 = arith.addi %shift_left3A_228, %add3A_251 : vector<16xi32>
      %get3A_253 = arith.constant 3 : i32
      %get3A_254 = arith.index_cast %get3A_253 : i32 to index
      %get3A_255 = arith.constant 48 : index
      %get3A_256 = tpu.vector_load %arg6[%get3A_254, %get3A_255] {strides = array<i32>} : memref<8x128xf32, #tpu.memory_space<vmem>>, vector<16xf32>,
      tpu.vector_store_idx %arg7[%add3A_252], %get3A_256 {add = true} : memref<80000xf32, #tpu.memory_space<vmem>>[vector<16xi32>], vector<16xf32>,
      %add3A_257 = arith.constant 4 : i32
      %add3A_258 = vector.broadcast %add3A_257 : i32 to vector<16xi32>
      %add3A_259 = arith.addi %shift_left3A_228, %add3A_258 : vector<16xi32>
      %get3A_260 = arith.constant 4 : i32
      %get3A_261 = arith.index_cast %get3A_260 : i32 to index
      %get3A_262 = arith.constant 48 : index
      %get3A_263 = tpu.vector_load %arg6[%get3A_261, %get3A_262] {strides = array<i32>} : memref<8x128xf32, #tpu.memory_space<vmem>>, vector<16xf32>,
      tpu.vector_store_idx %arg7[%add3A_259], %get3A_263 {add = true} : memref<80000xf32, #tpu.memory_space<vmem>>[vector<16xi32>], vector<16xf32>,
      %add3A_264 = arith.constant 5 : i32
      %add3A_265 = vector.broadcast %add3A_264 : i32 to vector<16xi32>
      %add3A_266 = arith.addi %shift_left3A_228, %add3A_265 : vector<16xi32>
      %get3A_267 = arith.constant 5 : i32
      %get3A_268 = arith.index_cast %get3A_267 : i32 to index
      %get3A_269 = arith.constant 48 : index
      %get3A_270 = tpu.vector_load %arg6[%get3A_268, %get3A_269] {strides = array<i32>} : memref<8x128xf32, #tpu.memory_space<vmem>>, vector<16xf32>,
      tpu.vector_store_idx %arg7[%add3A_266], %get3A_270 {add = true} : memref<80000xf32, #tpu.memory_space<vmem>>[vector<16xi32>], vector<16xf32>,
      %add3A_271 = arith.constant 6 : i32
      %add3A_272 = vector.broadcast %add3A_271 : i32 to vector<16xi32>
      %add3A_273 = arith.addi %shift_left3A_228, %add3A_272 : vector<16xi32>
      %get3A_274 = arith.constant 6 : i32
      %get3A_275 = arith.index_cast %get3A_274 : i32 to index
      %get3A_276 = arith.constant 48 : index
      %get3A_277 = tpu.vector_load %arg6[%get3A_275, %get3A_276] {strides = array<i32>} : memref<8x128xf32, #tpu.memory_space<vmem>>, vector<16xf32>,
      tpu.vector_store_idx %arg7[%add3A_273], %get3A_277 {add = true} : memref<80000xf32, #tpu.memory_space<vmem>>[vector<16xi32>], vector<16xf32>,
      %add3A_278 = arith.constant 7 : i32
      %add3A_279 = vector.broadcast %add3A_278 : i32 to vector<16xi32>
      %add3A_280 = arith.addi %shift_left3A_228, %add3A_279 : vector<16xi32>
      %get3A_281 = arith.constant 7 : i32
      %get3A_282 = arith.index_cast %get3A_281 : i32 to index
      %get3A_283 = arith.constant 48 : index
      %get3A_284 = tpu.vector_load %arg6[%get3A_282, %get3A_283] {strides = array<i32>} : memref<8x128xf32, #tpu.memory_space<vmem>>, vector<16xf32>,
      tpu.vector_store_idx %arg7[%add3A_280], %get3A_284 {add = true} : memref<80000xf32, #tpu.memory_space<vmem>>[vector<16xi32>], vector<16xf32>,
      %get3A_285 = arith.constant 64 : index
      %get3A_286 = tpu.vector_load %arg5[%get3A_285] {strides = array<i32>} : memref<128xi32, #tpu.memory_space<vmem>>, vector<16xi32>,
      %shift_left3A_287 = arith.constant 3 : i32
      %shift_left3A_288 = vector.broadcast %shift_left3A_287 : i32 to vector<16xi32>
      %shift_left3A_289 = arith.shli %get3A_286, %shift_left3A_288 : vector<16xi32>
      %add3A_290 = arith.constant 0 : i32
      %add3A_291 = vector.broadcast %add3A_290 : i32 to vector<16xi32>
      %add3A_292 = arith.addi %shift_left3A_289, %add3A_291 : vector<16xi32>
      %get3A_293 = arith.constant 0 : i32
      %get3A_294 = arith.index_cast %get3A_293 : i32 to index
      %get3A_295 = arith.constant 64 : index
      %get3A_296 = tpu.vector_load %arg6[%get3A_294, %get3A_295] {strides = array<i32>} : memref<8x128xf32, #tpu.memory_space<vmem>>, vector<16xf32>,
      tpu.vector_store_idx %arg7[%add3A_292], %get3A_296 {add = true} : memref<80000xf32, #tpu.memory_space<vmem>>[vector<16xi32>], vector<16xf32>,
      %add3A_297 = arith.constant 1 : i32
      %add3A_298 = vector.broadcast %add3A_297 : i32 to vector<16xi32>
      %add3A_299 = arith.addi %shift_left3A_289, %add3A_298 : vector<16xi32>
      %get3A_300 = arith.constant 1 : i32
      %get3A_301 = arith.index_cast %get3A_300 : i32 to index
      %get3A_302 = arith.constant 64 : index
      %get3A_303 = tpu.vector_load %arg6[%get3A_301, %get3A_302] {strides = array<i32>} : memref<8x128xf32, #tpu.memory_space<vmem>>, vector<16xf32>,
      tpu.vector_store_idx %arg7[%add3A_299], %get3A_303 {add = true} : memref<80000xf32, #tpu.memory_space<vmem>>[vector<16xi32>], vector<16xf32>,
      %add3A_304 = arith.constant 2 : i32
      %add3A_305 = vector.broadcast %add3A_304 : i32 to vector<16xi32>
      %add3A_306 = arith.addi %shift_left3A_289, %add3A_305 : vector<16xi32>
      %get3A_307 = arith.constant 2 : i32
      %get3A_308 = arith.index_cast %get3A_307 : i32 to index
      %get3A_309 = arith.constant 64 : index
      %get3A_310 = tpu.vector_load %arg6[%get3A_308, %get3A_309] {strides = array<i32>} : memref<8x128xf32, #tpu.memory_space<vmem>>, vector<16xf32>,
      tpu.vector_store_idx %arg7[%add3A_306], %get3A_310 {add = true} : memref<80000xf32, #tpu.memory_space<vmem>>[vector<16xi32>], vector<16xf32>,
      %add3A_311 = arith.constant 3 : i32
      %add3A_312 = vector.broadcast %add3A_311 : i32 to vector<16xi32>
      %add3A_313 = arith.addi %shift_left3A_289, %add3A_312 : vector<16xi32>
      %get3A_314 = arith.constant 3 : i32
      %get3A_315 = arith.index_cast %get3A_314 : i32 to index
      %get3A_316 = arith.constant 64 : index
      %get3A_317 = tpu.vector_load %arg6[%get3A_315, %get3A_316] {strides = array<i32>} : memref<8x128xf32, #tpu.memory_space<vmem>>, vector<16xf32>,
      tpu.vector_store_idx %arg7[%add3A_313], %get3A_317 {add = true} : memref<80000xf32, #tpu.memory_space<vmem>>[vector<16xi32>], vector<16xf32>,
      %add3A_318 = arith.constant 4 : i32
      %add3A_319 = vector.broadcast %add3A_318 : i32 to vector<16xi32>
      %add3A_320 = arith.addi %shift_left3A_289, %add3A_319 : vector<16xi32>
      %get3A_321 = arith.constant 4 : i32
      %get3A_322 = arith.index_cast %get3A_321 : i32 to index
      %get3A_323 = arith.constant 64 : index
      %get3A_324 = tpu.vector_load %arg6[%get3A_322, %get3A_323] {strides = array<i32>} : memref<8x128xf32, #tpu.memory_space<vmem>>, vector<16xf32>,
      tpu.vector_store_idx %arg7[%add3A_320], %get3A_324 {add = true} : memref<80000xf32, #tpu.memory_space<vmem>>[vector<16xi32>], vector<16xf32>,
      %add3A_325 = arith.constant 5 : i32
      %add3A_326 = vector.broadcast %add3A_325 : i32 to vector<16xi32>
      %add3A_327 = arith.addi %shift_left3A_289, %add3A_326 : vector<16xi32>
      %get3A_328 = arith.constant 5 : i32
      %get3A_329 = arith.index_cast %get3A_328 : i32 to index
      %get3A_330 = arith.constant 64 : index
      %get3A_331 = tpu.vector_load %arg6[%get3A_329, %get3A_330] {strides = array<i32>} : memref<8x128xf32, #tpu.memory_space<vmem>>, vector<16xf32>,
      tpu.vector_store_idx %arg7[%add3A_327], %get3A_331 {add = true} : memref<80000xf32, #tpu.memory_space<vmem>>[vector<16xi32>], vector<16xf32>,
      %add3A_332 = arith.constant 6 : i32
      %add3A_333 = vector.broadcast %add3A_332 : i32 to vector<16xi32>
      %add3A_334 = arith.addi %shift_left3A_289, %add3A_333 : vector<16xi32>
      %get3A_335 = arith.constant 6 : i32
      %get3A_336 = arith.index_cast %get3A_335 : i32 to index
      %get3A_337 = arith.constant 64 : index
      %get3A_338 = tpu.vector_load %arg6[%get3A_336, %get3A_337] {strides = array<i32>} : memref<8x128xf32, #tpu.memory_space<vmem>>, vector<16xf32>,
      tpu.vector_store_idx %arg7[%add3A_334], %get3A_338 {add = true} : memref<80000xf32, #tpu.memory_space<vmem>>[vector<16xi32>], vector<16xf32>,
      %add3A_339 = arith.constant 7 : i32
      %add3A_340 = vector.broadcast %add3A_339 : i32 to vector<16xi32>
      %add3A_341 = arith.addi %shift_left3A_289, %add3A_340 : vector<16xi32>
      %get3A_342 = arith.constant 7 : i32
      %get3A_343 = arith.index_cast %get3A_342 : i32 to index
      %get3A_344 = arith.constant 64 : index
      %get3A_345 = tpu.vector_load %arg6[%get3A_343, %get3A_344] {strides = array<i32>} : memref<8x128xf32, #tpu.memory_space<vmem>>, vector<16xf32>,
      tpu.vector_store_idx %arg7[%add3A_341], %get3A_345 {add = true} : memref<80000xf32, #tpu.memory_space<vmem>>[vector<16xi32>], vector<16xf32>,
      %get3A_346 = arith.constant 80 : index
      %get3A_347 = tpu.vector_load %arg5[%get3A_346] {strides = array<i32>} : memref<128xi32, #tpu.memory_space<vmem>>, vector<16xi32>,
      %shift_left3A_348 = arith.constant 3 : i32
      %shift_left3A_349 = vector.broadcast %shift_left3A_348 : i32 to vector<16xi32>
      %shift_left3A_350 = arith.shli %get3A_347, %shift_left3A_349 : vector<16xi32>
      %add3A_351 = arith.constant 0 : i32
      %add3A_352 = vector.broadcast %add3A_351 : i32 to vector<16xi32>
      %add3A_353 = arith.addi %shift_left3A_350, %add3A_352 : vector<16xi32>
      %get3A_354 = arith.constant 0 : i32
      %get3A_355 = arith.index_cast %get3A_354 : i32 to index
      %get3A_356 = arith.constant 80 : index
      %get3A_357 = tpu.vector_load %arg6[%get3A_355, %get3A_356] {strides = array<i32>} : memref<8x128xf32, #tpu.memory_space<vmem>>, vector<16xf32>,
      tpu.vector_store_idx %arg7[%add3A_353], %get3A_357 {add = true} : memref<80000xf32, #tpu.memory_space<vmem>>[vector<16xi32>], vector<16xf32>,
      %add3A_358 = arith.constant 1 : i32
      %add3A_359 = vector.broadcast %add3A_358 : i32 to vector<16xi32>
      %add3A_360 = arith.addi %shift_left3A_350, %add3A_359 : vector<16xi32>
      %get3A_361 = arith.constant 1 : i32
      %get3A_362 = arith.index_cast %get3A_361 : i32 to index
      %get3A_363 = arith.constant 80 : index
      %get3A_364 = tpu.vector_load %arg6[%get3A_362, %get3A_363] {strides = array<i32>} : memref<8x128xf32, #tpu.memory_space<vmem>>, vector<16xf32>,
      tpu.vector_store_idx %arg7[%add3A_360], %get3A_364 {add = true} : memref<80000xf32, #tpu.memory_space<vmem>>[vector<16xi32>], vector<16xf32>,
      %add3A_365 = arith.constant 2 : i32
      %add3A_366 = vector.broadcast %add3A_365 : i32 to vector<16xi32>
      %add3A_367 = arith.addi %shift_left3A_350, %add3A_366 : vector<16xi32>
      %get3A_368 = arith.constant 2 : i32
      %get3A_369 = arith.index_cast %get3A_368 : i32 to index
      %get3A_370 = arith.constant 80 : index
      %get3A_371 = tpu.vector_load %arg6[%get3A_369, %get3A_370] {strides = array<i32>} : memref<8x128xf32, #tpu.memory_space<vmem>>, vector<16xf32>,
      tpu.vector_store_idx %arg7[%add3A_367], %get3A_371 {add = true} : memref<80000xf32, #tpu.memory_space<vmem>>[vector<16xi32>], vector<16xf32>,
      %add3A_372 = arith.constant 3 : i32
      %add3A_373 = vector.broadcast %add3A_372 : i32 to vector<16xi32>
      %add3A_374 = arith.addi %shift_left3A_350, %add3A_373 : vector<16xi32>
      %get3A_375 = arith.constant 3 : i32
      %get3A_376 = arith.index_cast %get3A_375 : i32 to index
      %get3A_377 = arith.constant 80 : index
      %get3A_378 = tpu.vector_load %arg6[%get3A_376, %get3A_377] {strides = array<i32>} : memref<8x128xf32, #tpu.memory_space<vmem>>, vector<16xf32>,
      tpu.vector_store_idx %arg7[%add3A_374], %get3A_378 {add = true} : memref<80000xf32, #tpu.memory_space<vmem>>[vector<16xi32>], vector<16xf32>,
      %add3A_379 = arith.constant 4 : i32
      %add3A_380 = vector.broadcast %add3A_379 : i32 to vector<16xi32>
      %add3A_381 = arith.addi %shift_left3A_350, %add3A_380 : vector<16xi32>
      %get3A_382 = arith.constant 4 : i32
      %get3A_383 = arith.index_cast %get3A_382 : i32 to index
      %get3A_384 = arith.constant 80 : index
      %get3A_385 = tpu.vector_load %arg6[%get3A_383, %get3A_384] {strides = array<i32>} : memref<8x128xf32, #tpu.memory_space<vmem>>, vector<16xf32>,
      tpu.vector_store_idx %arg7[%add3A_381], %get3A_385 {add = true} : memref<80000xf32, #tpu.memory_space<vmem>>[vector<16xi32>], vector<16xf32>,
      %add3A_386 = arith.constant 5 : i32
      %add3A_387 = vector.broadcast %add3A_386 : i32 to vector<16xi32>
      %add3A_388 = arith.addi %shift_left3A_350, %add3A_387 : vector<16xi32>
      %get3A_389 = arith.constant 5 : i32
      %get3A_390 = arith.index_cast %get3A_389 : i32 to index
      %get3A_391 = arith.constant 80 : index
      %get3A_392 = tpu.vector_load %arg6[%get3A_390, %get3A_391] {strides = array<i32>} : memref<8x128xf32, #tpu.memory_space<vmem>>, vector<16xf32>,
      tpu.vector_store_idx %arg7[%add3A_388], %get3A_392 {add = true} : memref<80000xf32, #tpu.memory_space<vmem>>[vector<16xi32>], vector<16xf32>,
      %add3A_393 = arith.constant 6 : i32
      %add3A_394 = vector.broadcast %add3A_393 : i32 to vector<16xi32>
      %add3A_395 = arith.addi %shift_left3A_350, %add3A_394 : vector<16xi32>
      %get3A_396 = arith.constant 6 : i32
      %get3A_397 = arith.index_cast %get3A_396 : i32 to index
      %get3A_398 = arith.constant 80 : index
      %get3A_399 = tpu.vector_load %arg6[%get3A_397, %get3A_398] {strides = array<i32>} : memref<8x128xf32, #tpu.memory_space<vmem>>, vector<16xf32>,
      tpu.vector_store_idx %arg7[%add3A_395], %get3A_399 {add = true} : memref<80000xf32, #tpu.memory_space<vmem>>[vector<16xi32>], vector<16xf32>,
      %add3A_400 = arith.constant 7 : i32
      %add3A_401 = vector.broadcast %add3A_400 : i32 to vector<16xi32>
      %add3A_402 = arith.addi %shift_left3A_350, %add3A_401 : vector<16xi32>
      %get3A_403 = arith.constant 7 : i32
      %get3A_404 = arith.index_cast %get3A_403 : i32 to index
      %get3A_405 = arith.constant 80 : index
      %get3A_406 = tpu.vector_load %arg6[%get3A_404, %get3A_405] {strides = array<i32>} : memref<8x128xf32, #tpu.memory_space<vmem>>, vector<16xf32>,
      tpu.vector_store_idx %arg7[%add3A_402], %get3A_406 {add = true} : memref<80000xf32, #tpu.memory_space<vmem>>[vector<16xi32>], vector<16xf32>,
      %get3A_407 = arith.constant 96 : index
      %get3A_408 = tpu.vector_load %arg5[%get3A_407] {strides = array<i32>} : memref<128xi32, #tpu.memory_space<vmem>>, vector<16xi32>,
      %shift_left3A_409 = arith.constant 3 : i32
      %shift_left3A_410 = vector.broadcast %shift_left3A_409 : i32 to vector<16xi32>
      %shift_left3A_411 = arith.shli %get3A_408, %shift_left3A_410 : vector<16xi32>
      %add3A_412 = arith.constant 0 : i32
      %add3A_413 = vector.broadcast %add3A_412 : i32 to vector<16xi32>
      %add3A_414 = arith.addi %shift_left3A_411, %add3A_413 : vector<16xi32>
      %get3A_415 = arith.constant 0 : i32
      %get3A_416 = arith.index_cast %get3A_415 : i32 to index
      %get3A_417 = arith.constant 96 : index
      %get3A_418 = tpu.vector_load %arg6[%get3A_416, %get3A_417] {strides = array<i32>} : memref<8x128xf32, #tpu.memory_space<vmem>>, vector<16xf32>,
      tpu.vector_store_idx %arg7[%add3A_414], %get3A_418 {add = true} : memref<80000xf32, #tpu.memory_space<vmem>>[vector<16xi32>], vector<16xf32>,
      %add3A_419 = arith.constant 1 : i32
      %add3A_420 = vector.broadcast %add3A_419 : i32 to vector<16xi32>
      %add3A_421 = arith.addi %shift_left3A_411, %add3A_420 : vector<16xi32>
      %get3A_422 = arith.constant 1 : i32
      %get3A_423 = arith.index_cast %get3A_422 : i32 to index
      %get3A_424 = arith.constant 96 : index
      %get3A_425 = tpu.vector_load %arg6[%get3A_423, %get3A_424] {strides = array<i32>} : memref<8x128xf32, #tpu.memory_space<vmem>>, vector<16xf32>,
      tpu.vector_store_idx %arg7[%add3A_421], %get3A_425 {add = true} : memref<80000xf32, #tpu.memory_space<vmem>>[vector<16xi32>], vector<16xf32>,
      %add3A_426 = arith.constant 2 : i32
      %add3A_427 = vector.broadcast %add3A_426 : i32 to vector<16xi32>
      %add3A_428 = arith.addi %shift_left3A_411, %add3A_427 : vector<16xi32>
      %get3A_429 = arith.constant 2 : i32
      %get3A_430 = arith.index_cast %get3A_429 : i32 to index
      %get3A_431 = arith.constant 96 : index
      %get3A_432 = tpu.vector_load %arg6[%get3A_430, %get3A_431] {strides = array<i32>} : memref<8x128xf32, #tpu.memory_space<vmem>>, vector<16xf32>,
      tpu.vector_store_idx %arg7[%add3A_428], %get3A_432 {add = true} : memref<80000xf32, #tpu.memory_space<vmem>>[vector<16xi32>], vector<16xf32>,
      %add3A_433 = arith.constant 3 : i32
      %add3A_434 = vector.broadcast %add3A_433 : i32 to vector<16xi32>
      %add3A_435 = arith.addi %shift_left3A_411, %add3A_434 : vector<16xi32>
      %get3A_436 = arith.constant 3 : i32
      %get3A_437 = arith.index_cast %get3A_436 : i32 to index
      %get3A_438 = arith.constant 96 : index
      %get3A_439 = tpu.vector_load %arg6[%get3A_437, %get3A_438] {strides = array<i32>} : memref<8x128xf32, #tpu.memory_space<vmem>>, vector<16xf32>,
      tpu.vector_store_idx %arg7[%add3A_435], %get3A_439 {add = true} : memref<80000xf32, #tpu.memory_space<vmem>>[vector<16xi32>], vector<16xf32>,
      %add3A_440 = arith.constant 4 : i32
      %add3A_441 = vector.broadcast %add3A_440 : i32 to vector<16xi32>
      %add3A_442 = arith.addi %shift_left3A_411, %add3A_441 : vector<16xi32>
      %get3A_443 = arith.constant 4 : i32
      %get3A_444 = arith.index_cast %get3A_443 : i32 to index
      %get3A_445 = arith.constant 96 : index
      %get3A_446 = tpu.vector_load %arg6[%get3A_444, %get3A_445] {strides = array<i32>} : memref<8x128xf32, #tpu.memory_space<vmem>>, vector<16xf32>,
      tpu.vector_store_idx %arg7[%add3A_442], %get3A_446 {add = true} : memref<80000xf32, #tpu.memory_space<vmem>>[vector<16xi32>], vector<16xf32>,
      %add3A_447 = arith.constant 5 : i32
      %add3A_448 = vector.broadcast %add3A_447 : i32 to vector<16xi32>
      %add3A_449 = arith.addi %shift_left3A_411, %add3A_448 : vector<16xi32>
      %get3A_450 = arith.constant 5 : i32
      %get3A_451 = arith.index_cast %get3A_450 : i32 to index
      %get3A_452 = arith.constant 96 : index
      %get3A_453 = tpu.vector_load %arg6[%get3A_451, %get3A_452] {strides = array<i32>} : memref<8x128xf32, #tpu.memory_space<vmem>>, vector<16xf32>,
      tpu.vector_store_idx %arg7[%add3A_449], %get3A_453 {add = true} : memref<80000xf32, #tpu.memory_space<vmem>>[vector<16xi32>], vector<16xf32>,
      %add3A_454 = arith.constant 6 : i32
      %add3A_455 = vector.broadcast %add3A_454 : i32 to vector<16xi32>
      %add3A_456 = arith.addi %shift_left3A_411, %add3A_455 : vector<16xi32>
      %get3A_457 = arith.constant 6 : i32
      %get3A_458 = arith.index_cast %get3A_457 : i32 to index
      %get3A_459 = arith.constant 96 : index
      %get3A_460 = tpu.vector_load %arg6[%get3A_458, %get3A_459] {strides = array<i32>} : memref<8x128xf32, #tpu.memory_space<vmem>>, vector<16xf32>,
      tpu.vector_store_idx %arg7[%add3A_456], %get3A_460 {add = true} : memref<80000xf32, #tpu.memory_space<vmem>>[vector<16xi32>], vector<16xf32>,
      %add3A_461 = arith.constant 7 : i32
      %add3A_462 = vector.broadcast %add3A_461 : i32 to vector<16xi32>
      %add3A_463 = arith.addi %shift_left3A_411, %add3A_462 : vector<16xi32>
      %get3A_464 = arith.constant 7 : i32
      %get3A_465 = arith.index_cast %get3A_464 : i32 to index
      %get3A_466 = arith.constant 96 : index
      %get3A_467 = tpu.vector_load %arg6[%get3A_465, %get3A_466] {strides = array<i32>} : memref<8x128xf32, #tpu.memory_space<vmem>>, vector<16xf32>,
      tpu.vector_store_idx %arg7[%add3A_463], %get3A_467 {add = true} : memref<80000xf32, #tpu.memory_space<vmem>>[vector<16xi32>], vector<16xf32>,
      %get3A_468 = arith.constant 112 : index
      %get3A_469 = tpu.vector_load %arg5[%get3A_468] {strides = array<i32>} : memref<128xi32, #tpu.memory_space<vmem>>, vector<16xi32>,
      %shift_left3A_470 = arith.constant 3 : i32
      %shift_left3A_471 = vector.broadcast %shift_left3A_470 : i32 to vector<16xi32>
      %shift_left3A_472 = arith.shli %get3A_469, %shift_left3A_471 : vector<16xi32>
      %add3A_473 = arith.constant 0 : i32
      %add3A_474 = vector.broadcast %add3A_473 : i32 to vector<16xi32>
      %add3A_475 = arith.addi %shift_left3A_472, %add3A_474 : vector<16xi32>
      %get3A_476 = arith.constant 0 : i32
      %get3A_477 = arith.index_cast %get3A_476 : i32 to index
      %get3A_478 = arith.constant 112 : index
      %get3A_479 = tpu.vector_load %arg6[%get3A_477, %get3A_478] {strides = array<i32>} : memref<8x128xf32, #tpu.memory_space<vmem>>, vector<16xf32>,
      tpu.vector_store_idx %arg7[%add3A_475], %get3A_479 {add = true} : memref<80000xf32, #tpu.memory_space<vmem>>[vector<16xi32>], vector<16xf32>,
      %add3A_480 = arith.constant 1 : i32
      %add3A_481 = vector.broadcast %add3A_480 : i32 to vector<16xi32>
      %add3A_482 = arith.addi %shift_left3A_472, %add3A_481 : vector<16xi32>
      %get3A_483 = arith.constant 1 : i32
      %get3A_484 = arith.index_cast %get3A_483 : i32 to index
      %get3A_485 = arith.constant 112 : index
      %get3A_486 = tpu.vector_load %arg6[%get3A_484, %get3A_485] {strides = array<i32>} : memref<8x128xf32, #tpu.memory_space<vmem>>, vector<16xf32>,
      tpu.vector_store_idx %arg7[%add3A_482], %get3A_486 {add = true} : memref<80000xf32, #tpu.memory_space<vmem>>[vector<16xi32>], vector<16xf32>,
      %add3A_487 = arith.constant 2 : i32
      %add3A_488 = vector.broadcast %add3A_487 : i32 to vector<16xi32>
      %add3A_489 = arith.addi %shift_left3A_472, %add3A_488 : vector<16xi32>
      %get3A_490 = arith.constant 2 : i32
      %get3A_491 = arith.index_cast %get3A_490 : i32 to index
      %get3A_492 = arith.constant 112 : index
      %get3A_493 = tpu.vector_load %arg6[%get3A_491, %get3A_492] {strides = array<i32>} : memref<8x128xf32, #tpu.memory_space<vmem>>, vector<16xf32>,
      tpu.vector_store_idx %arg7[%add3A_489], %get3A_493 {add = true} : memref<80000xf32, #tpu.memory_space<vmem>>[vector<16xi32>], vector<16xf32>,
      %add3A_494 = arith.constant 3 : i32
      %add3A_495 = vector.broadcast %add3A_494 : i32 to vector<16xi32>
      %add3A_496 = arith.addi %shift_left3A_472, %add3A_495 : vector<16xi32>
      %get3A_497 = arith.constant 3 : i32
      %get3A_498 = arith.index_cast %get3A_497 : i32 to index
      %get3A_499 = arith.constant 112 : index
      %get3A_500 = tpu.vector_load %arg6[%get3A_498, %get3A_499] {strides = array<i32>} : memref<8x128xf32, #tpu.memory_space<vmem>>, vector<16xf32>,
      tpu.vector_store_idx %arg7[%add3A_496], %get3A_500 {add = true} : memref<80000xf32, #tpu.memory_space<vmem>>[vector<16xi32>], vector<16xf32>,
      %add3A_501 = arith.constant 4 : i32
      %add3A_502 = vector.broadcast %add3A_501 : i32 to vector<16xi32>
      %add3A_503 = arith.addi %shift_left3A_472, %add3A_502 : vector<16xi32>
      %get3A_504 = arith.constant 4 : i32
      %get3A_505 = arith.index_cast %get3A_504 : i32 to index
      %get3A_506 = arith.constant 112 : index
      %get3A_507 = tpu.vector_load %arg6[%get3A_505, %get3A_506] {strides = array<i32>} : memref<8x128xf32, #tpu.memory_space<vmem>>, vector<16xf32>,
      tpu.vector_store_idx %arg7[%add3A_503], %get3A_507 {add = true} : memref<80000xf32, #tpu.memory_space<vmem>>[vector<16xi32>], vector<16xf32>,
      %add3A_508 = arith.constant 5 : i32
      %add3A_509 = vector.broadcast %add3A_508 : i32 to vector<16xi32>
      %add3A_510 = arith.addi %shift_left3A_472, %add3A_509 : vector<16xi32>
      %get3A_511 = arith.constant 5 : i32
      %get3A_512 = arith.index_cast %get3A_511 : i32 to index
      %get3A_513 = arith.constant 112 : index
      %get3A_514 = tpu.vector_load %arg6[%get3A_512, %get3A_513] {strides = array<i32>} : memref<8x128xf32, #tpu.memory_space<vmem>>, vector<16xf32>,
      tpu.vector_store_idx %arg7[%add3A_510], %get3A_514 {add = true} : memref<80000xf32, #tpu.memory_space<vmem>>[vector<16xi32>], vector<16xf32>,
      %add3A_515 = arith.constant 6 : i32
      %add3A_516 = vector.broadcast %add3A_515 : i32 to vector<16xi32>
      %add3A_517 = arith.addi %shift_left3A_472, %add3A_516 : vector<16xi32>
      %get3A_518 = arith.constant 6 : i32
      %get3A_519 = arith.index_cast %get3A_518 : i32 to index
      %get3A_520 = arith.constant 112 : index
      %get3A_521 = tpu.vector_load %arg6[%get3A_519, %get3A_520] {strides = array<i32>} : memref<8x128xf32, #tpu.memory_space<vmem>>, vector<16xf32>,
      tpu.vector_store_idx %arg7[%add3A_517], %get3A_521 {add = true} : memref<80000xf32, #tpu.memory_space<vmem>>[vector<16xi32>], vector<16xf32>,
      %add3A_522 = arith.constant 7 : i32
      %add3A_523 = vector.broadcast %add3A_522 : i32 to vector<16xi32>
      %add3A_524 = arith.addi %shift_left3A_472, %add3A_523 : vector<16xi32>
      %get3A_525 = arith.constant 7 : i32
      %get3A_526 = arith.index_cast %get3A_525 : i32 to index
      %get3A_527 = arith.constant 112 : index
      %get3A_528 = tpu.vector_load %arg6[%get3A_526, %get3A_527] {strides = array<i32>} : memref<8x128xf32, #tpu.memory_space<vmem>>, vector<16xf32>,
      tpu.vector_store_idx %arg7[%add3A_524], %get3A_528 {add = true} : memref<80000xf32, #tpu.memory_space<vmem>>[vector<16xi32>], vector<16xf32>,
    }
    %while3A_36 = arith.constant 1 : i32
    scf.for %while3A_37 = %while3A_34 to %while3A_30 step %while3A_36  : i32 {
      %mul3A_38 = arith.constant 32 : i32
      %mul3A_39 = arith.muli %mul3A_38, %while3A_37 : i32
      %add3A_40 = arith.addi %add3A, %mul3A_39 : i32
      %mul3A_41 = arith.constant 128 : i32
      %mul3A_42 = arith.muli %add3A_40, %mul3A_41 : i32
      "tpu.region"() ({
        %run_scoped3A = tpu.sem_alloc : memref<!tpu.dma_semaphore, #tpu.memory_space<semaphore_mem>>
        %dma_start3A = tpu.memref_slice %arg2[%mul3A_42] : memref<320000xi32, #tpu.memory_space<hbm>> -> memref<128xi32, #tpu.memory_space<hbm>>
        %dma_start3A_529 = tpu.memref_slice %arg2[%mul3A_42] : memref<320000xi32, #tpu.memory_space<hbm>> -> memref<128xi32, #tpu.memory_space<hbm>>
        tpu.enqueue_dma source(%dma_start3A_529 : memref<128xi32, #tpu.memory_space<hbm>>) target(%arg5 : memref<128xi32, #tpu.memory_space<vmem>>) target_semaphore(%run_scoped3A : memref<!tpu.dma_semaphore, #tpu.memory_space<semaphore_mem>>)
        %dma_wait3A = tpu.memref_slice %arg2[%mul3A_42] : memref<320000xi32, #tpu.memory_space<hbm>> -> memref<128xi32, #tpu.memory_space<hbm>>
        %dma_wait3A_530 = tpu.memref_slice %arg2[%mul3A_42] : memref<320000xi32, #tpu.memory_space<hbm>> -> memref<128xi32, #tpu.memory_space<hbm>>
        tpu.wait_dma2 semaphore(%run_scoped3A : memref<!tpu.dma_semaphore, #tpu.memory_space<semaphore_mem>>) src(%dma_wait3A_530 : memref<128xi32, #tpu.memory_space<hbm>>) dst(%arg5 : memref<128xi32, #tpu.memory_space<vmem>>)
        tpu.yield
      }) : () -> ()
      "tpu.region"() ({
        %run_scoped3A = tpu.sem_alloc : memref<!tpu.dma_semaphore, #tpu.memory_space<semaphore_mem>>
        %dma_start3A = arith.constant 0 : i32
        %dma_start3A_529 = tpu.memref_slice %arg3[%dma_start3A, %mul3A_42] : memref<8x320000xf32, #tpu.memory_space<hbm>> -> memref<8x128xf32, #tpu.memory_space<hbm>>
        %dma_start3A_530 = arith.constant 0 : i32
        %dma_start3A_531 = tpu.memref_slice %arg3[%dma_start3A_530, %mul3A_42] : memref<8x320000xf32, #tpu.memory_space<hbm>> -> memref<8x128xf32, #tpu.memory_space<hbm>>
        tpu.enqueue_dma source(%dma_start3A_531 : memref<8x128xf32, #tpu.memory_space<hbm>>) target(%arg6 : memref<8x128xf32, #tpu.memory_space<vmem>>) target_semaphore(%run_scoped3A : memref<!tpu.dma_semaphore, #tpu.memory_space<semaphore_mem>>)
        %dma_wait3A = arith.constant 0 : i32
        %dma_wait3A_532 = tpu.memref_slice %arg3[%dma_wait3A, %mul3A_42] : memref<8x320000xf32, #tpu.memory_space<hbm>> -> memref<8x128xf32, #tpu.memory_space<hbm>>
        %dma_wait3A_533 = arith.constant 0 : i32
        %dma_wait3A_534 = tpu.memref_slice %arg3[%dma_wait3A_533, %mul3A_42] : memref<8x320000xf32, #tpu.memory_space<hbm>> -> memref<8x128xf32, #tpu.memory_space<hbm>>
        tpu.wait_dma2 semaphore(%run_scoped3A : memref<!tpu.dma_semaphore, #tpu.memory_space<semaphore_mem>>) src(%dma_wait3A_534 : memref<8x128xf32, #tpu.memory_space<hbm>>) dst(%arg6 : memref<8x128xf32, #tpu.memory_space<vmem>>)
        tpu.yield
      }) : () -> ()
      %get3A = arith.constant 0 : index
      %get3A_43 = tpu.vector_load %arg5[%get3A] {strides = array<i32>} : memref<128xi32, #tpu.memory_space<vmem>>, vector<16xi32>,
      %shift_left3A = arith.constant 3 : i32
      %shift_left3A_44 = vector.broadcast %shift_left3A : i32 to vector<16xi32>
      %shift_left3A_45 = arith.shli %get3A_43, %shift_left3A_44 : vector<16xi32>
      %add3A_46 = arith.constant 0 : i32
      %add3A_47 = vector.broadcast %add3A_46 : i32 to vector<16xi32>
      %add3A_48 = arith.addi %shift_left3A_45, %add3A_47 : vector<16xi32>
      %get3A_49 = arith.constant 0 : i32
      %get3A_50 = arith.index_cast %get3A_49 : i32 to index
      %get3A_51 = arith.constant 0 : index
      %get3A_52 = tpu.vector_load %arg6[%get3A_50, %get3A_51] {strides = array<i32>} : memref<8x128xf32, #tpu.memory_space<vmem>>, vector<16xf32>,
      tpu.vector_store_idx %arg7[%add3A_48], %get3A_52 {add = true} : memref<80000xf32, #tpu.memory_space<vmem>>[vector<16xi32>], vector<16xf32>,
      %add3A_53 = arith.constant 1 : i32
      %add3A_54 = vector.broadcast %add3A_53 : i32 to vector<16xi32>
      %add3A_55 = arith.addi %shift_left3A_45, %add3A_54 : vector<16xi32>
      %get3A_56 = arith.constant 1 : i32
      %get3A_57 = arith.index_cast %get3A_56 : i32 to index
      %get3A_58 = arith.constant 0 : index
      %get3A_59 = tpu.vector_load %arg6[%get3A_57, %get3A_58] {strides = array<i32>} : memref<8x128xf32, #tpu.memory_space<vmem>>, vector<16xf32>,
      tpu.vector_store_idx %arg7[%add3A_55], %get3A_59 {add = true} : memref<80000xf32, #tpu.memory_space<vmem>>[vector<16xi32>], vector<16xf32>,
      %add3A_60 = arith.constant 2 : i32
      %add3A_61 = vector.broadcast %add3A_60 : i32 to vector<16xi32>
      %add3A_62 = arith.addi %shift_left3A_45, %add3A_61 : vector<16xi32>
      %get3A_63 = arith.constant 2 : i32
      %get3A_64 = arith.index_cast %get3A_63 : i32 to index
      %get3A_65 = arith.constant 0 : index
      %get3A_66 = tpu.vector_load %arg6[%get3A_64, %get3A_65] {strides = array<i32>} : memref<8x128xf32, #tpu.memory_space<vmem>>, vector<16xf32>,
      tpu.vector_store_idx %arg7[%add3A_62], %get3A_66 {add = true} : memref<80000xf32, #tpu.memory_space<vmem>>[vector<16xi32>], vector<16xf32>,
      %add3A_67 = arith.constant 3 : i32
      %add3A_68 = vector.broadcast %add3A_67 : i32 to vector<16xi32>
      %add3A_69 = arith.addi %shift_left3A_45, %add3A_68 : vector<16xi32>
      %get3A_70 = arith.constant 3 : i32
      %get3A_71 = arith.index_cast %get3A_70 : i32 to index
      %get3A_72 = arith.constant 0 : index
      %get3A_73 = tpu.vector_load %arg6[%get3A_71, %get3A_72] {strides = array<i32>} : memref<8x128xf32, #tpu.memory_space<vmem>>, vector<16xf32>,
      tpu.vector_store_idx %arg7[%add3A_69], %get3A_73 {add = true} : memref<80000xf32, #tpu.memory_space<vmem>>[vector<16xi32>], vector<16xf32>,
      %add3A_74 = arith.constant 4 : i32
      %add3A_75 = vector.broadcast %add3A_74 : i32 to vector<16xi32>
      %add3A_76 = arith.addi %shift_left3A_45, %add3A_75 : vector<16xi32>
      %get3A_77 = arith.constant 4 : i32
      %get3A_78 = arith.index_cast %get3A_77 : i32 to index
      %get3A_79 = arith.constant 0 : index
      %get3A_80 = tpu.vector_load %arg6[%get3A_78, %get3A_79] {strides = array<i32>} : memref<8x128xf32, #tpu.memory_space<vmem>>, vector<16xf32>,
      tpu.vector_store_idx %arg7[%add3A_76], %get3A_80 {add = true} : memref<80000xf32, #tpu.memory_space<vmem>>[vector<16xi32>], vector<16xf32>,
      %add3A_81 = arith.constant 5 : i32
      %add3A_82 = vector.broadcast %add3A_81 : i32 to vector<16xi32>
      %add3A_83 = arith.addi %shift_left3A_45, %add3A_82 : vector<16xi32>
      %get3A_84 = arith.constant 5 : i32
      %get3A_85 = arith.index_cast %get3A_84 : i32 to index
      %get3A_86 = arith.constant 0 : index
      %get3A_87 = tpu.vector_load %arg6[%get3A_85, %get3A_86] {strides = array<i32>} : memref<8x128xf32, #tpu.memory_space<vmem>>, vector<16xf32>,
      tpu.vector_store_idx %arg7[%add3A_83], %get3A_87 {add = true} : memref<80000xf32, #tpu.memory_space<vmem>>[vector<16xi32>], vector<16xf32>,
      %add3A_88 = arith.constant 6 : i32
      %add3A_89 = vector.broadcast %add3A_88 : i32 to vector<16xi32>
      %add3A_90 = arith.addi %shift_left3A_45, %add3A_89 : vector<16xi32>
      %get3A_91 = arith.constant 6 : i32
      %get3A_92 = arith.index_cast %get3A_91 : i32 to index
      %get3A_93 = arith.constant 0 : index
      %get3A_94 = tpu.vector_load %arg6[%get3A_92, %get3A_93] {strides = array<i32>} : memref<8x128xf32, #tpu.memory_space<vmem>>, vector<16xf32>,
      tpu.vector_store_idx %arg7[%add3A_90], %get3A_94 {add = true} : memref<80000xf32, #tpu.memory_space<vmem>>[vector<16xi32>], vector<16xf32>,
      %add3A_95 = arith.constant 7 : i32
      %add3A_96 = vector.broadcast %add3A_95 : i32 to vector<16xi32>
      %add3A_97 = arith.addi %shift_left3A_45, %add3A_96 : vector<16xi32>
      %get3A_98 = arith.constant 7 : i32
      %get3A_99 = arith.index_cast %get3A_98 : i32 to index
      %get3A_100 = arith.constant 0 : index
      %get3A_101 = tpu.vector_load %arg6[%get3A_99, %get3A_100] {strides = array<i32>} : memref<8x128xf32, #tpu.memory_space<vmem>>, vector<16xf32>,
      tpu.vector_store_idx %arg7[%add3A_97], %get3A_101 {add = true} : memref<80000xf32, #tpu.memory_space<vmem>>[vector<16xi32>], vector<16xf32>,
      %get3A_102 = arith.constant 16 : index
      %get3A_103 = tpu.vector_load %arg5[%get3A_102] {strides = array<i32>} : memref<128xi32, #tpu.memory_space<vmem>>, vector<16xi32>,
      %shift_left3A_104 = arith.constant 3 : i32
      %shift_left3A_105 = vector.broadcast %shift_left3A_104 : i32 to vector<16xi32>
      %shift_left3A_106 = arith.shli %get3A_103, %shift_left3A_105 : vector<16xi32>
      %add3A_107 = arith.constant 0 : i32
      %add3A_108 = vector.broadcast %add3A_107 : i32 to vector<16xi32>
      %add3A_109 = arith.addi %shift_left3A_106, %add3A_108 : vector<16xi32>
      %get3A_110 = arith.constant 0 : i32
      %get3A_111 = arith.index_cast %get3A_110 : i32 to index
      %get3A_112 = arith.constant 16 : index
      %get3A_113 = tpu.vector_load %arg6[%get3A_111, %get3A_112] {strides = array<i32>} : memref<8x128xf32, #tpu.memory_space<vmem>>, vector<16xf32>,
      tpu.vector_store_idx %arg7[%add3A_109], %get3A_113 {add = true} : memref<80000xf32, #tpu.memory_space<vmem>>[vector<16xi32>], vector<16xf32>,
      %add3A_114 = arith.constant 1 : i32
      %add3A_115 = vector.broadcast %add3A_114 : i32 to vector<16xi32>
      %add3A_116 = arith.addi %shift_left3A_106, %add3A_115 : vector<16xi32>
      %get3A_117 = arith.constant 1 : i32
      %get3A_118 = arith.index_cast %get3A_117 : i32 to index
      %get3A_119 = arith.constant 16 : index
      %get3A_120 = tpu.vector_load %arg6[%get3A_118, %get3A_119] {strides = array<i32>} : memref<8x128xf32, #tpu.memory_space<vmem>>, vector<16xf32>,
      tpu.vector_store_idx %arg7[%add3A_116], %get3A_120 {add = true} : memref<80000xf32, #tpu.memory_space<vmem>>[vector<16xi32>], vector<16xf32>,
      %add3A_121 = arith.constant 2 : i32
      %add3A_122 = vector.broadcast %add3A_121 : i32 to vector<16xi32>
      %add3A_123 = arith.addi %shift_left3A_106, %add3A_122 : vector<16xi32>
      %get3A_124 = arith.constant 2 : i32
      %get3A_125 = arith.index_cast %get3A_124 : i32 to index
      %get3A_126 = arith.constant 16 : index
      %get3A_127 = tpu.vector_load %arg6[%get3A_125, %get3A_126] {strides = array<i32>} : memref<8x128xf32, #tpu.memory_space<vmem>>, vector<16xf32>,
      tpu.vector_store_idx %arg7[%add3A_123], %get3A_127 {add = true} : memref<80000xf32, #tpu.memory_space<vmem>>[vector<16xi32>], vector<16xf32>,
      %add3A_128 = arith.constant 3 : i32
      %add3A_129 = vector.broadcast %add3A_128 : i32 to vector<16xi32>
      %add3A_130 = arith.addi %shift_left3A_106, %add3A_129 : vector<16xi32>
      %get3A_131 = arith.constant 3 : i32
      %get3A_132 = arith.index_cast %get3A_131 : i32 to index
      %get3A_133 = arith.constant 16 : index
      %get3A_134 = tpu.vector_load %arg6[%get3A_132, %get3A_133] {strides = array<i32>} : memref<8x128xf32, #tpu.memory_space<vmem>>, vector<16xf32>,
      tpu.vector_store_idx %arg7[%add3A_130], %get3A_134 {add = true} : memref<80000xf32, #tpu.memory_space<vmem>>[vector<16xi32>], vector<16xf32>,
      %add3A_135 = arith.constant 4 : i32
      %add3A_136 = vector.broadcast %add3A_135 : i32 to vector<16xi32>
      %add3A_137 = arith.addi %shift_left3A_106, %add3A_136 : vector<16xi32>
      %get3A_138 = arith.constant 4 : i32
      %get3A_139 = arith.index_cast %get3A_138 : i32 to index
      %get3A_140 = arith.constant 16 : index
      %get3A_141 = tpu.vector_load %arg6[%get3A_139, %get3A_140] {strides = array<i32>} : memref<8x128xf32, #tpu.memory_space<vmem>>, vector<16xf32>,
      tpu.vector_store_idx %arg7[%add3A_137], %get3A_141 {add = true} : memref<80000xf32, #tpu.memory_space<vmem>>[vector<16xi32>], vector<16xf32>,
      %add3A_142 = arith.constant 5 : i32
      %add3A_143 = vector.broadcast %add3A_142 : i32 to vector<16xi32>
      %add3A_144 = arith.addi %shift_left3A_106, %add3A_143 : vector<16xi32>
      %get3A_145 = arith.constant 5 : i32
      %get3A_146 = arith.index_cast %get3A_145 : i32 to index
      %get3A_147 = arith.constant 16 : index
      %get3A_148 = tpu.vector_load %arg6[%get3A_146, %get3A_147] {strides = array<i32>} : memref<8x128xf32, #tpu.memory_space<vmem>>, vector<16xf32>,
      tpu.vector_store_idx %arg7[%add3A_144], %get3A_148 {add = true} : memref<80000xf32, #tpu.memory_space<vmem>>[vector<16xi32>], vector<16xf32>,
      %add3A_149 = arith.constant 6 : i32
      %add3A_150 = vector.broadcast %add3A_149 : i32 to vector<16xi32>
      %add3A_151 = arith.addi %shift_left3A_106, %add3A_150 : vector<16xi32>
      %get3A_152 = arith.constant 6 : i32
      %get3A_153 = arith.index_cast %get3A_152 : i32 to index
      %get3A_154 = arith.constant 16 : index
      %get3A_155 = tpu.vector_load %arg6[%get3A_153, %get3A_154] {strides = array<i32>} : memref<8x128xf32, #tpu.memory_space<vmem>>, vector<16xf32>,
      tpu.vector_store_idx %arg7[%add3A_151], %get3A_155 {add = true} : memref<80000xf32, #tpu.memory_space<vmem>>[vector<16xi32>], vector<16xf32>,
      %add3A_156 = arith.constant 7 : i32
      %add3A_157 = vector.broadcast %add3A_156 : i32 to vector<16xi32>
      %add3A_158 = arith.addi %shift_left3A_106, %add3A_157 : vector<16xi32>
      %get3A_159 = arith.constant 7 : i32
      %get3A_160 = arith.index_cast %get3A_159 : i32 to index
      %get3A_161 = arith.constant 16 : index
      %get3A_162 = tpu.vector_load %arg6[%get3A_160, %get3A_161] {strides = array<i32>} : memref<8x128xf32, #tpu.memory_space<vmem>>, vector<16xf32>,
      tpu.vector_store_idx %arg7[%add3A_158], %get3A_162 {add = true} : memref<80000xf32, #tpu.memory_space<vmem>>[vector<16xi32>], vector<16xf32>,
      %get3A_163 = arith.constant 32 : index
      %get3A_164 = tpu.vector_load %arg5[%get3A_163] {strides = array<i32>} : memref<128xi32, #tpu.memory_space<vmem>>, vector<16xi32>,
      %shift_left3A_165 = arith.constant 3 : i32
      %shift_left3A_166 = vector.broadcast %shift_left3A_165 : i32 to vector<16xi32>
      %shift_left3A_167 = arith.shli %get3A_164, %shift_left3A_166 : vector<16xi32>
      %add3A_168 = arith.constant 0 : i32
      %add3A_169 = vector.broadcast %add3A_168 : i32 to vector<16xi32>
      %add3A_170 = arith.addi %shift_left3A_167, %add3A_169 : vector<16xi32>
      %get3A_171 = arith.constant 0 : i32
      %get3A_172 = arith.index_cast %get3A_171 : i32 to index
      %get3A_173 = arith.constant 32 : index
      %get3A_174 = tpu.vector_load %arg6[%get3A_172, %get3A_173] {strides = array<i32>} : memref<8x128xf32, #tpu.memory_space<vmem>>, vector<16xf32>,
      tpu.vector_store_idx %arg7[%add3A_170], %get3A_174 {add = true} : memref<80000xf32, #tpu.memory_space<vmem>>[vector<16xi32>], vector<16xf32>,
      %add3A_175 = arith.constant 1 : i32
      %add3A_176 = vector.broadcast %add3A_175 : i32 to vector<16xi32>
      %add3A_177 = arith.addi %shift_left3A_167, %add3A_176 : vector<16xi32>
      %get3A_178 = arith.constant 1 : i32
      %get3A_179 = arith.index_cast %get3A_178 : i32 to index
      %get3A_180 = arith.constant 32 : index
      %get3A_181 = tpu.vector_load %arg6[%get3A_179, %get3A_180] {strides = array<i32>} : memref<8x128xf32, #tpu.memory_space<vmem>>, vector<16xf32>,
      tpu.vector_store_idx %arg7[%add3A_177], %get3A_181 {add = true} : memref<80000xf32, #tpu.memory_space<vmem>>[vector<16xi32>], vector<16xf32>,
      %add3A_182 = arith.constant 2 : i32
      %add3A_183 = vector.broadcast %add3A_182 : i32 to vector<16xi32>
      %add3A_184 = arith.addi %shift_left3A_167, %add3A_183 : vector<16xi32>
      %get3A_185 = arith.constant 2 : i32
      %get3A_186 = arith.index_cast %get3A_185 : i32 to index
      %get3A_187 = arith.constant 32 : index
      %get3A_188 = tpu.vector_load %arg6[%get3A_186, %get3A_187] {strides = array<i32>} : memref<8x128xf32, #tpu.memory_space<vmem>>, vector<16xf32>,
      tpu.vector_store_idx %arg7[%add3A_184], %get3A_188 {add = true} : memref<80000xf32, #tpu.memory_space<vmem>>[vector<16xi32>], vector<16xf32>,
      %add3A_189 = arith.constant 3 : i32
      %add3A_190 = vector.broadcast %add3A_189 : i32 to vector<16xi32>
      %add3A_191 = arith.addi %shift_left3A_167, %add3A_190 : vector<16xi32>
      %get3A_192 = arith.constant 3 : i32
      %get3A_193 = arith.index_cast %get3A_192 : i32 to index
      %get3A_194 = arith.constant 32 : index
      %get3A_195 = tpu.vector_load %arg6[%get3A_193, %get3A_194] {strides = array<i32>} : memref<8x128xf32, #tpu.memory_space<vmem>>, vector<16xf32>,
      tpu.vector_store_idx %arg7[%add3A_191], %get3A_195 {add = true} : memref<80000xf32, #tpu.memory_space<vmem>>[vector<16xi32>], vector<16xf32>,
      %add3A_196 = arith.constant 4 : i32
      %add3A_197 = vector.broadcast %add3A_196 : i32 to vector<16xi32>
      %add3A_198 = arith.addi %shift_left3A_167, %add3A_197 : vector<16xi32>
      %get3A_199 = arith.constant 4 : i32
      %get3A_200 = arith.index_cast %get3A_199 : i32 to index
      %get3A_201 = arith.constant 32 : index
      %get3A_202 = tpu.vector_load %arg6[%get3A_200, %get3A_201] {strides = array<i32>} : memref<8x128xf32, #tpu.memory_space<vmem>>, vector<16xf32>,
      tpu.vector_store_idx %arg7[%add3A_198], %get3A_202 {add = true} : memref<80000xf32, #tpu.memory_space<vmem>>[vector<16xi32>], vector<16xf32>,
      %add3A_203 = arith.constant 5 : i32
      %add3A_204 = vector.broadcast %add3A_203 : i32 to vector<16xi32>
      %add3A_205 = arith.addi %shift_left3A_167, %add3A_204 : vector<16xi32>
      %get3A_206 = arith.constant 5 : i32
      %get3A_207 = arith.index_cast %get3A_206 : i32 to index
      %get3A_208 = arith.constant 32 : index
      %get3A_209 = tpu.vector_load %arg6[%get3A_207, %get3A_208] {strides = array<i32>} : memref<8x128xf32, #tpu.memory_space<vmem>>, vector<16xf32>,
      tpu.vector_store_idx %arg7[%add3A_205], %get3A_209 {add = true} : memref<80000xf32, #tpu.memory_space<vmem>>[vector<16xi32>], vector<16xf32>,
      %add3A_210 = arith.constant 6 : i32
      %add3A_211 = vector.broadcast %add3A_210 : i32 to vector<16xi32>
      %add3A_212 = arith.addi %shift_left3A_167, %add3A_211 : vector<16xi32>
      %get3A_213 = arith.constant 6 : i32
      %get3A_214 = arith.index_cast %get3A_213 : i32 to index
      %get3A_215 = arith.constant 32 : index
      %get3A_216 = tpu.vector_load %arg6[%get3A_214, %get3A_215] {strides = array<i32>} : memref<8x128xf32, #tpu.memory_space<vmem>>, vector<16xf32>,
      tpu.vector_store_idx %arg7[%add3A_212], %get3A_216 {add = true} : memref<80000xf32, #tpu.memory_space<vmem>>[vector<16xi32>], vector<16xf32>,
      %add3A_217 = arith.constant 7 : i32
      %add3A_218 = vector.broadcast %add3A_217 : i32 to vector<16xi32>
      %add3A_219 = arith.addi %shift_left3A_167, %add3A_218 : vector<16xi32>
      %get3A_220 = arith.constant 7 : i32
      %get3A_221 = arith.index_cast %get3A_220 : i32 to index
      %get3A_222 = arith.constant 32 : index
      %get3A_223 = tpu.vector_load %arg6[%get3A_221, %get3A_222] {strides = array<i32>} : memref<8x128xf32, #tpu.memory_space<vmem>>, vector<16xf32>,
      tpu.vector_store_idx %arg7[%add3A_219], %get3A_223 {add = true} : memref<80000xf32, #tpu.memory_space<vmem>>[vector<16xi32>], vector<16xf32>,
      %get3A_224 = arith.constant 48 : index
      %get3A_225 = tpu.vector_load %arg5[%get3A_224] {strides = array<i32>} : memref<128xi32, #tpu.memory_space<vmem>>, vector<16xi32>,
      %shift_left3A_226 = arith.constant 3 : i32
      %shift_left3A_227 = vector.broadcast %shift_left3A_226 : i32 to vector<16xi32>
      %shift_left3A_228 = arith.shli %get3A_225, %shift_left3A_227 : vector<16xi32>
      %add3A_229 = arith.constant 0 : i32
      %add3A_230 = vector.broadcast %add3A_229 : i32 to vector<16xi32>
      %add3A_231 = arith.addi %shift_left3A_228, %add3A_230 : vector<16xi32>
      %get3A_232 = arith.constant 0 : i32
      %get3A_233 = arith.index_cast %get3A_232 : i32 to index
      %get3A_234 = arith.constant 48 : index
      %get3A_235 = tpu.vector_load %arg6[%get3A_233, %get3A_234] {strides = array<i32>} : memref<8x128xf32, #tpu.memory_space<vmem>>, vector<16xf32>,
      tpu.vector_store_idx %arg7[%add3A_231], %get3A_235 {add = true} : memref<80000xf32, #tpu.memory_space<vmem>>[vector<16xi32>], vector<16xf32>,
      %add3A_236 = arith.constant 1 : i32
      %add3A_237 = vector.broadcast %add3A_236 : i32 to vector<16xi32>
      %add3A_238 = arith.addi %shift_left3A_228, %add3A_237 : vector<16xi32>
      %get3A_239 = arith.constant 1 : i32
      %get3A_240 = arith.index_cast %get3A_239 : i32 to index
      %get3A_241 = arith.constant 48 : index
      %get3A_242 = tpu.vector_load %arg6[%get3A_240, %get3A_241] {strides = array<i32>} : memref<8x128xf32, #tpu.memory_space<vmem>>, vector<16xf32>,
      tpu.vector_store_idx %arg7[%add3A_238], %get3A_242 {add = true} : memref<80000xf32, #tpu.memory_space<vmem>>[vector<16xi32>], vector<16xf32>,
      %add3A_243 = arith.constant 2 : i32
      %add3A_244 = vector.broadcast %add3A_243 : i32 to vector<16xi32>
      %add3A_245 = arith.addi %shift_left3A_228, %add3A_244 : vector<16xi32>
      %get3A_246 = arith.constant 2 : i32
      %get3A_247 = arith.index_cast %get3A_246 : i32 to index
      %get3A_248 = arith.constant 48 : index
      %get3A_249 = tpu.vector_load %arg6[%get3A_247, %get3A_248] {strides = array<i32>} : memref<8x128xf32, #tpu.memory_space<vmem>>, vector<16xf32>,
      tpu.vector_store_idx %arg7[%add3A_245], %get3A_249 {add = true} : memref<80000xf32, #tpu.memory_space<vmem>>[vector<16xi32>], vector<16xf32>,
      %add3A_250 = arith.constant 3 : i32
      %add3A_251 = vector.broadcast %add3A_250 : i32 to vector<16xi32>
      %add3A_252 = arith.addi %shift_left3A_228, %add3A_251 : vector<16xi32>
      %get3A_253 = arith.constant 3 : i32
      %get3A_254 = arith.index_cast %get3A_253 : i32 to index
      %get3A_255 = arith.constant 48 : index
      %get3A_256 = tpu.vector_load %arg6[%get3A_254, %get3A_255] {strides = array<i32>} : memref<8x128xf32, #tpu.memory_space<vmem>>, vector<16xf32>,
      tpu.vector_store_idx %arg7[%add3A_252], %get3A_256 {add = true} : memref<80000xf32, #tpu.memory_space<vmem>>[vector<16xi32>], vector<16xf32>,
      %add3A_257 = arith.constant 4 : i32
      %add3A_258 = vector.broadcast %add3A_257 : i32 to vector<16xi32>
      %add3A_259 = arith.addi %shift_left3A_228, %add3A_258 : vector<16xi32>
      %get3A_260 = arith.constant 4 : i32
      %get3A_261 = arith.index_cast %get3A_260 : i32 to index
      %get3A_262 = arith.constant 48 : index
      %get3A_263 = tpu.vector_load %arg6[%get3A_261, %get3A_262] {strides = array<i32>} : memref<8x128xf32, #tpu.memory_space<vmem>>, vector<16xf32>,
      tpu.vector_store_idx %arg7[%add3A_259], %get3A_263 {add = true} : memref<80000xf32, #tpu.memory_space<vmem>>[vector<16xi32>], vector<16xf32>,
      %add3A_264 = arith.constant 5 : i32
      %add3A_265 = vector.broadcast %add3A_264 : i32 to vector<16xi32>
      %add3A_266 = arith.addi %shift_left3A_228, %add3A_265 : vector<16xi32>
      %get3A_267 = arith.constant 5 : i32
      %get3A_268 = arith.index_cast %get3A_267 : i32 to index
      %get3A_269 = arith.constant 48 : index
      %get3A_270 = tpu.vector_load %arg6[%get3A_268, %get3A_269] {strides = array<i32>} : memref<8x128xf32, #tpu.memory_space<vmem>>, vector<16xf32>,
      tpu.vector_store_idx %arg7[%add3A_266], %get3A_270 {add = true} : memref<80000xf32, #tpu.memory_space<vmem>>[vector<16xi32>], vector<16xf32>,
      %add3A_271 = arith.constant 6 : i32
      %add3A_272 = vector.broadcast %add3A_271 : i32 to vector<16xi32>
      %add3A_273 = arith.addi %shift_left3A_228, %add3A_272 : vector<16xi32>
      %get3A_274 = arith.constant 6 : i32
      %get3A_275 = arith.index_cast %get3A_274 : i32 to index
      %get3A_276 = arith.constant 48 : index
      %get3A_277 = tpu.vector_load %arg6[%get3A_275, %get3A_276] {strides = array<i32>} : memref<8x128xf32, #tpu.memory_space<vmem>>, vector<16xf32>,
      tpu.vector_store_idx %arg7[%add3A_273], %get3A_277 {add = true} : memref<80000xf32, #tpu.memory_space<vmem>>[vector<16xi32>], vector<16xf32>,
      %add3A_278 = arith.constant 7 : i32
      %add3A_279 = vector.broadcast %add3A_278 : i32 to vector<16xi32>
      %add3A_280 = arith.addi %shift_left3A_228, %add3A_279 : vector<16xi32>
      %get3A_281 = arith.constant 7 : i32
      %get3A_282 = arith.index_cast %get3A_281 : i32 to index
      %get3A_283 = arith.constant 48 : index
      %get3A_284 = tpu.vector_load %arg6[%get3A_282, %get3A_283] {strides = array<i32>} : memref<8x128xf32, #tpu.memory_space<vmem>>, vector<16xf32>,
      tpu.vector_store_idx %arg7[%add3A_280], %get3A_284 {add = true} : memref<80000xf32, #tpu.memory_space<vmem>>[vector<16xi32>], vector<16xf32>,
      %get3A_285 = arith.constant 64 : index
      %get3A_286 = tpu.vector_load %arg5[%get3A_285] {strides = array<i32>} : memref<128xi32, #tpu.memory_space<vmem>>, vector<16xi32>,
      %shift_left3A_287 = arith.constant 3 : i32
      %shift_left3A_288 = vector.broadcast %shift_left3A_287 : i32 to vector<16xi32>
      %shift_left3A_289 = arith.shli %get3A_286, %shift_left3A_288 : vector<16xi32>
      %add3A_290 = arith.constant 0 : i32
      %add3A_291 = vector.broadcast %add3A_290 : i32 to vector<16xi32>
      %add3A_292 = arith.addi %shift_left3A_289, %add3A_291 : vector<16xi32>
      %get3A_293 = arith.constant 0 : i32
      %get3A_294 = arith.index_cast %get3A_293 : i32 to index
      %get3A_295 = arith.constant 64 : index
      %get3A_296 = tpu.vector_load %arg6[%get3A_294, %get3A_295] {strides = array<i32>} : memref<8x128xf32, #tpu.memory_space<vmem>>, vector<16xf32>,
      tpu.vector_store_idx %arg7[%add3A_292], %get3A_296 {add = true} : memref<80000xf32, #tpu.memory_space<vmem>>[vector<16xi32>], vector<16xf32>,
      %add3A_297 = arith.constant 1 : i32
      %add3A_298 = vector.broadcast %add3A_297 : i32 to vector<16xi32>
      %add3A_299 = arith.addi %shift_left3A_289, %add3A_298 : vector<16xi32>
      %get3A_300 = arith.constant 1 : i32
      %get3A_301 = arith.index_cast %get3A_300 : i32 to index
      %get3A_302 = arith.constant 64 : index
      %get3A_303 = tpu.vector_load %arg6[%get3A_301, %get3A_302] {strides = array<i32>} : memref<8x128xf32, #tpu.memory_space<vmem>>, vector<16xf32>,
      tpu.vector_store_idx %arg7[%add3A_299], %get3A_303 {add = true} : memref<80000xf32, #tpu.memory_space<vmem>>[vector<16xi32>], vector<16xf32>,
      %add3A_304 = arith.constant 2 : i32
      %add3A_305 = vector.broadcast %add3A_304 : i32 to vector<16xi32>
      %add3A_306 = arith.addi %shift_left3A_289, %add3A_305 : vector<16xi32>
      %get3A_307 = arith.constant 2 : i32
      %get3A_308 = arith.index_cast %get3A_307 : i32 to index
      %get3A_309 = arith.constant 64 : index
      %get3A_310 = tpu.vector_load %arg6[%get3A_308, %get3A_309] {strides = array<i32>} : memref<8x128xf32, #tpu.memory_space<vmem>>, vector<16xf32>,
      tpu.vector_store_idx %arg7[%add3A_306], %get3A_310 {add = true} : memref<80000xf32, #tpu.memory_space<vmem>>[vector<16xi32>], vector<16xf32>,
      %add3A_311 = arith.constant 3 : i32
      %add3A_312 = vector.broadcast %add3A_311 : i32 to vector<16xi32>
      %add3A_313 = arith.addi %shift_left3A_289, %add3A_312 : vector<16xi32>
      %get3A_314 = arith.constant 3 : i32
      %get3A_315 = arith.index_cast %get3A_314 : i32 to index
      %get3A_316 = arith.constant 64 : index
      %get3A_317 = tpu.vector_load %arg6[%get3A_315, %get3A_316] {strides = array<i32>} : memref<8x128xf32, #tpu.memory_space<vmem>>, vector<16xf32>,
      tpu.vector_store_idx %arg7[%add3A_313], %get3A_317 {add = true} : memref<80000xf32, #tpu.memory_space<vmem>>[vector<16xi32>], vector<16xf32>,
      %add3A_318 = arith.constant 4 : i32
      %add3A_319 = vector.broadcast %add3A_318 : i32 to vector<16xi32>
      %add3A_320 = arith.addi %shift_left3A_289, %add3A_319 : vector<16xi32>
      %get3A_321 = arith.constant 4 : i32
      %get3A_322 = arith.index_cast %get3A_321 : i32 to index
      %get3A_323 = arith.constant 64 : index
      %get3A_324 = tpu.vector_load %arg6[%get3A_322, %get3A_323] {strides = array<i32>} : memref<8x128xf32, #tpu.memory_space<vmem>>, vector<16xf32>,
      tpu.vector_store_idx %arg7[%add3A_320], %get3A_324 {add = true} : memref<80000xf32, #tpu.memory_space<vmem>>[vector<16xi32>], vector<16xf32>,
      %add3A_325 = arith.constant 5 : i32
      %add3A_326 = vector.broadcast %add3A_325 : i32 to vector<16xi32>
      %add3A_327 = arith.addi %shift_left3A_289, %add3A_326 : vector<16xi32>
      %get3A_328 = arith.constant 5 : i32
      %get3A_329 = arith.index_cast %get3A_328 : i32 to index
      %get3A_330 = arith.constant 64 : index
      %get3A_331 = tpu.vector_load %arg6[%get3A_329, %get3A_330] {strides = array<i32>} : memref<8x128xf32, #tpu.memory_space<vmem>>, vector<16xf32>,
      tpu.vector_store_idx %arg7[%add3A_327], %get3A_331 {add = true} : memref<80000xf32, #tpu.memory_space<vmem>>[vector<16xi32>], vector<16xf32>,
      %add3A_332 = arith.constant 6 : i32
      %add3A_333 = vector.broadcast %add3A_332 : i32 to vector<16xi32>
      %add3A_334 = arith.addi %shift_left3A_289, %add3A_333 : vector<16xi32>
      %get3A_335 = arith.constant 6 : i32
      %get3A_336 = arith.index_cast %get3A_335 : i32 to index
      %get3A_337 = arith.constant 64 : index
      %get3A_338 = tpu.vector_load %arg6[%get3A_336, %get3A_337] {strides = array<i32>} : memref<8x128xf32, #tpu.memory_space<vmem>>, vector<16xf32>,
      tpu.vector_store_idx %arg7[%add3A_334], %get3A_338 {add = true} : memref<80000xf32, #tpu.memory_space<vmem>>[vector<16xi32>], vector<16xf32>,
      %add3A_339 = arith.constant 7 : i32
      %add3A_340 = vector.broadcast %add3A_339 : i32 to vector<16xi32>
      %add3A_341 = arith.addi %shift_left3A_289, %add3A_340 : vector<16xi32>
      %get3A_342 = arith.constant 7 : i32
      %get3A_343 = arith.index_cast %get3A_342 : i32 to index
      %get3A_344 = arith.constant 64 : index
      %get3A_345 = tpu.vector_load %arg6[%get3A_343, %get3A_344] {strides = array<i32>} : memref<8x128xf32, #tpu.memory_space<vmem>>, vector<16xf32>,
      tpu.vector_store_idx %arg7[%add3A_341], %get3A_345 {add = true} : memref<80000xf32, #tpu.memory_space<vmem>>[vector<16xi32>], vector<16xf32>,
      %get3A_346 = arith.constant 80 : index
      %get3A_347 = tpu.vector_load %arg5[%get3A_346] {strides = array<i32>} : memref<128xi32, #tpu.memory_space<vmem>>, vector<16xi32>,
      %shift_left3A_348 = arith.constant 3 : i32
      %shift_left3A_349 = vector.broadcast %shift_left3A_348 : i32 to vector<16xi32>
      %shift_left3A_350 = arith.shli %get3A_347, %shift_left3A_349 : vector<16xi32>
      %add3A_351 = arith.constant 0 : i32
      %add3A_352 = vector.broadcast %add3A_351 : i32 to vector<16xi32>
      %add3A_353 = arith.addi %shift_left3A_350, %add3A_352 : vector<16xi32>
      %get3A_354 = arith.constant 0 : i32
      %get3A_355 = arith.index_cast %get3A_354 : i32 to index
      %get3A_356 = arith.constant 80 : index
      %get3A_357 = tpu.vector_load %arg6[%get3A_355, %get3A_356] {strides = array<i32>} : memref<8x128xf32, #tpu.memory_space<vmem>>, vector<16xf32>,
      tpu.vector_store_idx %arg7[%add3A_353], %get3A_357 {add = true} : memref<80000xf32, #tpu.memory_space<vmem>>[vector<16xi32>], vector<16xf32>,
      %add3A_358 = arith.constant 1 : i32
      %add3A_359 = vector.broadcast %add3A_358 : i32 to vector<16xi32>
      %add3A_360 = arith.addi %shift_left3A_350, %add3A_359 : vector<16xi32>
      %get3A_361 = arith.constant 1 : i32
      %get3A_362 = arith.index_cast %get3A_361 : i32 to index
      %get3A_363 = arith.constant 80 : index
      %get3A_364 = tpu.vector_load %arg6[%get3A_362, %get3A_363] {strides = array<i32>} : memref<8x128xf32, #tpu.memory_space<vmem>>, vector<16xf32>,
      tpu.vector_store_idx %arg7[%add3A_360], %get3A_364 {add = true} : memref<80000xf32, #tpu.memory_space<vmem>>[vector<16xi32>], vector<16xf32>,
      %add3A_365 = arith.constant 2 : i32
      %add3A_366 = vector.broadcast %add3A_365 : i32 to vector<16xi32>
      %add3A_367 = arith.addi %shift_left3A_350, %add3A_366 : vector<16xi32>
      %get3A_368 = arith.constant 2 : i32
      %get3A_369 = arith.index_cast %get3A_368 : i32 to index
      %get3A_370 = arith.constant 80 : index
      %get3A_371 = tpu.vector_load %arg6[%get3A_369, %get3A_370] {strides = array<i32>} : memref<8x128xf32, #tpu.memory_space<vmem>>, vector<16xf32>,
      tpu.vector_store_idx %arg7[%add3A_367], %get3A_371 {add = true} : memref<80000xf32, #tpu.memory_space<vmem>>[vector<16xi32>], vector<16xf32>,
      %add3A_372 = arith.constant 3 : i32
      %add3A_373 = vector.broadcast %add3A_372 : i32 to vector<16xi32>
      %add3A_374 = arith.addi %shift_left3A_350, %add3A_373 : vector<16xi32>
      %get3A_375 = arith.constant 3 : i32
      %get3A_376 = arith.index_cast %get3A_375 : i32 to index
      %get3A_377 = arith.constant 80 : index
      %get3A_378 = tpu.vector_load %arg6[%get3A_376, %get3A_377] {strides = array<i32>} : memref<8x128xf32, #tpu.memory_space<vmem>>, vector<16xf32>,
      tpu.vector_store_idx %arg7[%add3A_374], %get3A_378 {add = true} : memref<80000xf32, #tpu.memory_space<vmem>>[vector<16xi32>], vector<16xf32>,
      %add3A_379 = arith.constant 4 : i32
      %add3A_380 = vector.broadcast %add3A_379 : i32 to vector<16xi32>
      %add3A_381 = arith.addi %shift_left3A_350, %add3A_380 : vector<16xi32>
      %get3A_382 = arith.constant 4 : i32
      %get3A_383 = arith.index_cast %get3A_382 : i32 to index
      %get3A_384 = arith.constant 80 : index
      %get3A_385 = tpu.vector_load %arg6[%get3A_383, %get3A_384] {strides = array<i32>} : memref<8x128xf32, #tpu.memory_space<vmem>>, vector<16xf32>,
      tpu.vector_store_idx %arg7[%add3A_381], %get3A_385 {add = true} : memref<80000xf32, #tpu.memory_space<vmem>>[vector<16xi32>], vector<16xf32>,
      %add3A_386 = arith.constant 5 : i32
      %add3A_387 = vector.broadcast %add3A_386 : i32 to vector<16xi32>
      %add3A_388 = arith.addi %shift_left3A_350, %add3A_387 : vector<16xi32>
      %get3A_389 = arith.constant 5 : i32
      %get3A_390 = arith.index_cast %get3A_389 : i32 to index
      %get3A_391 = arith.constant 80 : index
      %get3A_392 = tpu.vector_load %arg6[%get3A_390, %get3A_391] {strides = array<i32>} : memref<8x128xf32, #tpu.memory_space<vmem>>, vector<16xf32>,
      tpu.vector_store_idx %arg7[%add3A_388], %get3A_392 {add = true} : memref<80000xf32, #tpu.memory_space<vmem>>[vector<16xi32>], vector<16xf32>,
      %add3A_393 = arith.constant 6 : i32
      %add3A_394 = vector.broadcast %add3A_393 : i32 to vector<16xi32>
      %add3A_395 = arith.addi %shift_left3A_350, %add3A_394 : vector<16xi32>
      %get3A_396 = arith.constant 6 : i32
      %get3A_397 = arith.index_cast %get3A_396 : i32 to index
      %get3A_398 = arith.constant 80 : index
      %get3A_399 = tpu.vector_load %arg6[%get3A_397, %get3A_398] {strides = array<i32>} : memref<8x128xf32, #tpu.memory_space<vmem>>, vector<16xf32>,
      tpu.vector_store_idx %arg7[%add3A_395], %get3A_399 {add = true} : memref<80000xf32, #tpu.memory_space<vmem>>[vector<16xi32>], vector<16xf32>,
      %add3A_400 = arith.constant 7 : i32
      %add3A_401 = vector.broadcast %add3A_400 : i32 to vector<16xi32>
      %add3A_402 = arith.addi %shift_left3A_350, %add3A_401 : vector<16xi32>
      %get3A_403 = arith.constant 7 : i32
      %get3A_404 = arith.index_cast %get3A_403 : i32 to index
      %get3A_405 = arith.constant 80 : index
      %get3A_406 = tpu.vector_load %arg6[%get3A_404, %get3A_405] {strides = array<i32>} : memref<8x128xf32, #tpu.memory_space<vmem>>, vector<16xf32>,
      tpu.vector_store_idx %arg7[%add3A_402], %get3A_406 {add = true} : memref<80000xf32, #tpu.memory_space<vmem>>[vector<16xi32>], vector<16xf32>,
      %get3A_407 = arith.constant 96 : index
      %get3A_408 = tpu.vector_load %arg5[%get3A_407] {strides = array<i32>} : memref<128xi32, #tpu.memory_space<vmem>>, vector<16xi32>,
      %shift_left3A_409 = arith.constant 3 : i32
      %shift_left3A_410 = vector.broadcast %shift_left3A_409 : i32 to vector<16xi32>
      %shift_left3A_411 = arith.shli %get3A_408, %shift_left3A_410 : vector<16xi32>
      %add3A_412 = arith.constant 0 : i32
      %add3A_413 = vector.broadcast %add3A_412 : i32 to vector<16xi32>
      %add3A_414 = arith.addi %shift_left3A_411, %add3A_413 : vector<16xi32>
      %get3A_415 = arith.constant 0 : i32
      %get3A_416 = arith.index_cast %get3A_415 : i32 to index
      %get3A_417 = arith.constant 96 : index
      %get3A_418 = tpu.vector_load %arg6[%get3A_416, %get3A_417] {strides = array<i32>} : memref<8x128xf32, #tpu.memory_space<vmem>>, vector<16xf32>,
      tpu.vector_store_idx %arg7[%add3A_414], %get3A_418 {add = true} : memref<80000xf32, #tpu.memory_space<vmem>>[vector<16xi32>], vector<16xf32>,
      %add3A_419 = arith.constant 1 : i32
      %add3A_420 = vector.broadcast %add3A_419 : i32 to vector<16xi32>
      %add3A_421 = arith.addi %shift_left3A_411, %add3A_420 : vector<16xi32>
      %get3A_422 = arith.constant 1 : i32
      %get3A_423 = arith.index_cast %get3A_422 : i32 to index
      %get3A_424 = arith.constant 96 : index
      %get3A_425 = tpu.vector_load %arg6[%get3A_423, %get3A_424] {strides = array<i32>} : memref<8x128xf32, #tpu.memory_space<vmem>>, vector<16xf32>,
      tpu.vector_store_idx %arg7[%add3A_421], %get3A_425 {add = true} : memref<80000xf32, #tpu.memory_space<vmem>>[vector<16xi32>], vector<16xf32>,
      %add3A_426 = arith.constant 2 : i32
      %add3A_427 = vector.broadcast %add3A_426 : i32 to vector<16xi32>
      %add3A_428 = arith.addi %shift_left3A_411, %add3A_427 : vector<16xi32>
      %get3A_429 = arith.constant 2 : i32
      %get3A_430 = arith.index_cast %get3A_429 : i32 to index
      %get3A_431 = arith.constant 96 : index
      %get3A_432 = tpu.vector_load %arg6[%get3A_430, %get3A_431] {strides = array<i32>} : memref<8x128xf32, #tpu.memory_space<vmem>>, vector<16xf32>,
      tpu.vector_store_idx %arg7[%add3A_428], %get3A_432 {add = true} : memref<80000xf32, #tpu.memory_space<vmem>>[vector<16xi32>], vector<16xf32>,
      %add3A_433 = arith.constant 3 : i32
      %add3A_434 = vector.broadcast %add3A_433 : i32 to vector<16xi32>
      %add3A_435 = arith.addi %shift_left3A_411, %add3A_434 : vector<16xi32>
      %get3A_436 = arith.constant 3 : i32
      %get3A_437 = arith.index_cast %get3A_436 : i32 to index
      %get3A_438 = arith.constant 96 : index
      %get3A_439 = tpu.vector_load %arg6[%get3A_437, %get3A_438] {strides = array<i32>} : memref<8x128xf32, #tpu.memory_space<vmem>>, vector<16xf32>,
      tpu.vector_store_idx %arg7[%add3A_435], %get3A_439 {add = true} : memref<80000xf32, #tpu.memory_space<vmem>>[vector<16xi32>], vector<16xf32>,
      %add3A_440 = arith.constant 4 : i32
      %add3A_441 = vector.broadcast %add3A_440 : i32 to vector<16xi32>
      %add3A_442 = arith.addi %shift_left3A_411, %add3A_441 : vector<16xi32>
      %get3A_443 = arith.constant 4 : i32
      %get3A_444 = arith.index_cast %get3A_443 : i32 to index
      %get3A_445 = arith.constant 96 : index
      %get3A_446 = tpu.vector_load %arg6[%get3A_444, %get3A_445] {strides = array<i32>} : memref<8x128xf32, #tpu.memory_space<vmem>>, vector<16xf32>,
      tpu.vector_store_idx %arg7[%add3A_442], %get3A_446 {add = true} : memref<80000xf32, #tpu.memory_space<vmem>>[vector<16xi32>], vector<16xf32>,
      %add3A_447 = arith.constant 5 : i32
      %add3A_448 = vector.broadcast %add3A_447 : i32 to vector<16xi32>
      %add3A_449 = arith.addi %shift_left3A_411, %add3A_448 : vector<16xi32>
      %get3A_450 = arith.constant 5 : i32
      %get3A_451 = arith.index_cast %get3A_450 : i32 to index
      %get3A_452 = arith.constant 96 : index
      %get3A_453 = tpu.vector_load %arg6[%get3A_451, %get3A_452] {strides = array<i32>} : memref<8x128xf32, #tpu.memory_space<vmem>>, vector<16xf32>,
      tpu.vector_store_idx %arg7[%add3A_449], %get3A_453 {add = true} : memref<80000xf32, #tpu.memory_space<vmem>>[vector<16xi32>], vector<16xf32>,
      %add3A_454 = arith.constant 6 : i32
      %add3A_455 = vector.broadcast %add3A_454 : i32 to vector<16xi32>
      %add3A_456 = arith.addi %shift_left3A_411, %add3A_455 : vector<16xi32>
      %get3A_457 = arith.constant 6 : i32
      %get3A_458 = arith.index_cast %get3A_457 : i32 to index
      %get3A_459 = arith.constant 96 : index
      %get3A_460 = tpu.vector_load %arg6[%get3A_458, %get3A_459] {strides = array<i32>} : memref<8x128xf32, #tpu.memory_space<vmem>>, vector<16xf32>,
      tpu.vector_store_idx %arg7[%add3A_456], %get3A_460 {add = true} : memref<80000xf32, #tpu.memory_space<vmem>>[vector<16xi32>], vector<16xf32>,
      %add3A_461 = arith.constant 7 : i32
      %add3A_462 = vector.broadcast %add3A_461 : i32 to vector<16xi32>
      %add3A_463 = arith.addi %shift_left3A_411, %add3A_462 : vector<16xi32>
      %get3A_464 = arith.constant 7 : i32
      %get3A_465 = arith.index_cast %get3A_464 : i32 to index
      %get3A_466 = arith.constant 96 : index
      %get3A_467 = tpu.vector_load %arg6[%get3A_465, %get3A_466] {strides = array<i32>} : memref<8x128xf32, #tpu.memory_space<vmem>>, vector<16xf32>,
      tpu.vector_store_idx %arg7[%add3A_463], %get3A_467 {add = true} : memref<80000xf32, #tpu.memory_space<vmem>>[vector<16xi32>], vector<16xf32>,
      %get3A_468 = arith.constant 112 : index
      %get3A_469 = tpu.vector_load %arg5[%get3A_468] {strides = array<i32>} : memref<128xi32, #tpu.memory_space<vmem>>, vector<16xi32>,
      %shift_left3A_470 = arith.constant 3 : i32
      %shift_left3A_471 = vector.broadcast %shift_left3A_470 : i32 to vector<16xi32>
      %shift_left3A_472 = arith.shli %get3A_469, %shift_left3A_471 : vector<16xi32>
      %add3A_473 = arith.constant 0 : i32
      %add3A_474 = vector.broadcast %add3A_473 : i32 to vector<16xi32>
      %add3A_475 = arith.addi %shift_left3A_472, %add3A_474 : vector<16xi32>
      %get3A_476 = arith.constant 0 : i32
      %get3A_477 = arith.index_cast %get3A_476 : i32 to index
      %get3A_478 = arith.constant 112 : index
      %get3A_479 = tpu.vector_load %arg6[%get3A_477, %get3A_478] {strides = array<i32>} : memref<8x128xf32, #tpu.memory_space<vmem>>, vector<16xf32>,
      tpu.vector_store_idx %arg7[%add3A_475], %get3A_479 {add = true} : memref<80000xf32, #tpu.memory_space<vmem>>[vector<16xi32>], vector<16xf32>,
      %add3A_480 = arith.constant 1 : i32
      %add3A_481 = vector.broadcast %add3A_480 : i32 to vector<16xi32>
      %add3A_482 = arith.addi %shift_left3A_472, %add3A_481 : vector<16xi32>
      %get3A_483 = arith.constant 1 : i32
      %get3A_484 = arith.index_cast %get3A_483 : i32 to index
      %get3A_485 = arith.constant 112 : index
      %get3A_486 = tpu.vector_load %arg6[%get3A_484, %get3A_485] {strides = array<i32>} : memref<8x128xf32, #tpu.memory_space<vmem>>, vector<16xf32>,
      tpu.vector_store_idx %arg7[%add3A_482], %get3A_486 {add = true} : memref<80000xf32, #tpu.memory_space<vmem>>[vector<16xi32>], vector<16xf32>,
      %add3A_487 = arith.constant 2 : i32
      %add3A_488 = vector.broadcast %add3A_487 : i32 to vector<16xi32>
      %add3A_489 = arith.addi %shift_left3A_472, %add3A_488 : vector<16xi32>
      %get3A_490 = arith.constant 2 : i32
      %get3A_491 = arith.index_cast %get3A_490 : i32 to index
      %get3A_492 = arith.constant 112 : index
      %get3A_493 = tpu.vector_load %arg6[%get3A_491, %get3A_492] {strides = array<i32>} : memref<8x128xf32, #tpu.memory_space<vmem>>, vector<16xf32>,
      tpu.vector_store_idx %arg7[%add3A_489], %get3A_493 {add = true} : memref<80000xf32, #tpu.memory_space<vmem>>[vector<16xi32>], vector<16xf32>,
      %add3A_494 = arith.constant 3 : i32
      %add3A_495 = vector.broadcast %add3A_494 : i32 to vector<16xi32>
      %add3A_496 = arith.addi %shift_left3A_472, %add3A_495 : vector<16xi32>
      %get3A_497 = arith.constant 3 : i32
      %get3A_498 = arith.index_cast %get3A_497 : i32 to index
      %get3A_499 = arith.constant 112 : index
      %get3A_500 = tpu.vector_load %arg6[%get3A_498, %get3A_499] {strides = array<i32>} : memref<8x128xf32, #tpu.memory_space<vmem>>, vector<16xf32>,
      tpu.vector_store_idx %arg7[%add3A_496], %get3A_500 {add = true} : memref<80000xf32, #tpu.memory_space<vmem>>[vector<16xi32>], vector<16xf32>,
      %add3A_501 = arith.constant 4 : i32
      %add3A_502 = vector.broadcast %add3A_501 : i32 to vector<16xi32>
      %add3A_503 = arith.addi %shift_left3A_472, %add3A_502 : vector<16xi32>
      %get3A_504 = arith.constant 4 : i32
      %get3A_505 = arith.index_cast %get3A_504 : i32 to index
      %get3A_506 = arith.constant 112 : index
      %get3A_507 = tpu.vector_load %arg6[%get3A_505, %get3A_506] {strides = array<i32>} : memref<8x128xf32, #tpu.memory_space<vmem>>, vector<16xf32>,
      tpu.vector_store_idx %arg7[%add3A_503], %get3A_507 {add = true} : memref<80000xf32, #tpu.memory_space<vmem>>[vector<16xi32>], vector<16xf32>,
      %add3A_508 = arith.constant 5 : i32
      %add3A_509 = vector.broadcast %add3A_508 : i32 to vector<16xi32>
      %add3A_510 = arith.addi %shift_left3A_472, %add3A_509 : vector<16xi32>
      %get3A_511 = arith.constant 5 : i32
      %get3A_512 = arith.index_cast %get3A_511 : i32 to index
      %get3A_513 = arith.constant 112 : index
      %get3A_514 = tpu.vector_load %arg6[%get3A_512, %get3A_513] {strides = array<i32>} : memref<8x128xf32, #tpu.memory_space<vmem>>, vector<16xf32>,
      tpu.vector_store_idx %arg7[%add3A_510], %get3A_514 {add = true} : memref<80000xf32, #tpu.memory_space<vmem>>[vector<16xi32>], vector<16xf32>,
      %add3A_515 = arith.constant 6 : i32
      %add3A_516 = vector.broadcast %add3A_515 : i32 to vector<16xi32>
      %add3A_517 = arith.addi %shift_left3A_472, %add3A_516 : vector<16xi32>
      %get3A_518 = arith.constant 6 : i32
      %get3A_519 = arith.index_cast %get3A_518 : i32 to index
      %get3A_520 = arith.constant 112 : index
      %get3A_521 = tpu.vector_load %arg6[%get3A_519, %get3A_520] {strides = array<i32>} : memref<8x128xf32, #tpu.memory_space<vmem>>, vector<16xf32>,
      tpu.vector_store_idx %arg7[%add3A_517], %get3A_521 {add = true} : memref<80000xf32, #tpu.memory_space<vmem>>[vector<16xi32>], vector<16xf32>,
      %add3A_522 = arith.constant 7 : i32
      %add3A_523 = vector.broadcast %add3A_522 : i32 to vector<16xi32>
      %add3A_524 = arith.addi %shift_left3A_472, %add3A_523 : vector<16xi32>
      %get3A_525 = arith.constant 7 : i32
      %get3A_526 = arith.index_cast %get3A_525 : i32 to index
      %get3A_527 = arith.constant 112 : index
      %get3A_528 = tpu.vector_load %arg6[%get3A_526, %get3A_527] {strides = array<i32>} : memref<8x128xf32, #tpu.memory_space<vmem>>, vector<16xf32>,
      tpu.vector_store_idx %arg7[%add3A_524], %get3A_528 {add = true} : memref<80000xf32, #tpu.memory_space<vmem>>[vector<16xi32>], vector<16xf32>,
    }
    "tpu.region"() ({
      %run_scoped3A = tpu.sem_alloc : memref<!tpu.dma_semaphore, #tpu.memory_space<semaphore_mem>>
      %dma_start3A = arith.constant 0 : i32
      %dma_start3A_37 = tpu.memref_slice %arg4[%add3A, %dma_start3A] : memref<32x80000xf32, #tpu.memory_space<hbm>> -> memref<1x80000xf32, #tpu.memory_space<hbm>>
      %dma_start3A_38 = tpu.memref_squeeze %dma_start3A_37 : memref<1x80000xf32, #tpu.memory_space<hbm>> -> memref<80000xf32, #tpu.memory_space<hbm>>
      %dma_start3A_39 = arith.constant 0 : i32
      %dma_start3A_40 = tpu.memref_slice %arg4[%add3A, %dma_start3A_39] : memref<32x80000xf32, #tpu.memory_space<hbm>> -> memref<1x80000xf32, #tpu.memory_space<hbm>>
      %dma_start3A_41 = tpu.memref_squeeze %dma_start3A_40 : memref<1x80000xf32, #tpu.memory_space<hbm>> -> memref<80000xf32, #tpu.memory_space<hbm>>
      tpu.enqueue_dma source(%arg7 : memref<80000xf32, #tpu.memory_space<vmem>>) target(%dma_start3A_41 : memref<80000xf32, #tpu.memory_space<hbm>>) target_semaphore(%run_scoped3A : memref<!tpu.dma_semaphore, #tpu.memory_space<semaphore_mem>>)
      %dma_wait3A = arith.constant 0 : i32
      %dma_wait3A_42 = tpu.memref_slice %arg4[%add3A, %dma_wait3A] : memref<32x80000xf32, #tpu.memory_space<hbm>> -> memref<1x80000xf32, #tpu.memory_space<hbm>>
      %dma_wait3A_43 = tpu.memref_squeeze %dma_wait3A_42 : memref<1x80000xf32, #tpu.memory_space<hbm>> -> memref<80000xf32, #tpu.memory_space<hbm>>
      %dma_wait3A_44 = arith.constant 0 : i32
      %dma_wait3A_45 = tpu.memref_slice %arg4[%add3A, %dma_wait3A_44] : memref<32x80000xf32, #tpu.memory_space<hbm>> -> memref<1x80000xf32, #tpu.memory_space<hbm>>
      %dma_wait3A_46 = tpu.memref_squeeze %dma_wait3A_45 : memref<1x80000xf32, #tpu.memory_space<hbm>> -> memref<80000xf32, #tpu.memory_space<hbm>>
      tpu.wait_dma2 semaphore(%run_scoped3A : memref<!tpu.dma_semaphore, #tpu.memory_space<semaphore_mem>>) src(%arg7 : memref<80000xf32, #tpu.memory_space<vmem>>) dst(%dma_wait3A_46 : memref<80000xf32, #tpu.memory_space<hbm>>)
      tpu.yield
    }) : () -> ()
    return
  }
}

#map = affine_map<(d0, d1) -> (0)>
#map1 = affine_map<(d0, d1) -> (0, 0)>
module attributes {stable_mosaic.version = 14 : i64} {
  func.func @_sc_gather_body(%arg0: i32, %arg1: i32, %arg2: memref<320000xi32, #tpu.memory_space<hbm>>, %arg3: memref<320000xi32, #tpu.memory_space<hbm>>, %arg4: memref<10000x128xf32, #tpu.memory_space<hbm>>, %arg5: memref<10000x128xf32, #tpu.memory_space<hbm>>, %arg6: memref<320000x128xf32, #tpu.memory_space<hbm>>, %arg7: memref<320000x128xf32, #tpu.memory_space<hbm>>, %arg8: memref<128xi32, #tpu.memory_space<vmem>>, %arg9: memref<128xi32, #tpu.memory_space<vmem>>, %arg10: memref<128x128xf32, #tpu.memory_space<vmem>>, %arg11: memref<128x128xf32, #tpu.memory_space<vmem>>, %arg12: memref<128x128xf32, #tpu.memory_space<vmem>>, %arg13: memref<!tpu.dma_semaphore, #tpu.memory_space<semaphore_mem>>, %arg14: memref<!tpu.dma_semaphore, #tpu.memory_space<semaphore_mem>>, %arg15: memref<!tpu.dma_semaphore, #tpu.memory_space<semaphore_mem>>, %arg16: memref<!tpu.dma_semaphore, #tpu.memory_space<semaphore_mem>>, %arg17: memref<!tpu.dma_semaphore, #tpu.memory_space<semaphore_mem>>, %arg18: memref<!tpu.dma_semaphore, #tpu.memory_space<semaphore_mem>>, %arg19: memref<!tpu.dma_semaphore, #tpu.memory_space<semaphore_mem>>) attributes {dimension_semantics = [#tpu.dimension_semantics<core_parallel>, #tpu.dimension_semantics<subcore_parallel>], iteration_bounds = array<i64: 2, 16>, scalar_prefetch = 0 : i64, scratch_operands = 12 : i64, tpu.core_type = #tpu.core_type<sc_vector_subcore>, window_params = [{transform_indices = #map}, {transform_indices = #map}, {transform_indices = #map1}, {transform_indices = #map1}, {transform_indices = #map1}, {transform_indices = #map1}]} {
    %mul3A = arith.constant 2 : i32
    %mul3A_0 = arith.muli %arg1, %mul3A : i32
    %add3A = arith.addi %mul3A_0, %arg0 : i32
    %sub3A = arith.constant 2500 : i32
    %sub3A_1 = arith.subi %sub3A, %add3A : i32
    %add3A_2 = arith.constant 32 : i32
    %add3A_3 = arith.addi %sub3A_1, %add3A_2 : i32
    %sub3A_4 = arith.constant 1 : i32
    %sub3A_5 = arith.subi %add3A_3, %sub3A_4 : i32
    %jit3A = arith.constant 32 : i32
    %div3A = arith.divsi %sub3A_5, %jit3A : i32
    %sign3A = arith.constant 0 : i32
    %sign3A_6 = arith.cmpi sgt, %sub3A_5, %sign3A : i32
    %sign3A_7 = arith.extui %sign3A_6 : i1 to i32
    %sign3A_8 = arith.constant 0 : i32
    %sign3A_9 = arith.cmpi slt, %sub3A_5, %sign3A_8 : i32
    %sign3A_10 = arith.extui %sign3A_9 : i1 to i32
    %sign3A_11 = arith.subi %sign3A_7, %sign3A_10 : i32
    %sign3A_12 = arith.constant 0 : i32
    %sign3A_13 = arith.cmpi sgt, %jit3A, %sign3A_12 : i32
    %sign3A_14 = arith.extui %sign3A_13 : i1 to i32
    %sign3A_15 = arith.constant 0 : i32
    %sign3A_16 = arith.cmpi slt, %jit3A, %sign3A_15 : i32
    %sign3A_17 = arith.extui %sign3A_16 : i1 to i32
    %sign3A_18 = arith.subi %sign3A_14, %sign3A_17 : i32
    %ne3A = arith.cmpi ne, %sign3A_11, %sign3A_18 : i32
    %rem3A = arith.remsi %sub3A_5, %jit3A : i32
    %ne3A_19 = arith.constant 0 : i32
    %ne3A_20 = arith.cmpi ne, %rem3A, %ne3A_19 : i32
    %and3A = arith.andi %ne3A, %ne3A_20 : i1
    %sub3A_21 = arith.constant 1 : i32
    %sub3A_22 = arith.subi %div3A, %sub3A_21 : i32
    %select_n3A = arith.select %and3A, %sub3A_22, %div3A : i32
    %while3A = arith.constant 0 : i32
    %while3A_23 = arith.constant 0 : i32
    %while3A_24 = arith.subi %select_n3A, %while3A_23 : i32
    %while3A_25 = arith.addi %while3A_23, %while3A_24 : i32
    %while3A_26 = arith.constant 1 : i32
    %while3A_27 = arith.divsi %while3A_24, %while3A_26 : i32
    %while3A_28 = arith.muli %while3A_27, %while3A_26 : i32
    %while3A_29 = arith.addi %while3A_23, %while3A_28 : i32
    %while3A_30 = arith.constant 1 : i32
    scf.for %while3A_32 = %while3A_23 to %while3A_29 step %while3A_30  : i32 {
      %mul3A_33 = arith.constant 32 : i32
      %mul3A_34 = arith.muli %mul3A_33, %while3A_32 : i32
      %add3A_35 = arith.addi %add3A, %mul3A_34 : i32
      %mul3A_36 = arith.constant 128 : i32
      %mul3A_37 = arith.muli %add3A_35, %mul3A_36 : i32
      %dma_start3A = tpu.memref_slice %arg2[%mul3A_37] : memref<320000xi32, #tpu.memory_space<hbm>> -> memref<128xi32, #tpu.memory_space<hbm>>
      %dma_start3A_38 = tpu.memref_slice %arg2[%mul3A_37] : memref<320000xi32, #tpu.memory_space<hbm>> -> memref<128xi32, #tpu.memory_space<hbm>>
      tpu.enqueue_dma source(%dma_start3A_38 : memref<128xi32, #tpu.memory_space<hbm>>) target(%arg8 : memref<128xi32, #tpu.memory_space<vmem>>) target_semaphore(%arg13 : memref<!tpu.dma_semaphore, #tpu.memory_space<semaphore_mem>>)
      %dma_start3A_39 = tpu.memref_slice %arg3[%mul3A_37] : memref<320000xi32, #tpu.memory_space<hbm>> -> memref<128xi32, #tpu.memory_space<hbm>>
      %dma_start3A_40 = tpu.memref_slice %arg3[%mul3A_37] : memref<320000xi32, #tpu.memory_space<hbm>> -> memref<128xi32, #tpu.memory_space<hbm>>
      tpu.enqueue_dma source(%dma_start3A_40 : memref<128xi32, #tpu.memory_space<hbm>>) target(%arg9 : memref<128xi32, #tpu.memory_space<vmem>>) target_semaphore(%arg14 : memref<!tpu.dma_semaphore, #tpu.memory_space<semaphore_mem>>)
      %dma_wait3A = tpu.memref_slice %arg2[%mul3A_37] : memref<320000xi32, #tpu.memory_space<hbm>> -> memref<128xi32, #tpu.memory_space<hbm>>
      %dma_wait3A_41 = tpu.memref_slice %arg2[%mul3A_37] : memref<320000xi32, #tpu.memory_space<hbm>> -> memref<128xi32, #tpu.memory_space<hbm>>
      tpu.wait_dma2 semaphore(%arg13 : memref<!tpu.dma_semaphore, #tpu.memory_space<semaphore_mem>>) src(%dma_wait3A_41 : memref<128xi32, #tpu.memory_space<hbm>>) dst(%arg8 : memref<128xi32, #tpu.memory_space<vmem>>)
      %dma_start3A_42 = arith.constant 0 : i32
      %dma_start3A_43 = arith.constant 0 : i32
      %dma_start3A_44 = tpu.memref_slice %arg4[%dma_start3A_42, %dma_start3A_43] : memref<10000x128xf32, #tpu.memory_space<hbm>> -> memref<10000x128xf32, #tpu.memory_space<hbm>>
      tpu.enqueue_indirect_dma source(%dma_start3A_44 : memref<10000x128xf32, #tpu.memory_space<hbm>>) target(%arg10 : memref<128x128xf32, #tpu.memory_space<vmem>>) offsets(%arg8 : memref<128xi32, #tpu.memory_space<vmem>>) semaphore(%arg15 : memref<!tpu.dma_semaphore, #tpu.memory_space<semaphore_mem>>)
      %dma_wait3A_45 = tpu.memref_slice %arg3[%mul3A_37] : memref<320000xi32, #tpu.memory_space<hbm>> -> memref<128xi32, #tpu.memory_space<hbm>>
      %dma_wait3A_46 = tpu.memref_slice %arg3[%mul3A_37] : memref<320000xi32, #tpu.memory_space<hbm>> -> memref<128xi32, #tpu.memory_space<hbm>>
      tpu.wait_dma2 semaphore(%arg14 : memref<!tpu.dma_semaphore, #tpu.memory_space<semaphore_mem>>) src(%dma_wait3A_46 : memref<128xi32, #tpu.memory_space<hbm>>) dst(%arg9 : memref<128xi32, #tpu.memory_space<vmem>>)
      %dma_start3A_47 = arith.constant 0 : i32
      %dma_start3A_48 = arith.constant 0 : i32
      %dma_start3A_49 = tpu.memref_slice %arg4[%dma_start3A_47, %dma_start3A_48] : memref<10000x128xf32, #tpu.memory_space<hbm>> -> memref<10000x128xf32, #tpu.memory_space<hbm>>
      tpu.enqueue_indirect_dma source(%dma_start3A_49 : memref<10000x128xf32, #tpu.memory_space<hbm>>) target(%arg11 : memref<128x128xf32, #tpu.memory_space<vmem>>) offsets(%arg9 : memref<128xi32, #tpu.memory_space<vmem>>) semaphore(%arg16 : memref<!tpu.dma_semaphore, #tpu.memory_space<semaphore_mem>>)
      %dma_start3A_50 = arith.constant 0 : i32
      %dma_start3A_51 = arith.constant 0 : i32
      %dma_start3A_52 = tpu.memref_slice %arg5[%dma_start3A_50, %dma_start3A_51] : memref<10000x128xf32, #tpu.memory_space<hbm>> -> memref<10000x128xf32, #tpu.memory_space<hbm>>
      tpu.enqueue_indirect_dma source(%dma_start3A_52 : memref<10000x128xf32, #tpu.memory_space<hbm>>) target(%arg12 : memref<128x128xf32, #tpu.memory_space<vmem>>) offsets(%arg9 : memref<128xi32, #tpu.memory_space<vmem>>) semaphore(%arg17 : memref<!tpu.dma_semaphore, #tpu.memory_space<semaphore_mem>>)
      %dma_wait3A_53 = arith.constant 0 : i32
      %dma_wait3A_54 = arith.constant 0 : i32
      %dma_wait3A_55 = tpu.memref_slice %arg4[%dma_wait3A_53, %dma_wait3A_54] : memref<10000x128xf32, #tpu.memory_space<hbm>> -> memref<10000x128xf32, #tpu.memory_space<hbm>>
      tpu.wait_indirect_dma semaphore(%arg15 : memref<!tpu.dma_semaphore, #tpu.memory_space<semaphore_mem>>) src(%dma_wait3A_55 : memref<10000x128xf32, #tpu.memory_space<hbm>>) dst(%arg10 : memref<128x128xf32, #tpu.memory_space<vmem>>)
      %dma_wait3A_56 = arith.constant 0 : i32
      %dma_wait3A_57 = arith.constant 0 : i32
      %dma_wait3A_58 = tpu.memref_slice %arg4[%dma_wait3A_56, %dma_wait3A_57] : memref<10000x128xf32, #tpu.memory_space<hbm>> -> memref<10000x128xf32, #tpu.memory_space<hbm>>
      tpu.wait_indirect_dma semaphore(%arg16 : memref<!tpu.dma_semaphore, #tpu.memory_space<semaphore_mem>>) src(%dma_wait3A_58 : memref<10000x128xf32, #tpu.memory_space<hbm>>) dst(%arg11 : memref<128x128xf32, #tpu.memory_space<vmem>>)
      %scan3A = arith.constant 0 : i32
      %scan3A_59 = arith.constant 0 : i32
      %scan3A_60 = arith.constant 128 : i32
      %scan3A_61 = arith.addi %scan3A_59, %scan3A_60 : i32
      %scan3A_62 = arith.constant 1 : i32
      scf.for %scan3A_83 = %scan3A_59 to %scan3A_61 step %scan3A_62  : i32 {
        %get3A = arith.index_cast %scan3A_83 : i32 to index
        %get3A_84 = arith.constant 0 : index
        %get3A_85 = tpu.vector_load %arg10[%get3A, %get3A_84] {strides = array<i32>} : memref<128x128xf32, #tpu.memory_space<vmem>>, vector<1x16xf32>,
        %get3A_86 = vector.shape_cast %get3A_85 : vector<1x16xf32> to vector<16xf32>
        %get3A_87 = arith.index_cast %scan3A_83 : i32 to index
        %get3A_88 = arith.constant 0 : index
        %get3A_89 = tpu.vector_load %arg11[%get3A_87, %get3A_88] {strides = array<i32>} : memref<128x128xf32, #tpu.memory_space<vmem>>, vector<1x16xf32>,
        %get3A_90 = vector.shape_cast %get3A_89 : vector<1x16xf32> to vector<16xf32>
        %mul3A_91 = arith.mulf %get3A_86, %get3A_90 : vector<16xf32>
        %swap3A = arith.index_cast %scan3A_83 : i32 to index
        %swap3A_92 = arith.constant 0 : index
        %swap3A_93 = tpu.vector_load %arg10[%swap3A, %swap3A_92] {strides = array<i32>} : memref<128x128xf32, #tpu.memory_space<vmem>>, vector<1x16xf32>,
        %swap3A_94 = vector.shape_cast %swap3A_93 : vector<1x16xf32> to vector<16xf32>
        %swap3A_95 = vector.shape_cast %mul3A_91 : vector<16xf32> to vector<1x16xf32>
        tpu.vector_store %arg10[%swap3A, %swap3A_92], %swap3A_95 {strides = array<i32>} : memref<128x128xf32, #tpu.memory_space<vmem>>, vector<1x16xf32>,
        %get3A_96 = arith.index_cast %scan3A_83 : i32 to index
        %get3A_97 = arith.constant 16 : index
        %get3A_98 = tpu.vector_load %arg10[%get3A_96, %get3A_97] {strides = array<i32>} : memref<128x128xf32, #tpu.memory_space<vmem>>, vector<1x16xf32>,
        %get3A_99 = vector.shape_cast %get3A_98 : vector<1x16xf32> to vector<16xf32>
        %get3A_100 = arith.index_cast %scan3A_83 : i32 to index
        %get3A_101 = arith.constant 16 : index
        %get3A_102 = tpu.vector_load %arg11[%get3A_100, %get3A_101] {strides = array<i32>} : memref<128x128xf32, #tpu.memory_space<vmem>>, vector<1x16xf32>,
        %get3A_103 = vector.shape_cast %get3A_102 : vector<1x16xf32> to vector<16xf32>
        %mul3A_104 = arith.mulf %get3A_99, %get3A_103 : vector<16xf32>
        %swap3A_105 = arith.index_cast %scan3A_83 : i32 to index
        %swap3A_106 = arith.constant 16 : index
        %swap3A_107 = tpu.vector_load %arg10[%swap3A_105, %swap3A_106] {strides = array<i32>} : memref<128x128xf32, #tpu.memory_space<vmem>>, vector<1x16xf32>,
        %swap3A_108 = vector.shape_cast %swap3A_107 : vector<1x16xf32> to vector<16xf32>
        %swap3A_109 = vector.shape_cast %mul3A_104 : vector<16xf32> to vector<1x16xf32>
        tpu.vector_store %arg10[%swap3A_105, %swap3A_106], %swap3A_109 {strides = array<i32>} : memref<128x128xf32, #tpu.memory_space<vmem>>, vector<1x16xf32>,
        %get3A_110 = arith.index_cast %scan3A_83 : i32 to index
        %get3A_111 = arith.constant 32 : index
        %get3A_112 = tpu.vector_load %arg10[%get3A_110, %get3A_111] {strides = array<i32>} : memref<128x128xf32, #tpu.memory_space<vmem>>, vector<1x16xf32>,
        %get3A_113 = vector.shape_cast %get3A_112 : vector<1x16xf32> to vector<16xf32>
        %get3A_114 = arith.index_cast %scan3A_83 : i32 to index
        %get3A_115 = arith.constant 32 : index
        %get3A_116 = tpu.vector_load %arg11[%get3A_114, %get3A_115] {strides = array<i32>} : memref<128x128xf32, #tpu.memory_space<vmem>>, vector<1x16xf32>,
        %get3A_117 = vector.shape_cast %get3A_116 : vector<1x16xf32> to vector<16xf32>
        %mul3A_118 = arith.mulf %get3A_113, %get3A_117 : vector<16xf32>
        %swap3A_119 = arith.index_cast %scan3A_83 : i32 to index
        %swap3A_120 = arith.constant 32 : index
        %swap3A_121 = tpu.vector_load %arg10[%swap3A_119, %swap3A_120] {strides = array<i32>} : memref<128x128xf32, #tpu.memory_space<vmem>>, vector<1x16xf32>,
        %swap3A_122 = vector.shape_cast %swap3A_121 : vector<1x16xf32> to vector<16xf32>
        %swap3A_123 = vector.shape_cast %mul3A_118 : vector<16xf32> to vector<1x16xf32>
        tpu.vector_store %arg10[%swap3A_119, %swap3A_120], %swap3A_123 {strides = array<i32>} : memref<128x128xf32, #tpu.memory_space<vmem>>, vector<1x16xf32>,
        %get3A_124 = arith.index_cast %scan3A_83 : i32 to index
        %get3A_125 = arith.constant 48 : index
        %get3A_126 = tpu.vector_load %arg10[%get3A_124, %get3A_125] {strides = array<i32>} : memref<128x128xf32, #tpu.memory_space<vmem>>, vector<1x16xf32>,
        %get3A_127 = vector.shape_cast %get3A_126 : vector<1x16xf32> to vector<16xf32>
        %get3A_128 = arith.index_cast %scan3A_83 : i32 to index
        %get3A_129 = arith.constant 48 : index
        %get3A_130 = tpu.vector_load %arg11[%get3A_128, %get3A_129] {strides = array<i32>} : memref<128x128xf32, #tpu.memory_space<vmem>>, vector<1x16xf32>,
        %get3A_131 = vector.shape_cast %get3A_130 : vector<1x16xf32> to vector<16xf32>
        %mul3A_132 = arith.mulf %get3A_127, %get3A_131 : vector<16xf32>
        %swap3A_133 = arith.index_cast %scan3A_83 : i32 to index
        %swap3A_134 = arith.constant 48 : index
        %swap3A_135 = tpu.vector_load %arg10[%swap3A_133, %swap3A_134] {strides = array<i32>} : memref<128x128xf32, #tpu.memory_space<vmem>>, vector<1x16xf32>,
        %swap3A_136 = vector.shape_cast %swap3A_135 : vector<1x16xf32> to vector<16xf32>
        %swap3A_137 = vector.shape_cast %mul3A_132 : vector<16xf32> to vector<1x16xf32>
        tpu.vector_store %arg10[%swap3A_133, %swap3A_134], %swap3A_137 {strides = array<i32>} : memref<128x128xf32, #tpu.memory_space<vmem>>, vector<1x16xf32>,
        %get3A_138 = arith.index_cast %scan3A_83 : i32 to index
        %get3A_139 = arith.constant 64 : index
        %get3A_140 = tpu.vector_load %arg10[%get3A_138, %get3A_139] {strides = array<i32>} : memref<128x128xf32, #tpu.memory_space<vmem>>, vector<1x16xf32>,
        %get3A_141 = vector.shape_cast %get3A_140 : vector<1x16xf32> to vector<16xf32>
        %get3A_142 = arith.index_cast %scan3A_83 : i32 to index
        %get3A_143 = arith.constant 64 : index
        %get3A_144 = tpu.vector_load %arg11[%get3A_142, %get3A_143] {strides = array<i32>} : memref<128x128xf32, #tpu.memory_space<vmem>>, vector<1x16xf32>,
        %get3A_145 = vector.shape_cast %get3A_144 : vector<1x16xf32> to vector<16xf32>
        %mul3A_146 = arith.mulf %get3A_141, %get3A_145 : vector<16xf32>
        %swap3A_147 = arith.index_cast %scan3A_83 : i32 to index
        %swap3A_148 = arith.constant 64 : index
        %swap3A_149 = tpu.vector_load %arg10[%swap3A_147, %swap3A_148] {strides = array<i32>} : memref<128x128xf32, #tpu.memory_space<vmem>>, vector<1x16xf32>,
        %swap3A_150 = vector.shape_cast %swap3A_149 : vector<1x16xf32> to vector<16xf32>
        %swap3A_151 = vector.shape_cast %mul3A_146 : vector<16xf32> to vector<1x16xf32>
        tpu.vector_store %arg10[%swap3A_147, %swap3A_148], %swap3A_151 {strides = array<i32>} : memref<128x128xf32, #tpu.memory_space<vmem>>, vector<1x16xf32>,
        %get3A_152 = arith.index_cast %scan3A_83 : i32 to index
        %get3A_153 = arith.constant 80 : index
        %get3A_154 = tpu.vector_load %arg10[%get3A_152, %get3A_153] {strides = array<i32>} : memref<128x128xf32, #tpu.memory_space<vmem>>, vector<1x16xf32>,
        %get3A_155 = vector.shape_cast %get3A_154 : vector<1x16xf32> to vector<16xf32>
        %get3A_156 = arith.index_cast %scan3A_83 : i32 to index
        %get3A_157 = arith.constant 80 : index
        %get3A_158 = tpu.vector_load %arg11[%get3A_156, %get3A_157] {strides = array<i32>} : memref<128x128xf32, #tpu.memory_space<vmem>>, vector<1x16xf32>,
        %get3A_159 = vector.shape_cast %get3A_158 : vector<1x16xf32> to vector<16xf32>
        %mul3A_160 = arith.mulf %get3A_155, %get3A_159 : vector<16xf32>
        %swap3A_161 = arith.index_cast %scan3A_83 : i32 to index
        %swap3A_162 = arith.constant 80 : index
        %swap3A_163 = tpu.vector_load %arg10[%swap3A_161, %swap3A_162] {strides = array<i32>} : memref<128x128xf32, #tpu.memory_space<vmem>>, vector<1x16xf32>,
        %swap3A_164 = vector.shape_cast %swap3A_163 : vector<1x16xf32> to vector<16xf32>
        %swap3A_165 = vector.shape_cast %mul3A_160 : vector<16xf32> to vector<1x16xf32>
        tpu.vector_store %arg10[%swap3A_161, %swap3A_162], %swap3A_165 {strides = array<i32>} : memref<128x128xf32, #tpu.memory_space<vmem>>, vector<1x16xf32>,
        %get3A_166 = arith.index_cast %scan3A_83 : i32 to index
        %get3A_167 = arith.constant 96 : index
        %get3A_168 = tpu.vector_load %arg10[%get3A_166, %get3A_167] {strides = array<i32>} : memref<128x128xf32, #tpu.memory_space<vmem>>, vector<1x16xf32>,
        %get3A_169 = vector.shape_cast %get3A_168 : vector<1x16xf32> to vector<16xf32>
        %get3A_170 = arith.index_cast %scan3A_83 : i32 to index
        %get3A_171 = arith.constant 96 : index
        %get3A_172 = tpu.vector_load %arg11[%get3A_170, %get3A_171] {strides = array<i32>} : memref<128x128xf32, #tpu.memory_space<vmem>>, vector<1x16xf32>,
        %get3A_173 = vector.shape_cast %get3A_172 : vector<1x16xf32> to vector<16xf32>
        %mul3A_174 = arith.mulf %get3A_169, %get3A_173 : vector<16xf32>
        %swap3A_175 = arith.index_cast %scan3A_83 : i32 to index
        %swap3A_176 = arith.constant 96 : index
        %swap3A_177 = tpu.vector_load %arg10[%swap3A_175, %swap3A_176] {strides = array<i32>} : memref<128x128xf32, #tpu.memory_space<vmem>>, vector<1x16xf32>,
        %swap3A_178 = vector.shape_cast %swap3A_177 : vector<1x16xf32> to vector<16xf32>
        %swap3A_179 = vector.shape_cast %mul3A_174 : vector<16xf32> to vector<1x16xf32>
        tpu.vector_store %arg10[%swap3A_175, %swap3A_176], %swap3A_179 {strides = array<i32>} : memref<128x128xf32, #tpu.memory_space<vmem>>, vector<1x16xf32>,
        %get3A_180 = arith.index_cast %scan3A_83 : i32 to index
        %get3A_181 = arith.constant 112 : index
        %get3A_182 = tpu.vector_load %arg10[%get3A_180, %get3A_181] {strides = array<i32>} : memref<128x128xf32, #tpu.memory_space<vmem>>, vector<1x16xf32>,
        %get3A_183 = vector.shape_cast %get3A_182 : vector<1x16xf32> to vector<16xf32>
        %get3A_184 = arith.index_cast %scan3A_83 : i32 to index
        %get3A_185 = arith.constant 112 : index
        %get3A_186 = tpu.vector_load %arg11[%get3A_184, %get3A_185] {strides = array<i32>} : memref<128x128xf32, #tpu.memory_space<vmem>>, vector<1x16xf32>,
        %get3A_187 = vector.shape_cast %get3A_186 : vector<1x16xf32> to vector<16xf32>
        %mul3A_188 = arith.mulf %get3A_183, %get3A_187 : vector<16xf32>
        %swap3A_189 = arith.index_cast %scan3A_83 : i32 to index
        %swap3A_190 = arith.constant 112 : index
        %swap3A_191 = tpu.vector_load %arg10[%swap3A_189, %swap3A_190] {strides = array<i32>} : memref<128x128xf32, #tpu.memory_space<vmem>>, vector<1x16xf32>,
        %swap3A_192 = vector.shape_cast %swap3A_191 : vector<1x16xf32> to vector<16xf32>
        %swap3A_193 = vector.shape_cast %mul3A_188 : vector<16xf32> to vector<1x16xf32>
        tpu.vector_store %arg10[%swap3A_189, %swap3A_190], %swap3A_193 {strides = array<i32>} : memref<128x128xf32, #tpu.memory_space<vmem>>, vector<1x16xf32>,
      }
      %scan3A_63 = arith.constant 128 : i32
      %dma_start3A_64 = arith.constant 0 : i32
      %dma_start3A_65 = tpu.memref_slice %arg6[%mul3A_37, %dma_start3A_64] : memref<320000x128xf32, #tpu.memory_space<hbm>> -> memref<128x128xf32, #tpu.memory_space<hbm>>
      %dma_start3A_66 = arith.constant 0 : i32
      %dma_start3A_67 = tpu.memref_slice %arg6[%mul3A_37, %dma_start3A_66] : memref<320000x128xf32, #tpu.memory_space<hbm>> -> memref<128x128xf32, #tpu.memory_space<hbm>>
      tpu.enqueue_dma source(%arg10 : memref<128x128xf32, #tpu.memory_space<vmem>>) target(%dma_start3A_67 : memref<128x128xf32, #tpu.memory_space<hbm>>) target_semaphore(%arg18 : memref<!tpu.dma_semaphore, #tpu.memory_space<semaphore_mem>>)
      %dma_wait3A_68 = arith.constant 0 : i32
      %dma_wait3A_69 = arith.constant 0 : i32
      %dma_wait3A_70 = tpu.memref_slice %arg5[%dma_wait3A_68, %dma_wait3A_69] : memref<10000x128xf32, #tpu.memory_space<hbm>> -> memref<10000x128xf32, #tpu.memory_space<hbm>>
      tpu.wait_indirect_dma semaphore(%arg17 : memref<!tpu.dma_semaphore, #tpu.memory_space<semaphore_mem>>) src(%dma_wait3A_70 : memref<10000x128xf32, #tpu.memory_space<hbm>>) dst(%arg12 : memref<128x128xf32, #tpu.memory_space<vmem>>)
      %dma_start3A_71 = arith.constant 0 : i32
      %dma_start3A_72 = tpu.memref_slice %arg7[%mul3A_37, %dma_start3A_71] : memref<320000x128xf32, #tpu.memory_space<hbm>> -> memref<128x128xf32, #tpu.memory_space<hbm>>
      %dma_start3A_73 = arith.constant 0 : i32
      %dma_start3A_74 = tpu.memref_slice %arg7[%mul3A_37, %dma_start3A_73] : memref<320000x128xf32, #tpu.memory_space<hbm>> -> memref<128x128xf32, #tpu.memory_space<hbm>>
      tpu.enqueue_dma source(%arg12 : memref<128x128xf32, #tpu.memory_space<vmem>>) target(%dma_start3A_74 : memref<128x128xf32, #tpu.memory_space<hbm>>) target_semaphore(%arg19 : memref<!tpu.dma_semaphore, #tpu.memory_space<semaphore_mem>>)
      %dma_wait3A_75 = arith.constant 0 : i32
      %dma_wait3A_76 = tpu.memref_slice %arg6[%mul3A_37, %dma_wait3A_75] : memref<320000x128xf32, #tpu.memory_space<hbm>> -> memref<128x128xf32, #tpu.memory_space<hbm>>
      %dma_wait3A_77 = arith.constant 0 : i32
      %dma_wait3A_78 = tpu.memref_slice %arg6[%mul3A_37, %dma_wait3A_77] : memref<320000x128xf32, #tpu.memory_space<hbm>> -> memref<128x128xf32, #tpu.memory_space<hbm>>
      tpu.wait_dma2 semaphore(%arg18 : memref<!tpu.dma_semaphore, #tpu.memory_space<semaphore_mem>>) src(%arg10 : memref<128x128xf32, #tpu.memory_space<vmem>>) dst(%dma_wait3A_78 : memref<128x128xf32, #tpu.memory_space<hbm>>)
      %dma_wait3A_79 = arith.constant 0 : i32
      %dma_wait3A_80 = tpu.memref_slice %arg7[%mul3A_37, %dma_wait3A_79] : memref<320000x128xf32, #tpu.memory_space<hbm>> -> memref<128x128xf32, #tpu.memory_space<hbm>>
      %dma_wait3A_81 = arith.constant 0 : i32
      %dma_wait3A_82 = tpu.memref_slice %arg7[%mul3A_37, %dma_wait3A_81] : memref<320000x128xf32, #tpu.memory_space<hbm>> -> memref<128x128xf32, #tpu.memory_space<hbm>>
      tpu.wait_dma2 semaphore(%arg19 : memref<!tpu.dma_semaphore, #tpu.memory_space<semaphore_mem>>) src(%arg12 : memref<128x128xf32, #tpu.memory_space<vmem>>) dst(%dma_wait3A_82 : memref<128x128xf32, #tpu.memory_space<hbm>>)
    }
    %while3A_31 = arith.constant 1 : i32
    scf.for %while3A_32 = %while3A_29 to %while3A_25 step %while3A_31  : i32 {
      %mul3A_33 = arith.constant 32 : i32
      %mul3A_34 = arith.muli %mul3A_33, %while3A_32 : i32
      %add3A_35 = arith.addi %add3A, %mul3A_34 : i32
      %mul3A_36 = arith.constant 128 : i32
      %mul3A_37 = arith.muli %add3A_35, %mul3A_36 : i32
      %dma_start3A = tpu.memref_slice %arg2[%mul3A_37] : memref<320000xi32, #tpu.memory_space<hbm>> -> memref<128xi32, #tpu.memory_space<hbm>>
      %dma_start3A_38 = tpu.memref_slice %arg2[%mul3A_37] : memref<320000xi32, #tpu.memory_space<hbm>> -> memref<128xi32, #tpu.memory_space<hbm>>
      tpu.enqueue_dma source(%dma_start3A_38 : memref<128xi32, #tpu.memory_space<hbm>>) target(%arg8 : memref<128xi32, #tpu.memory_space<vmem>>) target_semaphore(%arg13 : memref<!tpu.dma_semaphore, #tpu.memory_space<semaphore_mem>>)
      %dma_start3A_39 = tpu.memref_slice %arg3[%mul3A_37] : memref<320000xi32, #tpu.memory_space<hbm>> -> memref<128xi32, #tpu.memory_space<hbm>>
      %dma_start3A_40 = tpu.memref_slice %arg3[%mul3A_37] : memref<320000xi32, #tpu.memory_space<hbm>> -> memref<128xi32, #tpu.memory_space<hbm>>
      tpu.enqueue_dma source(%dma_start3A_40 : memref<128xi32, #tpu.memory_space<hbm>>) target(%arg9 : memref<128xi32, #tpu.memory_space<vmem>>) target_semaphore(%arg14 : memref<!tpu.dma_semaphore, #tpu.memory_space<semaphore_mem>>)
      %dma_wait3A = tpu.memref_slice %arg2[%mul3A_37] : memref<320000xi32, #tpu.memory_space<hbm>> -> memref<128xi32, #tpu.memory_space<hbm>>
      %dma_wait3A_41 = tpu.memref_slice %arg2[%mul3A_37] : memref<320000xi32, #tpu.memory_space<hbm>> -> memref<128xi32, #tpu.memory_space<hbm>>
      tpu.wait_dma2 semaphore(%arg13 : memref<!tpu.dma_semaphore, #tpu.memory_space<semaphore_mem>>) src(%dma_wait3A_41 : memref<128xi32, #tpu.memory_space<hbm>>) dst(%arg8 : memref<128xi32, #tpu.memory_space<vmem>>)
      %dma_start3A_42 = arith.constant 0 : i32
      %dma_start3A_43 = arith.constant 0 : i32
      %dma_start3A_44 = tpu.memref_slice %arg4[%dma_start3A_42, %dma_start3A_43] : memref<10000x128xf32, #tpu.memory_space<hbm>> -> memref<10000x128xf32, #tpu.memory_space<hbm>>
      tpu.enqueue_indirect_dma source(%dma_start3A_44 : memref<10000x128xf32, #tpu.memory_space<hbm>>) target(%arg10 : memref<128x128xf32, #tpu.memory_space<vmem>>) offsets(%arg8 : memref<128xi32, #tpu.memory_space<vmem>>) semaphore(%arg15 : memref<!tpu.dma_semaphore, #tpu.memory_space<semaphore_mem>>)
      %dma_wait3A_45 = tpu.memref_slice %arg3[%mul3A_37] : memref<320000xi32, #tpu.memory_space<hbm>> -> memref<128xi32, #tpu.memory_space<hbm>>
      %dma_wait3A_46 = tpu.memref_slice %arg3[%mul3A_37] : memref<320000xi32, #tpu.memory_space<hbm>> -> memref<128xi32, #tpu.memory_space<hbm>>
      tpu.wait_dma2 semaphore(%arg14 : memref<!tpu.dma_semaphore, #tpu.memory_space<semaphore_mem>>) src(%dma_wait3A_46 : memref<128xi32, #tpu.memory_space<hbm>>) dst(%arg9 : memref<128xi32, #tpu.memory_space<vmem>>)
      %dma_start3A_47 = arith.constant 0 : i32
      %dma_start3A_48 = arith.constant 0 : i32
      %dma_start3A_49 = tpu.memref_slice %arg4[%dma_start3A_47, %dma_start3A_48] : memref<10000x128xf32, #tpu.memory_space<hbm>> -> memref<10000x128xf32, #tpu.memory_space<hbm>>
      tpu.enqueue_indirect_dma source(%dma_start3A_49 : memref<10000x128xf32, #tpu.memory_space<hbm>>) target(%arg11 : memref<128x128xf32, #tpu.memory_space<vmem>>) offsets(%arg9 : memref<128xi32, #tpu.memory_space<vmem>>) semaphore(%arg16 : memref<!tpu.dma_semaphore, #tpu.memory_space<semaphore_mem>>)
      %dma_start3A_50 = arith.constant 0 : i32
      %dma_start3A_51 = arith.constant 0 : i32
      %dma_start3A_52 = tpu.memref_slice %arg5[%dma_start3A_50, %dma_start3A_51] : memref<10000x128xf32, #tpu.memory_space<hbm>> -> memref<10000x128xf32, #tpu.memory_space<hbm>>
      tpu.enqueue_indirect_dma source(%dma_start3A_52 : memref<10000x128xf32, #tpu.memory_space<hbm>>) target(%arg12 : memref<128x128xf32, #tpu.memory_space<vmem>>) offsets(%arg9 : memref<128xi32, #tpu.memory_space<vmem>>) semaphore(%arg17 : memref<!tpu.dma_semaphore, #tpu.memory_space<semaphore_mem>>)
      %dma_wait3A_53 = arith.constant 0 : i32
      %dma_wait3A_54 = arith.constant 0 : i32
      %dma_wait3A_55 = tpu.memref_slice %arg4[%dma_wait3A_53, %dma_wait3A_54] : memref<10000x128xf32, #tpu.memory_space<hbm>> -> memref<10000x128xf32, #tpu.memory_space<hbm>>
      tpu.wait_indirect_dma semaphore(%arg15 : memref<!tpu.dma_semaphore, #tpu.memory_space<semaphore_mem>>) src(%dma_wait3A_55 : memref<10000x128xf32, #tpu.memory_space<hbm>>) dst(%arg10 : memref<128x128xf32, #tpu.memory_space<vmem>>)
      %dma_wait3A_56 = arith.constant 0 : i32
      %dma_wait3A_57 = arith.constant 0 : i32
      %dma_wait3A_58 = tpu.memref_slice %arg4[%dma_wait3A_56, %dma_wait3A_57] : memref<10000x128xf32, #tpu.memory_space<hbm>> -> memref<10000x128xf32, #tpu.memory_space<hbm>>
      tpu.wait_indirect_dma semaphore(%arg16 : memref<!tpu.dma_semaphore, #tpu.memory_space<semaphore_mem>>) src(%dma_wait3A_58 : memref<10000x128xf32, #tpu.memory_space<hbm>>) dst(%arg11 : memref<128x128xf32, #tpu.memory_space<vmem>>)
      %scan3A = arith.constant 0 : i32
      %scan3A_59 = arith.constant 0 : i32
      %scan3A_60 = arith.constant 128 : i32
      %scan3A_61 = arith.addi %scan3A_59, %scan3A_60 : i32
      %scan3A_62 = arith.constant 1 : i32
      scf.for %scan3A_83 = %scan3A_59 to %scan3A_61 step %scan3A_62  : i32 {
        %get3A = arith.index_cast %scan3A_83 : i32 to index
        %get3A_84 = arith.constant 0 : index
        %get3A_85 = tpu.vector_load %arg10[%get3A, %get3A_84] {strides = array<i32>} : memref<128x128xf32, #tpu.memory_space<vmem>>, vector<1x16xf32>,
        %get3A_86 = vector.shape_cast %get3A_85 : vector<1x16xf32> to vector<16xf32>
        %get3A_87 = arith.index_cast %scan3A_83 : i32 to index
        %get3A_88 = arith.constant 0 : index
        %get3A_89 = tpu.vector_load %arg11[%get3A_87, %get3A_88] {strides = array<i32>} : memref<128x128xf32, #tpu.memory_space<vmem>>, vector<1x16xf32>,
        %get3A_90 = vector.shape_cast %get3A_89 : vector<1x16xf32> to vector<16xf32>
        %mul3A_91 = arith.mulf %get3A_86, %get3A_90 : vector<16xf32>
        %swap3A = arith.index_cast %scan3A_83 : i32 to index
        %swap3A_92 = arith.constant 0 : index
        %swap3A_93 = tpu.vector_load %arg10[%swap3A, %swap3A_92] {strides = array<i32>} : memref<128x128xf32, #tpu.memory_space<vmem>>, vector<1x16xf32>,
        %swap3A_94 = vector.shape_cast %swap3A_93 : vector<1x16xf32> to vector<16xf32>
        %swap3A_95 = vector.shape_cast %mul3A_91 : vector<16xf32> to vector<1x16xf32>
        tpu.vector_store %arg10[%swap3A, %swap3A_92], %swap3A_95 {strides = array<i32>} : memref<128x128xf32, #tpu.memory_space<vmem>>, vector<1x16xf32>,
        %get3A_96 = arith.index_cast %scan3A_83 : i32 to index
        %get3A_97 = arith.constant 16 : index
        %get3A_98 = tpu.vector_load %arg10[%get3A_96, %get3A_97] {strides = array<i32>} : memref<128x128xf32, #tpu.memory_space<vmem>>, vector<1x16xf32>,
        %get3A_99 = vector.shape_cast %get3A_98 : vector<1x16xf32> to vector<16xf32>
        %get3A_100 = arith.index_cast %scan3A_83 : i32 to index
        %get3A_101 = arith.constant 16 : index
        %get3A_102 = tpu.vector_load %arg11[%get3A_100, %get3A_101] {strides = array<i32>} : memref<128x128xf32, #tpu.memory_space<vmem>>, vector<1x16xf32>,
        %get3A_103 = vector.shape_cast %get3A_102 : vector<1x16xf32> to vector<16xf32>
        %mul3A_104 = arith.mulf %get3A_99, %get3A_103 : vector<16xf32>
        %swap3A_105 = arith.index_cast %scan3A_83 : i32 to index
        %swap3A_106 = arith.constant 16 : index
        %swap3A_107 = tpu.vector_load %arg10[%swap3A_105, %swap3A_106] {strides = array<i32>} : memref<128x128xf32, #tpu.memory_space<vmem>>, vector<1x16xf32>,
        %swap3A_108 = vector.shape_cast %swap3A_107 : vector<1x16xf32> to vector<16xf32>
        %swap3A_109 = vector.shape_cast %mul3A_104 : vector<16xf32> to vector<1x16xf32>
        tpu.vector_store %arg10[%swap3A_105, %swap3A_106], %swap3A_109 {strides = array<i32>} : memref<128x128xf32, #tpu.memory_space<vmem>>, vector<1x16xf32>,
        %get3A_110 = arith.index_cast %scan3A_83 : i32 to index
        %get3A_111 = arith.constant 32 : index
        %get3A_112 = tpu.vector_load %arg10[%get3A_110, %get3A_111] {strides = array<i32>} : memref<128x128xf32, #tpu.memory_space<vmem>>, vector<1x16xf32>,
        %get3A_113 = vector.shape_cast %get3A_112 : vector<1x16xf32> to vector<16xf32>
        %get3A_114 = arith.index_cast %scan3A_83 : i32 to index
        %get3A_115 = arith.constant 32 : index
        %get3A_116 = tpu.vector_load %arg11[%get3A_114, %get3A_115] {strides = array<i32>} : memref<128x128xf32, #tpu.memory_space<vmem>>, vector<1x16xf32>,
        %get3A_117 = vector.shape_cast %get3A_116 : vector<1x16xf32> to vector<16xf32>
        %mul3A_118 = arith.mulf %get3A_113, %get3A_117 : vector<16xf32>
        %swap3A_119 = arith.index_cast %scan3A_83 : i32 to index
        %swap3A_120 = arith.constant 32 : index
        %swap3A_121 = tpu.vector_load %arg10[%swap3A_119, %swap3A_120] {strides = array<i32>} : memref<128x128xf32, #tpu.memory_space<vmem>>, vector<1x16xf32>,
        %swap3A_122 = vector.shape_cast %swap3A_121 : vector<1x16xf32> to vector<16xf32>
        %swap3A_123 = vector.shape_cast %mul3A_118 : vector<16xf32> to vector<1x16xf32>
        tpu.vector_store %arg10[%swap3A_119, %swap3A_120], %swap3A_123 {strides = array<i32>} : memref<128x128xf32, #tpu.memory_space<vmem>>, vector<1x16xf32>,
        %get3A_124 = arith.index_cast %scan3A_83 : i32 to index
        %get3A_125 = arith.constant 48 : index
        %get3A_126 = tpu.vector_load %arg10[%get3A_124, %get3A_125] {strides = array<i32>} : memref<128x128xf32, #tpu.memory_space<vmem>>, vector<1x16xf32>,
        %get3A_127 = vector.shape_cast %get3A_126 : vector<1x16xf32> to vector<16xf32>
        %get3A_128 = arith.index_cast %scan3A_83 : i32 to index
        %get3A_129 = arith.constant 48 : index
        %get3A_130 = tpu.vector_load %arg11[%get3A_128, %get3A_129] {strides = array<i32>} : memref<128x128xf32, #tpu.memory_space<vmem>>, vector<1x16xf32>,
        %get3A_131 = vector.shape_cast %get3A_130 : vector<1x16xf32> to vector<16xf32>
        %mul3A_132 = arith.mulf %get3A_127, %get3A_131 : vector<16xf32>
        %swap3A_133 = arith.index_cast %scan3A_83 : i32 to index
        %swap3A_134 = arith.constant 48 : index
        %swap3A_135 = tpu.vector_load %arg10[%swap3A_133, %swap3A_134] {strides = array<i32>} : memref<128x128xf32, #tpu.memory_space<vmem>>, vector<1x16xf32>,
        %swap3A_136 = vector.shape_cast %swap3A_135 : vector<1x16xf32> to vector<16xf32>
        %swap3A_137 = vector.shape_cast %mul3A_132 : vector<16xf32> to vector<1x16xf32>
        tpu.vector_store %arg10[%swap3A_133, %swap3A_134], %swap3A_137 {strides = array<i32>} : memref<128x128xf32, #tpu.memory_space<vmem>>, vector<1x16xf32>,
        %get3A_138 = arith.index_cast %scan3A_83 : i32 to index
        %get3A_139 = arith.constant 64 : index
        %get3A_140 = tpu.vector_load %arg10[%get3A_138, %get3A_139] {strides = array<i32>} : memref<128x128xf32, #tpu.memory_space<vmem>>, vector<1x16xf32>,
        %get3A_141 = vector.shape_cast %get3A_140 : vector<1x16xf32> to vector<16xf32>
        %get3A_142 = arith.index_cast %scan3A_83 : i32 to index
        %get3A_143 = arith.constant 64 : index
        %get3A_144 = tpu.vector_load %arg11[%get3A_142, %get3A_143] {strides = array<i32>} : memref<128x128xf32, #tpu.memory_space<vmem>>, vector<1x16xf32>,
        %get3A_145 = vector.shape_cast %get3A_144 : vector<1x16xf32> to vector<16xf32>
        %mul3A_146 = arith.mulf %get3A_141, %get3A_145 : vector<16xf32>
        %swap3A_147 = arith.index_cast %scan3A_83 : i32 to index
        %swap3A_148 = arith.constant 64 : index
        %swap3A_149 = tpu.vector_load %arg10[%swap3A_147, %swap3A_148] {strides = array<i32>} : memref<128x128xf32, #tpu.memory_space<vmem>>, vector<1x16xf32>,
        %swap3A_150 = vector.shape_cast %swap3A_149 : vector<1x16xf32> to vector<16xf32>
        %swap3A_151 = vector.shape_cast %mul3A_146 : vector<16xf32> to vector<1x16xf32>
        tpu.vector_store %arg10[%swap3A_147, %swap3A_148], %swap3A_151 {strides = array<i32>} : memref<128x128xf32, #tpu.memory_space<vmem>>, vector<1x16xf32>,
        %get3A_152 = arith.index_cast %scan3A_83 : i32 to index
        %get3A_153 = arith.constant 80 : index
        %get3A_154 = tpu.vector_load %arg10[%get3A_152, %get3A_153] {strides = array<i32>} : memref<128x128xf32, #tpu.memory_space<vmem>>, vector<1x16xf32>,
        %get3A_155 = vector.shape_cast %get3A_154 : vector<1x16xf32> to vector<16xf32>
        %get3A_156 = arith.index_cast %scan3A_83 : i32 to index
        %get3A_157 = arith.constant 80 : index
        %get3A_158 = tpu.vector_load %arg11[%get3A_156, %get3A_157] {strides = array<i32>} : memref<128x128xf32, #tpu.memory_space<vmem>>, vector<1x16xf32>,
        %get3A_159 = vector.shape_cast %get3A_158 : vector<1x16xf32> to vector<16xf32>
        %mul3A_160 = arith.mulf %get3A_155, %get3A_159 : vector<16xf32>
        %swap3A_161 = arith.index_cast %scan3A_83 : i32 to index
        %swap3A_162 = arith.constant 80 : index
        %swap3A_163 = tpu.vector_load %arg10[%swap3A_161, %swap3A_162] {strides = array<i32>} : memref<128x128xf32, #tpu.memory_space<vmem>>, vector<1x16xf32>,
        %swap3A_164 = vector.shape_cast %swap3A_163 : vector<1x16xf32> to vector<16xf32>
        %swap3A_165 = vector.shape_cast %mul3A_160 : vector<16xf32> to vector<1x16xf32>
        tpu.vector_store %arg10[%swap3A_161, %swap3A_162], %swap3A_165 {strides = array<i32>} : memref<128x128xf32, #tpu.memory_space<vmem>>, vector<1x16xf32>,
        %get3A_166 = arith.index_cast %scan3A_83 : i32 to index
        %get3A_167 = arith.constant 96 : index
        %get3A_168 = tpu.vector_load %arg10[%get3A_166, %get3A_167] {strides = array<i32>} : memref<128x128xf32, #tpu.memory_space<vmem>>, vector<1x16xf32>,
        %get3A_169 = vector.shape_cast %get3A_168 : vector<1x16xf32> to vector<16xf32>
        %get3A_170 = arith.index_cast %scan3A_83 : i32 to index
        %get3A_171 = arith.constant 96 : index
        %get3A_172 = tpu.vector_load %arg11[%get3A_170, %get3A_171] {strides = array<i32>} : memref<128x128xf32, #tpu.memory_space<vmem>>, vector<1x16xf32>,
        %get3A_173 = vector.shape_cast %get3A_172 : vector<1x16xf32> to vector<16xf32>
        %mul3A_174 = arith.mulf %get3A_169, %get3A_173 : vector<16xf32>
        %swap3A_175 = arith.index_cast %scan3A_83 : i32 to index
        %swap3A_176 = arith.constant 96 : index
        %swap3A_177 = tpu.vector_load %arg10[%swap3A_175, %swap3A_176] {strides = array<i32>} : memref<128x128xf32, #tpu.memory_space<vmem>>, vector<1x16xf32>,
        %swap3A_178 = vector.shape_cast %swap3A_177 : vector<1x16xf32> to vector<16xf32>
        %swap3A_179 = vector.shape_cast %mul3A_174 : vector<16xf32> to vector<1x16xf32>
        tpu.vector_store %arg10[%swap3A_175, %swap3A_176], %swap3A_179 {strides = array<i32>} : memref<128x128xf32, #tpu.memory_space<vmem>>, vector<1x16xf32>,
        %get3A_180 = arith.index_cast %scan3A_83 : i32 to index
        %get3A_181 = arith.constant 112 : index
        %get3A_182 = tpu.vector_load %arg10[%get3A_180, %get3A_181] {strides = array<i32>} : memref<128x128xf32, #tpu.memory_space<vmem>>, vector<1x16xf32>,
        %get3A_183 = vector.shape_cast %get3A_182 : vector<1x16xf32> to vector<16xf32>
        %get3A_184 = arith.index_cast %scan3A_83 : i32 to index
        %get3A_185 = arith.constant 112 : index
        %get3A_186 = tpu.vector_load %arg11[%get3A_184, %get3A_185] {strides = array<i32>} : memref<128x128xf32, #tpu.memory_space<vmem>>, vector<1x16xf32>,
        %get3A_187 = vector.shape_cast %get3A_186 : vector<1x16xf32> to vector<16xf32>
        %mul3A_188 = arith.mulf %get3A_183, %get3A_187 : vector<16xf32>
        %swap3A_189 = arith.index_cast %scan3A_83 : i32 to index
        %swap3A_190 = arith.constant 112 : index
        %swap3A_191 = tpu.vector_load %arg10[%swap3A_189, %swap3A_190] {strides = array<i32>} : memref<128x128xf32, #tpu.memory_space<vmem>>, vector<1x16xf32>,
        %swap3A_192 = vector.shape_cast %swap3A_191 : vector<1x16xf32> to vector<16xf32>
        %swap3A_193 = vector.shape_cast %mul3A_188 : vector<16xf32> to vector<1x16xf32>
        tpu.vector_store %arg10[%swap3A_189, %swap3A_190], %swap3A_193 {strides = array<i32>} : memref<128x128xf32, #tpu.memory_space<vmem>>, vector<1x16xf32>,
      }
      %scan3A_63 = arith.constant 128 : i32
      %dma_start3A_64 = arith.constant 0 : i32
      %dma_start3A_65 = tpu.memref_slice %arg6[%mul3A_37, %dma_start3A_64] : memref<320000x128xf32, #tpu.memory_space<hbm>> -> memref<128x128xf32, #tpu.memory_space<hbm>>
      %dma_start3A_66 = arith.constant 0 : i32
      %dma_start3A_67 = tpu.memref_slice %arg6[%mul3A_37, %dma_start3A_66] : memref<320000x128xf32, #tpu.memory_space<hbm>> -> memref<128x128xf32, #tpu.memory_space<hbm>>
      tpu.enqueue_dma source(%arg10 : memref<128x128xf32, #tpu.memory_space<vmem>>) target(%dma_start3A_67 : memref<128x128xf32, #tpu.memory_space<hbm>>) target_semaphore(%arg18 : memref<!tpu.dma_semaphore, #tpu.memory_space<semaphore_mem>>)
      %dma_wait3A_68 = arith.constant 0 : i32
      %dma_wait3A_69 = arith.constant 0 : i32
      %dma_wait3A_70 = tpu.memref_slice %arg5[%dma_wait3A_68, %dma_wait3A_69] : memref<10000x128xf32, #tpu.memory_space<hbm>> -> memref<10000x128xf32, #tpu.memory_space<hbm>>
      tpu.wait_indirect_dma semaphore(%arg17 : memref<!tpu.dma_semaphore, #tpu.memory_space<semaphore_mem>>) src(%dma_wait3A_70 : memref<10000x128xf32, #tpu.memory_space<hbm>>) dst(%arg12 : memref<128x128xf32, #tpu.memory_space<vmem>>)
      %dma_start3A_71 = arith.constant 0 : i32
      %dma_start3A_72 = tpu.memref_slice %arg7[%mul3A_37, %dma_start3A_71] : memref<320000x128xf32, #tpu.memory_space<hbm>> -> memref<128x128xf32, #tpu.memory_space<hbm>>
      %dma_start3A_73 = arith.constant 0 : i32
      %dma_start3A_74 = tpu.memref_slice %arg7[%mul3A_37, %dma_start3A_73] : memref<320000x128xf32, #tpu.memory_space<hbm>> -> memref<128x128xf32, #tpu.memory_space<hbm>>
      tpu.enqueue_dma source(%arg12 : memref<128x128xf32, #tpu.memory_space<vmem>>) target(%dma_start3A_74 : memref<128x128xf32, #tpu.memory_space<hbm>>) target_semaphore(%arg19 : memref<!tpu.dma_semaphore, #tpu.memory_space<semaphore_mem>>)
      %dma_wait3A_75 = arith.constant 0 : i32
      %dma_wait3A_76 = tpu.memref_slice %arg6[%mul3A_37, %dma_wait3A_75] : memref<320000x128xf32, #tpu.memory_space<hbm>> -> memref<128x128xf32, #tpu.memory_space<hbm>>
      %dma_wait3A_77 = arith.constant 0 : i32
      %dma_wait3A_78 = tpu.memref_slice %arg6[%mul3A_37, %dma_wait3A_77] : memref<320000x128xf32, #tpu.memory_space<hbm>> -> memref<128x128xf32, #tpu.memory_space<hbm>>
      tpu.wait_dma2 semaphore(%arg18 : memref<!tpu.dma_semaphore, #tpu.memory_space<semaphore_mem>>) src(%arg10 : memref<128x128xf32, #tpu.memory_space<vmem>>) dst(%dma_wait3A_78 : memref<128x128xf32, #tpu.memory_space<hbm>>)
      %dma_wait3A_79 = arith.constant 0 : i32
      %dma_wait3A_80 = tpu.memref_slice %arg7[%mul3A_37, %dma_wait3A_79] : memref<320000x128xf32, #tpu.memory_space<hbm>> -> memref<128x128xf32, #tpu.memory_space<hbm>>
      %dma_wait3A_81 = arith.constant 0 : i32
      %dma_wait3A_82 = tpu.memref_slice %arg7[%mul3A_37, %dma_wait3A_81] : memref<320000x128xf32, #tpu.memory_space<hbm>> -> memref<128x128xf32, #tpu.memory_space<hbm>>
      tpu.wait_dma2 semaphore(%arg19 : memref<!tpu.dma_semaphore, #tpu.memory_space<semaphore_mem>>) src(%arg12 : memref<128x128xf32, #tpu.memory_space<vmem>>) dst(%dma_wait3A_82 : memref<128x128xf32, #tpu.memory_space<hbm>>)
    }
    return
  }
}

module attributes {stable_mosaic.version = 14 : i64} {
  func.func @_node_body(%arg0: memref<10000x128xf32, #tpu.memory_space<vmem>>, %arg1: memref<10000x128xf32, #tpu.memory_space<vmem>>, %arg2: memref<128x64xf32, #tpu.memory_space<vmem>>, %arg3: memref<128x64xf32, #tpu.memory_space<vmem>>, %arg4: memref<128x128xf32, #tpu.memory_space<vmem>>, %arg5: memref<1x128xf32, #tpu.memory_space<vmem>>, %arg6: memref<128x128xf32, #tpu.memory_space<vmem>>, %arg7: memref<128x128xf32, #tpu.memory_space<vmem>>, %arg8: memref<10000x128xf32, #tpu.memory_space<vmem>>, %arg9: memref<10000x128xf32, #tpu.memory_space<vmem>>) attributes {dimension_semantics = [], scalar_prefetch = 0 : i64, scratch_operands = 0 : i64, tpu.core_type = #tpu.core_type<tc>} {
    %get3A = arith.constant 0 : index
    %get3A_0 = arith.constant 0 : index
    %get3A_1 = vector.load %arg0[%get3A, %get3A_0] : memref<10000x128xf32, #tpu.memory_space<vmem>>, vector<10000x128xf32>
    %get3A_2 = arith.constant 0 : index
    %get3A_3 = arith.constant 0 : index
    %get3A_4 = vector.load %arg1[%get3A_2, %get3A_3] : memref<10000x128xf32, #tpu.memory_space<vmem>>, vector<10000x128xf32>
    %get3A_5 = arith.constant 0 : index
    %get3A_6 = arith.constant 0 : index
    %get3A_7 = vector.load %arg2[%get3A_5, %get3A_6] : memref<128x64xf32, #tpu.memory_space<vmem>>, vector<128x64xf32>
    %dot_general3A = arith.constant dense<0.000000e+00> : vector<10000x64xf32>
    %dot_general3A_8 = tpu.matmul %get3A_4, %get3A_7, %dot_general3A {dimension_numbers = #tpu.dot_dimension_numbers<[1], [0], [0], [1], [0, 0, 1, 1], [], []>, transpose_lhs_hint = false} : vector<10000x128xf32>, vector<128x64xf32>, vector<10000x64xf32> -> vector<10000x64xf32>
    %get3A_9 = arith.constant 0 : index
    %get3A_10 = arith.constant 0 : index
    %get3A_11 = vector.load %arg3[%get3A_9, %get3A_10] : memref<128x64xf32, #tpu.memory_space<vmem>>, vector<128x64xf32>
    %dot_general3A_12 = arith.constant dense<0.000000e+00> : vector<10000x64xf32>
    %dot_general3A_13 = tpu.matmul %get3A_4, %get3A_11, %dot_general3A_12 {dimension_numbers = #tpu.dot_dimension_numbers<[1], [0], [0], [1], [0, 0, 1, 1], [], []>, transpose_lhs_hint = false} : vector<10000x128xf32>, vector<128x64xf32>, vector<10000x64xf32> -> vector<10000x64xf32>
    %concatenate3A = tpu.concatenate %dot_general3A_8, %dot_general3A_13 in 1 : vector<10000x64xf32>, vector<10000x64xf32> -> vector<10000x128xf32>
    %swap3A = arith.constant 0 : index
    %swap3A_14 = arith.constant 0 : index
    %swap3A_15 = vector.load %arg8[%swap3A, %swap3A_14] : memref<10000x128xf32, #tpu.memory_space<vmem>>, vector<10000x128xf32>
    tpu.vector_store %arg8[%swap3A, %swap3A_14], %concatenate3A {strides = array<i32>} : memref<10000x128xf32, #tpu.memory_space<vmem>>, vector<10000x128xf32>,
    %get3A_16 = arith.constant 0 : index
    %get3A_17 = arith.constant 0 : index
    %get3A_18 = vector.load %arg4[%get3A_16, %get3A_17] : memref<128x128xf32, #tpu.memory_space<vmem>>, vector<128x128xf32>
    %dot_general3A_19 = arith.constant dense<0.000000e+00> : vector<10000x128xf32>
    %dot_general3A_20 = tpu.matmul %get3A_1, %get3A_18, %dot_general3A_19 {dimension_numbers = #tpu.dot_dimension_numbers<[1], [0], [0], [1], [0, 0, 1, 1], [], []>, transpose_lhs_hint = false} : vector<10000x128xf32>, vector<128x128xf32>, vector<10000x128xf32> -> vector<10000x128xf32>
    %get3A_21 = arith.constant 0 : index
    %get3A_22 = arith.constant 0 : index
    %get3A_23 = vector.load %arg5[%get3A_21, %get3A_22] : memref<1x128xf32, #tpu.memory_space<vmem>>, vector<1x128xf32>
    %add3A = vector.broadcast %get3A_23 : vector<1x128xf32> to vector<10000x128xf32>
    %add3A_24 = arith.addf %dot_general3A_20, %add3A : vector<10000x128xf32>
    %get3A_25 = arith.constant 0 : index
    %get3A_26 = arith.constant 0 : index
    %get3A_27 = vector.load %arg6[%get3A_25, %get3A_26] : memref<128x128xf32, #tpu.memory_space<vmem>>, vector<128x128xf32>
    %dot_general3A_28 = arith.constant dense<0.000000e+00> : vector<10000x128xf32>
    %dot_general3A_29 = tpu.matmul %get3A_4, %get3A_27, %dot_general3A_28 {dimension_numbers = #tpu.dot_dimension_numbers<[1], [0], [0], [1], [0, 0, 1, 1], [], []>, transpose_lhs_hint = false} : vector<10000x128xf32>, vector<128x128xf32>, vector<10000x128xf32> -> vector<10000x128xf32>
    %mul3A = arith.mulf %dot_general3A_29, %add3A_24 : vector<10000x128xf32>
    %get3A_30 = arith.constant 0 : index
    %get3A_31 = arith.constant 0 : index
    %get3A_32 = vector.load %arg7[%get3A_30, %get3A_31] : memref<128x128xf32, #tpu.memory_space<vmem>>, vector<128x128xf32>
    %dot_general3A_33 = arith.constant dense<0.000000e+00> : vector<10000x128xf32>
    %dot_general3A_34 = tpu.matmul %get3A_4, %get3A_32, %dot_general3A_33 {dimension_numbers = #tpu.dot_dimension_numbers<[1], [0], [0], [1], [0, 0, 1, 1], [], []>, transpose_lhs_hint = false} : vector<10000x128xf32>, vector<128x128xf32>, vector<10000x128xf32> -> vector<10000x128xf32>
    %add3A_35 = arith.addf %mul3A, %dot_general3A_34 : vector<10000x128xf32>
    %swap3A_36 = arith.constant 0 : index
    %swap3A_37 = arith.constant 0 : index
    %swap3A_38 = vector.load %arg9[%swap3A_36, %swap3A_37] : memref<10000x128xf32, #tpu.memory_space<vmem>>, vector<10000x128xf32>
    tpu.vector_store %arg9[%swap3A_36, %swap3A_37], %add3A_35 {strides = array<i32>} : memref<10000x128xf32, #tpu.memory_space<vmem>>, vector<10000x128xf32>,
    return
  }
}

module attributes {stable_mosaic.version = 14 : i64} {
  func.func @_edge1_body(%arg0: i32, %arg1: memref<3200x128xf32, #tpu.memory_space<vmem>>, %arg2: memref<3200x128xf32, #tpu.memory_space<vmem>>, %arg3: memref<128x64xf32, #tpu.memory_space<vmem>>, %arg4: memref<1x64xf32, #tpu.memory_space<vmem>>, %arg5: memref<64x8xf32, #tpu.memory_space<vmem>>, %arg6: memref<8x1xf32, #tpu.memory_space<vmem>>, %arg7: memref<3200x64xf32, #tpu.memory_space<vmem>>, %arg8: memref<8x3200xf32, #tpu.memory_space<vmem>>) attributes {dimension_semantics = [#tpu.dimension_semantics<arbitrary>], iteration_bounds = array<i64: 100>, scalar_prefetch = 0 : i64, scratch_operands = 0 : i64, tpu.core_type = #tpu.core_type<tc>, window_params = [{transform_indices = @transform_0, window_bounds = array<i64: 3200, 128>}, {transform_indices = @transform_1, window_bounds = array<i64: 3200, 128>}, {pipeline_mode = #tpu.pipeline_mode<synchronous>, transform_indices = @transform_2, window_bounds = array<i64: 128, 64>}, {pipeline_mode = #tpu.pipeline_mode<synchronous>, transform_indices = @transform_3, window_bounds = array<i64: 1, 64>}, {pipeline_mode = #tpu.pipeline_mode<synchronous>, transform_indices = @transform_4, window_bounds = array<i64: 64, 8>}, {pipeline_mode = #tpu.pipeline_mode<synchronous>, transform_indices = @transform_5, window_bounds = array<i64: 8, 1>}, {transform_indices = @transform_6, window_bounds = array<i64: 3200, 64>}, {transform_indices = @transform_7, window_bounds = array<i64: 8, 3200>}]} {
    %get3A = arith.constant 0 : index
    %get3A_0 = arith.constant 0 : index
    %get3A_1 = vector.load %arg1[%get3A, %get3A_0] : memref<3200x128xf32, #tpu.memory_space<vmem>>, vector<3200x128xf32>
    %get3A_2 = arith.constant 0 : index
    %get3A_3 = arith.constant 0 : index
    %get3A_4 = vector.load %arg2[%get3A_2, %get3A_3] : memref<3200x128xf32, #tpu.memory_space<vmem>>, vector<3200x128xf32>
    %get3A_5 = arith.constant 0 : index
    %get3A_6 = arith.constant 0 : index
    %get3A_7 = vector.load %arg3[%get3A_5, %get3A_6] : memref<128x64xf32, #tpu.memory_space<vmem>>, vector<128x64xf32>
    %dot_general3A = arith.constant dense<0.000000e+00> : vector<3200x64xf32>
    %dot_general3A_8 = tpu.matmul %get3A_1, %get3A_7, %dot_general3A {dimension_numbers = #tpu.dot_dimension_numbers<[1], [0], [0], [1], [0, 0, 1, 1], [], []>, transpose_lhs_hint = false} : vector<3200x128xf32>, vector<128x64xf32>, vector<3200x64xf32> -> vector<3200x64xf32>
    %get3A_9 = arith.constant 0 : index
    %get3A_10 = arith.constant 0 : index
    %get3A_11 = vector.load %arg4[%get3A_9, %get3A_10] : memref<1x64xf32, #tpu.memory_space<vmem>>, vector<1x64xf32>
    %add3A = vector.broadcast %get3A_11 : vector<1x64xf32> to vector<3200x64xf32>
    %add3A_12 = arith.addf %dot_general3A_8, %add3A : vector<3200x64xf32>
    %slice3A = vector.extract_strided_slice %get3A_4 {offsets = [0, 0], sizes = [3200, 64], strides = [1, 1]} : vector<3200x128xf32> to vector<3200x64xf32>
    %mul3A = arith.mulf %slice3A, %add3A_12 : vector<3200x64xf32>
    %slice3A_13 = vector.extract_strided_slice %get3A_4 {offsets = [0, 64], sizes = [3200, 64], strides = [1, 1]} : vector<3200x128xf32> to vector<3200x64xf32>
    %add3A_14 = arith.addf %mul3A, %slice3A_13 : vector<3200x64xf32>
    %swap3A = arith.constant 0 : index
    %swap3A_15 = arith.constant 0 : index
    %swap3A_16 = vector.load %arg7[%swap3A, %swap3A_15] : memref<3200x64xf32, #tpu.memory_space<vmem>>, vector<3200x64xf32>
    tpu.vector_store %arg7[%swap3A, %swap3A_15], %add3A_14 {strides = array<i32>} : memref<3200x64xf32, #tpu.memory_space<vmem>>, vector<3200x64xf32>,
    %get3A_17 = arith.constant 0 : index
    %get3A_18 = arith.constant 0 : index
    %get3A_19 = vector.load %arg5[%get3A_17, %get3A_18] : memref<64x8xf32, #tpu.memory_space<vmem>>, vector<64x8xf32>
    %dot_general3A_20 = arith.constant dense<0.000000e+00> : vector<8x3200xf32>
    %dot_general3A_21 = tpu.matmul %get3A_19, %add3A_14, %dot_general3A_20 {dimension_numbers = #tpu.dot_dimension_numbers<[0], [1], [1], [0], [0, 1, 1, 0], [], []>, transpose_lhs_hint = false} : vector<64x8xf32>, vector<3200x64xf32>, vector<8x3200xf32> -> vector<8x3200xf32>
    %get3A_22 = arith.constant 0 : index
    %get3A_23 = arith.constant 0 : index
    %get3A_24 = vector.load %arg6[%get3A_22, %get3A_23] : memref<8x1xf32, #tpu.memory_space<vmem>>, vector<8x1xf32>
    %add3A_25 = vector.broadcast %get3A_24 : vector<8x1xf32> to vector<8x3200xf32>
    %add3A_26 = arith.addf %dot_general3A_21, %add3A_25 : vector<8x3200xf32>
    %exp3A = math.exp %add3A_26 : vector<8x3200xf32>
    %swap3A_27 = arith.constant 0 : index
    %swap3A_28 = arith.constant 0 : index
    %swap3A_29 = vector.load %arg8[%swap3A_27, %swap3A_28] : memref<8x3200xf32, #tpu.memory_space<vmem>>, vector<8x3200xf32>
    tpu.vector_store %arg8[%swap3A_27, %swap3A_28], %exp3A {strides = array<i32>} : memref<8x3200xf32, #tpu.memory_space<vmem>>, vector<8x3200xf32>,
    return
  }
  func.func @transform_0(%arg0: i32) -> (i32, i32) {
    %c0_i32 = arith.constant 0 : i32
    %c0_i32_0 = arith.constant 0 : i32
    return %arg0, %c0_i32 : i32, i32
  }
  func.func @transform_1(%arg0: i32) -> (i32, i32) {
    %c0_i32 = arith.constant 0 : i32
    %c0_i32_0 = arith.constant 0 : i32
    return %arg0, %c0_i32 : i32, i32
  }
  func.func @transform_2(%arg0: i32) -> (i32, i32) {
    %c0_i32 = arith.constant 0 : i32
    %c0_i32_0 = arith.constant 0 : i32
    %c0_i32_1 = arith.constant 0 : i32
    return %c0_i32, %c0_i32_0 : i32, i32
  }
  func.func @transform_3(%arg0: i32) -> (i32, i32) {
    %c0_i32 = arith.constant 0 : i32
    %c0_i32_0 = arith.constant 0 : i32
    %c0_i32_1 = arith.constant 0 : i32
    return %c0_i32, %c0_i32_0 : i32, i32
  }
  func.func @transform_4(%arg0: i32) -> (i32, i32) {
    %c0_i32 = arith.constant 0 : i32
    %c0_i32_0 = arith.constant 0 : i32
    %c0_i32_1 = arith.constant 0 : i32
    return %c0_i32, %c0_i32_0 : i32, i32
  }
  func.func @transform_5(%arg0: i32) -> (i32, i32) {
    %c0_i32 = arith.constant 0 : i32
    %c0_i32_0 = arith.constant 0 : i32
    %c0_i32_1 = arith.constant 0 : i32
    return %c0_i32, %c0_i32_0 : i32, i32
  }
  func.func @transform_6(%arg0: i32) -> (i32, i32) {
    %c0_i32 = arith.constant 0 : i32
    %c0_i32_0 = arith.constant 0 : i32
    return %arg0, %c0_i32 : i32, i32
  }
  func.func @transform_7(%arg0: i32) -> (i32, i32) {
    %c0_i32 = arith.constant 0 : i32
    %c0_i32_0 = arith.constant 0 : i32
    return %c0_i32, %arg0 : i32, i32
  }
}

module attributes {stable_mosaic.version = 14 : i64} {
  func.func @_reduce_body(%arg0: i32, %arg1: memref<8x80000xf32, #tpu.memory_space<vmem>>, %arg2: memref<80000xf32, #tpu.memory_space<vmem>>) attributes {dimension_semantics = [#tpu.dimension_semantics<arbitrary>], iteration_bounds = array<i64: 4>, scalar_prefetch = 0 : i64, scratch_operands = 0 : i64, tpu.core_type = #tpu.core_type<tc>, window_params = [{transform_indices = @transform_0, window_bounds = array<i64: 8, 80000>}, {pipeline_mode = #tpu.pipeline_mode<synchronous>, transform_indices = @transform_1, window_bounds = array<i64: 80000>}]} {
    %eq3A = arith.constant 0 : i32
    %eq3A_0 = arith.cmpi eq, %arg0, %eq3A : i32
    %convert_element_type3A = arith.extui %eq3A_0 : i1 to i32
    %cond3A = arith.constant 0 : i32
    %cond3A_1 = arith.cmpi ne, %convert_element_type3A, %cond3A : i32
    scf.if %cond3A_1 {
      %broadcast_in_dim3A = arith.constant 0.000000e+00 : f32
      %broadcast_in_dim3A_8 = vector.broadcast %broadcast_in_dim3A : f32 to vector<80000xf32>
      %swap3A_9 = arith.constant 0 : index
      %swap3A_10 = vector.load %arg2[%swap3A_9] : memref<80000xf32, #tpu.memory_space<vmem>>, vector<80000xf32>
      tpu.vector_store %arg2[%swap3A_9], %broadcast_in_dim3A_8 {strides = array<i32>} : memref<80000xf32, #tpu.memory_space<vmem>>, vector<80000xf32>,
    } else {
    }
    %get3A = arith.constant 0 : index
    %get3A_2 = vector.load %arg2[%get3A] : memref<80000xf32, #tpu.memory_space<vmem>>, vector<80000xf32>
    %get3A_3 = arith.constant 0 : index
    %get3A_4 = arith.constant 0 : index
    %get3A_5 = vector.load %arg1[%get3A_3, %get3A_4] : memref<8x80000xf32, #tpu.memory_space<vmem>>, vector<8x80000xf32>
    %reduce_sum3A = arith.constant dense<0.000000e+00> : vector<80000xf32>
    %reduce_sum3A_6 = vector.multi_reduction <add>, %get3A_5, %reduce_sum3A [0] : vector<8x80000xf32> to vector<80000xf32>
    %add3A = arith.addf %get3A_2, %reduce_sum3A_6 : vector<80000xf32>
    %swap3A = arith.constant 0 : index
    %swap3A_7 = vector.load %arg2[%swap3A] : memref<80000xf32, #tpu.memory_space<vmem>>, vector<80000xf32>
    tpu.vector_store %arg2[%swap3A], %add3A {strides = array<i32>} : memref<80000xf32, #tpu.memory_space<vmem>>, vector<80000xf32>,
    return
  }
  func.func @transform_0(%arg0: i32) -> (i32, i32) {
    %c0_i32 = arith.constant 0 : i32
    %c0_i32_0 = arith.constant 0 : i32
    return %arg0, %c0_i32 : i32, i32
  }
  func.func @transform_1(%arg0: i32) -> i32 {
    %c0_i32 = arith.constant 0 : i32
    %c0_i32_0 = arith.constant 0 : i32
    return %c0_i32 : i32
  }
}

module attributes {stable_mosaic.version = 14 : i64} {
  func.func @_edge2_body(%arg0: i32, %arg1: memref<3200x64xf32, #tpu.memory_space<vmem>>, %arg2: memref<8x3200xf32, #tpu.memory_space<vmem>>, %arg3: memref<3200x128xf32, #tpu.memory_space<vmem>>, %arg4: memref<3200x1xi32, #tpu.memory_space<vmem>>, %arg5: memref<64x128xf32, #tpu.memory_space<vmem>>, %arg6: memref<1x128xf32, #tpu.memory_space<vmem>>, %arg7: memref<3200x128xf32, #tpu.memory_space<vmem>>) attributes {dimension_semantics = [#tpu.dimension_semantics<arbitrary>], iteration_bounds = array<i64: 100>, scalar_prefetch = 0 : i64, scratch_operands = 0 : i64, tpu.core_type = #tpu.core_type<tc>, window_params = [{transform_indices = @transform_0, window_bounds = array<i64: 3200, 64>}, {transform_indices = @transform_1, window_bounds = array<i64: 8, 3200>}, {transform_indices = @transform_2, window_bounds = array<i64: 3200, 128>}, {transform_indices = @transform_3, window_bounds = array<i64: 3200, 1>}, {pipeline_mode = #tpu.pipeline_mode<synchronous>, transform_indices = @transform_4, window_bounds = array<i64: 64, 128>}, {pipeline_mode = #tpu.pipeline_mode<synchronous>, transform_indices = @transform_5, window_bounds = array<i64: 1, 128>}, {transform_indices = @transform_6, window_bounds = array<i64: 3200, 128>}]} {
    %get3A = arith.constant 0 : index
    %get3A_0 = arith.constant 0 : index
    %get3A_1 = vector.load %arg3[%get3A, %get3A_0] : memref<3200x128xf32, #tpu.memory_space<vmem>>, vector<3200x128xf32>
    %iota3A = tpu.iota {dimensions = array<i32: 1>} : vector<8x128xi32>
    %and3A = arith.constant 7 : i32
    %and3A_2 = vector.broadcast %and3A : i32 to vector<8x128xi32>
    %and3A_3 = arith.andi %iota3A, %and3A_2 : vector<8x128xi32>
    %iota3A_4 = tpu.iota {dimensions = array<i32: 0>} : vector<8x128xi32>
    %eq3A = arith.cmpi eq, %and3A_3, %iota3A_4 : vector<8x128xi32>
    %convert_element_type3A = arith.extui %eq3A : vector<8x128xi1> to vector<8x128xi32>
    %convert_element_type3A_5 = arith.sitofp %convert_element_type3A : vector<8x128xi32> to vector<8x128xf32>
    %get3A_6 = arith.constant 0 : index
    %get3A_7 = arith.constant 0 : index
    %get3A_8 = vector.load %arg2[%get3A_6, %get3A_7] : memref<8x3200xf32, #tpu.memory_space<vmem>>, vector<8x3200xf32>
    %dot_general3A = arith.constant dense<0.000000e+00> : vector<3200x128xf32>
    %dot_general3A_9 = tpu.matmul %get3A_8, %convert_element_type3A_5, %dot_general3A {dimension_numbers = #tpu.dot_dimension_numbers<[0], [0], [1], [1], [0, 1, 1, 1], [], []>, precision = #tpu.contract_precision<fp32>, transpose_lhs_hint = false} : vector<8x3200xf32>, vector<8x128xf32>, vector<3200x128xf32> -> vector<3200x128xf32>
    %get3A_10 = arith.constant 0 : index
    %get3A_11 = arith.constant 0 : index
    %get3A_12 = vector.load %arg4[%get3A_10, %get3A_11] : memref<3200x1xi32, #tpu.memory_space<vmem>>, vector<3200x1xi32>
    %and3A_13 = arith.constant 15 : i32
    %and3A_14 = vector.broadcast %and3A_13 : i32 to vector<3200x1xi32>
    %and3A_15 = arith.andi %get3A_12, %and3A_14 : vector<3200x1xi32>
    %iota3A_16 = tpu.iota {dimensions = array<i32: 1>} : vector<3200x128xi32>
    %shift_right_logical3A = arith.constant 3 : i32
    %shift_right_logical3A_17 = vector.broadcast %shift_right_logical3A : i32 to vector<3200x128xi32>
    %shift_right_logical3A_18 = arith.shrui %iota3A_16, %shift_right_logical3A_17 : vector<3200x128xi32>
    %eq3A_19 = vector.broadcast %and3A_15 : vector<3200x1xi32> to vector<3200x128xi32>
    %eq3A_20 = arith.cmpi eq, %shift_right_logical3A_18, %eq3A_19 : vector<3200x128xi32>
    %add3A = arith.constant 9.99999971E-10 : f32
    %add3A_21 = vector.broadcast %add3A : f32 to vector<3200x128xf32>
    %add3A_22 = arith.addf %get3A_1, %add3A_21 : vector<3200x128xf32>
    %div3A = arith.divf %dot_general3A_9, %add3A_22 : vector<3200x128xf32>
    %jit3A = arith.constant 0.000000e+00 : f32
    %broadcast_in_dim3A = vector.broadcast %jit3A : f32 to vector<3200x128xf32>
    %select_n3A = arith.select %eq3A_20, %div3A, %broadcast_in_dim3A : vector<3200x128xi1>, vector<3200x128xf32>
    %reduce_sum3A = arith.constant dense<0.000000e+00> : vector<3200xf32>
    %reduce_sum3A_23 = vector.multi_reduction <add>, %select_n3A, %reduce_sum3A [1] : vector<3200x128xf32> to vector<3200xf32>
    %broadcast_in_dim3A_24 = vector.shape_cast %reduce_sum3A_23 : vector<3200xf32> to vector<3200x1xf32>
    %mul3A = arith.constant 1.250000e-01 : f32
    %mul3A_25 = vector.broadcast %mul3A : f32 to vector<3200x1xf32>
    %mul3A_26 = arith.mulf %broadcast_in_dim3A_24, %mul3A_25 : vector<3200x1xf32>
    %get3A_27 = arith.constant 0 : index
    %get3A_28 = arith.constant 0 : index
    %get3A_29 = vector.load %arg1[%get3A_27, %get3A_28] : memref<3200x64xf32, #tpu.memory_space<vmem>>, vector<3200x64xf32>
    %mul3A_30 = vector.broadcast %mul3A_26 : vector<3200x1xf32> to vector<3200x64xf32>
    %mul3A_31 = arith.mulf %get3A_29, %mul3A_30 : vector<3200x64xf32>
    %get3A_32 = arith.constant 0 : index
    %get3A_33 = arith.constant 0 : index
    %get3A_34 = vector.load %arg5[%get3A_32, %get3A_33] : memref<64x128xf32, #tpu.memory_space<vmem>>, vector<64x128xf32>
    %dot_general3A_35 = arith.constant dense<0.000000e+00> : vector<3200x128xf32>
    %dot_general3A_36 = tpu.matmul %mul3A_31, %get3A_34, %dot_general3A_35 {dimension_numbers = #tpu.dot_dimension_numbers<[1], [0], [0], [1], [0, 0, 1, 1], [], []>, transpose_lhs_hint = false} : vector<3200x64xf32>, vector<64x128xf32>, vector<3200x128xf32> -> vector<3200x128xf32>
    %get3A_37 = arith.constant 0 : index
    %get3A_38 = arith.constant 0 : index
    %get3A_39 = vector.load %arg6[%get3A_37, %get3A_38] : memref<1x128xf32, #tpu.memory_space<vmem>>, vector<1x128xf32>
    %add3A_40 = vector.broadcast %get3A_39 : vector<1x128xf32> to vector<3200x128xf32>
    %add3A_41 = arith.addf %dot_general3A_36, %add3A_40 : vector<3200x128xf32>
    %mul3A_42 = vector.broadcast %mul3A_26 : vector<3200x1xf32> to vector<3200x128xf32>
    %mul3A_43 = arith.mulf %mul3A_42, %add3A_41 : vector<3200x128xf32>
    %swap3A = arith.constant 0 : index
    %swap3A_44 = arith.constant 0 : index
    %swap3A_45 = vector.load %arg7[%swap3A, %swap3A_44] : memref<3200x128xf32, #tpu.memory_space<vmem>>, vector<3200x128xf32>
    tpu.vector_store %arg7[%swap3A, %swap3A_44], %mul3A_43 {strides = array<i32>} : memref<3200x128xf32, #tpu.memory_space<vmem>>, vector<3200x128xf32>,
    return
  }
  func.func @transform_0(%arg0: i32) -> (i32, i32) {
    %c0_i32 = arith.constant 0 : i32
    %c0_i32_0 = arith.constant 0 : i32
    return %arg0, %c0_i32 : i32, i32
  }
  func.func @transform_1(%arg0: i32) -> (i32, i32) {
    %c0_i32 = arith.constant 0 : i32
    %c0_i32_0 = arith.constant 0 : i32
    return %c0_i32, %arg0 : i32, i32
  }
  func.func @transform_2(%arg0: i32) -> (i32, i32) {
    %c0_i32 = arith.constant 0 : i32
    %c0_i32_0 = arith.constant 0 : i32
    return %arg0, %c0_i32 : i32, i32
  }
  func.func @transform_3(%arg0: i32) -> (i32, i32) {
    %c0_i32 = arith.constant 0 : i32
    %c0_i32_0 = arith.constant 0 : i32
    return %arg0, %c0_i32 : i32, i32
  }
  func.func @transform_4(%arg0: i32) -> (i32, i32) {
    %c0_i32 = arith.constant 0 : i32
    %c0_i32_0 = arith.constant 0 : i32
    %c0_i32_1 = arith.constant 0 : i32
    return %c0_i32, %c0_i32_0 : i32, i32
  }
  func.func @transform_5(%arg0: i32) -> (i32, i32) {
    %c0_i32 = arith.constant 0 : i32
    %c0_i32_0 = arith.constant 0 : i32
    %c0_i32_1 = arith.constant 0 : i32
    return %c0_i32, %c0_i32_0 : i32, i32
  }
  func.func @transform_6(%arg0: i32) -> (i32, i32) {
    %c0_i32 = arith.constant 0 : i32
    %c0_i32_0 = arith.constant 0 : i32
    return %arg0, %c0_i32 : i32, i32
  }
}

module attributes {stable_mosaic.version = 14 : i64} {
  func.func @_merge_body(%arg0: memref<2x10000x128xf32, #tpu.memory_space<vmem>>, %arg1: memref<10000x128xf32, #tpu.memory_space<vmem>>) attributes {dimension_semantics = [], scalar_prefetch = 0 : i64, scratch_operands = 0 : i64, tpu.core_type = #tpu.core_type<tc>} {
    %get3A = arith.constant 0 : index
    %get3A_0 = arith.constant 0 : index
    %get3A_1 = arith.constant 0 : index
    %get3A_2 = vector.load %arg0[%get3A, %get3A_0, %get3A_1] : memref<2x10000x128xf32, #tpu.memory_space<vmem>>, vector<1x10000x128xf32>
    %get3A_3 = vector.shape_cast %get3A_2 : vector<1x10000x128xf32> to vector<10000x128xf32>
    %get3A_4 = arith.constant 1 : index
    %get3A_5 = arith.constant 0 : index
    %get3A_6 = arith.constant 0 : index
    %get3A_7 = vector.load %arg0[%get3A_4, %get3A_5, %get3A_6] : memref<2x10000x128xf32, #tpu.memory_space<vmem>>, vector<1x10000x128xf32>
    %get3A_8 = vector.shape_cast %get3A_7 : vector<1x10000x128xf32> to vector<10000x128xf32>
    %add3A = arith.addf %get3A_3, %get3A_8 : vector<10000x128xf32>
    %max3A = arith.constant 0.000000e+00 : f32
    %max3A_9 = vector.broadcast %max3A : f32 to vector<10000x128xf32>
    %max3A_10 = arith.maximumf %add3A, %max3A_9 : vector<10000x128xf32>
    %swap3A = arith.constant 0 : index
    %swap3A_11 = arith.constant 0 : index
    %swap3A_12 = vector.load %arg1[%swap3A, %swap3A_11] : memref<10000x128xf32, #tpu.memory_space<vmem>>, vector<10000x128xf32>
    tpu.vector_store %arg1[%swap3A, %swap3A_11], %max3A_10 {strides = array<i32>} : memref<10000x128xf32, #tpu.memory_space<vmem>>, vector<10000x128xf32>,
    return
  }
}

</mosaic_0001>

<sc_bundles>
// kernel: kernel.11.cloned.1.call-start
scs
__scs_entry_jumppad:
0x0: {  	(pc) =	sbr.rel $0x88, $3  }
0x1: {  	(tag) =	ssettag $0x0;
	lr =	simm.s32 $0x1  }
0x2: {  	[smem:$0x3F92] =	sst lr;
	_ =	strace $0xD0000000  }
0x3: {  	_ = 	snop  }
0x4: {  	_ = 	snop  }
0x5: {  	_ = 	snop  }
0x6: {  	_ = 	snop  }
0x7: {  	_ = 	snop  }
__scs_overlays_trampoline_lowered:
0x8: {  	[smem:$0x3FA1] =	sst s0  }
0x9: {  	[smem:$0x3FA2] =	sst s1  }
0xa: {  	[smem:$0x3FA3] =	sst s2  }
0xb: {  	[smem:$0x3FA4] =	sst s3  }
0xc: {  	[smem:$0x3FA5] =	sst s4  }
0xd: {  	[smem:$0x3FA6] =	sst s5  }
0xe: {  	[smem:$0x3FA7] =	sst s6  }
0xf: {  	[smem:$0x3FA8] =	sst s7  }
0x10: {  	[smem:$0x3FA9] =	sst s8  }
0x11: {  	[smem:$0x3FAA] =	sst s9;
	s0 =	simm.s32 @!p0 $0x0  }
0x12: {  	s1 =	sld [smem:$0x3F90];
	s0 =	simm.s32 @p0 $0x1  }
0x13: {  	[smem:$0x3FAB] =	sst s0;
	s0 =	simm.s32 @!p1 $0x0  }
0x14: {  	s2 =	sld [smem:$0x3F8F];
	s0 =	simm.s32 @p1 $0x1  }
0x15: {  	[smem:$0x3FAC] =	sst s0;
	s0 =	simm.s32 @!p2 $0x0  }
0x16: {  	s3 =	sld [smem:$0x3FDB];
	s0 =	simm.s32 @p2 $0x1  }
0x17: {  	s4 =	simm.s32 $0x1BF5;
	[smem:$0x3FAE] =	sst s0  }
0x18: {  	s0 =	sld [smem:$0x3F91];
	_ =	swait.ge [sflag:s4], $0x0  }
0x19: {  	s7 =	sld [smem:$0x3F92]  }
0x1a: {  	s8 =	sadd.s32 $0xFFFFE003, lr  }
0x1b: {  	s9 =	sadd.s32 $0xFFFFFEF7, lr;
	s5 =	simm.s32 $0xFFFFFFFF;
	p2 =	slt.u32 s8, $0xFFFFF086  }
0x1c: {  	p1 =	slt.u32 s9, $0xF7A;
	s5 =	simm.s32 @!p2 $0x0  }
0x1d: {  	s5 =	simm.s32 @p1 $0x1;
	p0 =	seq.s32 s7, s2  }
0x1e: {  	s7 =	smul.u32 @!p0 $0xF7A, s2;
	p2 =	seq.s32 @!p0 s5, $0x0  }
0x1f: {  	s9 =	smul.u32 $0xF7A, s1;
	s8 =	simm.s32 @!p0 $0x1BF5;
	p2 =	por !p2, p0  }
0x20: {  	[sflag:s8] =	ssyncset.s32 @!p0 $0xFFFFF086;
	s6 =	sadd.s32 @!p0 s3, s7;
	s7 =	simm.s32 @!p0 $0x108  }
0x21: {  	s3 =	sadd.s32 s3, s9;
	s6 =	sadd.s32 @!p0 $0x88, s6;
	s7 =	simm.s32 @p2 $0x1082  }
0x22: {  	[simem:s7], [sflag:s8] =	dma.local @!p0 [hbm:s6], $0xF7A  }
0x23: {  	s9 =	sor.u32 $0xD0000000, s2;
	s6 =	simm.s32 $0x108;
	_ =	swait.ge @!p0 [sflag:s8], $0x0  }
0x24: {  	s3 =	sadd.s32 $0x88, s3;
	s6 =	simm.s32 @!p1 $0x1082;
	[sflag:s4] =	ssyncset.s32 $0xFFFFF086  }
0x25: {  	[simem:s6], [sflag:s4] =	dma.local [hbm:s3], $0xF7A  }
0x26: {  	[smem:$0x3F92] =	sst s1;
	(tag) =	ssettag s2;
	_ =	strace s9  }
0x27: {  	s1 =	sld [smem:$0x3FA2]  }
0x28: {  	s2 =	sld [smem:$0x3FA3]  }
0x29: {  	s4 =	sld [smem:$0x3FA5]  }
0x2a: {  	p0 =	seq.s32 s5, $0x0;
	s5 =	sld [smem:$0x3FA6]  }
0x2b: {  	s6 =	sld [smem:$0x3FA7]  }
0x2c: {  	s7 =	sld [smem:$0x3FA8]  }
0x2d: {  	s3 =	simm.s32 $0x108;
	s8 =	sld [smem:$0x3FA9]  }
0x2e: {  	s3 =	simm.s32 @!p0 $0x1082;
	s9 =	sld [smem:$0x3FAA]  }
0x2f: {  	lr =	sadd.s32 s0, s3;
	s0 =	sld [smem:$0x3FA1]  }
0x30: {  	s3 =	sld [smem:$0x3FA4]  }
0x31: {  	[smem:$0x3FAD] =	sst s10  }
0x32: {  	s10 =	sld [smem:$0x3FAB];
	_ =	sdelay $0x3  }
0x33: {  	p0 =	seq.s32 s10, $0x1;
	s10 =	sld [smem:$0x3FAD];
	_ =	sdelay $0x3  }
0x34: {  	[smem:$0x3FAD] =	sst s10  }
0x35: {  	s10 =	sld [smem:$0x3FAC];
	_ =	sdelay $0x3  }
0x36: {  	p1 =	seq.s32 s10, $0x1;
	s10 =	sld [smem:$0x3FAD];
	_ =	sdelay $0x3  }
0x37: {  	[smem:$0x3FAD] =	sst s10  }
0x38: {  	s10 =	sld [smem:$0x3FAE]  }
0x39: {  	_ = 	snop;
	(pc) =	sbr.ind lr, $3  }
0x3a: {  	_ = 	snop  }
0x3b: {  	_ = 	snop  }
0x3c: {  	p2 =	seq.s32 s10, $0x1;
	s10 =	sld [smem:$0x3FAD]  }
0x3d: {  	_ =	shalt  }
0x3e: {  	_ =	shalt  }
0x3f: {  	_ =	shalt  }
0x40: {  	_ =	shalt  }
0x41: {  	_ =	shalt  }
0x42: {  	_ =	shalt  }
0x43: {  	_ =	shalt  }
0x44: {  	_ =	shalt  }
0x45: {  	_ =	shalt  }
0x46: {  	_ =	shalt  }
0x47: {  	_ =	shalt  }
0x48: {  	_ =	shalt  }
0x49: {  	_ =	shalt  }
0x4a: {  	_ =	shalt  }
0x4b: {  	_ =	shalt  }
0x4c: {  	_ =	shalt  }
0x4d: {  	_ =	shalt  }
0x4e: {  	_ =	shalt  }
0x4f: {  	_ =	shalt  }
0x50: {  	_ =	shalt  }
0x51: {  	_ =	shalt  }
0x52: {  	_ =	shalt  }
0x53: {  	_ =	shalt  }
0x54: {  	_ =	shalt  }
0x55: {  	_ =	shalt  }
0x56: {  	_ =	shalt  }
0x57: {  	_ =	shalt  }
0x58: {  	_ =	shalt  }
0x59: {  	_ =	shalt  }
0x5a: {  	_ =	shalt  }
0x5b: {  	_ =	shalt  }
0x5c: {  	_ =	shalt  }
0x5d: {  	_ =	shalt  }
0x5e: {  	_ =	shalt  }
0x5f: {  	_ =	shalt  }
0x60: {  	_ =	shalt  }
0x61: {  	_ =	shalt  }
0x62: {  	_ =	shalt  }
0x63: {  	_ =	shalt  }
0x64: {  	_ =	shalt  }
0x65: {  	_ =	shalt  }
0x66: {  	_ =	shalt  }
0x67: {  	_ =	shalt  }
0x68: {  	_ =	shalt  }
0x69: {  	_ =	shalt  }
0x6a: {  	_ =	shalt  }
0x6b: {  	_ =	shalt  }
0x6c: {  	_ =	shalt  }
0x6d: {  	_ =	shalt  }
0x6e: {  	_ =	shalt  }
0x6f: {  	_ =	shalt  }
0x70: {  	_ =	shalt  }
0x71: {  	_ =	shalt  }
0x72: {  	_ =	shalt  }
0x73: {  	_ =	shalt  }
0x74: {  	_ =	shalt  }
0x75: {  	_ =	shalt  }
0x76: {  	_ =	shalt  }
0x77: {  	_ =	shalt  }
0x78: {  	_ =	shalt  }
0x79: {  	_ =	shalt  }
0x7a: {  	_ =	shalt  }
0x7b: {  	_ =	shalt  }
0x7c: {  	_ =	shalt  }
0x7d: {  	_ =	shalt  }
0x7e: {  	_ =	shalt  }
0x7f: {  	_ =	shalt  }
0x80: {  	_ =	shalt  }
0x81: {  	_ =	shalt  }
0x82: {  	_ =	shalt  }
0x83: {  	_ =	shalt  }
0x84: {  	_ =	shalt  }
0x85: {  	_ =	shalt  }
0x86: {  	_ =	shalt  }
0x87: {  	_ =	shalt  }
.Lfunc_end0:
.L_simem_size_0:
called_computation_lowered:
.L_overlay_start_0:
0x88: {  	s2 =	sld [smem:$0x3FD9]  }
0x89: {  	s3 =	sld [smem:$0x3FFE];
	_ =	sdelay $0x1  }
0x8a: {  	s1 =	srdreg.scid  }
0x8b: {  	s0 =	sand.u32 $0x1, s1  }
0x8c: {  	s17 =	sshll.u32 s0, $0xA;
	s2 =	sadd.s32 s3, s2  }
0x8d: {  	s2 =	sadd.s32 s2, s17  }
0x8e: {  	[smem:$0x3FB9] =	sst s2  }
0x8f: {  	_ = 	snop  }
0x90: {  	s2 =	sld [smem:$0x3FC9]  }
0x91: {  	s18 =	sld [smem:$0x3FD0];
	(tm) =	ssettm $0x1  }
0x92: {  	s4 =	sld [smem:$0x3FFB];
	_ =	sdelay $0x3  }
0x93: {  	_ =	strace s4  }
0x94: {  	s4 =	sld [smem:$0x3FFC];
	_ =	sdelay $0x3  }
0x95: {  	_ =	strace s4  }
0x96: {  	s4 =	sld [smem:$0x3FFD];
	_ =	sdelay $0x3  }
0x97: {  	_ =	strace s4  }
0x98: {  	_ =	strace $0x8FFFFFFF  }
0x99: {  	s19 =	sld [smem:$0x3FDB];
	_ =	sdelay $0x1  }
0x9a: {  	s5 =	simm.s32 $_scs_section_size  }
0x9b: {  	s6 =	simm.s32 $_size__tile_overlayer_lowered;
	s7 =	simm.s32 $_tile_overlayer_lowered  }
0x9c: {  	s22 =	simm.s32 $0x1BFF;
	s21 =	sshll.u32 s7, $0x1;
	s4 =	sadd.s32 s5, s19  }
0x9d: {  	s8 =	simm.s32 $0x0;
	s20 =	sshll.u32 s6, $0x1;
	s6 =	sadd.s32 s21, s4  }
0x9e: {  	[timem:s8], [sflag:s22] =	dma.local [hbm:s6], s20  }
0x9f: {  	_ =	swait.ge [sflag:s22], s20  }
0xa0: {  	s5 =	ssub.s32 $0x0, s20;
	[sflag:s22] =	ssyncset.done $0x0  }
0xa1: {  	[sflag:s22] =	ssyncadd.s32 s5;
	_ =	sdelay $0x1  }
0xa2: {  	s23 =	simm.s32 $0x1B8B  }
0xa3: {  	_ =	swait.ge [sflag:s23], $0x1  }
0xa4: {  	[sflag:s23] =	ssyncset.done $0x0  }
0xa5: {  	s25 =	simm.s32 $0x1B8E;
	s24 =	sld [smem:$0x3FFE];
	[sflag:s23] =	ssyncadd.s32 $0xFFFFFFFF  }
0xa6: {  	s26 =	simm.s32 $execute0_lowered;
	[smem:$0x3FD2] =	sst s25  }
0xa7: {  	s6 =	sshll.u32 s26, $0x1;
	_ =	strace $0x80000046;
	[dreg:$0x1] =	wrdreg $0xFFFFFFFF  }
0xa8: {  	s28 =	simm.s32 $_size_execute0_lowered;
	s4 =	sadd.s32 s4, s6;
	[dreg:$0x0] =	wrdreg $0x0  }
0xa9: {  	s6 =	sshll.u32 s28, $0x1;
	[dreg:$0x2] =	wrdreg s4  }
0xaa: {  	[dreg:$0x3] =	wrdreg s6  }
0xab: {  	[dreg:$0x4] =	wrdreg $0xC0  }
0xac: {  	_ =	task [dreg:s8], $0x5FFFF  }
0xad: {  	[dreg:$0x1] =	wrdreg $0xFFFFFFFF  }
0xae: {  	[dreg:$0x0] =	wrdreg $0x60  }
0xaf: {  	[dreg:$0x2] =	wrdreg s24  }
0xb0: {  	[dreg:$0x3] =	wrdreg s2  }
0xb1: {  	[dreg:$0x4] =	wrdreg s18  }
0xb2: {  	[dreg:$0x5] =	wrdreg $0x9  }
0xb3: {  	_ =	task.clear_ibuf [dreg:s8], $0x6FFFF;
	_ =	strace $0x90000046  }
0xb4: {  	s29 =	simm.s32 $0x9;
	_ =	strace $0x80000048  }
0xb5: {  	_ =	swait.ge [sflag:s29], $0x1  }
0xb6: {  	[sflag:s29] =	ssyncadd.s32 $0xFFFFFFFF  }
0xb7: {  	_ =	strace $0x90000048  }
0xb8: {  	_ =	sfence  }
0xb9: {  	s30 =	sld [smem:$0x0];
	_ =	sdelay $0x2  }
0xba: {  	s31 =	sshll.u32 s1, $0xD;
	s1 =	sshrl.u32 s1, $0x2  }
0xbb: {  	s3 =	sand.u32 $0x4000, s31;
	s1 =	sadd.s32 s1, s30  }
0xbc: {  	s0 =	sor.u32 s3, s0;
	s1 =	sshll.u32 s1, $0x11  }
0xbd: {  	s0 =	sor.u32 s1, s0  }
0xbe: {  	s0 =	sadd.s32 $0x8F2B, s0  }
0xbf: {  	[sflag:s0] =	ssyncadd.remote.s32 $0x1  }
0xc0: {  	_ =	sfence.sel $0xFFFF  }
0xc1: {  	[dreg:$0x0] =	wrdreg $0xFFFFFFFF;
	(pc) =	sbr.abs _section_cstart, $3  }
0xc2: {  	[dreg:$0x1] =	wrdreg $0xFFFFFFFF  }
0xc3: {  	_ =	task.clear_ibuf [dreg:s8], $0x2FFFF;
	_ =	strace $0x9FFFFFFF  }
0xc4: {  	(tm) =	ssettm $0x7FFFFFFF  }
0xc5: {  	_ =	shalt  }
tec
execute0_lowered:
.L_overlay_start_1:
0x0: {  	(tag) =	ssettag $0x1  }
0x1: {  	s8 =	rddreg [dreg:$0x0]  }
0x2: {  	s1 =	rddreg [dreg:$0x1]  }
0x3: {  	s2 =	rddreg [dreg:$0x2]  }
0x4: {  	s0 =	rddreg [dreg:$0x3];
	s3 =	simm.s32 $0x0  }
0x5: {  	s6 =	srdreg.scid;
	s4 =	stileid.u32;
	s13 =	simm.s32 $0x1  }
0x6: {  	s14 =	simm.s32 $0x100;
	s15 =	simm.s32 $0x2;
	s16 =	simm.s32 $0x4100  }
0x7: {  	s17 =	simm.s32 $0x8100;
	s18 =	simm.s32 $0x3;
	s19 =	simm.s32 $0x4  }
0x8: {  	s20 =	simm.s32 $0x5;
	s21 =	simm.s32 $0x6;
	s22 =	simm.s32 $0x7  }
0x9: {  	s23 =	simm.s32 $0x0;
	[smem:$0x7FF] =	sst s3;
	s5 =	sadd.s32 $0x18200, s8  }
0xa: {  	s9 =	sand.u32 $0x1, s6;
	s6 =	sadd.s32 $0xE400, s8;
	s11 =	sshll.u32 s4, $0x1  }
0xb: {  	s7 =	sadd.s32 $0x49200, s8;
	s8 =	sadd.s32 $0x52B200, s8;
	s10 =	ssub.s32 $0x2, s9  }
0xc: {  	_ =	strace $0x80000047;
	s9 =	sor.u32 s9, s11;
	s12 =	sshrl.u32 s10, $0x1  }
0xd: {  	s31 =	ssub.s32 $0x9E3, s9;
	s9 =	sshll.u32 s9, $0x7;
	s30 =	ssub.s32 s10, s12  }
0xe: {  	s10 =	sshrl.u32 s31, $0x5;
	s12 =	simm.s32 $0x80;
	s11 =	smax.u32 s30, $0x1  }
.LBB2_1:
0xf: {  	s24 =	simm.s32 $0x0  }
.LBB2_2:
0x10: {  	s25 =	sshll.u32 s24, $0xC  }
0x11: {  	s25 =	sor.u32 s9, s25  }
0x12: {  	s26 =	sshrl.u32 s25, $0x3  }
0x13: {  	s29 =	simm.s32 $0x0;
	s28 =	sadd.s32 s5, s26  }
0x14: {  	[tilespmem:s29], [sflag:$0x1] =	stream.linear.gather [hbm4b:s28+s29], $0x80, $0x38;
	[tilespmem:$0xC100] =	vst v63  }
0x15: {  	s26 =	sadd.s32 s6, s26  }
0x16: {  	[tilespmem:s12], [sflag:$0x2] =	stream.linear.gather [hbm4b:s26+s29], $0x80, $0x38;
	[tilespmem:$0xC100] =	vst v63  }
0x17: {  	_ =	swait.ge [sflag:s13], $0x80  }
0x18: {  	[sflag:s13] =	ssyncset.done $0x0  }
0x19: {  	[sflag:s13] =	ssyncadd.s32 $0xFFFFFF80  }
0x1a: {  	[tilespmem:s14], [sflag:$0x3] =	stream.indirect.gather [hbm4b:s1+s12], $0x80, s29, s12, $0xb8;
	[tilespmem:$0xC100] =	vst v63  }
0x1b: {  	_ =	swait.ge [sflag:s15], $0x80  }
0x1c: {  	[sflag:s15] =	ssyncset.done $0x0  }
0x1d: {  	[sflag:s15] =	ssyncadd.s32 $0xFFFFFF80  }
0x1e: {  	[tilespmem:s16], [sflag:$0x4] =	stream.indirect.gather [hbm4b:s1+s12], $0x80, s12, s12, $0xb8;
	[tilespmem:$0xC100] =	vst v63  }
0x1f: {  	_ = 	snop  }
0x20: {  	[tilespmem:s17], [sflag:$0x5] =	stream.indirect.gather [hbm4b:s2+s12], $0x80, s12, s12, $0xb8;
	[tilespmem:$0xC100] =	vst v63  }
0x21: {  	_ =	swait.ge [sflag:s18], $0x4000  }
0x22: {  	[sflag:s18] =	ssyncset.done $0x0  }
0x23: {  	[sflag:s18] =	ssyncadd.s32 $0xFFFFC000  }
0x24: {  	_ =	swait.ge [sflag:s19], $0x4000  }
0x25: {  	[sflag:s19] =	ssyncset.done $0x0  }
0x26: {  	s26 =	simm.s32 $0x0;
	[sflag:s19] =	ssyncadd.s32 $0xFFFFC000  }
0x27: {  	v7 =	vld [tilespmem:s26+$0x4100]  }
0x28: {  	v11 =	vld [tilespmem:s26+$0x4110]  }
0x29: {  	v5 =	vld [tilespmem:s26+$0x4120]  }
0x2a: {  	v4 =	vld [tilespmem:s26+$0x4130]  }
0x2b: {  	v3 =	vld [tilespmem:s26+$0x4140]  }
0x2c: {  	v2 =	vld [tilespmem:s26+$0x4150]  }
0x2d: {  	v1 =	vld [tilespmem:s26+$0x4160]  }
0x2e: {  	v0 =	vld [tilespmem:s26+$0x4170]  }
0x2f: {  	v12 =	vld [tilespmem:s26+$0x100]  }
0x30: {  	v13 =	vld [tilespmem:s26+$0x110]  }
0x31: {  	v10 =	vld [tilespmem:s26+$0x120]  }
0x32: {  	v9 =	vld [tilespmem:s26+$0x130]  }
0x33: {  	v8 =	vld [tilespmem:s26+$0x140]  }
0x34: {  	v6 =	vld [tilespmem:s26+$0x150];
	v12 =	vmul.f32 v7, v12  }
0x35: {  	s28 =	simm.s32 $0x200;
	v11 =	vmul.f32 v11, v13;
	v7 =	vld [tilespmem:s26+$0x160]  }
.LBB2_3:
0x36: {  	s29 =	sshra.s32 s28, $0x2;
	p0 =	sne.s32 s28, $0xFE00;
	[tilespmem:s26+$0x100] =	vst v12;
	v5 =	vmul.f32 v5, v10;
	v10 =	vld [tilespmem:s26+$0x170]  }
0x37: {  	v12 =	vld [tilespmem:s29+$0x4100];
	[tilespmem:s26+$0x110] =	vst v11;
	v4 =	vmul.f32 v4, v9  }
0x38: {  	v11 =	vld [tilespmem:s29+$0x4110];
	[tilespmem:s26+$0x120] =	vst v5;
	v3 =	vmul.f32 v3, v8  }
0x39: {  	v5 =	vld [tilespmem:s29+$0x4120];
	[tilespmem:s26+$0x130] =	vst v4;
	v2 =	vmul.f32 v2, v6  }
0x3a: {  	v4 =	vld [tilespmem:s29+$0x4130];
	[tilespmem:s26+$0x140] =	vst v3;
	v1 =	vmul.f32 v1, v7  }
0x3b: {  	v3 =	vld [tilespmem:s29+$0x4140];
	[tilespmem:s26+$0x150] =	vst v2;
	v0 =	vmul.f32 v0, v10  }
0x3c: {  	v2 =	vld [tilespmem:s29+$0x4150];
	[tilespmem:s26+$0x160] =	vst v1  }
0x3d: {  	v1 =	vld [tilespmem:s29+$0x4160];
	[tilespmem:s26+$0x170] =	vst v0;
	s26 =	smov.u32 s29  }
0x3e: {  	v0 =	vld [tilespmem:s26+$0x4170]  }
0x3f: {  	v6 =	vld [tilespmem:s26+$0x100]  }
0x40: {  	v7 =	vld [tilespmem:s26+$0x110]  }
.Ltmp0:
0x41: {  	v10 =	vld [tilespmem:s26+$0x120];
	(pc) =	sbr.rel @p0 .LBB2_3-.Ltmp0, $4  }
0x42: {  	v9 =	vld [tilespmem:s26+$0x130]  }
0x43: {  	v8 =	vld [tilespmem:s26+$0x140]  }
0x44: {  	v12 =	vmul.f32 v12, v6;
	v6 =	vld [tilespmem:s26+$0x150]  }
0x45: {  	s28 =	sadd.s32 $0x200, s28;
	v11 =	vmul.f32 v11, v7;
	v7 =	vld [tilespmem:s26+$0x160]  }
0x46: {  	[tilespmem:s26+$0x100] =	vst v12;
	v5 =	vmul.f32 v5, v10;
	v63 =	vld [tilespmem:s26+$0x170]  }
0x47: {  	[tilespmem:s26+$0x110] =	vst v11;
	v4 =	vmul.f32 v4, v9  }
0x48: {  	[tilespmem:s26+$0x120] =	vst v5;
	v3 =	vmul.f32 v3, v8  }
0x49: {  	[tilespmem:s26+$0x130] =	vst v4;
	v2 =	vmul.f32 v2, v6  }
0x4a: {  	[tilespmem:s26+$0x140] =	vst v3;
	v1 =	vmul.f32 v1, v7  }
0x4b: {  	[tilespmem:s26+$0x150] =	vst v2;
	v0 =	vmul.f32 v0, v63  }
0x4c: {  	s25 =	sshll.u32 s25, $0x4;
	[tilespmem:s26+$0x160] =	vst v1  }
0x4d: {  	s31 =	sadd.s32 s7, s25;
	[tilespmem:s26+$0x170] =	vst v0  }
0x4e: {  	[hbm4b:s31+s3] =	stream.linear.scatter [tilespmem:s14], [sflag:$0x6], $0x4000, $0x38;
	[tilespmem:$0xC100] =	vst v63  }
0x4f: {  	_ =	swait.ge [sflag:s20], $0x4000  }
0x50: {  	[sflag:s20] =	ssyncset.done $0x0  }
0x51: {  	s24 =	sadd.s32 $0x1, s24;
	s25 =	sadd.s32 s8, s25;
	[sflag:s20] =	ssyncadd.s32 $0xFFFFC000  }
0x52: {  	[hbm4b:s25+s3] =	stream.linear.scatter [tilespmem:s17], [sflag:$0x7], $0x4000, $0x38;
	[tilespmem:$0xC100] =	vst v63  }
0x53: {  	p0 =	sne.s32 s24, s10;
	_ =	swait.ge [sflag:s21], $0x4000  }
.Ltmp1:
0x54: {  	[sflag:s21] =	ssyncset.done $0x0;
	(pc) =	sbr.rel @p0 .LBB2_2-.Ltmp1, $4  }
0x55: {  	[sflag:s21] =	ssyncadd.s32 $0xFFFFC000  }
0x56: {  	_ =	swait.ge [sflag:s22], $0x4000  }
0x57: {  	[sflag:s22] =	ssyncset.done $0x0  }
0x58: {  	[sflag:s22] =	ssyncadd.s32 $0xFFFFC000  }
0x59: {  	s23 =	sadd.s32 $0x1, s23  }
0x5a: {  	p0 =	sne.s32 s23, s11  }
.Ltmp2:
0x5b: {  	_ = 	snop;
	(pc) =	sbr.rel @p0 .LBB2_1-.Ltmp2, $1  }
0x5c: {  	_ =	sdelay $0x3  }
0x5d: {  	_ =	sfence.sel $0x180000  }
0x5e: {  	[bflag:$0x0] =	sbarrier.arrive $0xFFFF  }
0x5f: {  	p0 =	sne.s32 s4, $0x0;
	_ =	strace $0x90000047  }
0x60: {  	s0 =	sadd.s32 @!p0 $0x100000, s0;
	[bflag:$0x2] =	sbarrier.arrive $0xFFFF  }
0x61: {  	[sflag:s0] =	ssyncadd.tile.s32 @!p0 $0x1;
	_ =	shalt  }
.Lfunc_end2:
_tile_overlayer_lowered:
.L_overlay_start_2:
0x62: {  	(tag) =	ssettag $0x2  }
0x63: {  	s0 =	rddreg [dreg:$0x0];
	s2 =	stileid.u32  }
0x64: {  	s1 =	rddreg [dreg:$0x1];
	p0 =	sne.s32 s2, $0x0  }
0x65: {  	s3 =	rddreg [dreg:$0x2];
	[bflag:$0x3] =	sbarrier.arrive $0xFFFF;
	s2 =	simm.s32 @!p0 $0x1C08  }
0x66: {  	[timem:s3], [sflag:s2] =	dma.local @!p0 [hbm:s0], s1  }
0x67: {  	s0 =	simm.s32 @!p0 $0x8  }
0x68: {  	_ =	swait.ge @!p0 [sflag:s0], s1  }
0x69: {  	s1 =	ssub.s32 @!p0 $0x0, s1;
	[sflag:s0] =	ssyncset.done @!p0 $0x0  }
0x6a: {  	[sflag:s0] =	ssyncadd.s32 @!p0 s1  }
0x6b: {  	[bflag:$0x3] =	sbarrier.arrive $0xFFFF  }
0x6c: {  	_ =	shalt  }

// kernel: kernel.14.cloned.1.call-start
scs
__scs_entry_jumppad:
0x0: {  	(pc) =	sbr.rel $0x88, $3  }
0x1: {  	(tag) =	ssettag $0x0;
	lr =	simm.s32 $0x1  }
0x2: {  	[smem:$0x3F92] =	sst lr;
	_ =	strace $0xD0000000  }
0x3: {  	_ = 	snop  }
0x4: {  	_ = 	snop  }
0x5: {  	_ = 	snop  }
0x6: {  	_ = 	snop  }
0x7: {  	_ = 	snop  }
__scs_overlays_trampoline_lowered:
0x8: {  	[smem:$0x3FA1] =	sst s0  }
0x9: {  	[smem:$0x3FA2] =	sst s1  }
0xa: {  	[smem:$0x3FA3] =	sst s2  }
0xb: {  	[smem:$0x3FA4] =	sst s3  }
0xc: {  	[smem:$0x3FA5] =	sst s4  }
0xd: {  	[smem:$0x3FA6] =	sst s5  }
0xe: {  	[smem:$0x3FA7] =	sst s6  }
0xf: {  	[smem:$0x3FA8] =	sst s7  }
0x10: {  	[smem:$0x3FA9] =	sst s8  }
0x11: {  	[smem:$0x3FAA] =	sst s9;
	s0 =	simm.s32 @!p0 $0x0  }
0x12: {  	s1 =	sld [smem:$0x3F90];
	s0 =	simm.s32 @p0 $0x1  }
0x13: {  	[smem:$0x3FAB] =	sst s0;
	s0 =	simm.s32 @!p1 $0x0  }
0x14: {  	s2 =	sld [smem:$0x3F8F];
	s0 =	simm.s32 @p1 $0x1  }
0x15: {  	[smem:$0x3FAC] =	sst s0;
	s0 =	simm.s32 @!p2 $0x0  }
0x16: {  	s3 =	sld [smem:$0x3FDB];
	s0 =	simm.s32 @p2 $0x1  }
0x17: {  	s4 =	simm.s32 $0x1BF5;
	[smem:$0x3FAE] =	sst s0  }
0x18: {  	s0 =	sld [smem:$0x3F91];
	_ =	swait.ge [sflag:s4], $0x0  }
0x19: {  	s7 =	sld [smem:$0x3F92]  }
0x1a: {  	s8 =	sadd.s32 $0xFFFFE003, lr  }
0x1b: {  	s9 =	sadd.s32 $0xFFFFFEF7, lr;
	s5 =	simm.s32 $0xFFFFFFFF;
	p2 =	slt.u32 s8, $0xFFFFF086  }
0x1c: {  	p1 =	slt.u32 s9, $0xF7A;
	s5 =	simm.s32 @!p2 $0x0  }
0x1d: {  	s5 =	simm.s32 @p1 $0x1;
	p0 =	seq.s32 s7, s2  }
0x1e: {  	s7 =	smul.u32 @!p0 $0xF7A, s2;
	p2 =	seq.s32 @!p0 s5, $0x0  }
0x1f: {  	s9 =	smul.u32 $0xF7A, s1;
	s8 =	simm.s32 @!p0 $0x1BF5;
	p2 =	por !p2, p0  }
0x20: {  	[sflag:s8] =	ssyncset.s32 @!p0 $0xFFFFF086;
	s6 =	sadd.s32 @!p0 s3, s7;
	s7 =	simm.s32 @!p0 $0x108  }
0x21: {  	s3 =	sadd.s32 s3, s9;
	s6 =	sadd.s32 @!p0 $0x88, s6;
	s7 =	simm.s32 @p2 $0x1082  }
0x22: {  	[simem:s7], [sflag:s8] =	dma.local @!p0 [hbm:s6], $0xF7A  }
0x23: {  	s9 =	sor.u32 $0xD0000000, s2;
	s6 =	simm.s32 $0x108;
	_ =	swait.ge @!p0 [sflag:s8], $0x0  }
0x24: {  	s3 =	sadd.s32 $0x88, s3;
	s6 =	simm.s32 @!p1 $0x1082;
	[sflag:s4] =	ssyncset.s32 $0xFFFFF086  }
0x25: {  	[simem:s6], [sflag:s4] =	dma.local [hbm:s3], $0xF7A  }
0x26: {  	[smem:$0x3F92] =	sst s1;
	(tag) =	ssettag s2;
	_ =	strace s9  }
0x27: {  	s1 =	sld [smem:$0x3FA2]  }
0x28: {  	s2 =	sld [smem:$0x3FA3]  }
0x29: {  	s4 =	sld [smem:$0x3FA5]  }
0x2a: {  	p0 =	seq.s32 s5, $0x0;
	s5 =	sld [smem:$0x3FA6]  }
0x2b: {  	s6 =	sld [smem:$0x3FA7]  }
0x2c: {  	s7 =	sld [smem:$0x3FA8]  }
0x2d: {  	s3 =	simm.s32 $0x108;
	s8 =	sld [smem:$0x3FA9]  }
0x2e: {  	s3 =	simm.s32 @!p0 $0x1082;
	s9 =	sld [smem:$0x3FAA]  }
0x2f: {  	lr =	sadd.s32 s0, s3;
	s0 =	sld [smem:$0x3FA1]  }
0x30: {  	s3 =	sld [smem:$0x3FA4]  }
0x31: {  	[smem:$0x3FAD] =	sst s10  }
0x32: {  	s10 =	sld [smem:$0x3FAB];
	_ =	sdelay $0x3  }
0x33: {  	p0 =	seq.s32 s10, $0x1;
	s10 =	sld [smem:$0x3FAD];
	_ =	sdelay $0x3  }
0x34: {  	[smem:$0x3FAD] =	sst s10  }
0x35: {  	s10 =	sld [smem:$0x3FAC];
	_ =	sdelay $0x3  }
0x36: {  	p1 =	seq.s32 s10, $0x1;
	s10 =	sld [smem:$0x3FAD];
	_ =	sdelay $0x3  }
0x37: {  	[smem:$0x3FAD] =	sst s10  }
0x38: {  	s10 =	sld [smem:$0x3FAE]  }
0x39: {  	_ = 	snop;
	(pc) =	sbr.ind lr, $3  }
0x3a: {  	_ = 	snop  }
0x3b: {  	_ = 	snop  }
0x3c: {  	p2 =	seq.s32 s10, $0x1;
	s10 =	sld [smem:$0x3FAD]  }
0x3d: {  	_ =	shalt  }
0x3e: {  	_ =	shalt  }
0x3f: {  	_ =	shalt  }
0x40: {  	_ =	shalt  }
0x41: {  	_ =	shalt  }
0x42: {  	_ =	shalt  }
0x43: {  	_ =	shalt  }
0x44: {  	_ =	shalt  }
0x45: {  	_ =	shalt  }
0x46: {  	_ =	shalt  }
0x47: {  	_ =	shalt  }
0x48: {  	_ =	shalt  }
0x49: {  	_ =	shalt  }
0x4a: {  	_ =	shalt  }
0x4b: {  	_ =	shalt  }
0x4c: {  	_ =	shalt  }
0x4d: {  	_ =	shalt  }
0x4e: {  	_ =	shalt  }
0x4f: {  	_ =	shalt  }
0x50: {  	_ =	shalt  }
0x51: {  	_ =	shalt  }
0x52: {  	_ =	shalt  }
0x53: {  	_ =	shalt  }
0x54: {  	_ =	shalt  }
0x55: {  	_ =	shalt  }
0x56: {  	_ =	shalt  }
0x57: {  	_ =	shalt  }
0x58: {  	_ =	shalt  }
0x59: {  	_ =	shalt  }
0x5a: {  	_ =	shalt  }
0x5b: {  	_ =	shalt  }
0x5c: {  	_ =	shalt  }
0x5d: {  	_ =	shalt  }
0x5e: {  	_ =	shalt  }
0x5f: {  	_ =	shalt  }
0x60: {  	_ =	shalt  }
0x61: {  	_ =	shalt  }
0x62: {  	_ =	shalt  }
0x63: {  	_ =	shalt  }
0x64: {  	_ =	shalt  }
0x65: {  	_ =	shalt  }
0x66: {  	_ =	shalt  }
0x67: {  	_ =	shalt  }
0x68: {  	_ =	shalt  }
0x69: {  	_ =	shalt  }
0x6a: {  	_ =	shalt  }
0x6b: {  	_ =	shalt  }
0x6c: {  	_ =	shalt  }
0x6d: {  	_ =	shalt  }
0x6e: {  	_ =	shalt  }
0x6f: {  	_ =	shalt  }
0x70: {  	_ =	shalt  }
0x71: {  	_ =	shalt  }
0x72: {  	_ =	shalt  }
0x73: {  	_ =	shalt  }
0x74: {  	_ =	shalt  }
0x75: {  	_ =	shalt  }
0x76: {  	_ =	shalt  }
0x77: {  	_ =	shalt  }
0x78: {  	_ =	shalt  }
0x79: {  	_ =	shalt  }
0x7a: {  	_ =	shalt  }
0x7b: {  	_ =	shalt  }
0x7c: {  	_ =	shalt  }
0x7d: {  	_ =	shalt  }
0x7e: {  	_ =	shalt  }
0x7f: {  	_ =	shalt  }
0x80: {  	_ =	shalt  }
0x81: {  	_ =	shalt  }
0x82: {  	_ =	shalt  }
0x83: {  	_ =	shalt  }
0x84: {  	_ =	shalt  }
0x85: {  	_ =	shalt  }
0x86: {  	_ =	shalt  }
0x87: {  	_ =	shalt  }
.Lfunc_end0:
.L_simem_size_0:
called_computation.1_lowered:
.L_overlay_start_0:
0x88: {  	s2 =	sld [smem:$0x3FD9]  }
0x89: {  	s3 =	sld [smem:$0x3FFE];
	_ =	sdelay $0x1  }
0x8a: {  	s1 =	srdreg.scid  }
0x8b: {  	s0 =	sand.u32 $0x1, s1  }
0x8c: {  	s16 =	sshll.u32 s0, $0xA;
	s2 =	sadd.s32 s3, s2  }
0x8d: {  	s2 =	sadd.s32 s2, s16  }
0x8e: {  	[smem:$0x3FB9] =	sst s2  }
0x8f: {  	_ = 	snop  }
0x90: {  	(tm) =	ssettm $0x1  }
0x91: {  	s17 =	sld [smem:$0x3FFB];
	_ =	sdelay $0x3  }
0x92: {  	_ =	strace s17  }
0x93: {  	s2 =	sld [smem:$0x3FFC];
	_ =	sdelay $0x3  }
0x94: {  	_ =	strace s2  }
0x95: {  	s2 =	sld [smem:$0x3FFD];
	_ =	sdelay $0x3  }
0x96: {  	_ =	strace s2  }
0x97: {  	_ =	strace $0x8FFFFFFF  }
0x98: {  	s18 =	sld [smem:$0x3FDB];
	_ =	sdelay $0x1  }
0x99: {  	s19 =	simm.s32 $_scs_section_size  }
0x9a: {  	s4 =	simm.s32 $_size__tile_overlayer_lowered;
	s5 =	simm.s32 $_tile_overlayer_lowered  }
0x9b: {  	s22 =	simm.s32 $0x1BFF;
	s21 =	sshll.u32 s5, $0x1;
	s2 =	sadd.s32 s19, s18  }
0x9c: {  	s6 =	simm.s32 $0x0;
	s20 =	sshll.u32 s4, $0x1;
	s4 =	sadd.s32 s21, s2  }
0x9d: {  	[timem:s6], [sflag:s22] =	dma.local [hbm:s4], s20  }
0x9e: {  	_ =	swait.ge [sflag:s22], s20  }
0x9f: {  	s3 =	ssub.s32 $0x0, s20;
	[sflag:s22] =	ssyncset.done $0x0  }
0xa0: {  	[sflag:s22] =	ssyncadd.s32 s3;
	_ =	sdelay $0x1  }
0xa1: {  	s23 =	simm.s32 $0x1B8B  }
0xa2: {  	_ =	swait.ge [sflag:s23], $0x1  }
0xa3: {  	[sflag:s23] =	ssyncset.done $0x0  }
0xa4: {  	s25 =	simm.s32 $0x1B8E;
	s24 =	sld [smem:$0x3FFE];
	[sflag:s23] =	ssyncadd.s32 $0xFFFFFFFF  }
0xa5: {  	s26 =	simm.s32 $execute0_lowered;
	[smem:$0x3FD2] =	sst s25  }
0xa6: {  	s4 =	sshll.u32 s26, $0x1;
	_ =	strace $0x80000049;
	[dreg:$0x1] =	wrdreg $0xFFFFFFFF  }
0xa7: {  	s28 =	simm.s32 $_size_execute0_lowered;
	s2 =	sadd.s32 s2, s4;
	[dreg:$0x0] =	wrdreg $0x0  }
0xa8: {  	s4 =	sshll.u32 s28, $0x1;
	[dreg:$0x2] =	wrdreg s2  }
0xa9: {  	[dreg:$0x3] =	wrdreg s4  }
0xaa: {  	[dreg:$0x4] =	wrdreg $0xC0  }
0xab: {  	_ =	task [dreg:s6], $0x5FFFF  }
0xac: {  	[dreg:$0x1] =	wrdreg $0xFFFFFFFF  }
0xad: {  	[dreg:$0x0] =	wrdreg $0x60  }
0xae: {  	[dreg:$0x2] =	wrdreg s24  }
0xaf: {  	[dreg:$0x3] =	wrdreg $0x9  }
0xb0: {  	_ =	task.clear_ibuf [dreg:s6], $0x4FFFF;
	_ =	strace $0x90000049  }
0xb1: {  	s29 =	simm.s32 $0x9;
	_ =	strace $0x8000004B  }
0xb2: {  	_ =	swait.ge [sflag:s29], $0x1  }
0xb3: {  	[sflag:s29] =	ssyncadd.s32 $0xFFFFFFFF  }
0xb4: {  	_ =	strace $0x9000004B  }
0xb5: {  	_ =	sfence  }
0xb6: {  	s30 =	sld [smem:$0x0];
	_ =	sdelay $0x2  }
0xb7: {  	s31 =	sshll.u32 s1, $0xD;
	s1 =	sshrl.u32 s1, $0x2  }
0xb8: {  	s3 =	sand.u32 $0x4000, s31;
	s1 =	sadd.s32 s1, s30  }
0xb9: {  	s0 =	sor.u32 s3, s0;
	s1 =	sshll.u32 s1, $0x11  }
0xba: {  	s0 =	sor.u32 s1, s0  }
0xbb: {  	s0 =	sadd.s32 $0x8F2B, s0  }
0xbc: {  	[sflag:s0] =	ssyncadd.remote.s32 $0x1  }
0xbd: {  	_ =	sfence.sel $0xFFFF  }
0xbe: {  	[dreg:$0x0] =	wrdreg $0xFFFFFFFF;
	(pc) =	sbr.abs _section_cstart, $3  }
0xbf: {  	[dreg:$0x1] =	wrdreg $0xFFFFFFFF  }
0xc0: {  	_ =	task.clear_ibuf [dreg:s6], $0x2FFFF;
	_ =	strace $0x9FFFFFFF  }
0xc1: {  	(tm) =	ssettm $0x7FFFFFFF  }
tec
execute0_lowered:
.L_overlay_start_1:
0x0: {  	(tag) =	ssettag $0x1  }
0x1: {  	s1 =	srdreg.scid  }
0x2: {  	s0 =	stileid.u32;
	s5 =	rddreg [dreg:$0x0];
	s11 =	simm.s32 $0x80  }
0x3: {  	s12 =	simm.s32 $0x480;
	s13 =	simm.s32 $0x400;
	s14 =	simm.s32 $0x0  }
0x4: {  	s9 =	sand.u32 $0x1, s1;
	s2 =	sshll.u32 s0, $0x1;
	s1 =	rddreg [dreg:$0x1]  }
0x5: {  	s3 =	sshrl.u32 s0, $0x2;
	s29 =	sshll.u32 s0, $0x8;
	s31 =	sshll.u32 s0, $0x5  }
0x6: {  	s7 =	sor.u32 s9, s2;
	s2 =	simm.s32 $0x0;
	s3 =	smul.u32 $0x9C400, s3  }
0x7: {  	s6 =	ssub.s32 $0x2, s9;
	s30 =	sshll.u32 s9, $0x7;
	s9 =	sshll.u32 s9, $0x4  }
0x8: {  	s4 =	sshll.u32 s7, $0x7;
	[smem:$0x7FF] =	sst s2;
	s10 =	sshrl.u32 s6, $0x1  }
0x9: {  	s7 =	ssub.s32 $0x9E3, s7;
	s9 =	sor.u32 s9, s31;
	s4 =	sand.u32 $0x380, s4  }
0xa: {  	_ =	strace $0x8000004A;
	s6 =	ssub.s32 s6, s10;
	s4 =	sor.u32 s3, s4  }
0xb: {  	s7 =	sshrl.u32 s7, $0x5;
	s10 =	simm.s32 $0x1;
	s8 =	sshrl.u32 s4, $0x3  }
0xc: {  	s3 =	sadd.s32 $0xE400, s5;
	s4 =	sadd.s32 $0x49200, s5;
	s5 =	sadd.s32 s8, s5  }
0xd: {  	v0 =	vimm.f32 $0.0e+00;
	s6 =	smax.u32 s6, $0x1;
	s8 =	sor.u32 s30, s29;
	s5 =	sadd.s32 $0x97400, s5  }
.LBB2_1:
0xe: {  	s15 =	simm.s32 $0x40;
	s16 =	simm.s32 $0x0  }
.LBB2_2:
0xf: {  	p0 =	sne.s32 s15, $0x4E1C0;
	[tilespmem:s16+$0x480] =	vst v0;
	s16 =	smov.u32 s15;
	s15 =	sadd.s32 $0x40, s15  }
.Ltmp0:
0x10: {  	(pc) =	sbr.rel @p0 .LBB2_2-.Ltmp0, $2  }
0x11: {  	_ =	sdelay $0x2  }
0x12: {  	s16 =	sshra.s32 s16, $0x2  }
0x13: {  	[tilespmem:s16+$0x480] =	vst v0;
	s15 =	smov.u32 s9;
	s16 =	smov.u32 s8;
	s17 =	smov.u32 s7  }
.LBB2_4:
0x14: {  	s18 =	sand.u32 $0x1FFFFFF0, s15  }
0x15: {  	s18 =	sadd.s32 s3, s18  }
0x16: {  	[tilespmem:s2], [sflag:$0x1] =	stream.linear.gather [hbm4b:s18+s2], $0x80, $0x38;
	[tilespmem:$0x13D00] =	vst v63  }
0x17: {  	_ =	swait.ge [sflag:s10], $0x80  }
0x18: {  	s31 =	sand.u32 $0x1FFFFF80, s16;
	[sflag:s10] =	ssyncset.done $0x0  }
0x19: {  	s18 =	sadd.s32 s4, s31;
	[sflag:s10] =	ssyncadd.s32 $0xFFFFFF80  }
0x1a: {  	[tilespmem:s11], [sflag:$0x1] =	stream.linear.gather [hbm4b:s18+s2], $0x400, $0x38;
	[tilespmem:$0x13D00] =	vst v63  }
0x1b: {  	_ =	swait.ge [sflag:s10], $0x400  }
0x1c: {  	[sflag:s10] =	ssyncset.done $0x0  }
0x1d: {  	[sflag:s10] =	ssyncadd.s32 $0xFFFFFC00  }
0x1e: {  	v1 =	vld [tilespmem:$0x0];
	_ =	sdelay $0x4  }
0x1f: {  	v2 =	vld [tilespmem:$0x80];
	v1 =	vshll.u32 v1, $0x3;
	_ =	sdelay $0x4  }
0x20: {  	[tilespmem:v1+s12+$0x0] =	vst.idx.add.f32.msk $0xffff, v2  }
0x21: {  	v3 =	vor.u32 $0x1, v1;
	v2 =	vld [tilespmem:$0x100];
	_ =	sdelay $0x4  }
0x22: {  	[tilespmem:v3+s12+$0x0] =	vst.idx.add.f32.msk $0xffff, v2  }
0x23: {  	v3 =	vor.u32 $0x2, v1;
	v2 =	vld [tilespmem:$0x180];
	_ =	sdelay $0x4  }
0x24: {  	[tilespmem:v3+s12+$0x0] =	vst.idx.add.f32.msk $0xffff, v2  }
0x25: {  	v3 =	vor.u32 $0x3, v1;
	v2 =	vld [tilespmem:$0x200];
	_ =	sdelay $0x4  }
0x26: {  	[tilespmem:v3+s12+$0x0] =	vst.idx.add.f32.msk $0xffff, v2  }
0x27: {  	v3 =	vor.u32 $0x4, v1;
	v2 =	vld [tilespmem:$0x280];
	_ =	sdelay $0x4  }
0x28: {  	[tilespmem:v3+s12+$0x0] =	vst.idx.add.f32.msk $0xffff, v2  }
0x29: {  	v3 =	vor.u32 $0x5, v1;
	v2 =	vld [tilespmem:$0x300];
	_ =	sdelay $0x4  }
0x2a: {  	[tilespmem:v3+s12+$0x0] =	vst.idx.add.f32.msk $0xffff, v2  }
0x2b: {  	v3 =	vor.u32 $0x6, v1;
	v2 =	vld [tilespmem:$0x380];
	_ =	sdelay $0x4  }
0x2c: {  	[tilespmem:v3+s12+$0x0] =	vst.idx.add.f32.msk $0xffff, v2  }
0x2d: {  	v1 =	vor.u32 $0x7, v1;
	v2 =	vld [tilespmem:$0x400];
	_ =	sdelay $0x4  }
0x2e: {  	[tilespmem:v1+s12+$0x0] =	vst.idx.add.f32.msk $0xffff, v2  }
0x2f: {  	v1 =	vld [tilespmem:$0x10];
	_ =	sdelay $0x4  }
0x30: {  	v2 =	vld [tilespmem:$0x90];
	v1 =	vshll.u32 v1, $0x3;
	_ =	sdelay $0x4  }
0x31: {  	[tilespmem:v1+s12+$0x0] =	vst.idx.add.f32.msk $0xffff, v2  }
0x32: {  	v3 =	vor.u32 $0x1, v1;
	v2 =	vld [tilespmem:$0x110];
	_ =	sdelay $0x4  }
0x33: {  	[tilespmem:v3+s12+$0x0] =	vst.idx.add.f32.msk $0xffff, v2  }
0x34: {  	v3 =	vor.u32 $0x2, v1;
	v2 =	vld [tilespmem:$0x190];
	_ =	sdelay $0x4  }
0x35: {  	[tilespmem:v3+s12+$0x0] =	vst.idx.add.f32.msk $0xffff, v2  }
0x36: {  	v3 =	vor.u32 $0x3, v1;
	v2 =	vld [tilespmem:$0x210];
	_ =	sdelay $0x4  }
0x37: {  	[tilespmem:v3+s12+$0x0] =	vst.idx.add.f32.msk $0xffff, v2  }
0x38: {  	v3 =	vor.u32 $0x4, v1;
	v2 =	vld [tilespmem:$0x290];
	_ =	sdelay $0x4  }
0x39: {  	[tilespmem:v3+s12+$0x0] =	vst.idx.add.f32.msk $0xffff, v2  }
0x3a: {  	v3 =	vor.u32 $0x5, v1;
	v2 =	vld [tilespmem:$0x310];
	_ =	sdelay $0x4  }
0x3b: {  	[tilespmem:v3+s12+$0x0] =	vst.idx.add.f32.msk $0xffff, v2  }
0x3c: {  	v3 =	vor.u32 $0x6, v1;
	v2 =	vld [tilespmem:$0x390];
	_ =	sdelay $0x4  }
0x3d: {  	[tilespmem:v3+s12+$0x0] =	vst.idx.add.f32.msk $0xffff, v2  }
0x3e: {  	v1 =	vor.u32 $0x7, v1;
	v2 =	vld [tilespmem:$0x410];
	_ =	sdelay $0x4  }
0x3f: {  	[tilespmem:v1+s12+$0x0] =	vst.idx.add.f32.msk $0xffff, v2  }
0x40: {  	v1 =	vld [tilespmem:$0x20];
	_ =	sdelay $0x4  }
0x41: {  	v2 =	vld [tilespmem:$0xA0];
	v1 =	vshll.u32 v1, $0x3;
	_ =	sdelay $0x4  }
0x42: {  	[tilespmem:v1+s12+$0x0] =	vst.idx.add.f32.msk $0xffff, v2  }
0x43: {  	v3 =	vor.u32 $0x1, v1;
	v2 =	vld [tilespmem:$0x120];
	_ =	sdelay $0x4  }
0x44: {  	[tilespmem:v3+s12+$0x0] =	vst.idx.add.f32.msk $0xffff, v2  }
0x45: {  	v3 =	vor.u32 $0x2, v1;
	v2 =	vld [tilespmem:$0x1A0];
	_ =	sdelay $0x4  }
0x46: {  	[tilespmem:v3+s12+$0x0] =	vst.idx.add.f32.msk $0xffff, v2  }
0x47: {  	v3 =	vor.u32 $0x3, v1;
	v2 =	vld [tilespmem:$0x220];
	_ =	sdelay $0x4  }
0x48: {  	[tilespmem:v3+s12+$0x0] =	vst.idx.add.f32.msk $0xffff, v2  }
0x49: {  	v3 =	vor.u32 $0x4, v1;
	v2 =	vld [tilespmem:$0x2A0];
	_ =	sdelay $0x4  }
0x4a: {  	[tilespmem:v3+s12+$0x0] =	vst.idx.add.f32.msk $0xffff, v2  }
0x4b: {  	v3 =	vor.u32 $0x5, v1;
	v2 =	vld [tilespmem:$0x320];
	_ =	sdelay $0x4  }
0x4c: {  	[tilespmem:v3+s12+$0x0] =	vst.idx.add.f32.msk $0xffff, v2  }
0x4d: {  	v3 =	vor.u32 $0x6, v1;
	v2 =	vld [tilespmem:$0x3A0];
	_ =	sdelay $0x4  }
0x4e: {  	[tilespmem:v3+s12+$0x0] =	vst.idx.add.f32.msk $0xffff, v2  }
0x4f: {  	v1 =	vor.u32 $0x7, v1;
	v2 =	vld [tilespmem:$0x420];
	_ =	sdelay $0x4  }
0x50: {  	[tilespmem:v1+s12+$0x0] =	vst.idx.add.f32.msk $0xffff, v2  }
0x51: {  	v1 =	vld [tilespmem:$0x30];
	_ =	sdelay $0x4  }
0x52: {  	v2 =	vld [tilespmem:$0xB0];
	v1 =	vshll.u32 v1, $0x3;
	_ =	sdelay $0x4  }
0x53: {  	[tilespmem:v1+s12+$0x0] =	vst.idx.add.f32.msk $0xffff, v2  }
0x54: {  	v3 =	vor.u32 $0x1, v1;
	v2 =	vld [tilespmem:$0x130];
	_ =	sdelay $0x4  }
0x55: {  	[tilespmem:v3+s12+$0x0] =	vst.idx.add.f32.msk $0xffff, v2  }
0x56: {  	v3 =	vor.u32 $0x2, v1;
	v2 =	vld [tilespmem:$0x1B0];
	_ =	sdelay $0x4  }
0x57: {  	[tilespmem:v3+s12+$0x0] =	vst.idx.add.f32.msk $0xffff, v2  }
0x58: {  	v3 =	vor.u32 $0x3, v1;
	v2 =	vld [tilespmem:$0x230];
	_ =	sdelay $0x4  }
0x59: {  	[tilespmem:v3+s12+$0x0] =	vst.idx.add.f32.msk $0xffff, v2  }
0x5a: {  	v3 =	vor.u32 $0x4, v1;
	v2 =	vld [tilespmem:$0x2B0];
	_ =	sdelay $0x4  }
0x5b: {  	[tilespmem:v3+s12+$0x0] =	vst.idx.add.f32.msk $0xffff, v2  }
0x5c: {  	v3 =	vor.u32 $0x5, v1;
	v2 =	vld [tilespmem:$0x330];
	_ =	sdelay $0x4  }
0x5d: {  	[tilespmem:v3+s12+$0x0] =	vst.idx.add.f32.msk $0xffff, v2  }
0x5e: {  	v3 =	vor.u32 $0x6, v1;
	v2 =	vld [tilespmem:$0x3B0];
	_ =	sdelay $0x4  }
0x5f: {  	[tilespmem:v3+s12+$0x0] =	vst.idx.add.f32.msk $0xffff, v2  }
0x60: {  	v1 =	vor.u32 $0x7, v1;
	v2 =	vld [tilespmem:$0x430];
	_ =	sdelay $0x4  }
0x61: {  	[tilespmem:v1+s12+$0x0] =	vst.idx.add.f32.msk $0xffff, v2  }
0x62: {  	v1 =	vld [tilespmem:$0x40];
	_ =	sdelay $0x4  }
0x63: {  	v2 =	vld [tilespmem:$0xC0];
	v1 =	vshll.u32 v1, $0x3;
	_ =	sdelay $0x4  }
0x64: {  	[tilespmem:v1+s12+$0x0] =	vst.idx.add.f32.msk $0xffff, v2  }
0x65: {  	v3 =	vor.u32 $0x1, v1;
	v2 =	vld [tilespmem:$0x140];
	_ =	sdelay $0x4  }
0x66: {  	[tilespmem:v3+s12+$0x0] =	vst.idx.add.f32.msk $0xffff, v2  }
0x67: {  	v3 =	vor.u32 $0x2, v1;
	v2 =	vld [tilespmem:$0x1C0];
	_ =	sdelay $0x4  }
0x68: {  	[tilespmem:v3+s12+$0x0] =	vst.idx.add.f32.msk $0xffff, v2  }
0x69: {  	v3 =	vor.u32 $0x3, v1;
	v2 =	vld [tilespmem:$0x240];
	_ =	sdelay $0x4  }
0x6a: {  	[tilespmem:v3+s12+$0x0] =	vst.idx.add.f32.msk $0xffff, v2  }
0x6b: {  	v3 =	vor.u32 $0x4, v1;
	v2 =	vld [tilespmem:$0x2C0];
	_ =	sdelay $0x4  }
0x6c: {  	[tilespmem:v3+s12+$0x0] =	vst.idx.add.f32.msk $0xffff, v2  }
0x6d: {  	v3 =	vor.u32 $0x5, v1;
	v2 =	vld [tilespmem:$0x340];
	_ =	sdelay $0x4  }
0x6e: {  	[tilespmem:v3+s12+$0x0] =	vst.idx.add.f32.msk $0xffff, v2  }
0x6f: {  	v3 =	vor.u32 $0x6, v1;
	v2 =	vld [tilespmem:$0x3C0];
	_ =	sdelay $0x4  }
0x70: {  	[tilespmem:v3+s12+$0x0] =	vst.idx.add.f32.msk $0xffff, v2  }
0x71: {  	v1 =	vor.u32 $0x7, v1;
	v2 =	vld [tilespmem:$0x440];
	_ =	sdelay $0x4  }
0x72: {  	[tilespmem:v1+s12+$0x0] =	vst.idx.add.f32.msk $0xffff, v2  }
0x73: {  	v1 =	vld [tilespmem:$0x50];
	_ =	sdelay $0x4  }
0x74: {  	v2 =	vld [tilespmem:$0xD0];
	v1 =	vshll.u32 v1, $0x3;
	_ =	sdelay $0x4  }
0x75: {  	[tilespmem:v1+s12+$0x0] =	vst.idx.add.f32.msk $0xffff, v2  }
0x76: {  	v3 =	vor.u32 $0x1, v1;
	v2 =	vld [tilespmem:$0x150];
	_ =	sdelay $0x4  }
0x77: {  	[tilespmem:v3+s12+$0x0] =	vst.idx.add.f32.msk $0xffff, v2  }
0x78: {  	v3 =	vor.u32 $0x2, v1;
	v2 =	vld [tilespmem:$0x1D0];
	_ =	sdelay $0x4  }
0x79: {  	[tilespmem:v3+s12+$0x0] =	vst.idx.add.f32.msk $0xffff, v2  }
0x7a: {  	v3 =	vor.u32 $0x3, v1;
	v2 =	vld [tilespmem:$0x250];
	_ =	sdelay $0x4  }
0x7b: {  	[tilespmem:v3+s12+$0x0] =	vst.idx.add.f32.msk $0xffff, v2  }
0x7c: {  	v3 =	vor.u32 $0x4, v1;
	v2 =	vld [tilespmem:$0x2D0];
	_ =	sdelay $0x4  }
0x7d: {  	[tilespmem:v3+s12+$0x0] =	vst.idx.add.f32.msk $0xffff, v2  }
0x7e: {  	v3 =	vor.u32 $0x5, v1;
	v2 =	vld [tilespmem:$0x350];
	_ =	sdelay $0x4  }
0x7f: {  	[tilespmem:v3+s12+$0x0] =	vst.idx.add.f32.msk $0xffff, v2  }
0x80: {  	v3 =	vor.u32 $0x6, v1;
	v2 =	vld [tilespmem:$0x3D0];
	_ =	sdelay $0x4  }
0x81: {  	[tilespmem:v3+s12+$0x0] =	vst.idx.add.f32.msk $0xffff, v2  }
0x82: {  	v1 =	vor.u32 $0x7, v1;
	v2 =	vld [tilespmem:$0x450];
	_ =	sdelay $0x4  }
0x83: {  	[tilespmem:v1+s12+$0x0] =	vst.idx.add.f32.msk $0xffff, v2  }
0x84: {  	v1 =	vld [tilespmem:$0x60];
	_ =	sdelay $0x4  }
0x85: {  	v2 =	vld [tilespmem:$0xE0];
	v1 =	vshll.u32 v1, $0x3;
	_ =	sdelay $0x4  }
0x86: {  	[tilespmem:v1+s12+$0x0] =	vst.idx.add.f32.msk $0xffff, v2  }
0x87: {  	v3 =	vor.u32 $0x1, v1;
	v2 =	vld [tilespmem:$0x160];
	_ =	sdelay $0x4  }
0x88: {  	[tilespmem:v3+s12+$0x0] =	vst.idx.add.f32.msk $0xffff, v2  }
0x89: {  	v3 =	vor.u32 $0x2, v1;
	v2 =	vld [tilespmem:$0x1E0];
	_ =	sdelay $0x4  }
0x8a: {  	[tilespmem:v3+s12+$0x0] =	vst.idx.add.f32.msk $0xffff, v2  }
0x8b: {  	v3 =	vor.u32 $0x3, v1;
	v2 =	vld [tilespmem:$0x260];
	_ =	sdelay $0x4  }
0x8c: {  	[tilespmem:v3+s12+$0x0] =	vst.idx.add.f32.msk $0xffff, v2  }
0x8d: {  	v3 =	vor.u32 $0x4, v1;
	v2 =	vld [tilespmem:$0x2E0];
	_ =	sdelay $0x4  }
0x8e: {  	[tilespmem:v3+s12+$0x0] =	vst.idx.add.f32.msk $0xffff, v2  }
0x8f: {  	v3 =	vor.u32 $0x5, v1;
	v2 =	vld [tilespmem:$0x360];
	_ =	sdelay $0x4  }
0x90: {  	[tilespmem:v3+s12+$0x0] =	vst.idx.add.f32.msk $0xffff, v2  }
0x91: {  	v3 =	vor.u32 $0x6, v1;
	v2 =	vld [tilespmem:$0x3E0];
	_ =	sdelay $0x4  }
0x92: {  	[tilespmem:v3+s12+$0x0] =	vst.idx.add.f32.msk $0xffff, v2  }
0x93: {  	v1 =	vor.u32 $0x7, v1;
	v2 =	vld [tilespmem:$0x460];
	_ =	sdelay $0x4  }
0x94: {  	[tilespmem:v1+s12+$0x0] =	vst.idx.add.f32.msk $0xffff, v2  }
0x95: {  	v1 =	vld [tilespmem:$0x70];
	_ =	sdelay $0x4  }
0x96: {  	v2 =	vld [tilespmem:$0xF0];
	v1 =	vshll.u32 v1, $0x3;
	_ =	sdelay $0x4  }
0x97: {  	[tilespmem:v1+s12+$0x0] =	vst.idx.add.f32.msk $0xffff, v2  }
0x98: {  	v3 =	vor.u32 $0x1, v1;
	v2 =	vld [tilespmem:$0x170];
	_ =	sdelay $0x4  }
0x99: {  	[tilespmem:v3+s12+$0x0] =	vst.idx.add.f32.msk $0xffff, v2  }
0x9a: {  	v3 =	vor.u32 $0x2, v1;
	v2 =	vld [tilespmem:$0x1F0];
	_ =	sdelay $0x4  }
0x9b: {  	[tilespmem:v3+s12+$0x0] =	vst.idx.add.f32.msk $0xffff, v2  }
0x9c: {  	v3 =	vor.u32 $0x3, v1;
	v2 =	vld [tilespmem:$0x270];
	_ =	sdelay $0x4  }
0x9d: {  	[tilespmem:v3+s12+$0x0] =	vst.idx.add.f32.msk $0xffff, v2  }
0x9e: {  	v3 =	vor.u32 $0x4, v1;
	v2 =	vld [tilespmem:$0x2F0];
	_ =	sdelay $0x4  }
0x9f: {  	[tilespmem:v3+s12+$0x0] =	vst.idx.add.f32.msk $0xffff, v2  }
0xa0: {  	v3 =	vor.u32 $0x5, v1;
	v2 =	vld [tilespmem:$0x370];
	_ =	sdelay $0x4  }
0xa1: {  	[tilespmem:v3+s12+$0x0] =	vst.idx.add.f32.msk $0xffff, v2  }
0xa2: {  	v3 =	vor.u32 $0x6, v1;
	v2 =	vld [tilespmem:$0x3F0];
	_ =	sdelay $0x4  }
0xa3: {  	[tilespmem:v3+s12+$0x0] =	vst.idx.add.f32.msk $0xffff, v2  }
0xa4: {  	p0 =	sne.s32 s17, $0x1;
	v1 =	vor.u32 $0x7, v1;
	v2 =	vld [tilespmem:$0x470]  }
.Ltmp1:
0xa5: {  	_ = 	snop;
	(pc) =	sbr.rel @p0 .LBB2_4-.Ltmp1, $2  }
0xa6: {  	_ =	sdelay $0x2  }
0xa7: {  	s16 =	sadd.s32 $0x1000, s16;
	s15 =	sadd.s32 $0x200, s15;
	s17 =	sadd.s32 $0xFFFFFFFF, s17;
	[tilespmem:v1+s12+$0x0] =	vst.idx.add.f32.msk $0xffff, v2  }
0xa8: {  	s14 =	sadd.s32 $0x1, s14  }
0xa9: {  	p0 =	sne.s32 s14, s6  }
.Ltmp2:
0xaa: {  	_ = 	snop;
	(pc) =	sbr.rel @p0 .LBB2_1-.Ltmp2, $4  }
0xab: {  	[hbm4b:s5+s11] =	stream.strided.scatter [tilespmem:s12], [sflag:$0x1], $0x13880, s13, s11, $0x38;
	[tilespmem:$0x13D00] =	vst v63  }
0xac: {  	_ =	swait.ge [sflag:s10], $0x13880  }
0xad: {  	[sflag:s10] =	ssyncset.done $0x0  }
0xae: {  	[sflag:s10] =	ssyncadd.s32 $0xFFFEC780  }
0xaf: {  	_ =	sfence.sel $0x180000  }
0xb0: {  	[bflag:$0x0] =	sbarrier.arrive $0xFFFF  }
0xb1: {  	p0 =	sne.s32 s0, $0x0;
	_ =	strace $0x9000004A  }
0xb2: {  	s0 =	sadd.s32 @!p0 $0x100000, s1;
	[bflag:$0x2] =	sbarrier.arrive $0xFFFF  }
0xb3: {  	[sflag:s0] =	ssyncadd.tile.s32 @!p0 $0x1;
	_ =	shalt  }
.Lfunc_end2:
_tile_overlayer_lowered:
.L_overlay_start_2:
0xb4: {  	(tag) =	ssettag $0x2  }
0xb5: {  	s0 =	rddreg [dreg:$0x0];
	s2 =	stileid.u32  }
0xb6: {  	s1 =	rddreg [dreg:$0x1];
	p0 =	sne.s32 s2, $0x0  }
0xb7: {  	s3 =	rddreg [dreg:$0x2];
	[bflag:$0x3] =	sbarrier.arrive $0xFFFF;
	s2 =	simm.s32 @!p0 $0x1C01  }
0xb8: {  	[timem:s3], [sflag:s2] =	dma.local @!p0 [hbm:s0], s1  }
0xb9: {  	s0 =	simm.s32 @!p0 $0x1  }
0xba: {  	_ =	swait.ge @!p0 [sflag:s0], s1  }
0xbb: {  	s1 =	ssub.s32 @!p0 $0x0, s1;
	[sflag:s0] =	ssyncset.done @!p0 $0x0  }
0xbc: {  	[sflag:s0] =	ssyncadd.s32 @!p0 s1  }
0xbd: {  	[bflag:$0x3] =	sbarrier.arrive $0xFFFF  }
0xbe: {  	_ =	shalt  }

// kernel: kernel.17.cloned.1.call-start
scs
__scs_entry_jumppad:
0x0: {  	(pc) =	sbr.rel $0x88, $3  }
0x1: {  	(tag) =	ssettag $0x0;
	lr =	simm.s32 $0x1  }
0x2: {  	[smem:$0x3F92] =	sst lr;
	_ =	strace $0xD0000000  }
0x3: {  	_ = 	snop  }
0x4: {  	_ = 	snop  }
0x5: {  	_ = 	snop  }
0x6: {  	_ = 	snop  }
0x7: {  	_ = 	snop  }
__scs_overlays_trampoline_lowered:
0x8: {  	[smem:$0x3FA1] =	sst s0  }
0x9: {  	[smem:$0x3FA2] =	sst s1  }
0xa: {  	[smem:$0x3FA3] =	sst s2  }
0xb: {  	[smem:$0x3FA4] =	sst s3  }
0xc: {  	[smem:$0x3FA5] =	sst s4  }
0xd: {  	[smem:$0x3FA6] =	sst s5  }
0xe: {  	[smem:$0x3FA7] =	sst s6  }
0xf: {  	[smem:$0x3FA8] =	sst s7  }
0x10: {  	[smem:$0x3FA9] =	sst s8  }
0x11: {  	[smem:$0x3FAA] =	sst s9;
	s0 =	simm.s32 @!p0 $0x0  }
0x12: {  	s1 =	sld [smem:$0x3F90];
	s0 =	simm.s32 @p0 $0x1  }
0x13: {  	[smem:$0x3FAB] =	sst s0;
	s0 =	simm.s32 @!p1 $0x0  }
0x14: {  	s2 =	sld [smem:$0x3F8F];
	s0 =	simm.s32 @p1 $0x1  }
0x15: {  	[smem:$0x3FAC] =	sst s0;
	s0 =	simm.s32 @!p2 $0x0  }
0x16: {  	s3 =	sld [smem:$0x3FDB];
	s0 =	simm.s32 @p2 $0x1  }
0x17: {  	s4 =	simm.s32 $0x1BF5;
	[smem:$0x3FAE] =	sst s0  }
0x18: {  	s0 =	sld [smem:$0x3F91];
	_ =	swait.ge [sflag:s4], $0x0  }
0x19: {  	s7 =	sld [smem:$0x3F92]  }
0x1a: {  	s8 =	sadd.s32 $0xFFFFE003, lr  }
0x1b: {  	s9 =	sadd.s32 $0xFFFFFEF7, lr;
	s5 =	simm.s32 $0xFFFFFFFF;
	p2 =	slt.u32 s8, $0xFFFFF086  }
0x1c: {  	p1 =	slt.u32 s9, $0xF7A;
	s5 =	simm.s32 @!p2 $0x0  }
0x1d: {  	s5 =	simm.s32 @p1 $0x1;
	p0 =	seq.s32 s7, s2  }
0x1e: {  	s7 =	smul.u32 @!p0 $0xF7A, s2;
	p2 =	seq.s32 @!p0 s5, $0x0  }
0x1f: {  	s9 =	smul.u32 $0xF7A, s1;
	s8 =	simm.s32 @!p0 $0x1BF5;
	p2 =	por !p2, p0  }
0x20: {  	[sflag:s8] =	ssyncset.s32 @!p0 $0xFFFFF086;
	s6 =	sadd.s32 @!p0 s3, s7;
	s7 =	simm.s32 @!p0 $0x108  }
0x21: {  	s3 =	sadd.s32 s3, s9;
	s6 =	sadd.s32 @!p0 $0x88, s6;
	s7 =	simm.s32 @p2 $0x1082  }
0x22: {  	[simem:s7], [sflag:s8] =	dma.local @!p0 [hbm:s6], $0xF7A  }
0x23: {  	s9 =	sor.u32 $0xD0000000, s2;
	s6 =	simm.s32 $0x108;
	_ =	swait.ge @!p0 [sflag:s8], $0x0  }
0x24: {  	s3 =	sadd.s32 $0x88, s3;
	s6 =	simm.s32 @!p1 $0x1082;
	[sflag:s4] =	ssyncset.s32 $0xFFFFF086  }
0x25: {  	[simem:s6], [sflag:s4] =	dma.local [hbm:s3], $0xF7A  }
0x26: {  	[smem:$0x3F92] =	sst s1;
	(tag) =	ssettag s2;
	_ =	strace s9  }
0x27: {  	s1 =	sld [smem:$0x3FA2]  }
0x28: {  	s2 =	sld [smem:$0x3FA3]  }
0x29: {  	s4 =	sld [smem:$0x3FA5]  }
0x2a: {  	p0 =	seq.s32 s5, $0x0;
	s5 =	sld [smem:$0x3FA6]  }
0x2b: {  	s6 =	sld [smem:$0x3FA7]  }
0x2c: {  	s7 =	sld [smem:$0x3FA8]  }
0x2d: {  	s3 =	simm.s32 $0x108;
	s8 =	sld [smem:$0x3FA9]  }
0x2e: {  	s3 =	simm.s32 @!p0 $0x1082;
	s9 =	sld [smem:$0x3FAA]  }
0x2f: {  	lr =	sadd.s32 s0, s3;
	s0 =	sld [smem:$0x3FA1]  }
0x30: {  	s3 =	sld [smem:$0x3FA4]  }
0x31: {  	[smem:$0x3FAD] =	sst s10  }
0x32: {  	s10 =	sld [smem:$0x3FAB];
	_ =	sdelay $0x3  }
0x33: {  	p0 =	seq.s32 s10, $0x1;
	s10 =	sld [smem:$0x3FAD];
	_ =	sdelay $0x3  }
0x34: {  	[smem:$0x3FAD] =	sst s10  }
0x35: {  	s10 =	sld [smem:$0x3FAC];
	_ =	sdelay $0x3  }
0x36: {  	p1 =	seq.s32 s10, $0x1;
	s10 =	sld [smem:$0x3FAD];
	_ =	sdelay $0x3  }
0x37: {  	[smem:$0x3FAD] =	sst s10  }
0x38: {  	s10 =	sld [smem:$0x3FAE]  }
0x39: {  	_ = 	snop;
	(pc) =	sbr.ind lr, $3  }
0x3a: {  	_ = 	snop  }
0x3b: {  	_ = 	snop  }
0x3c: {  	p2 =	seq.s32 s10, $0x1;
	s10 =	sld [smem:$0x3FAD]  }
0x3d: {  	_ =	shalt  }
0x3e: {  	_ =	shalt  }
0x3f: {  	_ =	shalt  }
0x40: {  	_ =	shalt  }
0x41: {  	_ =	shalt  }
0x42: {  	_ =	shalt  }
0x43: {  	_ =	shalt  }
0x44: {  	_ =	shalt  }
0x45: {  	_ =	shalt  }
0x46: {  	_ =	shalt  }
0x47: {  	_ =	shalt  }
0x48: {  	_ =	shalt  }
0x49: {  	_ =	shalt  }
0x4a: {  	_ =	shalt  }
0x4b: {  	_ =	shalt  }
0x4c: {  	_ =	shalt  }
0x4d: {  	_ =	shalt  }
0x4e: {  	_ =	shalt  }
0x4f: {  	_ =	shalt  }
0x50: {  	_ =	shalt  }
0x51: {  	_ =	shalt  }
0x52: {  	_ =	shalt  }
0x53: {  	_ =	shalt  }
0x54: {  	_ =	shalt  }
0x55: {  	_ =	shalt  }
0x56: {  	_ =	shalt  }
0x57: {  	_ =	shalt  }
0x58: {  	_ =	shalt  }
0x59: {  	_ =	shalt  }
0x5a: {  	_ =	shalt  }
0x5b: {  	_ =	shalt  }
0x5c: {  	_ =	shalt  }
0x5d: {  	_ =	shalt  }
0x5e: {  	_ =	shalt  }
0x5f: {  	_ =	shalt  }
0x60: {  	_ =	shalt  }
0x61: {  	_ =	shalt  }
0x62: {  	_ =	shalt  }
0x63: {  	_ =	shalt  }
0x64: {  	_ =	shalt  }
0x65: {  	_ =	shalt  }
0x66: {  	_ =	shalt  }
0x67: {  	_ =	shalt  }
0x68: {  	_ =	shalt  }
0x69: {  	_ =	shalt  }
0x6a: {  	_ =	shalt  }
0x6b: {  	_ =	shalt  }
0x6c: {  	_ =	shalt  }
0x6d: {  	_ =	shalt  }
0x6e: {  	_ =	shalt  }
0x6f: {  	_ =	shalt  }
0x70: {  	_ =	shalt  }
0x71: {  	_ =	shalt  }
0x72: {  	_ =	shalt  }
0x73: {  	_ =	shalt  }
0x74: {  	_ =	shalt  }
0x75: {  	_ =	shalt  }
0x76: {  	_ =	shalt  }
0x77: {  	_ =	shalt  }
0x78: {  	_ =	shalt  }
0x79: {  	_ =	shalt  }
0x7a: {  	_ =	shalt  }
0x7b: {  	_ =	shalt  }
0x7c: {  	_ =	shalt  }
0x7d: {  	_ =	shalt  }
0x7e: {  	_ =	shalt  }
0x7f: {  	_ =	shalt  }
0x80: {  	_ =	shalt  }
0x81: {  	_ =	shalt  }
0x82: {  	_ =	shalt  }
0x83: {  	_ =	shalt  }
0x84: {  	_ =	shalt  }
0x85: {  	_ =	shalt  }
0x86: {  	_ =	shalt  }
0x87: {  	_ =	shalt  }
.Lfunc_end0:
.L_simem_size_0:
called_computation.2_lowered:
.L_overlay_start_0:
0x88: {  	s2 =	sld [smem:$0x3FD9]  }
0x89: {  	s3 =	sld [smem:$0x3FFE];
	_ =	sdelay $0x1  }
0x8a: {  	s1 =	srdreg.scid  }
0x8b: {  	s0 =	sand.u32 $0x1, s1  }
0x8c: {  	s17 =	sshll.u32 s0, $0xA;
	s2 =	sadd.s32 s3, s2  }
0x8d: {  	s2 =	sadd.s32 s2, s17  }
0x8e: {  	[smem:$0x3FB9] =	sst s2  }
0x8f: {  	_ = 	snop  }
0x90: {  	s2 =	sld [smem:$0x3FD0];
	(tm) =	ssettm $0x1  }
0x91: {  	s18 =	sld [smem:$0x3FFB];
	_ =	sdelay $0x3  }
0x92: {  	_ =	strace s18  }
0x93: {  	s3 =	sld [smem:$0x3FFC];
	_ =	sdelay $0x3  }
0x94: {  	_ =	strace s3  }
0x95: {  	s3 =	sld [smem:$0x3FFD];
	_ =	sdelay $0x3  }
0x96: {  	_ =	strace s3  }
0x97: {  	_ =	strace $0x8FFFFFFF  }
0x98: {  	s19 =	sld [smem:$0x3FDB];
	_ =	sdelay $0x1  }
0x99: {  	s4 =	simm.s32 $_scs_section_size  }
0x9a: {  	s5 =	simm.s32 $_size__tile_overlayer_lowered;
	s6 =	simm.s32 $_tile_overlayer_lowered  }
0x9b: {  	s22 =	simm.s32 $0x1BFF;
	s21 =	sshll.u32 s6, $0x1;
	s3 =	sadd.s32 s4, s19  }
0x9c: {  	s7 =	simm.s32 $0x0;
	s20 =	sshll.u32 s5, $0x1;
	s5 =	sadd.s32 s21, s3  }
0x9d: {  	[timem:s7], [sflag:s22] =	dma.local [hbm:s5], s20  }
0x9e: {  	_ =	swait.ge [sflag:s22], s20  }
0x9f: {  	s4 =	ssub.s32 $0x0, s20;
	[sflag:s22] =	ssyncset.done $0x0  }
0xa0: {  	[sflag:s22] =	ssyncadd.s32 s4;
	_ =	sdelay $0x1  }
0xa1: {  	s23 =	simm.s32 $0x1B8B  }
0xa2: {  	_ =	swait.ge [sflag:s23], $0x1  }
0xa3: {  	[sflag:s23] =	ssyncset.done $0x0  }
0xa4: {  	s25 =	simm.s32 $0x1B8E;
	s24 =	sld [smem:$0x3FFE];
	[sflag:s23] =	ssyncadd.s32 $0xFFFFFFFF  }
0xa5: {  	s26 =	simm.s32 $execute0_lowered;
	[smem:$0x3FD2] =	sst s25  }
0xa6: {  	s5 =	sshll.u32 s26, $0x1;
	_ =	strace $0x8000004C;
	[dreg:$0x1] =	wrdreg $0xFFFFFFFF  }
0xa7: {  	s28 =	simm.s32 $_size_execute0_lowered;
	s3 =	sadd.s32 s3, s5;
	[dreg:$0x0] =	wrdreg $0x0  }
0xa8: {  	s5 =	sshll.u32 s28, $0x1;
	[dreg:$0x2] =	wrdreg s3  }
0xa9: {  	[dreg:$0x3] =	wrdreg s5  }
0xaa: {  	[dreg:$0x4] =	wrdreg $0xC0  }
0xab: {  	_ =	task [dreg:s7], $0x5FFFF  }
0xac: {  	[dreg:$0x1] =	wrdreg $0xFFFFFFFF  }
0xad: {  	[dreg:$0x0] =	wrdreg $0x60  }
0xae: {  	[dreg:$0x2] =	wrdreg s24  }
0xaf: {  	[dreg:$0x3] =	wrdreg s2  }
0xb0: {  	[dreg:$0x4] =	wrdreg $0x9  }
0xb1: {  	_ =	task.clear_ibuf [dreg:s7], $0x5FFFF;
	_ =	strace $0x9000004C  }
0xb2: {  	s29 =	simm.s32 $0x9;
	_ =	strace $0x8000004E  }
0xb3: {  	_ =	swait.ge [sflag:s29], $0x1  }
0xb4: {  	[sflag:s29] =	ssyncadd.s32 $0xFFFFFFFF  }
0xb5: {  	_ =	strace $0x9000004E  }
0xb6: {  	_ =	sfence  }
0xb7: {  	s30 =	sld [smem:$0x0];
	_ =	sdelay $0x2  }
0xb8: {  	s31 =	sshll.u32 s1, $0xD;
	s1 =	sshrl.u32 s1, $0x2  }
0xb9: {  	s3 =	sand.u32 $0x4000, s31;
	s1 =	sadd.s32 s1, s30  }
0xba: {  	s0 =	sor.u32 s3, s0;
	s1 =	sshll.u32 s1, $0x11  }
0xbb: {  	s0 =	sor.u32 s1, s0  }
0xbc: {  	s0 =	sadd.s32 $0x8F2B, s0  }
0xbd: {  	[sflag:s0] =	ssyncadd.remote.s32 $0x1  }
0xbe: {  	_ =	sfence.sel $0xFFFF  }
0xbf: {  	[dreg:$0x0] =	wrdreg $0xFFFFFFFF;
	(pc) =	sbr.abs _section_cstart, $3  }
0xc0: {  	[dreg:$0x1] =	wrdreg $0xFFFFFFFF  }
0xc1: {  	_ =	task.clear_ibuf [dreg:s7], $0x2FFFF;
	_ =	strace $0x9FFFFFFF  }
0xc2: {  	(tm) =	ssettm $0x7FFFFFFF  }
0xc3: {  	_ =	shalt  }
tec
execute0_lowered:
.L_overlay_start_1:
0x0: {  	(tag) =	ssettag $0x1  }
0x1: {  	s5 =	rddreg [dreg:$0x0]  }
0x2: {  	s1 =	rddreg [dreg:$0x1]  }
0x3: {  	s0 =	rddreg [dreg:$0x2];
	s2 =	simm.s32 $0x0  }
0x4: {  	s6 =	srdreg.scid;
	s3 =	stileid.u32;
	s11 =	simm.s32 $0x100  }
0x5: {  	s12 =	simm.s32 $0x1;
	s13 =	simm.s32 $0x0;
	[smem:$0x7FF] =	sst s2  }
0x6: {  	s4 =	sadd.s32 $0xE400, s5;
	s8 =	sand.u32 $0x1, s6;
	s26 =	sshll.u32 s3, $0xC  }
0x7: {  	s9 =	sshll.u32 s3, $0x1;
	s31 =	sshll.u32 s3, $0x8;
	_ =	strace $0x8000004D  }
0x8: {  	s7 =	ssub.s32 $0x2, s8;
	s10 =	sadd.s32 s26, s5;
	s29 =	sor.u32 s9, s8  }
0x9: {  	s30 =	sshll.u32 s8, $0xB;
	s8 =	sshll.u32 s8, $0x7;
	s9 =	simm.s32 $0x2  }
0xa: {  	s28 =	sshrl.u32 s7, $0x1;
	s6 =	ssub.s32 $0x9E3, s29;
	s8 =	sor.u32 s8, s31  }
0xb: {  	s5 =	ssub.s32 s7, s28;
	s6 =	sshrl.u32 s6, $0x5;
	s7 =	sadd.s32 s30, s10  }
0xc: {  	s10 =	simm.s32 $0x80;
	s5 =	smax.u32 s5, $0x1;
	s7 =	sadd.s32 $0x97400, s7  }
.LBB2_1:
0xd: {  	s14 =	sshrl.u32 s8, $0x3  }
0xe: {  	s14 =	sadd.s32 s4, s14  }
0xf: {  	[tilespmem:s2], [sflag:$0x2] =	stream.linear.gather [hbm4b:s14+s2], $0x80, $0x38;
	[tilespmem:$0x4100] =	vst v63  }
0x10: {  	_ =	swait.ge [sflag:s9], $0x80  }
0x11: {  	[sflag:s9] =	ssyncset.done $0x0  }
0x12: {  	[sflag:s9] =	ssyncadd.s32 $0xFFFFFF80  }
0x13: {  	v0 =	vld [tilespmem:$0x70]  }
0x14: {  	v1 =	vld [tilespmem:$0x60]  }
0x15: {  	v2 =	vld [tilespmem:$0x50]  }
0x16: {  	v3 =	vld [tilespmem:$0x30]  }
0x17: {  	v4 =	vld [tilespmem:$0x20]  }
0x18: {  	v5 =	vld [tilespmem:$0x10];
	v0 =	vshrl.u32 v0, $0x4  }
0x19: {  	v6 =	vld [tilespmem:$0x40];
	v1 =	vshrl.u32 v1, $0x4;
	[tilespmem:$0xF0] =	vst v0  }
0x1a: {  	v59 =	vld [tilespmem:$0x0];
	v2 =	vshrl.u32 v2, $0x4;
	[tilespmem:$0xE0] =	vst v1  }
0x1b: {  	p0 =	sne.s32 s6, $0x1;
	v60 =	vshrl.u32 v3, $0x4;
	[tilespmem:$0xD0] =	vst v2  }
.Ltmp0:
0x1c: {  	v61 =	vshrl.u32 v4, $0x4;
	[tilespmem:$0xB0] =	vst v60;
	(pc) =	sbr.rel @!p0 .LBB2_3-.Ltmp0, $4  }
0x1d: {  	v62 =	vshrl.u32 v5, $0x4;
	[tilespmem:$0xA0] =	vst v61  }
0x1e: {  	v63 =	vshrl.u32 v6, $0x4;
	[tilespmem:$0x90] =	vst v62  }
0x1f: {  	s16 =	sadd.s32 $0x10000, s7;
	v0 =	vshrl.u32 v59, $0x4;
	[tilespmem:$0xC0] =	vst v63  }
0x20: {  	s17 =	sadd.s32 $0x1000, s8;
	s15 =	smov.u32 s7;
	s14 =	sadd.s32 $0xFFFFFFFF, s6;
	[tilespmem:$0x80] =	vst v0  }
.LBB2_2:
0x21: {  	[tilespmem:s11], [sflag:$0x1] =	stream.indirect.gather [hbm4b:s1+s10], $0x80, s10, s10, $0xb8;
	[tilespmem:$0x4100] =	vst v63  }
0x22: {  	p0 =	sne.s32 s14, $0x1;
	s14 =	sadd.s32 $0xFFFFFFFF, s14;
	_ =	swait.ge [sflag:s12], $0x4000  }
0x23: {  	[sflag:s12] =	ssyncset.done $0x0  }
0x24: {  	[sflag:s12] =	ssyncadd.s32 $0xFFFFC000  }
0x25: {  	[hbm4b:s15+s2] =	stream.linear.scatter [tilespmem:s11], [sflag:$0x2], $0x4000, $0x38;
	[tilespmem:$0x4100] =	vst v63  }
0x26: {  	s15 =	smov.u32 s16;
	_ =	swait.ge [sflag:s9], $0x4000  }
0x27: {  	s18 =	sshrl.u32 s17, $0x3;
	[sflag:s9] =	ssyncset.done $0x0  }
0x28: {  	s18 =	sadd.s32 s4, s18;
	[sflag:s9] =	ssyncadd.s32 $0xFFFFC000  }
0x29: {  	[tilespmem:s2], [sflag:$0x2] =	stream.linear.gather [hbm4b:s18+s2], $0x80, $0x38;
	[tilespmem:$0x4100] =	vst v63  }
0x2a: {  	_ =	swait.ge [sflag:s9], $0x80  }
0x2b: {  	[sflag:s9] =	ssyncset.done $0x0  }
0x2c: {  	[sflag:s9] =	ssyncadd.s32 $0xFFFFFF80  }
0x2d: {  	v0 =	vld [tilespmem:$0x70]  }
0x2e: {  	v1 =	vld [tilespmem:$0x60]  }
0x2f: {  	v2 =	vld [tilespmem:$0x50]  }
0x30: {  	v3 =	vld [tilespmem:$0x30]  }
0x31: {  	v4 =	vld [tilespmem:$0x20]  }
0x32: {  	v5 =	vld [tilespmem:$0x10];
	v0 =	vshrl.u32 v0, $0x4  }
0x33: {  	v6 =	vld [tilespmem:$0x40];
	v1 =	vshrl.u32 v1, $0x4;
	[tilespmem:$0xF0] =	vst v0  }
0x34: {  	v0 =	vld [tilespmem:$0x0];
	v2 =	vshrl.u32 v2, $0x4;
	[tilespmem:$0xE0] =	vst v1  }
0x35: {  	v1 =	vshrl.u32 v3, $0x4;
	[tilespmem:$0xD0] =	vst v2  }
.Ltmp1:
0x36: {  	v2 =	vshrl.u32 v4, $0x4;
	[tilespmem:$0xB0] =	vst v1;
	(pc) =	sbr.rel @p0 .LBB2_2-.Ltmp1, $4  }
0x37: {  	v1 =	vshrl.u32 v5, $0x4;
	[tilespmem:$0xA0] =	vst v2  }
0x38: {  	[tilespmem:$0x90] =	vst v1;
	v1 =	vshrl.u32 v6, $0x4  }
0x39: {  	v0 =	vshrl.u32 v0, $0x4;
	[tilespmem:$0xC0] =	vst v1  }
0x3a: {  	s17 =	sadd.s32 $0x1000, s17;
	s16 =	sadd.s32 $0x10000, s16;
	[tilespmem:$0x80] =	vst v0  }
.LBB2_3:
0x3b: {  	[tilespmem:s11], [sflag:$0x1] =	stream.indirect.gather [hbm4b:s1+s10], $0x80, s10, s10, $0xb8;
	[tilespmem:$0x4100] =	vst v63  }
0x3c: {  	s13 =	sadd.s32 $0x1, s13;
	_ =	swait.ge [sflag:s12], $0x4000  }
0x3d: {  	p0 =	sne.s32 s13, s5;
	[sflag:s12] =	ssyncset.done $0x0  }
.Ltmp2:
0x3e: {  	[sflag:s12] =	ssyncadd.s32 $0xFFFFC000;
	(pc) =	sbr.rel @p0 .LBB2_1-.Ltmp2, $4  }
0x3f: {  	[hbm4b:s15+s2] =	stream.linear.scatter [tilespmem:s11], [sflag:$0x2], $0x4000, $0x38;
	[tilespmem:$0x4100] =	vst v63  }
0x40: {  	_ =	swait.ge [sflag:s9], $0x4000  }
0x41: {  	[sflag:s9] =	ssyncset.done $0x0  }
0x42: {  	[sflag:s9] =	ssyncadd.s32 $0xFFFFC000  }
0x43: {  	_ =	sfence.sel $0x180000  }
0x44: {  	[bflag:$0x0] =	sbarrier.arrive $0xFFFF  }
0x45: {  	p0 =	sne.s32 s3, $0x0;
	_ =	strace $0x9000004D  }
0x46: {  	s0 =	sadd.s32 @!p0 $0x100000, s0;
	[bflag:$0x2] =	sbarrier.arrive $0xFFFF  }
0x47: {  	[sflag:s0] =	ssyncadd.tile.s32 @!p0 $0x1;
	_ =	shalt  }
.Lfunc_end2:
_tile_overlayer_lowered:
.L_overlay_start_2:
0x48: {  	(tag) =	ssettag $0x2  }
0x49: {  	s0 =	rddreg [dreg:$0x0];
	s2 =	stileid.u32  }
0x4a: {  	s1 =	rddreg [dreg:$0x1];
	p0 =	sne.s32 s2, $0x0  }
0x4b: {  	s3 =	rddreg [dreg:$0x2];
	[bflag:$0x3] =	sbarrier.arrive $0xFFFF;
	s2 =	simm.s32 @!p0 $0x1C02  }
0x4c: {  	[timem:s3], [sflag:s2] =	dma.local @!p0 [hbm:s0], s1  }
0x4d: {  	s0 =	simm.s32 @!p0 $0x2  }
0x4e: {  	_ =	swait.ge @!p0 [sflag:s0], s1  }
0x4f: {  	s1 =	ssub.s32 @!p0 $0x0, s1;
	[sflag:s0] =	ssyncset.done @!p0 $0x0  }
0x50: {  	[sflag:s0] =	ssyncadd.s32 @!p0 s1  }
0x51: {  	[bflag:$0x3] =	sbarrier.arrive $0xFFFF  }
0x52: {  	_ =	shalt  }

// kernel: kernel.20.cloned.1.call-start
scs
__scs_entry_jumppad:
0x0: {  	(pc) =	sbr.rel $0x88, $3  }
0x1: {  	(tag) =	ssettag $0x0;
	lr =	simm.s32 $0x1  }
0x2: {  	[smem:$0x3F92] =	sst lr;
	_ =	strace $0xD0000000  }
0x3: {  	_ = 	snop  }
0x4: {  	_ = 	snop  }
0x5: {  	_ = 	snop  }
0x6: {  	_ = 	snop  }
0x7: {  	_ = 	snop  }
__scs_overlays_trampoline_lowered:
0x8: {  	[smem:$0x3FA1] =	sst s0  }
0x9: {  	[smem:$0x3FA2] =	sst s1  }
0xa: {  	[smem:$0x3FA3] =	sst s2  }
0xb: {  	[smem:$0x3FA4] =	sst s3  }
0xc: {  	[smem:$0x3FA5] =	sst s4  }
0xd: {  	[smem:$0x3FA6] =	sst s5  }
0xe: {  	[smem:$0x3FA7] =	sst s6  }
0xf: {  	[smem:$0x3FA8] =	sst s7  }
0x10: {  	[smem:$0x3FA9] =	sst s8  }
0x11: {  	[smem:$0x3FAA] =	sst s9;
	s0 =	simm.s32 @!p0 $0x0  }
0x12: {  	s1 =	sld [smem:$0x3F90];
	s0 =	simm.s32 @p0 $0x1  }
0x13: {  	[smem:$0x3FAB] =	sst s0;
	s0 =	simm.s32 @!p1 $0x0  }
0x14: {  	s2 =	sld [smem:$0x3F8F];
	s0 =	simm.s32 @p1 $0x1  }
0x15: {  	[smem:$0x3FAC] =	sst s0;
	s0 =	simm.s32 @!p2 $0x0  }
0x16: {  	s3 =	sld [smem:$0x3FDB];
	s0 =	simm.s32 @p2 $0x1  }
0x17: {  	s4 =	simm.s32 $0x1BF5;
	[smem:$0x3FAE] =	sst s0  }
0x18: {  	s0 =	sld [smem:$0x3F91];
	_ =	swait.ge [sflag:s4], $0x0  }
0x19: {  	s7 =	sld [smem:$0x3F92]  }
0x1a: {  	s8 =	sadd.s32 $0xFFFFE003, lr  }
0x1b: {  	s9 =	sadd.s32 $0xFFFFFEF7, lr;
	s5 =	simm.s32 $0xFFFFFFFF;
	p2 =	slt.u32 s8, $0xFFFFF086  }
0x1c: {  	p1 =	slt.u32 s9, $0xF7A;
	s5 =	simm.s32 @!p2 $0x0  }
0x1d: {  	s5 =	simm.s32 @p1 $0x1;
	p0 =	seq.s32 s7, s2  }
0x1e: {  	s7 =	smul.u32 @!p0 $0xF7A, s2;
	p2 =	seq.s32 @!p0 s5, $0x0  }
0x1f: {  	s9 =	smul.u32 $0xF7A, s1;
	s8 =	simm.s32 @!p0 $0x1BF5;
	p2 =	por !p2, p0  }
0x20: {  	[sflag:s8] =	ssyncset.s32 @!p0 $0xFFFFF086;
	s6 =	sadd.s32 @!p0 s3, s7;
	s7 =	simm.s32 @!p0 $0x108  }
0x21: {  	s3 =	sadd.s32 s3, s9;
	s6 =	sadd.s32 @!p0 $0x88, s6;
	s7 =	simm.s32 @p2 $0x1082  }
0x22: {  	[simem:s7], [sflag:s8] =	dma.local @!p0 [hbm:s6], $0xF7A  }
0x23: {  	s9 =	sor.u32 $0xD0000000, s2;
	s6 =	simm.s32 $0x108;
	_ =	swait.ge @!p0 [sflag:s8], $0x0  }
0x24: {  	s3 =	sadd.s32 $0x88, s3;
	s6 =	simm.s32 @!p1 $0x1082;
	[sflag:s4] =	ssyncset.s32 $0xFFFFF086  }
0x25: {  	[simem:s6], [sflag:s4] =	dma.local [hbm:s3], $0xF7A  }
0x26: {  	[smem:$0x3F92] =	sst s1;
	(tag) =	ssettag s2;
	_ =	strace s9  }
0x27: {  	s1 =	sld [smem:$0x3FA2]  }
0x28: {  	s2 =	sld [smem:$0x3FA3]  }
0x29: {  	s4 =	sld [smem:$0x3FA5]  }
0x2a: {  	p0 =	seq.s32 s5, $0x0;
	s5 =	sld [smem:$0x3FA6]  }
0x2b: {  	s6 =	sld [smem:$0x3FA7]  }
0x2c: {  	s7 =	sld [smem:$0x3FA8]  }
0x2d: {  	s3 =	simm.s32 $0x108;
	s8 =	sld [smem:$0x3FA9]  }
0x2e: {  	s3 =	simm.s32 @!p0 $0x1082;
	s9 =	sld [smem:$0x3FAA]  }
0x2f: {  	lr =	sadd.s32 s0, s3;
	s0 =	sld [smem:$0x3FA1]  }
0x30: {  	s3 =	sld [smem:$0x3FA4]  }
0x31: {  	[smem:$0x3FAD] =	sst s10  }
0x32: {  	s10 =	sld [smem:$0x3FAB];
	_ =	sdelay $0x3  }
0x33: {  	p0 =	seq.s32 s10, $0x1;
	s10 =	sld [smem:$0x3FAD];
	_ =	sdelay $0x3  }
0x34: {  	[smem:$0x3FAD] =	sst s10  }
0x35: {  	s10 =	sld [smem:$0x3FAC];
	_ =	sdelay $0x3  }
0x36: {  	p1 =	seq.s32 s10, $0x1;
	s10 =	sld [smem:$0x3FAD];
	_ =	sdelay $0x3  }
0x37: {  	[smem:$0x3FAD] =	sst s10  }
0x38: {  	s10 =	sld [smem:$0x3FAE]  }
0x39: {  	_ = 	snop;
	(pc) =	sbr.ind lr, $3  }
0x3a: {  	_ = 	snop  }
0x3b: {  	_ = 	snop  }
0x3c: {  	p2 =	seq.s32 s10, $0x1;
	s10 =	sld [smem:$0x3FAD]  }
0x3d: {  	_ =	shalt  }
0x3e: {  	_ =	shalt  }
0x3f: {  	_ =	shalt  }
0x40: {  	_ =	shalt  }
0x41: {  	_ =	shalt  }
0x42: {  	_ =	shalt  }
0x43: {  	_ =	shalt  }
0x44: {  	_ =	shalt  }
0x45: {  	_ =	shalt  }
0x46: {  	_ =	shalt  }
0x47: {  	_ =	shalt  }
0x48: {  	_ =	shalt  }
0x49: {  	_ =	shalt  }
0x4a: {  	_ =	shalt  }
0x4b: {  	_ =	shalt  }
0x4c: {  	_ =	shalt  }
0x4d: {  	_ =	shalt  }
0x4e: {  	_ =	shalt  }
0x4f: {  	_ =	shalt  }
0x50: {  	_ =	shalt  }
0x51: {  	_ =	shalt  }
0x52: {  	_ =	shalt  }
0x53: {  	_ =	shalt  }
0x54: {  	_ =	shalt  }
0x55: {  	_ =	shalt  }
0x56: {  	_ =	shalt  }
0x57: {  	_ =	shalt  }
0x58: {  	_ =	shalt  }
0x59: {  	_ =	shalt  }
0x5a: {  	_ =	shalt  }
0x5b: {  	_ =	shalt  }
0x5c: {  	_ =	shalt  }
0x5d: {  	_ =	shalt  }
0x5e: {  	_ =	shalt  }
0x5f: {  	_ =	shalt  }
0x60: {  	_ =	shalt  }
0x61: {  	_ =	shalt  }
0x62: {  	_ =	shalt  }
0x63: {  	_ =	shalt  }
0x64: {  	_ =	shalt  }
0x65: {  	_ =	shalt  }
0x66: {  	_ =	shalt  }
0x67: {  	_ =	shalt  }
0x68: {  	_ =	shalt  }
0x69: {  	_ =	shalt  }
0x6a: {  	_ =	shalt  }
0x6b: {  	_ =	shalt  }
0x6c: {  	_ =	shalt  }
0x6d: {  	_ =	shalt  }
0x6e: {  	_ =	shalt  }
0x6f: {  	_ =	shalt  }
0x70: {  	_ =	shalt  }
0x71: {  	_ =	shalt  }
0x72: {  	_ =	shalt  }
0x73: {  	_ =	shalt  }
0x74: {  	_ =	shalt  }
0x75: {  	_ =	shalt  }
0x76: {  	_ =	shalt  }
0x77: {  	_ =	shalt  }
0x78: {  	_ =	shalt  }
0x79: {  	_ =	shalt  }
0x7a: {  	_ =	shalt  }
0x7b: {  	_ =	shalt  }
0x7c: {  	_ =	shalt  }
0x7d: {  	_ =	shalt  }
0x7e: {  	_ =	shalt  }
0x7f: {  	_ =	shalt  }
0x80: {  	_ =	shalt  }
0x81: {  	_ =	shalt  }
0x82: {  	_ =	shalt  }
0x83: {  	_ =	shalt  }
0x84: {  	_ =	shalt  }
0x85: {  	_ =	shalt  }
0x86: {  	_ =	shalt  }
0x87: {  	_ =	shalt  }
.Lfunc_end0:
.L_simem_size_0:
called_computation.3_lowered:
.L_overlay_start_0:
0x88: {  	s2 =	sld [smem:$0x3FD9]  }
0x89: {  	s3 =	sld [smem:$0x3FFE];
	_ =	sdelay $0x1  }
0x8a: {  	s1 =	srdreg.scid  }
0x8b: {  	s0 =	sand.u32 $0x1, s1  }
0x8c: {  	s16 =	sshll.u32 s0, $0xA;
	s2 =	sadd.s32 s3, s2  }
0x8d: {  	s2 =	sadd.s32 s2, s16  }
0x8e: {  	[smem:$0x3FB9] =	sst s2  }
0x8f: {  	_ = 	snop  }
0x90: {  	(tm) =	ssettm $0x1  }
0x91: {  	s17 =	sld [smem:$0x3FFB];
	_ =	sdelay $0x3  }
0x92: {  	_ =	strace s17  }
0x93: {  	s2 =	sld [smem:$0x3FFC];
	_ =	sdelay $0x3  }
0x94: {  	_ =	strace s2  }
0x95: {  	s2 =	sld [smem:$0x3FFD];
	_ =	sdelay $0x3  }
0x96: {  	_ =	strace s2  }
0x97: {  	_ =	strace $0x8FFFFFFF  }
0x98: {  	s18 =	sld [smem:$0x3FDB];
	_ =	sdelay $0x1  }
0x99: {  	s19 =	simm.s32 $_scs_section_size  }
0x9a: {  	s4 =	simm.s32 $_size__tile_overlayer_lowered;
	s5 =	simm.s32 $_tile_overlayer_lowered  }
0x9b: {  	s22 =	simm.s32 $0x1BFF;
	s21 =	sshll.u32 s5, $0x1;
	s2 =	sadd.s32 s19, s18  }
0x9c: {  	s6 =	simm.s32 $0x0;
	s20 =	sshll.u32 s4, $0x1;
	s4 =	sadd.s32 s21, s2  }
0x9d: {  	[timem:s6], [sflag:s22] =	dma.local [hbm:s4], s20  }
0x9e: {  	_ =	swait.ge [sflag:s22], s20  }
0x9f: {  	s3 =	ssub.s32 $0x0, s20;
	[sflag:s22] =	ssyncset.done $0x0  }
0xa0: {  	[sflag:s22] =	ssyncadd.s32 s3;
	_ =	sdelay $0x1  }
0xa1: {  	s23 =	simm.s32 $0x1B8B  }
0xa2: {  	_ =	swait.ge [sflag:s23], $0x1  }
0xa3: {  	[sflag:s23] =	ssyncset.done $0x0  }
0xa4: {  	s25 =	simm.s32 $0x1B8E;
	s24 =	sld [smem:$0x3FFE];
	[sflag:s23] =	ssyncadd.s32 $0xFFFFFFFF  }
0xa5: {  	s26 =	simm.s32 $execute0_lowered;
	[smem:$0x3FD2] =	sst s25  }
0xa6: {  	s4 =	sshll.u32 s26, $0x1;
	_ =	strace $0x8000004F;
	[dreg:$0x1] =	wrdreg $0xFFFFFFFF  }
0xa7: {  	s28 =	simm.s32 $_size_execute0_lowered;
	s2 =	sadd.s32 s2, s4;
	[dreg:$0x0] =	wrdreg $0x0  }
0xa8: {  	s4 =	sshll.u32 s28, $0x1;
	[dreg:$0x2] =	wrdreg s2  }
0xa9: {  	[dreg:$0x3] =	wrdreg s4  }
0xaa: {  	[dreg:$0x4] =	wrdreg $0xC0  }
0xab: {  	_ =	task [dreg:s6], $0x5FFFF  }
0xac: {  	[dreg:$0x1] =	wrdreg $0xFFFFFFFF  }
0xad: {  	[dreg:$0x0] =	wrdreg $0x60  }
0xae: {  	[dreg:$0x2] =	wrdreg s24  }
0xaf: {  	[dreg:$0x3] =	wrdreg $0x81000  }
0xb0: {  	[dreg:$0x4] =	wrdreg $0x9  }
0xb1: {  	_ =	task.clear_ibuf [dreg:s6], $0x5FFFF;
	_ =	strace $0x9000004F  }
0xb2: {  	s29 =	simm.s32 $0x9;
	_ =	strace $0x80000051  }
0xb3: {  	_ =	swait.ge [sflag:s29], $0x1  }
0xb4: {  	[sflag:s29] =	ssyncadd.s32 $0xFFFFFFFF  }
0xb5: {  	_ =	strace $0x90000051  }
0xb6: {  	_ =	sfence  }
0xb7: {  	s30 =	sld [smem:$0x0];
	_ =	sdelay $0x2  }
0xb8: {  	s31 =	sshll.u32 s1, $0xD;
	s1 =	sshrl.u32 s1, $0x2  }
0xb9: {  	s3 =	sand.u32 $0x4000, s31;
	s1 =	sadd.s32 s1, s30  }
0xba: {  	s0 =	sor.u32 s3, s0;
	s1 =	sshll.u32 s1, $0x11  }
0xbb: {  	s0 =	sor.u32 s1, s0  }
0xbc: {  	s0 =	sadd.s32 $0x8F2B, s0  }
0xbd: {  	[sflag:s0] =	ssyncadd.remote.s32 $0x1  }
0xbe: {  	_ =	sfence.sel $0xFFFF  }
0xbf: {  	[dreg:$0x0] =	wrdreg $0xFFFFFFFF;
	(pc) =	sbr.abs _section_cstart, $3  }
0xc0: {  	[dreg:$0x1] =	wrdreg $0xFFFFFFFF  }
0xc1: {  	_ =	task.clear_ibuf [dreg:s6], $0x2FFFF;
	_ =	strace $0x9FFFFFFF  }
0xc2: {  	(tm) =	ssettm $0x7FFFFFFF  }
0xc3: {  	_ =	shalt  }
tec
execute0_lowered:
.L_overlay_start_1:
0x0: {  	(tag) =	ssettag $0x1  }
0x1: {  	s8 =	rddreg [dreg:$0x0]  }
0x2: {  	s1 =	rddreg [dreg:$0x1]  }
0x3: {  	s0 =	rddreg [dreg:$0x2]  }
0x4: {  	s2 =	simm.s32 $0x0;
	s4 =	srdreg.scid;
	s19 =	simm.s32 $0x2  }
0x5: {  	s20 =	simm.s32 $0x4100;
	s21 =	simm.s32 $0x1;
	s22 =	simm.s32 $0x4  }
0x6: {  	s23 =	simm.s32 $0x3;
	s24 =	simm.s32 $0x0;
	[smem:$0x7FF] =	sst s2  }
0x7: {  	s3 =	sadd.s32 $0x18200, s8;
	s10 =	sand.u32 $0x1, s4;
	s5 =	sadd.s32 $0xE400, s8  }
0x8: {  	s6 =	sadd.s32 $0x13D1200, s8;
	s7 =	sadd.s32 $0x22000, s8;
	s4 =	stileid.u32  }
0x9: {  	s15 =	sadd.s32 $0x49200, s8;
	_ =	strace $0x80000050;
	s9 =	ssub.s32 $0x2, s10  }
0xa: {  	s29 =	ssub.s32 $0x5D, s4;
	s12 =	sshll.u32 s4, $0xE;
	s13 =	smul.u32 $0x138800, s10  }
0xb: {  	s30 =	ssub.s32 $0x4F1, s4;
	s16 =	smul.u32 $0x4E2, s10;
	s10 =	sadd.s32 $0x138000, s1  }
0xc: {  	p0 =	sne.s32 s4, $0xF;
	s11 =	sshrl.u32 s9, $0x1;
	s8 =	sshrl.u32 s29, $0x4  }
0xd: {  	s14 =	ssub.s32 s9, s11;
	s9 =	sadd.s32 s12, s1;
	s11 =	sshrl.u32 s30, $0x4  }
0xe: {  	s17 =	sshrl.u32 s13, $0x3;
	s16 =	sadd.s32 s4, s16;
	s18 =	sadd.s32 s12, s13  }
0xf: {  	s17 =	sadd.s32 s15, s17;
	s12 =	sshll.u32 s16, $0x7;
	s31 =	sshrl.u32 s18, $0x3  }
0x10: {  	s14 =	smax.u32 s14, $0x1;
	s16 =	simm.s32 $0x100;
	s18 =	simm.s32 $0x80  }
0x11: {  	v0 =	vimm.f32 $0.0e+00;
	s13 =	sadd.s32 $0x27000, s17;
	s15 =	sadd.s32 s31, s15;
	s17 =	simm.s32 $0x5  }
.LBB2_1:
0x12: {  	s25 =	simm.s32 $0x0;
	s26 =	simm.s32 $0x200  }
.LBB2_2:
0x13: {  	p1 =	sne.s32 s26, $0xFE00;
	[tilespmem:s25+$0x170] =	vst v0  }
0x14: {  	[tilespmem:s25+$0x100] =	vst v0  }
0x15: {  	[tilespmem:s25+$0x110] =	vst v0  }
.Ltmp0:
0x16: {  	[tilespmem:s25+$0x120] =	vst v0;
	(pc) =	sbr.rel @p1 .LBB2_2-.Ltmp0, $4  }
0x17: {  	[tilespmem:s25+$0x130] =	vst v0  }
0x18: {  	[tilespmem:s25+$0x140] =	vst v0  }
0x19: {  	[tilespmem:s25+$0x150] =	vst v0  }
0x1a: {  	[tilespmem:s25+$0x160] =	vst v0;
	s25 =	sshra.s32 s26, $0x2;
	s26 =	sadd.s32 $0x200, s26  }
0x1b: {  	[tilespmem:s25+$0x170] =	vst v0  }
0x1c: {  	[tilespmem:s25+$0x100] =	vst v0  }
0x1d: {  	[tilespmem:s25+$0x110] =	vst v0  }
0x1e: {  	[tilespmem:s25+$0x120] =	vst v0  }
0x1f: {  	[tilespmem:s25+$0x130] =	vst v0  }
0x20: {  	[tilespmem:s25+$0x140] =	vst v0;
	p1 =	sne.s32 s8, $0x1  }
.Ltmp1:
0x21: {  	[tilespmem:s25+$0x150] =	vst v0;
	(pc) =	sbr.rel @!p1 .LBB2_5-.Ltmp1, $4  }
0x22: {  	[tilespmem:s25+$0x160] =	vst v0  }
0x23: {  	[spmem:s9] =	stream.linear.scatter [tilespmem:s16], [sflag:$0x5], $0x4000, $0x38;
	[tilespmem:$0x1B980] =	vst v63  }
0x24: {  	_ =	swait.ge [sflag:s17], $0x4000  }
0x25: {  	s25 =	sadd.s32 $0xFFFFFFFF, s8;
	s26 =	smov.u32 s9;
	[sflag:s17] =	ssyncset.done $0x0  }
.LBB2_4:
0x26: {  	p2 =	sne.s32 s25, $0x1;
	[sflag:s17] =	ssyncadd.s32 $0xFFFFC000;
	s26 =	sadd.s32 $0x40000, s26  }
.Ltmp2:
0x27: {  	s25 =	sadd.s32 $0xFFFFFFFF, s25;
	(pc) =	sbr.rel @p2 .LBB2_4-.Ltmp2, $4  }
0x28: {  	_ = 	snop  }
0x29: {  	[spmem:s26] =	stream.linear.scatter [tilespmem:s16], [sflag:$0x5], $0x4000, $0x38;
	[tilespmem:$0x1B980] =	vst v63  }
0x2a: {  	_ =	swait.ge [sflag:s17], $0x4000  }
0x2b: {  	[sflag:s17] =	ssyncset.done $0x0  }
.LBB2_5:
0x2c: {  	[sflag:s17] =	ssyncadd.s32 $0xFFFFC000;
	s25 =	simm.s32 @!p0 $0x100  }
0x2d: {  	[spmem:s10] =	stream.linear.scatter @!p0 [tilespmem:s25], [sflag:$0x5], $0x800, $0x38;
	[tilespmem:$0x1B980] =	vst v63  }
0x2e: {  	s25 =	simm.s32 @!p0 $0x5  }
0x2f: {  	_ =	swait.ge @!p0 [sflag:s25], $0x800  }
0x30: {  	[sflag:s25] =	ssyncset.done @!p0 $0x0  }
0x31: {  	[sflag:s25] =	ssyncadd.s32 @!p0 $0xFFFFF800  }
0x32: {  	s26 =	simm.s32 $0x0;
	s25 =	simm.s32 $0x0;
	[bflag:$0x0] =	sbarrier.arrive $0xFFFF  }
.LBB2_6:
0x33: {  	s28 =	sshll.u32 s26, $0xB  }
0x34: {  	s28 =	sadd.s32 s12, s28  }
0x35: {  	s29 =	sshrl.u32 s28, $0x3  }
0x36: {  	s30 =	sadd.s32 s3, s29  }
0x37: {  	[tilespmem:s25], [sflag:$0x2] =	stream.linear.gather [hbm4b:s30+s25], $0x80, $0x38;
	[tilespmem:$0x1B980] =	vst v63  }
0x38: {  	s28 =	sshll.u32 s28, $0x4;
	s29 =	sadd.s32 s5, s29  }
0x39: {  	[tilespmem:s18], [sflag:$0x3] =	stream.linear.gather [hbm4b:s29+s25], $0x80, $0x38;
	[tilespmem:$0x1B980] =	vst v63  }
0x3a: {  	s28 =	sadd.s32 s6, s28  }
0x3b: {  	[tilespmem:s16], [sflag:$0x4] =	stream.linear.gather [hbm4b:s28+s25], $0x4000, $0x38;
	[tilespmem:$0x1B980] =	vst v63  }
0x3c: {  	_ =	swait.ge [sflag:s19], $0x80  }
0x3d: {  	[sflag:s19] =	ssyncset.done $0x0  }
0x3e: {  	[sflag:s19] =	ssyncadd.s32 $0xFFFFFF80  }
0x3f: {  	[tilespmem:s20], [sflag:$0x1] =	stream.indirect.gather [hbm4b:s7+s18], $0x80, s25, s18, $0xb8;
	[tilespmem:$0x1B980] =	vst v63  }
0x40: {  	_ =	swait.ge [sflag:s21], $0x4000  }
0x41: {  	[sflag:s21] =	ssyncset.done $0x0  }
0x42: {  	[sflag:s21] =	ssyncadd.s32 $0xFFFFC000  }
0x43: {  	_ =	swait.ge [sflag:s22], $0x4000  }
0x44: {  	[sflag:s22] =	ssyncset.done $0x0  }
0x45: {  	s28 =	simm.s32 $0x0;
	[sflag:s22] =	ssyncadd.s32 $0xFFFFC000  }
0x46: {  	v8 =	vld [tilespmem:s28+$0x4100]  }
0x47: {  	v12 =	vld [tilespmem:s28+$0x4110]  }
0x48: {  	v6 =	vld [tilespmem:s28+$0x4120]  }
0x49: {  	v5 =	vld [tilespmem:s28+$0x4130]  }
0x4a: {  	v4 =	vld [tilespmem:s28+$0x4140]  }
0x4b: {  	v3 =	vld [tilespmem:s28+$0x4150]  }
0x4c: {  	v2 =	vld [tilespmem:s28+$0x4160]  }
0x4d: {  	v1 =	vld [tilespmem:s28+$0x4170]  }
0x4e: {  	v13 =	vld [tilespmem:s28+$0x100]  }
0x4f: {  	v14 =	vld [tilespmem:s28+$0x110]  }
0x50: {  	v11 =	vld [tilespmem:s28+$0x120]  }
0x51: {  	v10 =	vld [tilespmem:s28+$0x130]  }
0x52: {  	v9 =	vld [tilespmem:s28+$0x140]  }
0x53: {  	v7 =	vld [tilespmem:s28+$0x150];
	v13 =	vmul.f32 v8, v13  }
0x54: {  	s29 =	simm.s32 $0x200;
	v12 =	vmul.f32 v12, v14;
	v8 =	vld [tilespmem:s28+$0x160]  }
.LBB2_7:
0x55: {  	s30 =	sshra.s32 s29, $0x2;
	p2 =	sne.s32 s29, $0xFE00;
	[tilespmem:s28+$0x100] =	vst v13;
	v6 =	vmul.f32 v6, v11;
	v11 =	vld [tilespmem:s28+$0x170]  }
0x56: {  	v13 =	vld [tilespmem:s30+$0x4100];
	[tilespmem:s28+$0x110] =	vst v12;
	v5 =	vmul.f32 v5, v10  }
0x57: {  	v12 =	vld [tilespmem:s30+$0x4110];
	[tilespmem:s28+$0x120] =	vst v6;
	v4 =	vmul.f32 v4, v9  }
0x58: {  	v6 =	vld [tilespmem:s30+$0x4120];
	[tilespmem:s28+$0x130] =	vst v5;
	v3 =	vmul.f32 v3, v7  }
0x59: {  	v5 =	vld [tilespmem:s30+$0x4130];
	[tilespmem:s28+$0x140] =	vst v4;
	v2 =	vmul.f32 v2, v8  }
0x5a: {  	v4 =	vld [tilespmem:s30+$0x4140];
	[tilespmem:s28+$0x150] =	vst v3;
	v1 =	vmul.f32 v1, v11  }
0x5b: {  	v3 =	vld [tilespmem:s30+$0x4150];
	[tilespmem:s28+$0x160] =	vst v2  }
0x5c: {  	v2 =	vld [tilespmem:s30+$0x4160];
	[tilespmem:s28+$0x170] =	vst v1;
	s28 =	smov.u32 s30  }
0x5d: {  	v1 =	vld [tilespmem:s28+$0x4170]  }
0x5e: {  	v7 =	vld [tilespmem:s28+$0x100]  }
0x5f: {  	v8 =	vld [tilespmem:s28+$0x110]  }
.Ltmp3:
0x60: {  	v11 =	vld [tilespmem:s28+$0x120];
	(pc) =	sbr.rel @p2 .LBB2_7-.Ltmp3, $4  }
0x61: {  	v10 =	vld [tilespmem:s28+$0x130]  }
0x62: {  	v9 =	vld [tilespmem:s28+$0x140]  }
0x63: {  	v13 =	vmul.f32 v13, v7;
	v7 =	vld [tilespmem:s28+$0x150]  }
0x64: {  	s29 =	sadd.s32 $0x200, s29;
	v12 =	vmul.f32 v12, v8;
	v8 =	vld [tilespmem:s28+$0x160]  }
0x65: {  	[tilespmem:s28+$0x100] =	vst v13;
	v6 =	vmul.f32 v6, v11;
	v63 =	vld [tilespmem:s28+$0x170]  }
0x66: {  	[tilespmem:s28+$0x110] =	vst v12;
	v5 =	vmul.f32 v5, v10  }
0x67: {  	[tilespmem:s28+$0x120] =	vst v6;
	v4 =	vmul.f32 v4, v9  }
0x68: {  	[tilespmem:s28+$0x130] =	vst v5;
	v3 =	vmul.f32 v3, v7  }
0x69: {  	[tilespmem:s28+$0x140] =	vst v4;
	v2 =	vmul.f32 v2, v8  }
0x6a: {  	[tilespmem:s28+$0x150] =	vst v3;
	v1 =	vmul.f32 v1, v63  }
0x6b: {  	[tilespmem:s28+$0x160] =	vst v2  }
0x6c: {  	[tilespmem:s28+$0x170] =	vst v1  }
0x6d: {  	s26 =	sadd.s32 $0x1, s26;
	_ =	swait.ge [sflag:s23], $0x80  }
0x6e: {  	p2 =	sne.s32 s26, s11;
	[sflag:s23] =	ssyncset.done $0x0  }
.Ltmp4:
0x6f: {  	[sflag:s23] =	ssyncadd.s32 $0xFFFFFF80;
	(pc) =	sbr.rel @p2 .LBB2_6-.Ltmp4, $4  }
0x70: {  	[spmem:s1] =	stream.indirect.scatter.add.f32 [tilespmem:s16], [sflag:$0x5], $0x80, s18, s18, $0xb8;
	[tilespmem:$0x1B980] =	vst v63  }
0x71: {  	_ =	swait.ge [sflag:s17], $0x4000  }
0x72: {  	[sflag:s17] =	ssyncset.done $0x0  }
0x73: {  	[sflag:s17] =	ssyncadd.s32 $0xFFFFC000  }
0x74: {  	[bflag:$0x0] =	sbarrier.arrive $0xFFFF  }
0x75: {  	[tilespmem:s16], [sflag:$0x5] =	stream.linear.gather [spmem:s9], $0x4000, $0x38;
	[tilespmem:$0x1B980] =	vst v63  }
0x76: {  	_ =	swait.ge [sflag:s17], $0x4000  }
.Ltmp5:
0x77: {  	[sflag:s17] =	ssyncset.done $0x0;
	(pc) =	sbr.rel @!p1 .LBB2_11-.Ltmp5, $4  }
0x78: {  	[sflag:s17] =	ssyncadd.s32 $0xFFFFC000  }
0x79: {  	[hbm4b:s15+s2] =	stream.linear.scatter [tilespmem:s16], [sflag:$0x5], $0x4000, $0x38;
	[tilespmem:$0x1B980] =	vst v63  }
0x7a: {  	s25 =	sadd.s32 $0xFFFFFFFF, s8;
	_ =	swait.ge [sflag:s17], $0x4000  }
0x7b: {  	s26 =	smov.u32 s15;
	s28 =	smov.u32 s9;
	[sflag:s17] =	ssyncset.done $0x0  }
.LBB2_10:
0x7c: {  	[sflag:s17] =	ssyncadd.s32 $0xFFFFC000;
	s26 =	sadd.s32 $0x8000, s26;
	s28 =	sadd.s32 $0x40000, s28  }
0x7d: {  	[tilespmem:s16], [sflag:$0x5] =	stream.linear.gather [spmem:s28], $0x4000, $0x38;
	[tilespmem:$0x1B980] =	vst v63  }
0x7e: {  	p1 =	sne.s32 s25, $0x1;
	s25 =	sadd.s32 $0xFFFFFFFF, s25;
	_ =	swait.ge [sflag:s17], $0x4000  }
.Ltmp6:
0x7f: {  	[sflag:s17] =	ssyncset.done $0x0;
	(pc) =	sbr.rel @p1 .LBB2_10-.Ltmp6, $4  }
0x80: {  	[sflag:s17] =	ssyncadd.s32 $0xFFFFC000  }
0x81: {  	[hbm4b:s26+s2] =	stream.linear.scatter [tilespmem:s16], [sflag:$0x5], $0x4000, $0x38;
	[tilespmem:$0x1B980] =	vst v63  }
0x82: {  	_ =	swait.ge [sflag:s17], $0x4000  }
0x83: {  	[sflag:s17] =	ssyncset.done $0x0  }
.LBB2_11:
0x84: {  	[sflag:s17] =	ssyncadd.s32 $0xFFFFC000;
	s25 =	simm.s32 @!p0 $0x100;
	s26 =	simm.s32 @!p0 $0x5  }
0x85: {  	[tilespmem:s25], [sflag:$0x5] =	stream.linear.gather @!p0 [spmem:s10], $0x800, $0x38;
	[tilespmem:$0x1B980] =	vst v63  }
0x86: {  	s24 =	sadd.s32 $0x1, s24;
	_ =	swait.ge @!p0 [sflag:s26], $0x800  }
0x87: {  	p1 =	sne.s32 s24, s14;
	[sflag:s26] =	ssyncset.done @!p0 $0x0  }
.Ltmp7:
0x88: {  	s28 =	simm.s32 @!p0 $0x0;
	[sflag:s26] =	ssyncadd.s32 @!p0 $0xFFFFF800;
	(pc) =	sbr.rel @p1 .LBB2_1-.Ltmp7, $4  }
0x89: {  	[hbm4b:s13+s28] =	stream.linear.scatter @!p0 [tilespmem:s25], [sflag:$0x5], $0x800, $0x38;
	[tilespmem:$0x1B980] =	vst v63  }
0x8a: {  	_ =	swait.ge @!p0 [sflag:s26], $0x800  }
0x8b: {  	[sflag:s26] =	ssyncset.done @!p0 $0x0  }
0x8c: {  	[sflag:s26] =	ssyncadd.s32 @!p0 $0xFFFFF800  }
0x8d: {  	_ =	sfence.sel $0x180000  }
0x8e: {  	[bflag:$0x0] =	sbarrier.arrive $0xFFFF  }
0x8f: {  	p0 =	sne.s32 s4, $0x0;
	_ =	strace $0x90000050  }
0x90: {  	s0 =	sadd.s32 @!p0 $0x100000, s0;
	[bflag:$0x2] =	sbarrier.arrive $0xFFFF  }
0x91: {  	[sflag:s0] =	ssyncadd.tile.s32 @!p0 $0x1;
	_ =	shalt  }
.Lfunc_end2:
_tile_overlayer_lowered:
.L_overlay_start_2:
0x92: {  	(tag) =	ssettag $0x2  }
0x93: {  	s0 =	rddreg [dreg:$0x0];
	s2 =	stileid.u32  }
0x94: {  	s1 =	rddreg [dreg:$0x1];
	p0 =	sne.s32 s2, $0x0  }
0x95: {  	s3 =	rddreg [dreg:$0x2];
	[bflag:$0x3] =	sbarrier.arrive $0xFFFF;
	s2 =	simm.s32 @!p0 $0x1C05  }
0x96: {  	[timem:s3], [sflag:s2] =	dma.local @!p0 [hbm:s0], s1  }
0x97: {  	s0 =	simm.s32 @!p0 $0x5  }
0x98: {  	_ =	swait.ge @!p0 [sflag:s0], s1  }
0x99: {  	s1 =	ssub.s32 @!p0 $0x0, s1;
	[sflag:s0] =	ssyncset.done @!p0 $0x0  }
0x9a: {  	[sflag:s0] =	ssyncadd.s32 @!p0 s1  }
0x9b: {  	[bflag:$0x3] =	sbarrier.arrive $0xFFFF  }
0x9c: {  	_ =	shalt  }

</sc_bundles>
